<compile_context>
chip_gen: v7x
topology: tpu7x:2x2x1
jax: 0.10.2.dev20260603
libtpu: 0.0.44.dev20260713+nightly
codegen_flags: <defaults>
</compile_context>

<pallas_src>
import functools

import jax
import jax.numpy as jnp
import numpy as np
from jax import lax
from jax.experimental import pallas as pl
from jax.experimental.pallas import tpu as pltpu
from jax.experimental.pallas import tpu_sc as plsc

N0, N1, N2 = 10000, 5000, 1000
E0, E1 = 320000, 160000
V, D = 100000, 128
WORDS = 50

NC, NS = 2, 16
NW = NC * NS
UPT = 320
C = 128

R0S, R0D, R1S, R1D = 80, 40, 40, 8

_mesh = plsc.VectorSubcoreMesh(core_axis_name="c", subcore_axis_name="s")


def _striped(s, first_tile, tiles, n_rows, copy_fn, chunk=128):
    per = (-(-n_rows // tiles) + 7) // 8 * 8
    last = n_rows - (tiles - 1) * per

    def emit(base, count):
        nfull = count // chunk
        rem = count - nfull * chunk
        for k in range(nfull):
            copy_fn(base + k * chunk, chunk)
        if rem:
            copy_fn(base + nfull * chunk, rem)

    if per == last:
        @pl.when(jnp.logical_and(s >= first_tile, s < first_tile + tiles))
        def _():
            emit((s - first_tile) * per, per)
    else:
        @pl.when(jnp.logical_and(s >= first_tile, s < first_tile + tiles - 1))
        def _():
            emit((s - first_tile) * per, per)

        @pl.when(s == first_tile + tiles - 1)
        def _():
            emit((tiles - 1) * per, last)


def _ring(n, nb, d, issue, wait_gather, scat_async, wait_scat):
    for j in range(d):
        issue(j, j)
    G = n // nb

    def gbody(g, carry):
        for b in range(nb):
            i = nb * g + b
            wait_gather(b)
            scat_async(b)
            jj = i + d
            bj = (b + d) % nb

            @pl.when(jj < n)
            def _():
                wait_scat(bj)
                issue(jj, bj)
        return carry

    lax.fori_loop(0, G, gbody, 0, unroll=False)
    for k in range(n - G * nb):
        i = G * nb + k
        b = i % nb
        wait_gather(b)
        scat_async(b)
        jj = i + d
        if jj < n:
            bj = jj % nb
            wait_scat(bj)
            issue(jj, bj)
    for k in range(min(nb, n)):
        wait_scat((n - 1 - k) % nb)



def _make_k0():
    scratch = [
        pltpu.VMEM_SHARED((R0S, D), jnp.float32),
        pltpu.VMEM_SHARED((R0D, D), jnp.float32),
        pltpu.VMEM_SHARED((R1S, D), jnp.float32),
        pltpu.VMEM_SHARED((R1D, D), jnp.float32),
        pltpu.VMEM((R0S, D), jnp.float32),
        pltpu.VMEM((R0D, D), jnp.float32),
        pltpu.VMEM((R1S, D), jnp.float32),
        pltpu.VMEM((R1D, D), jnp.float32),
        pltpu.VMEM((E0 // NW,), jnp.int32),
        pltpu.VMEM((E0 // NW,), jnp.int32),
        pltpu.VMEM((R0S,), jnp.int32),
        pltpu.VMEM((R0D,), jnp.int32),
        pltpu.VMEM((R1D,), jnp.int32),
        pltpu.SemaphoreType.DMA,
        pltpu.SemaphoreType.DMA,
    ]
    out_type = (
        jax.ShapeDtypeStruct((2 * R0S, D), jnp.float32),
        jax.ShapeDtypeStruct((2 * R0D, D), jnp.float32),
        jax.ShapeDtypeStruct((2 * R1S, D), jnp.float32),
        jax.ShapeDtypeStruct((2 * R1D, D), jnp.float32),
    )

    @functools.partial(
        pl.kernel, out_type=out_type, mesh=_mesh, scratch_types=scratch,
        name="sc_degrees",
        compiler_params=pltpu.CompilerParams(needs_layout_passes=False))
    def k0(s0_hbm, d0_hbm, s1_hbm, d1_hbm, z_hbm, r80_hbm, r40_hbm, r8_hbm,
           o0s, o0d, o1s, o1d,
           sh0s, sh0d, sh1s, sh1d, lh0s, lh0d, lh1s, lh1d,
           ib0, ib1, r80_v, r40_v, r8_v, semA, semB):
        c = lax.axis_index("c")
        s = lax.axis_index("s")
        wid = c * NS + s

        pltpu.sync_copy(z_hbm.at[pl.ds(0, R0S)], lh0s)
        pltpu.sync_copy(z_hbm.at[pl.ds(0, R0D)], lh0d)
        pltpu.sync_copy(z_hbm.at[pl.ds(0, R1S)], lh1s)
        pltpu.sync_copy(z_hbm.at[pl.ds(0, R1D)], lh1d)
        pltpu.sync_copy(r80_hbm, r80_v)
        pltpu.sync_copy(r40_hbm, r40_v)
        pltpu.sync_copy(r8_hbm, r8_v)

        @pl.when(s == 0)
        def _():
            pltpu.sync_copy(lh0s, sh0s)
            pltpu.sync_copy(lh0d, sh0d)
            pltpu.sync_copy(lh1s, sh1s)
            pltpu.sync_copy(lh1d, sh1d)

        plsc.subcore_barrier()

        ones = jnp.ones((16,), jnp.float32)

        def scat(lh, iv, mask=None):
            plsc.addupdate_scatter(lh, [jnp.right_shift(iv, 7),
                                        jnp.bitwise_and(iv, 127)], ones,
                                   mask=mask)

        def process(lh, ib, size):
            nvec = size // 16

            def vbody(v, carry):
                scat(lh, ib[pl.ds(v * 16, 16)])
                return carry

            lax.fori_loop(0, nvec, vbody, 0, unroll=False)
            vtail = size - nvec * 16
            if vtail:
                iv = ib[pl.ds(nvec * 16, 16)]
                scat(lh, iv, mask=lax.iota(jnp.int32, 16) < vtail)

        jobs = [(s0_hbm, lh0s, E0 // NW), (d0_hbm, lh0d, E0 // NW),
                (s1_hbm, lh1s, E1 // NW), (d1_hbm, lh1d, E1 // NW)]
        bufs = (ib0, ib1)
        semx = (semA, semB)

        def load(k):
            e_hbm, _, n = jobs[k]
            pltpu.async_copy(e_hbm.at[pl.ds(wid * n, n)],
                             bufs[k % 2].at[pl.ds(0, n)], semx[k % 2])

        def wait(k):
            e_hbm, _, n = jobs[k]
            pltpu.make_async_copy(e_hbm.at[pl.ds(wid * n, n)],
                                  bufs[k % 2].at[pl.ds(0, n)],
                                  semx[k % 2]).wait()

        load(0)
        load(1)
        for k in range(len(jobs)):
            wait(k)
            process(jobs[k][1], bufs[k % 2], jobs[k][2])
            if k + 2 < len(jobs):
                load(k + 2)

        pltpu.sync_copy(lh0s, sh0s.at[r80_v], add=True)
        pltpu.sync_copy(lh0d, sh0d.at[r40_v], add=True)
        pltpu.sync_copy(lh1s, sh1s.at[r40_v], add=True)
        pltpu.sync_copy(lh1d, sh1d.at[r8_v], add=True)

        plsc.subcore_barrier()

        @pl.when(s == 0)
        def _():
            pltpu.sync_copy(sh0s, o0s.at[pl.ds(c * R0S, R0S)])

        @pl.when(s == 1)
        def _():
            pltpu.sync_copy(sh0d, o0d.at[pl.ds(c * R0D, R0D)])

        @pl.when(s == 2)
        def _():
            pltpu.sync_copy(sh1s, o1s.at[pl.ds(c * R1S, R1S)])

        @pl.when(s == 3)
        def _():
            pltpu.sync_copy(sh1d, o1d.at[pl.ds(c * R1D, R1D)])

    return k0



def _make_k1():
    NB = 5
    ZR = 40
    scratch = [
        pltpu.VMEM_SHARED((NS * UPT, D), jnp.float32),
        pltpu.VMEM((ZR, D), jnp.float32),
        [pltpu.VMEM((C,), jnp.int32) for _ in range(NB)],
        [pltpu.VMEM((C,), jnp.int32) for _ in range(NB)],
        [pltpu.VMEM((C, D), jnp.float32) for _ in range(NB)],
        [pltpu.SemaphoreType.DMA for _ in range(NB)],
        [pltpu.SemaphoreType.DMA for _ in range(NB)],
    ]
    out_type = jax.ShapeDtypeStruct((N0, D), jnp.float32)

    @functools.partial(pl.kernel, out_type=out_type, mesh=_mesh,
                       scratch_types=scratch, name="sc_embed")
    def k1(wt_hbm, uw_hbm, uslot_hbm, z128_hbm, x_out,
           xacc, z128_v, idxw, idxu, rows, semg, sems):
        c = lax.axis_index("c")
        s = lax.axis_index("s")
        wid = c * NS + s
        sbase = s * UPT

        pltpu.sync_copy(z128_hbm.at[pl.ds(0, ZR)], z128_v)
        for k in range(UPT // ZR):
            pltpu.sync_copy(z128_v, xacc.at[pl.ds(sbase + k * ZR, ZR)])

        ebase = jnp.minimum(wid * (UPT * WORDS), N0 * WORDS - UPT * WORDS)
        ubase = wid * (UPT * WORDS)
        n = (UPT * WORDS) // C

        def issue(i, b):
            pltpu.sync_copy(uw_hbm.at[pl.ds(ebase + i * C, C)], idxw[b])
            pltpu.sync_copy(uslot_hbm.at[pl.ds(ubase + i * C, C)], idxu[b])
            pltpu.async_copy(wt_hbm.at[idxw[b]], rows[b], semg[b])

        _ring(n, NB, 3, issue,
              lambda b: pltpu.make_async_copy(wt_hbm.at[idxw[b]], rows[b],
                                              semg[b]).wait(),
              lambda b: pltpu.sync_copy(rows[b], xacc.at[idxu[b]], add=True),
              lambda b: None)

        @pl.when(wid < NW - 1)
        def _():
            for k in range(UPT // 128):
                pltpu.sync_copy(xacc.at[pl.ds(sbase + k * 128, 128)],
                                x_out.at[pl.ds(wid * UPT + k * 128, 128)])
            rem = UPT - (UPT // 128) * 128
            if rem:
                pltpu.sync_copy(xacc.at[pl.ds(sbase + UPT - rem, rem)],
                                x_out.at[pl.ds(wid * UPT + UPT - rem, rem)])

        @pl.when(wid == NW - 1)
        def _():
            pltpu.sync_copy(xacc.at[pl.ds(sbase, 80)],
                            x_out.at[pl.ds((NW - 1) * UPT, 80)])

    return k1



def _make_msg(n_dst, n_edges):
    per_tile = n_edges // NW
    nfull = per_tile // C
    tail = per_tile - nfull * C
    NB = 5
    ZR = 40
    scratch = [
        pltpu.VMEM_SHARED((n_dst, D), jnp.float32),
        pltpu.VMEM((ZR, D), jnp.float32),
        [pltpu.VMEM((C,), jnp.int32) for _ in range(NB)],
        [pltpu.VMEM((C,), jnp.int32) for _ in range(NB)],
        pltpu.VMEM((16,), jnp.int32),
        pltpu.VMEM((16,), jnp.int32),
        pltpu.VMEM((8,), jnp.int32),
        pltpu.VMEM((8,), jnp.int32),
        [pltpu.VMEM((C, D), jnp.float32) for _ in range(NB)],
        [pltpu.SemaphoreType.DMA for _ in range(NB)],
        [pltpu.SemaphoreType.DMA for _ in range(NB)],
    ]
    out_type = jax.ShapeDtypeStruct((2 * n_dst, D), jnp.float32)

    @functools.partial(pl.kernel, out_type=out_type, mesh=_mesh,
                       scratch_types=scratch, name=f"sc_msg_{n_dst}")
    def msg(feat_hbm, src_hbm, dst_hbm, z128_hbm, out_hbm,
            agg, z128_v, sidx, didx, sidx16_v, didx16_v,
            sidx8_v, didx8_v, rows, semg, sems):
        c = lax.axis_index("c")
        s = lax.axis_index("s")
        wid = c * NS + s

        pltpu.sync_copy(z128_hbm.at[pl.ds(0, ZR)], z128_v)
        _striped(s, 0, 8, n_dst,
                 lambda off, sz: pltpu.sync_copy(z128_v.at[pl.ds(0, sz)],
                                                 agg.at[pl.ds(off, sz)]),
                 chunk=ZR)
        plsc.subcore_barrier()

        base = wid * per_tile

        def issue(i, b):
            pltpu.sync_copy(src_hbm.at[pl.ds(base + i * C, C)], sidx[b])
            pltpu.sync_copy(dst_hbm.at[pl.ds(base + i * C, C)], didx[b])
            pltpu.async_copy(feat_hbm.at[sidx[b]], rows[b], semg[b])

        _ring(nfull, NB, 3, issue,
              lambda b: pltpu.make_async_copy(feat_hbm.at[sidx[b]], rows[b],
                                              semg[b]).wait(),
              lambda b: pltpu.sync_copy(rows[b], agg.at[didx[b]], add=True),
              lambda b: None)

        toff = base + nfull * C
        if tail == 16:
            pltpu.sync_copy(src_hbm.at[pl.ds(toff, 16)], sidx16_v)
            pltpu.sync_copy(dst_hbm.at[pl.ds(toff, 16)], didx16_v)
            pltpu.async_copy(feat_hbm.at[sidx16_v], rows[0].at[pl.ds(0, 16)], semg[0]).wait()
            pltpu.sync_copy(rows[0].at[pl.ds(0, 16)], agg.at[didx16_v], add=True)
        elif tail == 8:
            pltpu.sync_copy(src_hbm.at[pl.ds(toff, 8)], sidx8_v)
            pltpu.sync_copy(dst_hbm.at[pl.ds(toff, 8)], didx8_v)
            pltpu.async_copy(feat_hbm.at[sidx8_v], rows[0].at[pl.ds(0, 8)], semg[0]).wait()
            pltpu.sync_copy(rows[0].at[pl.ds(0, 8)], agg.at[didx8_v], add=True)

        plsc.subcore_barrier()

        _striped(s, 0, 8, n_dst,
                 lambda off, sz: pltpu.sync_copy(
                     agg.at[pl.ds(off, sz)],
                     out_hbm.at[pl.ds(c * n_dst + off, sz)]))

    return msg


_k0 = _make_k0()
_k1 = _make_k1()
_msg0 = _make_msg(N1, E0)
_msg1 = _make_msg(N2, E1)



def _scale_body(x_ref, d_ref, o_ref):
    d = jnp.maximum(d_ref[...], 1.0)
    o_ref[...] = x_ref[...] * (lax.rsqrt(d) * (1.0 / WORDS))


def _tc_scale(x, deg):
    grid = (N0 // 1000,)
    return pl.pallas_call(
        _scale_body,
        grid=grid,
        in_specs=[pl.BlockSpec((1000, D), lambda i: (i, 0)),
                  pl.BlockSpec((1000, 1), lambda i: (i, 0))],
        out_specs=pl.BlockSpec((1000, D), lambda i: (i, 0)),
        out_shape=jax.ShapeDtypeStruct((N0, D), jnp.float32),
    )(x, deg)


def _layer_body(scale_next, p0_ref, p1_ref, dd_ref, ds_ref, w_ref, b_ref, o_ref):
    dd = jnp.maximum(dd_ref[...], 1.0)
    agg = (p0_ref[...] + p1_ref[...]) * lax.rsqrt(dd)
    h = jnp.dot(agg, w_ref[...], preferred_element_type=jnp.float32) + b_ref[...]
    h = jnp.maximum(h, 0.0)
    if scale_next:
        ds = jnp.maximum(ds_ref[...], 1.0)
        h = h * lax.rsqrt(ds)
    o_ref[...] = h


def _tc_layer(p0, p1, deg_dst, deg_src_next, w, b, scale_next):
    n = p0.shape[0]
    blk = 1000
    grid = (n // blk,)
    return pl.pallas_call(
        functools.partial(_layer_body, scale_next),
        grid=grid,
        in_specs=[pl.BlockSpec((blk, D), lambda i: (i, 0)),
                  pl.BlockSpec((blk, D), lambda i: (i, 0)),
                  pl.BlockSpec((blk, 1), lambda i: (i, 0)),
                  pl.BlockSpec((blk, 1), lambda i: (i, 0)),
                  pl.BlockSpec((D, D), lambda i: (0, 0)),
                  pl.BlockSpec((1, D), lambda i: (0, 0))],
        out_specs=pl.BlockSpec((blk, D), lambda i: (i, 0)),
        out_shape=jax.ShapeDtypeStruct((n, D), jnp.float32),
    )(p0, p1, deg_dst, deg_src_next, w, b)



def _hist_to_deg(hp, rows, n):
    return (hp[:rows] + hp[rows:]).reshape(-1)[:n].reshape(n, 1)


def kernel(user_word, edge_index0, edge_index1, labels, word_table, W1, b1, W2, b2):
    uw_flat = user_word.reshape(-1).astype(jnp.int32)
    u = np.arange(UPT * WORDS, dtype=np.int32) // WORDS
    blocks = (u[None, :] + np.arange(NS, dtype=np.int32)[:, None] * UPT)
    uslot = np.tile(blocks.reshape(-1), NC)
    last = np.where(u >= 240, (NS - 1) * UPT + u - 240,
                    (NS - 1) * UPT + 80 + (u % 240)).astype(np.int32)
    uslot[(NW - 1) * UPT * WORDS:] = last

    src0 = edge_index0[0].astype(jnp.int32)
    dst0 = edge_index0[1].astype(jnp.int32)
    src1 = edge_index1[0].astype(jnp.int32)
    dst1 = edge_index1[1].astype(jnp.int32)

    z128 = np.zeros((128, D), np.float32)
    r80 = np.arange(R0S, dtype=np.int32)
    r40 = np.arange(R0D, dtype=np.int32)
    r8 = np.arange(R1D, dtype=np.int32)

    hp0s, hp0d, hp1s, hp1d = _k0(src0, dst0, src1, dst1, z128, r80, r40, r8)
    x_sum = _k1(word_table, uw_flat, uslot, z128)

    deg0s = _hist_to_deg(hp0s, R0S, N0)
    deg0d = _hist_to_deg(hp0d, R0D, N1)
    deg1s = _hist_to_deg(hp1s, R1S, N1)
    deg1d = _hist_to_deg(hp1d, R1D, N2)

    feat0 = _tc_scale(x_sum, deg0s)

    agg0 = _msg0(feat0, src0, dst0, z128)
    feat1 = _tc_layer(agg0[:N1], agg0[N1:], deg0d, deg1s, W1,
                      b1.reshape(1, D), True)

    agg1 = _msg1(feat1, src1, dst1, z128)
    out = _tc_layer(agg1[:N2], agg1[N2:], deg1d, deg1d, W2,
                    b2.reshape(1, D), False)

    return (out, labels)

# --- scband reference (transcript-rebuilt; emitter-appended) ---
"""Pipeline reference for scband-gcn-83081847374393 (READ-ONLY COPY).

The authoritative reference and input builder live on the scoring server;
editing this copy changes nothing except your own understanding.
"""

import jax, jax.numpy as jnp
import numpy as np

N0, N1, N2 = 10000, 5000, 1000
E0, E1 = 320000, 160000
V, D_IN, D_H, D_OUT = 100000, 128, 128, 128
N_ITEMS, N_WORDS = 5, 10


def setup_inputs(seed: int = 0) -> dict:
    key = jax.random.key(seed)
    ks = jax.random.split(key, 12)
    user_word = jax.random.randint(ks[0], (N0, N_ITEMS, N_WORDS), 0, V)
    src0 = jax.random.randint(ks[1], (E0,), 0, N0)
    dst0 = jax.random.randint(ks[2], (E0,), 0, N1)
    edge_index0 = jnp.stack([src0, dst0]).astype(jnp.int64)
    src1 = jax.random.randint(ks[3], (E1,), 0, N1)
    dst1 = jax.random.randint(ks[4], (E1,), 0, N2)
    edge_index1 = jnp.stack([src1, dst1]).astype(jnp.int64)
    labels = jax.random.randint(ks[5], (N2,), 0, 10)
    word_table = jax.random.normal(ks[6], (V, D_IN), dtype=jnp.float32) * 0.02
    W1 = jax.random.normal(ks[7], (D_IN, D_H), dtype=jnp.float32) * (1.0 / np.sqrt(D_IN))
    b1 = jnp.zeros((D_H,), dtype=jnp.float32)
    W2 = jax.random.normal(ks[8], (D_H, D_OUT), dtype=jnp.float32) * (1.0 / np.sqrt(D_H))
    b2 = jnp.zeros((D_OUT,), dtype=jnp.float32)
    return {"user_word": user_word, "edge_index0": edge_index0, "edge_index1": edge_index1,
            "labels": labels, "word_table": word_table, "W1": W1, "b1": b1, "W2": W2, "b2": b2}


def _graph_conv(x_src, edge_index, n_src, n_dst, W, b):
    # DGL GraphConv with norm='both': D_dst^{-1/2} A D_src^{-1/2} X W + b
    src, dst = edge_index[0], edge_index[1]
    out_deg = jnp.clip(jnp.bincount(src, length=n_src), 1, None).astype(x_src.dtype)
    in_deg = jnp.clip(jnp.bincount(dst, length=n_dst), 1, None).astype(x_src.dtype)
    norm_src = jax.lax.rsqrt(out_deg)
    norm_dst = jax.lax.rsqrt(in_deg)
    feat = x_src * norm_src[:, None]
    msg = jnp.take(feat, src, axis=0)
    agg = jnp.zeros((n_dst, feat.shape[1]), dtype=feat.dtype).at[dst].add(msg)
    agg = agg * norm_dst[:, None]
    return agg @ W + b


def reference(user_word, edge_index0, edge_index1, labels, word_table, W1, b1, W2, b2):
    # word_feature embedding lookup: [N0, n_items, n_words, D_IN]
    wf = jnp.take(word_table, user_word, axis=0)
    item_feature = jnp.mean(wf, axis=2)          # mean over words dim=2
    x = jnp.mean(item_feature, axis=1)           # mean over items dim=1
    x = jax.nn.relu(_graph_conv(x, edge_index0, N0, N1, W1, b1))
    x = jax.nn.relu(_graph_conv(x, edge_index1, N1, N2, W2, b2))
    x = x[:N2]
    return (x, labels)

if __name__ == "__main__":
    import jax
    _d = setup_inputs()
    print(jax.jit(kernel)(*tuple(_d.values())))

</pallas_src>

<mosaic_0001>
#map = affine_map<(d0, d1) -> (0, 0)>
#map1 = affine_map<(d0, d1) -> (0)>
module attributes {stable_mosaic.version = 14 : i64} {
  func.func @sc_msg_1000(%arg0: i32, %arg1: i32, %arg2: memref<5000x128xf32, #tpu.memory_space<hbm>>, %arg3: memref<160000xi32, #tpu.memory_space<hbm>>, %arg4: memref<160000xi32, #tpu.memory_space<hbm>>, %arg5: memref<128x128xf32, #tpu.memory_space<hbm>>, %arg6: memref<2000x128xf32, #tpu.memory_space<hbm>>, %arg7: memref<1000x128xf32, #tpu.memory_space<vmem_shared>>, %arg8: memref<40x128xf32, #tpu.memory_space<vmem>>, %arg9: memref<128xi32, #tpu.memory_space<vmem>>, %arg10: memref<128xi32, #tpu.memory_space<vmem>>, %arg11: memref<128xi32, #tpu.memory_space<vmem>>, %arg12: memref<128xi32, #tpu.memory_space<vmem>>, %arg13: memref<128xi32, #tpu.memory_space<vmem>>, %arg14: memref<128xi32, #tpu.memory_space<vmem>>, %arg15: memref<128xi32, #tpu.memory_space<vmem>>, %arg16: memref<128xi32, #tpu.memory_space<vmem>>, %arg17: memref<128xi32, #tpu.memory_space<vmem>>, %arg18: memref<128xi32, #tpu.memory_space<vmem>>, %arg19: memref<16xi32, #tpu.memory_space<vmem>>, %arg20: memref<16xi32, #tpu.memory_space<vmem>>, %arg21: memref<8xi32, #tpu.memory_space<vmem>>, %arg22: memref<8xi32, #tpu.memory_space<vmem>>, %arg23: memref<128x128xf32, #tpu.memory_space<vmem>>, %arg24: memref<128x128xf32, #tpu.memory_space<vmem>>, %arg25: memref<128x128xf32, #tpu.memory_space<vmem>>, %arg26: memref<128x128xf32, #tpu.memory_space<vmem>>, %arg27: memref<128x128xf32, #tpu.memory_space<vmem>>, %arg28: memref<!tpu.dma_semaphore, #tpu.memory_space<semaphore_mem>>, %arg29: memref<!tpu.dma_semaphore, #tpu.memory_space<semaphore_mem>>, %arg30: memref<!tpu.dma_semaphore, #tpu.memory_space<semaphore_mem>>, %arg31: memref<!tpu.dma_semaphore, #tpu.memory_space<semaphore_mem>>, %arg32: memref<!tpu.dma_semaphore, #tpu.memory_space<semaphore_mem>>, %arg33: memref<!tpu.dma_semaphore, #tpu.memory_space<semaphore_mem>>, %arg34: memref<!tpu.dma_semaphore, #tpu.memory_space<semaphore_mem>>, %arg35: memref<!tpu.dma_semaphore, #tpu.memory_space<semaphore_mem>>, %arg36: memref<!tpu.dma_semaphore, #tpu.memory_space<semaphore_mem>>, %arg37: memref<!tpu.dma_semaphore, #tpu.memory_space<semaphore_mem>>) attributes {dimension_semantics = [#tpu.dimension_semantics<core_parallel>, #tpu.dimension_semantics<subcore_parallel>], iteration_bounds = array<i64: 2, 16>, scalar_prefetch = 0 : i64, scratch_operands = 31 : i64, tpu.core_type = #tpu.core_type<sc_vector_subcore>, window_params = [{transform_indices = #map}, {transform_indices = #map1}, {transform_indices = #map1}, {transform_indices = #map}, {transform_indices = #map}]} {
    %mul3A = arith.constant 16 : i32
    %mul3A_0 = arith.muli %arg0, %mul3A : i32
    %add3A = arith.addi %mul3A_0, %arg1 : i32
    "tpu.region"() ({
      %run_scoped3A = tpu.sem_alloc : memref<!tpu.dma_semaphore, #tpu.memory_space<semaphore_mem>>
      %dma_start3A_81 = arith.constant 0 : i32
      %dma_start3A_82 = arith.constant 0 : i32
      %dma_start3A_83 = tpu.memref_slice %arg5[%dma_start3A_81, %dma_start3A_82] : memref<128x128xf32, #tpu.memory_space<hbm>> -> memref<40x128xf32, #tpu.memory_space<hbm>>
      %dma_start3A_84 = arith.constant 0 : i32
      %dma_start3A_85 = arith.constant 0 : i32
      %dma_start3A_86 = tpu.memref_slice %arg5[%dma_start3A_84, %dma_start3A_85] : memref<128x128xf32, #tpu.memory_space<hbm>> -> memref<40x128xf32, #tpu.memory_space<hbm>>
      tpu.enqueue_dma source(%dma_start3A_86 : memref<40x128xf32, #tpu.memory_space<hbm>>) target(%arg8 : memref<40x128xf32, #tpu.memory_space<vmem>>) target_semaphore(%run_scoped3A : memref<!tpu.dma_semaphore, #tpu.memory_space<semaphore_mem>>)
      %dma_wait3A_87 = arith.constant 0 : i32
      %dma_wait3A_88 = arith.constant 0 : i32
      %dma_wait3A_89 = tpu.memref_slice %arg5[%dma_wait3A_87, %dma_wait3A_88] : memref<128x128xf32, #tpu.memory_space<hbm>> -> memref<40x128xf32, #tpu.memory_space<hbm>>
      %dma_wait3A_90 = arith.constant 0 : i32
      %dma_wait3A_91 = arith.constant 0 : i32
      %dma_wait3A_92 = tpu.memref_slice %arg5[%dma_wait3A_90, %dma_wait3A_91] : memref<128x128xf32, #tpu.memory_space<hbm>> -> memref<40x128xf32, #tpu.memory_space<hbm>>
      tpu.wait_dma2 semaphore(%run_scoped3A : memref<!tpu.dma_semaphore, #tpu.memory_space<semaphore_mem>>) src(%dma_wait3A_92 : memref<40x128xf32, #tpu.memory_space<hbm>>) dst(%arg8 : memref<40x128xf32, #tpu.memory_space<vmem>>)
      tpu.yield
    }) : () -> ()
    %ge3A = arith.constant 0 : i32
    %ge3A_1 = arith.cmpi sge, %arg1, %ge3A : i32
    %lt3A = arith.constant 7 : i32
    %lt3A_2 = arith.cmpi slt, %arg1, %lt3A : i32
    %and3A = arith.andi %ge3A_1, %lt3A_2 : i1
    %convert_element_type3A = arith.extui %and3A : i1 to i32
    %cond3A = arith.constant 0 : i32
    %cond3A_3 = arith.cmpi ne, %convert_element_type3A, %cond3A : i32
    scf.if %cond3A_3 {
      %sub3A = arith.constant 0 : i32
      %sub3A_81 = arith.subi %arg1, %sub3A : i32
      %mul3A_82 = arith.constant 128 : i32
      %mul3A_83 = arith.muli %sub3A_81, %mul3A_82 : i32
      %add3A_84 = arith.constant 0 : i32
      %add3A_85 = arith.addi %mul3A_83, %add3A_84 : i32
      "tpu.region"() ({
        %run_scoped3A = tpu.sem_alloc : memref<!tpu.dma_semaphore, #tpu.memory_space<semaphore_mem>>
        %dma_start3A_92 = arith.constant 0 : i32
        %dma_start3A_93 = arith.constant 0 : i32
        %dma_start3A_94 = tpu.memref_slice %arg8[%dma_start3A_92, %dma_start3A_93] : memref<40x128xf32, #tpu.memory_space<vmem>> -> memref<40x128xf32, #tpu.memory_space<vmem>>
        %dma_start3A_95 = arith.constant 0 : i32
        %dma_start3A_96 = tpu.memref_slice %arg7[%add3A_85, %dma_start3A_95] : memref<1000x128xf32, #tpu.memory_space<vmem_shared>> -> memref<40x128xf32, #tpu.memory_space<vmem_shared>>
        %dma_start3A_97 = arith.constant 0 : i32
        %dma_start3A_98 = tpu.memref_slice %arg7[%add3A_85, %dma_start3A_97] : memref<1000x128xf32, #tpu.memory_space<vmem_shared>> -> memref<40x128xf32, #tpu.memory_space<vmem_shared>>
        %dma_start3A_99 = arith.constant 0 : i32
        %dma_start3A_100 = arith.constant 0 : i32
        %dma_start3A_101 = tpu.memref_slice %arg8[%dma_start3A_99, %dma_start3A_100] : memref<40x128xf32, #tpu.memory_space<vmem>> -> memref<40x128xf32, #tpu.memory_space<vmem>>
        tpu.enqueue_dma source(%dma_start3A_101 : memref<40x128xf32, #tpu.memory_space<vmem>>) target(%dma_start3A_98 : memref<40x128xf32, #tpu.memory_space<vmem_shared>>) target_semaphore(%run_scoped3A : memref<!tpu.dma_semaphore, #tpu.memory_space<semaphore_mem>>)
        %dma_wait3A_102 = arith.constant 0 : i32
        %dma_wait3A_103 = arith.constant 0 : i32
        %dma_wait3A_104 = tpu.memref_slice %arg8[%dma_wait3A_102, %dma_wait3A_103] : memref<40x128xf32, #tpu.memory_space<vmem>> -> memref<40x128xf32, #tpu.memory_space<vmem>>
        %dma_wait3A_105 = arith.constant 0 : i32
        %dma_wait3A_106 = tpu.memref_slice %arg7[%add3A_85, %dma_wait3A_105] : memref<1000x128xf32, #tpu.memory_space<vmem_shared>> -> memref<40x128xf32, #tpu.memory_space<vmem_shared>>
        %dma_wait3A_107 = arith.constant 0 : i32
        %dma_wait3A_108 = tpu.memref_slice %arg7[%add3A_85, %dma_wait3A_107] : memref<1000x128xf32, #tpu.memory_space<vmem_shared>> -> memref<40x128xf32, #tpu.memory_space<vmem_shared>>
        %dma_wait3A_109 = arith.constant 0 : i32
        %dma_wait3A_110 = arith.constant 0 : i32
        %dma_wait3A_111 = tpu.memref_slice %arg8[%dma_wait3A_109, %dma_wait3A_110] : memref<40x128xf32, #tpu.memory_space<vmem>> -> memref<40x128xf32, #tpu.memory_space<vmem>>
        tpu.wait_dma2 semaphore(%run_scoped3A : memref<!tpu.dma_semaphore, #tpu.memory_space<semaphore_mem>>) src(%dma_wait3A_111 : memref<40x128xf32, #tpu.memory_space<vmem>>) dst(%dma_wait3A_108 : memref<40x128xf32, #tpu.memory_space<vmem_shared>>)
        tpu.yield
      }) : () -> ()
      %add3A_86 = arith.constant 40 : i32
      %add3A_87 = arith.addi %mul3A_83, %add3A_86 : i32
      "tpu.region"() ({
        %run_scoped3A = tpu.sem_alloc : memref<!tpu.dma_semaphore, #tpu.memory_space<semaphore_mem>>
        %dma_start3A_92 = arith.constant 0 : i32
        %dma_start3A_93 = arith.constant 0 : i32
        %dma_start3A_94 = tpu.memref_slice %arg8[%dma_start3A_92, %dma_start3A_93] : memref<40x128xf32, #tpu.memory_space<vmem>> -> memref<40x128xf32, #tpu.memory_space<vmem>>
        %dma_start3A_95 = arith.constant 0 : i32
        %dma_start3A_96 = tpu.memref_slice %arg7[%add3A_87, %dma_start3A_95] : memref<1000x128xf32, #tpu.memory_space<vmem_shared>> -> memref<40x128xf32, #tpu.memory_space<vmem_shared>>
        %dma_start3A_97 = arith.constant 0 : i32
        %dma_start3A_98 = tpu.memref_slice %arg7[%add3A_87, %dma_start3A_97] : memref<1000x128xf32, #tpu.memory_space<vmem_shared>> -> memref<40x128xf32, #tpu.memory_space<vmem_shared>>
        %dma_start3A_99 = arith.constant 0 : i32
        %dma_start3A_100 = arith.constant 0 : i32
        %dma_start3A_101 = tpu.memref_slice %arg8[%dma_start3A_99, %dma_start3A_100] : memref<40x128xf32, #tpu.memory_space<vmem>> -> memref<40x128xf32, #tpu.memory_space<vmem>>
        tpu.enqueue_dma source(%dma_start3A_101 : memref<40x128xf32, #tpu.memory_space<vmem>>) target(%dma_start3A_98 : memref<40x128xf32, #tpu.memory_space<vmem_shared>>) target_semaphore(%run_scoped3A : memref<!tpu.dma_semaphore, #tpu.memory_space<semaphore_mem>>)
        %dma_wait3A_102 = arith.constant 0 : i32
        %dma_wait3A_103 = arith.constant 0 : i32
        %dma_wait3A_104 = tpu.memref_slice %arg8[%dma_wait3A_102, %dma_wait3A_103] : memref<40x128xf32, #tpu.memory_space<vmem>> -> memref<40x128xf32, #tpu.memory_space<vmem>>
        %dma_wait3A_105 = arith.constant 0 : i32
        %dma_wait3A_106 = tpu.memref_slice %arg7[%add3A_87, %dma_wait3A_105] : memref<1000x128xf32, #tpu.memory_space<vmem_shared>> -> memref<40x128xf32, #tpu.memory_space<vmem_shared>>
        %dma_wait3A_107 = arith.constant 0 : i32
        %dma_wait3A_108 = tpu.memref_slice %arg7[%add3A_87, %dma_wait3A_107] : memref<1000x128xf32, #tpu.memory_space<vmem_shared>> -> memref<40x128xf32, #tpu.memory_space<vmem_shared>>
        %dma_wait3A_109 = arith.constant 0 : i32
        %dma_wait3A_110 = arith.constant 0 : i32
        %dma_wait3A_111 = tpu.memref_slice %arg8[%dma_wait3A_109, %dma_wait3A_110] : memref<40x128xf32, #tpu.memory_space<vmem>> -> memref<40x128xf32, #tpu.memory_space<vmem>>
        tpu.wait_dma2 semaphore(%run_scoped3A : memref<!tpu.dma_semaphore, #tpu.memory_space<semaphore_mem>>) src(%dma_wait3A_111 : memref<40x128xf32, #tpu.memory_space<vmem>>) dst(%dma_wait3A_108 : memref<40x128xf32, #tpu.memory_space<vmem_shared>>)
        tpu.yield
      }) : () -> ()
      %add3A_88 = arith.constant 80 : i32
      %add3A_89 = arith.addi %mul3A_83, %add3A_88 : i32
      "tpu.region"() ({
        %run_scoped3A = tpu.sem_alloc : memref<!tpu.dma_semaphore, #tpu.memory_space<semaphore_mem>>
        %dma_start3A_92 = arith.constant 0 : i32
        %dma_start3A_93 = arith.constant 0 : i32
        %dma_start3A_94 = tpu.memref_slice %arg8[%dma_start3A_92, %dma_start3A_93] : memref<40x128xf32, #tpu.memory_space<vmem>> -> memref<40x128xf32, #tpu.memory_space<vmem>>
        %dma_start3A_95 = arith.constant 0 : i32
        %dma_start3A_96 = tpu.memref_slice %arg7[%add3A_89, %dma_start3A_95] : memref<1000x128xf32, #tpu.memory_space<vmem_shared>> -> memref<40x128xf32, #tpu.memory_space<vmem_shared>>
        %dma_start3A_97 = arith.constant 0 : i32
        %dma_start3A_98 = tpu.memref_slice %arg7[%add3A_89, %dma_start3A_97] : memref<1000x128xf32, #tpu.memory_space<vmem_shared>> -> memref<40x128xf32, #tpu.memory_space<vmem_shared>>
        %dma_start3A_99 = arith.constant 0 : i32
        %dma_start3A_100 = arith.constant 0 : i32
        %dma_start3A_101 = tpu.memref_slice %arg8[%dma_start3A_99, %dma_start3A_100] : memref<40x128xf32, #tpu.memory_space<vmem>> -> memref<40x128xf32, #tpu.memory_space<vmem>>
        tpu.enqueue_dma source(%dma_start3A_101 : memref<40x128xf32, #tpu.memory_space<vmem>>) target(%dma_start3A_98 : memref<40x128xf32, #tpu.memory_space<vmem_shared>>) target_semaphore(%run_scoped3A : memref<!tpu.dma_semaphore, #tpu.memory_space<semaphore_mem>>)
        %dma_wait3A_102 = arith.constant 0 : i32
        %dma_wait3A_103 = arith.constant 0 : i32
        %dma_wait3A_104 = tpu.memref_slice %arg8[%dma_wait3A_102, %dma_wait3A_103] : memref<40x128xf32, #tpu.memory_space<vmem>> -> memref<40x128xf32, #tpu.memory_space<vmem>>
        %dma_wait3A_105 = arith.constant 0 : i32
        %dma_wait3A_106 = tpu.memref_slice %arg7[%add3A_89, %dma_wait3A_105] : memref<1000x128xf32, #tpu.memory_space<vmem_shared>> -> memref<40x128xf32, #tpu.memory_space<vmem_shared>>
        %dma_wait3A_107 = arith.constant 0 : i32
        %dma_wait3A_108 = tpu.memref_slice %arg7[%add3A_89, %dma_wait3A_107] : memref<1000x128xf32, #tpu.memory_space<vmem_shared>> -> memref<40x128xf32, #tpu.memory_space<vmem_shared>>
        %dma_wait3A_109 = arith.constant 0 : i32
        %dma_wait3A_110 = arith.constant 0 : i32
        %dma_wait3A_111 = tpu.memref_slice %arg8[%dma_wait3A_109, %dma_wait3A_110] : memref<40x128xf32, #tpu.memory_space<vmem>> -> memref<40x128xf32, #tpu.memory_space<vmem>>
        tpu.wait_dma2 semaphore(%run_scoped3A : memref<!tpu.dma_semaphore, #tpu.memory_space<semaphore_mem>>) src(%dma_wait3A_111 : memref<40x128xf32, #tpu.memory_space<vmem>>) dst(%dma_wait3A_108 : memref<40x128xf32, #tpu.memory_space<vmem_shared>>)
        tpu.yield
      }) : () -> ()
      %add3A_90 = arith.constant 120 : i32
      %add3A_91 = arith.addi %mul3A_83, %add3A_90 : i32
      "tpu.region"() ({
        %run_scoped3A = tpu.sem_alloc : memref<!tpu.dma_semaphore, #tpu.memory_space<semaphore_mem>>
        %dma_start3A_92 = arith.constant 0 : i32
        %dma_start3A_93 = arith.constant 0 : i32
        %dma_start3A_94 = tpu.memref_slice %arg8[%dma_start3A_92, %dma_start3A_93] : memref<40x128xf32, #tpu.memory_space<vmem>> -> memref<8x128xf32, #tpu.memory_space<vmem>>
        %dma_start3A_95 = arith.constant 0 : i32
        %dma_start3A_96 = tpu.memref_slice %arg7[%add3A_91, %dma_start3A_95] : memref<1000x128xf32, #tpu.memory_space<vmem_shared>> -> memref<8x128xf32, #tpu.memory_space<vmem_shared>>
        %dma_start3A_97 = arith.constant 0 : i32
        %dma_start3A_98 = tpu.memref_slice %arg7[%add3A_91, %dma_start3A_97] : memref<1000x128xf32, #tpu.memory_space<vmem_shared>> -> memref<8x128xf32, #tpu.memory_space<vmem_shared>>
        %dma_start3A_99 = arith.constant 0 : i32
        %dma_start3A_100 = arith.constant 0 : i32
        %dma_start3A_101 = tpu.memref_slice %arg8[%dma_start3A_99, %dma_start3A_100] : memref<40x128xf32, #tpu.memory_space<vmem>> -> memref<8x128xf32, #tpu.memory_space<vmem>>
        tpu.enqueue_dma source(%dma_start3A_101 : memref<8x128xf32, #tpu.memory_space<vmem>>) target(%dma_start3A_98 : memref<8x128xf32, #tpu.memory_space<vmem_shared>>) target_semaphore(%run_scoped3A : memref<!tpu.dma_semaphore, #tpu.memory_space<semaphore_mem>>)
        %dma_wait3A_102 = arith.constant 0 : i32
        %dma_wait3A_103 = arith.constant 0 : i32
        %dma_wait3A_104 = tpu.memref_slice %arg8[%dma_wait3A_102, %dma_wait3A_103] : memref<40x128xf32, #tpu.memory_space<vmem>> -> memref<8x128xf32, #tpu.memory_space<vmem>>
        %dma_wait3A_105 = arith.constant 0 : i32
        %dma_wait3A_106 = tpu.memref_slice %arg7[%add3A_91, %dma_wait3A_105] : memref<1000x128xf32, #tpu.memory_space<vmem_shared>> -> memref<8x128xf32, #tpu.memory_space<vmem_shared>>
        %dma_wait3A_107 = arith.constant 0 : i32
        %dma_wait3A_108 = tpu.memref_slice %arg7[%add3A_91, %dma_wait3A_107] : memref<1000x128xf32, #tpu.memory_space<vmem_shared>> -> memref<8x128xf32, #tpu.memory_space<vmem_shared>>
        %dma_wait3A_109 = arith.constant 0 : i32
        %dma_wait3A_110 = arith.constant 0 : i32
        %dma_wait3A_111 = tpu.memref_slice %arg8[%dma_wait3A_109, %dma_wait3A_110] : memref<40x128xf32, #tpu.memory_space<vmem>> -> memref<8x128xf32, #tpu.memory_space<vmem>>
        tpu.wait_dma2 semaphore(%run_scoped3A : memref<!tpu.dma_semaphore, #tpu.memory_space<semaphore_mem>>) src(%dma_wait3A_111 : memref<8x128xf32, #tpu.memory_space<vmem>>) dst(%dma_wait3A_108 : memref<8x128xf32, #tpu.memory_space<vmem_shared>>)
        tpu.yield
      }) : () -> ()
    } else {
    }
    %eq3A = arith.constant 7 : i32
    %eq3A_4 = arith.cmpi eq, %arg1, %eq3A : i32
    %convert_element_type3A_5 = arith.extui %eq3A_4 : i1 to i32
    %cond3A_6 = arith.constant 0 : i32
    %cond3A_7 = arith.cmpi ne, %convert_element_type3A_5, %cond3A_6 : i32
    scf.if %cond3A_7 {
      "tpu.region"() ({
        %run_scoped3A = tpu.sem_alloc : memref<!tpu.dma_semaphore, #tpu.memory_space<semaphore_mem>>
        %dma_start3A_81 = arith.constant 0 : i32
        %dma_start3A_82 = arith.constant 0 : i32
        %dma_start3A_83 = tpu.memref_slice %arg8[%dma_start3A_81, %dma_start3A_82] : memref<40x128xf32, #tpu.memory_space<vmem>> -> memref<40x128xf32, #tpu.memory_space<vmem>>
        %dma_start3A_84 = arith.constant 896 : i32
        %dma_start3A_85 = arith.constant 0 : i32
        %dma_start3A_86 = tpu.memref_slice %arg7[%dma_start3A_84, %dma_start3A_85] : memref<1000x128xf32, #tpu.memory_space<vmem_shared>> -> memref<40x128xf32, #tpu.memory_space<vmem_shared>>
        %dma_start3A_87 = arith.constant 896 : i32
        %dma_start3A_88 = arith.constant 0 : i32
        %dma_start3A_89 = tpu.memref_slice %arg7[%dma_start3A_87, %dma_start3A_88] : memref<1000x128xf32, #tpu.memory_space<vmem_shared>> -> memref<40x128xf32, #tpu.memory_space<vmem_shared>>
        %dma_start3A_90 = arith.constant 0 : i32
        %dma_start3A_91 = arith.constant 0 : i32
        %dma_start3A_92 = tpu.memref_slice %arg8[%dma_start3A_90, %dma_start3A_91] : memref<40x128xf32, #tpu.memory_space<vmem>> -> memref<40x128xf32, #tpu.memory_space<vmem>>
        tpu.enqueue_dma source(%dma_start3A_92 : memref<40x128xf32, #tpu.memory_space<vmem>>) target(%dma_start3A_89 : memref<40x128xf32, #tpu.memory_space<vmem_shared>>) target_semaphore(%run_scoped3A : memref<!tpu.dma_semaphore, #tpu.memory_space<semaphore_mem>>)
        %dma_wait3A_93 = arith.constant 0 : i32
        %dma_wait3A_94 = arith.constant 0 : i32
        %dma_wait3A_95 = tpu.memref_slice %arg8[%dma_wait3A_93, %dma_wait3A_94] : memref<40x128xf32, #tpu.memory_space<vmem>> -> memref<40x128xf32, #tpu.memory_space<vmem>>
        %dma_wait3A_96 = arith.constant 896 : i32
        %dma_wait3A_97 = arith.constant 0 : i32
        %dma_wait3A_98 = tpu.memref_slice %arg7[%dma_wait3A_96, %dma_wait3A_97] : memref<1000x128xf32, #tpu.memory_space<vmem_shared>> -> memref<40x128xf32, #tpu.memory_space<vmem_shared>>
        %dma_wait3A_99 = arith.constant 896 : i32
        %dma_wait3A_100 = arith.constant 0 : i32
        %dma_wait3A_101 = tpu.memref_slice %arg7[%dma_wait3A_99, %dma_wait3A_100] : memref<1000x128xf32, #tpu.memory_space<vmem_shared>> -> memref<40x128xf32, #tpu.memory_space<vmem_shared>>
        %dma_wait3A_102 = arith.constant 0 : i32
        %dma_wait3A_103 = arith.constant 0 : i32
        %dma_wait3A_104 = tpu.memref_slice %arg8[%dma_wait3A_102, %dma_wait3A_103] : memref<40x128xf32, #tpu.memory_space<vmem>> -> memref<40x128xf32, #tpu.memory_space<vmem>>
        tpu.wait_dma2 semaphore(%run_scoped3A : memref<!tpu.dma_semaphore, #tpu.memory_space<semaphore_mem>>) src(%dma_wait3A_104 : memref<40x128xf32, #tpu.memory_space<vmem>>) dst(%dma_wait3A_101 : memref<40x128xf32, #tpu.memory_space<vmem_shared>>)
        tpu.yield
      }) : () -> ()
      "tpu.region"() ({
        %run_scoped3A = tpu.sem_alloc : memref<!tpu.dma_semaphore, #tpu.memory_space<semaphore_mem>>
        %dma_start3A_81 = arith.constant 0 : i32
        %dma_start3A_82 = arith.constant 0 : i32
        %dma_start3A_83 = tpu.memref_slice %arg8[%dma_start3A_81, %dma_start3A_82] : memref<40x128xf32, #tpu.memory_space<vmem>> -> memref<40x128xf32, #tpu.memory_space<vmem>>
        %dma_start3A_84 = arith.constant 936 : i32
        %dma_start3A_85 = arith.constant 0 : i32
        %dma_start3A_86 = tpu.memref_slice %arg7[%dma_start3A_84, %dma_start3A_85] : memref<1000x128xf32, #tpu.memory_space<vmem_shared>> -> memref<40x128xf32, #tpu.memory_space<vmem_shared>>
        %dma_start3A_87 = arith.constant 936 : i32
        %dma_start3A_88 = arith.constant 0 : i32
        %dma_start3A_89 = tpu.memref_slice %arg7[%dma_start3A_87, %dma_start3A_88] : memref<1000x128xf32, #tpu.memory_space<vmem_shared>> -> memref<40x128xf32, #tpu.memory_space<vmem_shared>>
        %dma_start3A_90 = arith.constant 0 : i32
        %dma_start3A_91 = arith.constant 0 : i32
        %dma_start3A_92 = tpu.memref_slice %arg8[%dma_start3A_90, %dma_start3A_91] : memref<40x128xf32, #tpu.memory_space<vmem>> -> memref<40x128xf32, #tpu.memory_space<vmem>>
        tpu.enqueue_dma source(%dma_start3A_92 : memref<40x128xf32, #tpu.memory_space<vmem>>) target(%dma_start3A_89 : memref<40x128xf32, #tpu.memory_space<vmem_shared>>) target_semaphore(%run_scoped3A : memref<!tpu.dma_semaphore, #tpu.memory_space<semaphore_mem>>)
        %dma_wait3A_93 = arith.constant 0 : i32
        %dma_wait3A_94 = arith.constant 0 : i32
        %dma_wait3A_95 = tpu.memref_slice %arg8[%dma_wait3A_93, %dma_wait3A_94] : memref<40x128xf32, #tpu.memory_space<vmem>> -> memref<40x128xf32, #tpu.memory_space<vmem>>
        %dma_wait3A_96 = arith.constant 936 : i32
        %dma_wait3A_97 = arith.constant 0 : i32
        %dma_wait3A_98 = tpu.memref_slice %arg7[%dma_wait3A_96, %dma_wait3A_97] : memref<1000x128xf32, #tpu.memory_space<vmem_shared>> -> memref<40x128xf32, #tpu.memory_space<vmem_shared>>
        %dma_wait3A_99 = arith.constant 936 : i32
        %dma_wait3A_100 = arith.constant 0 : i32
        %dma_wait3A_101 = tpu.memref_slice %arg7[%dma_wait3A_99, %dma_wait3A_100] : memref<1000x128xf32, #tpu.memory_space<vmem_shared>> -> memref<40x128xf32, #tpu.memory_space<vmem_shared>>
        %dma_wait3A_102 = arith.constant 0 : i32
        %dma_wait3A_103 = arith.constant 0 : i32
        %dma_wait3A_104 = tpu.memref_slice %arg8[%dma_wait3A_102, %dma_wait3A_103] : memref<40x128xf32, #tpu.memory_space<vmem>> -> memref<40x128xf32, #tpu.memory_space<vmem>>
        tpu.wait_dma2 semaphore(%run_scoped3A : memref<!tpu.dma_semaphore, #tpu.memory_space<semaphore_mem>>) src(%dma_wait3A_104 : memref<40x128xf32, #tpu.memory_space<vmem>>) dst(%dma_wait3A_101 : memref<40x128xf32, #tpu.memory_space<vmem_shared>>)
        tpu.yield
      }) : () -> ()
      "tpu.region"() ({
        %run_scoped3A = tpu.sem_alloc : memref<!tpu.dma_semaphore, #tpu.memory_space<semaphore_mem>>
        %dma_start3A_81 = arith.constant 0 : i32
        %dma_start3A_82 = arith.constant 0 : i32
        %dma_start3A_83 = tpu.memref_slice %arg8[%dma_start3A_81, %dma_start3A_82] : memref<40x128xf32, #tpu.memory_space<vmem>> -> memref<24x128xf32, #tpu.memory_space<vmem>>
        %dma_start3A_84 = arith.constant 976 : i32
        %dma_start3A_85 = arith.constant 0 : i32
        %dma_start3A_86 = tpu.memref_slice %arg7[%dma_start3A_84, %dma_start3A_85] : memref<1000x128xf32, #tpu.memory_space<vmem_shared>> -> memref<24x128xf32, #tpu.memory_space<vmem_shared>>
        %dma_start3A_87 = arith.constant 976 : i32
        %dma_start3A_88 = arith.constant 0 : i32
        %dma_start3A_89 = tpu.memref_slice %arg7[%dma_start3A_87, %dma_start3A_88] : memref<1000x128xf32, #tpu.memory_space<vmem_shared>> -> memref<24x128xf32, #tpu.memory_space<vmem_shared>>
        %dma_start3A_90 = arith.constant 0 : i32
        %dma_start3A_91 = arith.constant 0 : i32
        %dma_start3A_92 = tpu.memref_slice %arg8[%dma_start3A_90, %dma_start3A_91] : memref<40x128xf32, #tpu.memory_space<vmem>> -> memref<24x128xf32, #tpu.memory_space<vmem>>
        tpu.enqueue_dma source(%dma_start3A_92 : memref<24x128xf32, #tpu.memory_space<vmem>>) target(%dma_start3A_89 : memref<24x128xf32, #tpu.memory_space<vmem_shared>>) target_semaphore(%run_scoped3A : memref<!tpu.dma_semaphore, #tpu.memory_space<semaphore_mem>>)
        %dma_wait3A_93 = arith.constant 0 : i32
        %dma_wait3A_94 = arith.constant 0 : i32
        %dma_wait3A_95 = tpu.memref_slice %arg8[%dma_wait3A_93, %dma_wait3A_94] : memref<40x128xf32, #tpu.memory_space<vmem>> -> memref<24x128xf32, #tpu.memory_space<vmem>>
        %dma_wait3A_96 = arith.constant 976 : i32
        %dma_wait3A_97 = arith.constant 0 : i32
        %dma_wait3A_98 = tpu.memref_slice %arg7[%dma_wait3A_96, %dma_wait3A_97] : memref<1000x128xf32, #tpu.memory_space<vmem_shared>> -> memref<24x128xf32, #tpu.memory_space<vmem_shared>>
        %dma_wait3A_99 = arith.constant 976 : i32
        %dma_wait3A_100 = arith.constant 0 : i32
        %dma_wait3A_101 = tpu.memref_slice %arg7[%dma_wait3A_99, %dma_wait3A_100] : memref<1000x128xf32, #tpu.memory_space<vmem_shared>> -> memref<24x128xf32, #tpu.memory_space<vmem_shared>>
        %dma_wait3A_102 = arith.constant 0 : i32
        %dma_wait3A_103 = arith.constant 0 : i32
        %dma_wait3A_104 = tpu.memref_slice %arg8[%dma_wait3A_102, %dma_wait3A_103] : memref<40x128xf32, #tpu.memory_space<vmem>> -> memref<24x128xf32, #tpu.memory_space<vmem>>
        tpu.wait_dma2 semaphore(%run_scoped3A : memref<!tpu.dma_semaphore, #tpu.memory_space<semaphore_mem>>) src(%dma_wait3A_104 : memref<24x128xf32, #tpu.memory_space<vmem>>) dst(%dma_wait3A_101 : memref<24x128xf32, #tpu.memory_space<vmem_shared>>)
        tpu.yield
      }) : () -> ()
    } else {
    }
    %barrier3A = arith.constant 0 : index
    tpu.barrier barrier_id(%barrier3A)
    %mul3A_8 = arith.constant 5000 : i32
    %mul3A_9 = arith.muli %add3A, %mul3A_8 : i32
    %add3A_10 = arith.constant 0 : i32
    %add3A_11 = arith.addi %mul3A_9, %add3A_10 : i32
    "tpu.region"() ({
      %run_scoped3A = tpu.sem_alloc : memref<!tpu.dma_semaphore, #tpu.memory_space<semaphore_mem>>
      %dma_start3A_81 = tpu.memref_slice %arg3[%add3A_11] : memref<160000xi32, #tpu.memory_space<hbm>> -> memref<128xi32, #tpu.memory_space<hbm>>
      %dma_start3A_82 = tpu.memref_slice %arg3[%add3A_11] : memref<160000xi32, #tpu.memory_space<hbm>> -> memref<128xi32, #tpu.memory_space<hbm>>
      tpu.enqueue_dma source(%dma_start3A_82 : memref<128xi32, #tpu.memory_space<hbm>>) target(%arg9 : memref<128xi32, #tpu.memory_space<vmem>>) target_semaphore(%run_scoped3A : memref<!tpu.dma_semaphore, #tpu.memory_space<semaphore_mem>>)
      %dma_wait3A_83 = tpu.memref_slice %arg3[%add3A_11] : memref<160000xi32, #tpu.memory_space<hbm>> -> memref<128xi32, #tpu.memory_space<hbm>>
      %dma_wait3A_84 = tpu.memref_slice %arg3[%add3A_11] : memref<160000xi32, #tpu.memory_space<hbm>> -> memref<128xi32, #tpu.memory_space<hbm>>
      tpu.wait_dma2 semaphore(%run_scoped3A : memref<!tpu.dma_semaphore, #tpu.memory_space<semaphore_mem>>) src(%dma_wait3A_84 : memref<128xi32, #tpu.memory_space<hbm>>) dst(%arg9 : memref<128xi32, #tpu.memory_space<vmem>>)
      tpu.yield
    }) : () -> ()
    %add3A_12 = arith.constant 0 : i32
    %add3A_13 = arith.addi %mul3A_9, %add3A_12 : i32
    "tpu.region"() ({
      %run_scoped3A = tpu.sem_alloc : memref<!tpu.dma_semaphore, #tpu.memory_space<semaphore_mem>>
      %dma_start3A_81 = tpu.memref_slice %arg4[%add3A_13] : memref<160000xi32, #tpu.memory_space<hbm>> -> memref<128xi32, #tpu.memory_space<hbm>>
      %dma_start3A_82 = tpu.memref_slice %arg4[%add3A_13] : memref<160000xi32, #tpu.memory_space<hbm>> -> memref<128xi32, #tpu.memory_space<hbm>>
      tpu.enqueue_dma source(%dma_start3A_82 : memref<128xi32, #tpu.memory_space<hbm>>) target(%arg14 : memref<128xi32, #tpu.memory_space<vmem>>) target_semaphore(%run_scoped3A : memref<!tpu.dma_semaphore, #tpu.memory_space<semaphore_mem>>)
      %dma_wait3A_83 = tpu.memref_slice %arg4[%add3A_13] : memref<160000xi32, #tpu.memory_space<hbm>> -> memref<128xi32, #tpu.memory_space<hbm>>
      %dma_wait3A_84 = tpu.memref_slice %arg4[%add3A_13] : memref<160000xi32, #tpu.memory_space<hbm>> -> memref<128xi32, #tpu.memory_space<hbm>>
      tpu.wait_dma2 semaphore(%run_scoped3A : memref<!tpu.dma_semaphore, #tpu.memory_space<semaphore_mem>>) src(%dma_wait3A_84 : memref<128xi32, #tpu.memory_space<hbm>>) dst(%arg14 : memref<128xi32, #tpu.memory_space<vmem>>)
      tpu.yield
    }) : () -> ()
    %dma_start3A = arith.constant 0 : i32
    %dma_start3A_14 = arith.constant 0 : i32
    %dma_start3A_15 = tpu.memref_slice %arg2[%dma_start3A, %dma_start3A_14] : memref<5000x128xf32, #tpu.memory_space<hbm>> -> memref<5000x128xf32, #tpu.memory_space<hbm>>
    tpu.enqueue_indirect_dma source(%dma_start3A_15 : memref<5000x128xf32, #tpu.memory_space<hbm>>) target(%arg23 : memref<128x128xf32, #tpu.memory_space<vmem>>) offsets(%arg9 : memref<128xi32, #tpu.memory_space<vmem>>) semaphore(%arg28 : memref<!tpu.dma_semaphore, #tpu.memory_space<semaphore_mem>>)
    %add3A_16 = arith.constant 128 : i32
    %add3A_17 = arith.addi %mul3A_9, %add3A_16 : i32
    "tpu.region"() ({
      %run_scoped3A = tpu.sem_alloc : memref<!tpu.dma_semaphore, #tpu.memory_space<semaphore_mem>>
      %dma_start3A_81 = tpu.memref_slice %arg3[%add3A_17] : memref<160000xi32, #tpu.memory_space<hbm>> -> memref<128xi32, #tpu.memory_space<hbm>>
      %dma_start3A_82 = tpu.memref_slice %arg3[%add3A_17] : memref<160000xi32, #tpu.memory_space<hbm>> -> memref<128xi32, #tpu.memory_space<hbm>>
      tpu.enqueue_dma source(%dma_start3A_82 : memref<128xi32, #tpu.memory_space<hbm>>) target(%arg10 : memref<128xi32, #tpu.memory_space<vmem>>) target_semaphore(%run_scoped3A : memref<!tpu.dma_semaphore, #tpu.memory_space<semaphore_mem>>)
      %dma_wait3A_83 = tpu.memref_slice %arg3[%add3A_17] : memref<160000xi32, #tpu.memory_space<hbm>> -> memref<128xi32, #tpu.memory_space<hbm>>
      %dma_wait3A_84 = tpu.memref_slice %arg3[%add3A_17] : memref<160000xi32, #tpu.memory_space<hbm>> -> memref<128xi32, #tpu.memory_space<hbm>>
      tpu.wait_dma2 semaphore(%run_scoped3A : memref<!tpu.dma_semaphore, #tpu.memory_space<semaphore_mem>>) src(%dma_wait3A_84 : memref<128xi32, #tpu.memory_space<hbm>>) dst(%arg10 : memref<128xi32, #tpu.memory_space<vmem>>)
      tpu.yield
    }) : () -> ()
    %add3A_18 = arith.constant 128 : i32
    %add3A_19 = arith.addi %mul3A_9, %add3A_18 : i32
    "tpu.region"() ({
      %run_scoped3A = tpu.sem_alloc : memref<!tpu.dma_semaphore, #tpu.memory_space<semaphore_mem>>
      %dma_start3A_81 = tpu.memref_slice %arg4[%add3A_19] : memref<160000xi32, #tpu.memory_space<hbm>> -> memref<128xi32, #tpu.memory_space<hbm>>
      %dma_start3A_82 = tpu.memref_slice %arg4[%add3A_19] : memref<160000xi32, #tpu.memory_space<hbm>> -> memref<128xi32, #tpu.memory_space<hbm>>
      tpu.enqueue_dma source(%dma_start3A_82 : memref<128xi32, #tpu.memory_space<hbm>>) target(%arg15 : memref<128xi32, #tpu.memory_space<vmem>>) target_semaphore(%run_scoped3A : memref<!tpu.dma_semaphore, #tpu.memory_space<semaphore_mem>>)
      %dma_wait3A_83 = tpu.memref_slice %arg4[%add3A_19] : memref<160000xi32, #tpu.memory_space<hbm>> -> memref<128xi32, #tpu.memory_space<hbm>>
      %dma_wait3A_84 = tpu.memref_slice %arg4[%add3A_19] : memref<160000xi32, #tpu.memory_space<hbm>> -> memref<128xi32, #tpu.memory_space<hbm>>
      tpu.wait_dma2 semaphore(%run_scoped3A : memref<!tpu.dma_semaphore, #tpu.memory_space<semaphore_mem>>) src(%dma_wait3A_84 : memref<128xi32, #tpu.memory_space<hbm>>) dst(%arg15 : memref<128xi32, #tpu.memory_space<vmem>>)
      tpu.yield
    }) : () -> ()
    %dma_start3A_20 = arith.constant 0 : i32
    %dma_start3A_21 = arith.constant 0 : i32
    %dma_start3A_22 = tpu.memref_slice %arg2[%dma_start3A_20, %dma_start3A_21] : memref<5000x128xf32, #tpu.memory_space<hbm>> -> memref<5000x128xf32, #tpu.memory_space<hbm>>
    tpu.enqueue_indirect_dma source(%dma_start3A_22 : memref<5000x128xf32, #tpu.memory_space<hbm>>) target(%arg24 : memref<128x128xf32, #tpu.memory_space<vmem>>) offsets(%arg10 : memref<128xi32, #tpu.memory_space<vmem>>) semaphore(%arg29 : memref<!tpu.dma_semaphore, #tpu.memory_space<semaphore_mem>>)
    %add3A_23 = arith.constant 256 : i32
    %add3A_24 = arith.addi %mul3A_9, %add3A_23 : i32
    "tpu.region"() ({
      %run_scoped3A = tpu.sem_alloc : memref<!tpu.dma_semaphore, #tpu.memory_space<semaphore_mem>>
      %dma_start3A_81 = tpu.memref_slice %arg3[%add3A_24] : memref<160000xi32, #tpu.memory_space<hbm>> -> memref<128xi32, #tpu.memory_space<hbm>>
      %dma_start3A_82 = tpu.memref_slice %arg3[%add3A_24] : memref<160000xi32, #tpu.memory_space<hbm>> -> memref<128xi32, #tpu.memory_space<hbm>>
      tpu.enqueue_dma source(%dma_start3A_82 : memref<128xi32, #tpu.memory_space<hbm>>) target(%arg11 : memref<128xi32, #tpu.memory_space<vmem>>) target_semaphore(%run_scoped3A : memref<!tpu.dma_semaphore, #tpu.memory_space<semaphore_mem>>)
      %dma_wait3A_83 = tpu.memref_slice %arg3[%add3A_24] : memref<160000xi32, #tpu.memory_space<hbm>> -> memref<128xi32, #tpu.memory_space<hbm>>
      %dma_wait3A_84 = tpu.memref_slice %arg3[%add3A_24] : memref<160000xi32, #tpu.memory_space<hbm>> -> memref<128xi32, #tpu.memory_space<hbm>>
      tpu.wait_dma2 semaphore(%run_scoped3A : memref<!tpu.dma_semaphore, #tpu.memory_space<semaphore_mem>>) src(%dma_wait3A_84 : memref<128xi32, #tpu.memory_space<hbm>>) dst(%arg11 : memref<128xi32, #tpu.memory_space<vmem>>)
      tpu.yield
    }) : () -> ()
    %add3A_25 = arith.constant 256 : i32
    %add3A_26 = arith.addi %mul3A_9, %add3A_25 : i32
    "tpu.region"() ({
      %run_scoped3A = tpu.sem_alloc : memref<!tpu.dma_semaphore, #tpu.memory_space<semaphore_mem>>
      %dma_start3A_81 = tpu.memref_slice %arg4[%add3A_26] : memref<160000xi32, #tpu.memory_space<hbm>> -> memref<128xi32, #tpu.memory_space<hbm>>
      %dma_start3A_82 = tpu.memref_slice %arg4[%add3A_26] : memref<160000xi32, #tpu.memory_space<hbm>> -> memref<128xi32, #tpu.memory_space<hbm>>
      tpu.enqueue_dma source(%dma_start3A_82 : memref<128xi32, #tpu.memory_space<hbm>>) target(%arg16 : memref<128xi32, #tpu.memory_space<vmem>>) target_semaphore(%run_scoped3A : memref<!tpu.dma_semaphore, #tpu.memory_space<semaphore_mem>>)
      %dma_wait3A_83 = tpu.memref_slice %arg4[%add3A_26] : memref<160000xi32, #tpu.memory_space<hbm>> -> memref<128xi32, #tpu.memory_space<hbm>>
      %dma_wait3A_84 = tpu.memref_slice %arg4[%add3A_26] : memref<160000xi32, #tpu.memory_space<hbm>> -> memref<128xi32, #tpu.memory_space<hbm>>
      tpu.wait_dma2 semaphore(%run_scoped3A : memref<!tpu.dma_semaphore, #tpu.memory_space<semaphore_mem>>) src(%dma_wait3A_84 : memref<128xi32, #tpu.memory_space<hbm>>) dst(%arg16 : memref<128xi32, #tpu.memory_space<vmem>>)
      tpu.yield
    }) : () -> ()
    %dma_start3A_27 = arith.constant 0 : i32
    %dma_start3A_28 = arith.constant 0 : i32
    %dma_start3A_29 = tpu.memref_slice %arg2[%dma_start3A_27, %dma_start3A_28] : memref<5000x128xf32, #tpu.memory_space<hbm>> -> memref<5000x128xf32, #tpu.memory_space<hbm>>
    tpu.enqueue_indirect_dma source(%dma_start3A_29 : memref<5000x128xf32, #tpu.memory_space<hbm>>) target(%arg25 : memref<128x128xf32, #tpu.memory_space<vmem>>) offsets(%arg11 : memref<128xi32, #tpu.memory_space<vmem>>) semaphore(%arg30 : memref<!tpu.dma_semaphore, #tpu.memory_space<semaphore_mem>>)
    %scan3A = arith.constant 0 : i32
    %scan3A_30 = arith.constant 0 : i32
    %scan3A_31 = arith.constant 7 : i32
    %scan3A_32 = arith.addi %scan3A_30, %scan3A_31 : i32
    %scan3A_33 = arith.constant 1 : i32
    scf.for %scan3A_81 = %scan3A_30 to %scan3A_32 step %scan3A_33  : i32 {
      %mul3A_82 = arith.constant 5 : i32
      %mul3A_83 = arith.muli %mul3A_82, %scan3A_81 : i32
      %add3A_84 = arith.constant 0 : i32
      %add3A_85 = arith.addi %mul3A_83, %add3A_84 : i32
      %dma_wait3A_86 = arith.constant 0 : i32
      %dma_wait3A_87 = arith.constant 0 : i32
      %dma_wait3A_88 = tpu.memref_slice %arg2[%dma_wait3A_86, %dma_wait3A_87] : memref<5000x128xf32, #tpu.memory_space<hbm>> -> memref<5000x128xf32, #tpu.memory_space<hbm>>
      tpu.wait_indirect_dma semaphore(%arg28 : memref<!tpu.dma_semaphore, #tpu.memory_space<semaphore_mem>>) src(%dma_wait3A_88 : memref<5000x128xf32, #tpu.memory_space<hbm>>) dst(%arg23 : memref<128x128xf32, #tpu.memory_space<vmem>>)
      "tpu.region"() ({
        %run_scoped3A = tpu.sem_alloc : memref<!tpu.dma_semaphore, #tpu.memory_space<semaphore_mem>>
        %dma_start3A_152 = arith.constant 0 : i32
        %dma_start3A_153 = arith.constant 0 : i32
        %dma_start3A_154 = tpu.memref_slice %arg7[%dma_start3A_152, %dma_start3A_153] : memref<1000x128xf32, #tpu.memory_space<vmem_shared>> -> memref<1000x128xf32, #tpu.memory_space<vmem_shared>>
        tpu.enqueue_indirect_dma source(%arg23 : memref<128x128xf32, #tpu.memory_space<vmem>>) target(%dma_start3A_154 : memref<1000x128xf32, #tpu.memory_space<vmem_shared>>) offsets(%arg14 : memref<128xi32, #tpu.memory_space<vmem>>) semaphore(%run_scoped3A : memref<!tpu.dma_semaphore, #tpu.memory_space<semaphore_mem>>) {add = true}
        %dma_wait3A_155 = arith.constant 0 : i32
        %dma_wait3A_156 = arith.constant 0 : i32
        %dma_wait3A_157 = tpu.memref_slice %arg7[%dma_wait3A_155, %dma_wait3A_156] : memref<1000x128xf32, #tpu.memory_space<vmem_shared>> -> memref<1000x128xf32, #tpu.memory_space<vmem_shared>>
        tpu.wait_indirect_dma semaphore(%run_scoped3A : memref<!tpu.dma_semaphore, #tpu.memory_space<semaphore_mem>>) src(%arg23 : memref<128x128xf32, #tpu.memory_space<vmem>>) dst(%dma_wait3A_157 : memref<1000x128xf32, #tpu.memory_space<vmem_shared>>)
        tpu.yield
      }) : () -> ()
      %add3A_89 = arith.constant 3 : i32
      %add3A_90 = arith.addi %add3A_85, %add3A_89 : i32
      %lt3A_91 = arith.constant 39 : i32
      %lt3A_92 = arith.cmpi slt, %add3A_90, %lt3A_91 : i32
      %convert_element_type3A_93 = arith.extui %lt3A_92 : i1 to i32
      %cond3A_94 = arith.constant 0 : i32
      %cond3A_95 = arith.cmpi ne, %convert_element_type3A_93, %cond3A_94 : i32
      scf.if %cond3A_95 {
        %mul3A_152 = arith.constant 128 : i32
        %mul3A_153 = arith.muli %add3A_90, %mul3A_152 : i32
        %add3A_154 = arith.addi %mul3A_9, %mul3A_153 : i32
        "tpu.region"() ({
          %run_scoped3A = tpu.sem_alloc : memref<!tpu.dma_semaphore, #tpu.memory_space<semaphore_mem>>
          %dma_start3A_161 = tpu.memref_slice %arg3[%add3A_154] : memref<160000xi32, #tpu.memory_space<hbm>> -> memref<128xi32, #tpu.memory_space<hbm>>
          %dma_start3A_162 = tpu.memref_slice %arg3[%add3A_154] : memref<160000xi32, #tpu.memory_space<hbm>> -> memref<128xi32, #tpu.memory_space<hbm>>
          tpu.enqueue_dma source(%dma_start3A_162 : memref<128xi32, #tpu.memory_space<hbm>>) target(%arg12 : memref<128xi32, #tpu.memory_space<vmem>>) target_semaphore(%run_scoped3A : memref<!tpu.dma_semaphore, #tpu.memory_space<semaphore_mem>>)
          %dma_wait3A_163 = tpu.memref_slice %arg3[%add3A_154] : memref<160000xi32, #tpu.memory_space<hbm>> -> memref<128xi32, #tpu.memory_space<hbm>>
          %dma_wait3A_164 = tpu.memref_slice %arg3[%add3A_154] : memref<160000xi32, #tpu.memory_space<hbm>> -> memref<128xi32, #tpu.memory_space<hbm>>
          tpu.wait_dma2 semaphore(%run_scoped3A : memref<!tpu.dma_semaphore, #tpu.memory_space<semaphore_mem>>) src(%dma_wait3A_164 : memref<128xi32, #tpu.memory_space<hbm>>) dst(%arg12 : memref<128xi32, #tpu.memory_space<vmem>>)
          tpu.yield
        }) : () -> ()
        %mul3A_155 = arith.constant 128 : i32
        %mul3A_156 = arith.muli %add3A_90, %mul3A_155 : i32
        %add3A_157 = arith.addi %mul3A_9, %mul3A_156 : i32
        "tpu.region"() ({
          %run_scoped3A = tpu.sem_alloc : memref<!tpu.dma_semaphore, #tpu.memory_space<semaphore_mem>>
          %dma_start3A_161 = tpu.memref_slice %arg4[%add3A_157] : memref<160000xi32, #tpu.memory_space<hbm>> -> memref<128xi32, #tpu.memory_space<hbm>>
          %dma_start3A_162 = tpu.memref_slice %arg4[%add3A_157] : memref<160000xi32, #tpu.memory_space<hbm>> -> memref<128xi32, #tpu.memory_space<hbm>>
          tpu.enqueue_dma source(%dma_start3A_162 : memref<128xi32, #tpu.memory_space<hbm>>) target(%arg17 : memref<128xi32, #tpu.memory_space<vmem>>) target_semaphore(%run_scoped3A : memref<!tpu.dma_semaphore, #tpu.memory_space<semaphore_mem>>)
          %dma_wait3A_163 = tpu.memref_slice %arg4[%add3A_157] : memref<160000xi32, #tpu.memory_space<hbm>> -> memref<128xi32, #tpu.memory_space<hbm>>
          %dma_wait3A_164 = tpu.memref_slice %arg4[%add3A_157] : memref<160000xi32, #tpu.memory_space<hbm>> -> memref<128xi32, #tpu.memory_space<hbm>>
          tpu.wait_dma2 semaphore(%run_scoped3A : memref<!tpu.dma_semaphore, #tpu.memory_space<semaphore_mem>>) src(%dma_wait3A_164 : memref<128xi32, #tpu.memory_space<hbm>>) dst(%arg17 : memref<128xi32, #tpu.memory_space<vmem>>)
          tpu.yield
        }) : () -> ()
        %dma_start3A_158 = arith.constant 0 : i32
        %dma_start3A_159 = arith.constant 0 : i32
        %dma_start3A_160 = tpu.memref_slice %arg2[%dma_start3A_158, %dma_start3A_159] : memref<5000x128xf32, #tpu.memory_space<hbm>> -> memref<5000x128xf32, #tpu.memory_space<hbm>>
        tpu.enqueue_indirect_dma source(%dma_start3A_160 : memref<5000x128xf32, #tpu.memory_space<hbm>>) target(%arg26 : memref<128x128xf32, #tpu.memory_space<vmem>>) offsets(%arg12 : memref<128xi32, #tpu.memory_space<vmem>>) semaphore(%arg31 : memref<!tpu.dma_semaphore, #tpu.memory_space<semaphore_mem>>)
      } else {
      }
      %mul3A_96 = arith.constant 5 : i32
      %mul3A_97 = arith.muli %mul3A_96, %scan3A_81 : i32
      %add3A_98 = arith.constant 1 : i32
      %add3A_99 = arith.addi %mul3A_97, %add3A_98 : i32
      %dma_wait3A_100 = arith.constant 0 : i32
      %dma_wait3A_101 = arith.constant 0 : i32
      %dma_wait3A_102 = tpu.memref_slice %arg2[%dma_wait3A_100, %dma_wait3A_101] : memref<5000x128xf32, #tpu.memory_space<hbm>> -> memref<5000x128xf32, #tpu.memory_space<hbm>>
      tpu.wait_indirect_dma semaphore(%arg29 : memref<!tpu.dma_semaphore, #tpu.memory_space<semaphore_mem>>) src(%dma_wait3A_102 : memref<5000x128xf32, #tpu.memory_space<hbm>>) dst(%arg24 : memref<128x128xf32, #tpu.memory_space<vmem>>)
      "tpu.region"() ({
        %run_scoped3A = tpu.sem_alloc : memref<!tpu.dma_semaphore, #tpu.memory_space<semaphore_mem>>
        %dma_start3A_152 = arith.constant 0 : i32
        %dma_start3A_153 = arith.constant 0 : i32
        %dma_start3A_154 = tpu.memref_slice %arg7[%dma_start3A_152, %dma_start3A_153] : memref<1000x128xf32, #tpu.memory_space<vmem_shared>> -> memref<1000x128xf32, #tpu.memory_space<vmem_shared>>
        tpu.enqueue_indirect_dma source(%arg24 : memref<128x128xf32, #tpu.memory_space<vmem>>) target(%dma_start3A_154 : memref<1000x128xf32, #tpu.memory_space<vmem_shared>>) offsets(%arg15 : memref<128xi32, #tpu.memory_space<vmem>>) semaphore(%run_scoped3A : memref<!tpu.dma_semaphore, #tpu.memory_space<semaphore_mem>>) {add = true}
        %dma_wait3A_155 = arith.constant 0 : i32
        %dma_wait3A_156 = arith.constant 0 : i32
        %dma_wait3A_157 = tpu.memref_slice %arg7[%dma_wait3A_155, %dma_wait3A_156] : memref<1000x128xf32, #tpu.memory_space<vmem_shared>> -> memref<1000x128xf32, #tpu.memory_space<vmem_shared>>
        tpu.wait_indirect_dma semaphore(%run_scoped3A : memref<!tpu.dma_semaphore, #tpu.memory_space<semaphore_mem>>) src(%arg24 : memref<128x128xf32, #tpu.memory_space<vmem>>) dst(%dma_wait3A_157 : memref<1000x128xf32, #tpu.memory_space<vmem_shared>>)
        tpu.yield
      }) : () -> ()
      %add3A_103 = arith.constant 3 : i32
      %add3A_104 = arith.addi %add3A_99, %add3A_103 : i32
      %lt3A_105 = arith.constant 39 : i32
      %lt3A_106 = arith.cmpi slt, %add3A_104, %lt3A_105 : i32
      %convert_element_type3A_107 = arith.extui %lt3A_106 : i1 to i32
      %cond3A_108 = arith.constant 0 : i32
      %cond3A_109 = arith.cmpi ne, %convert_element_type3A_107, %cond3A_108 : i32
      scf.if %cond3A_109 {
        %mul3A_152 = arith.constant 128 : i32
        %mul3A_153 = arith.muli %add3A_104, %mul3A_152 : i32
        %add3A_154 = arith.addi %mul3A_9, %mul3A_153 : i32
        "tpu.region"() ({
          %run_scoped3A = tpu.sem_alloc : memref<!tpu.dma_semaphore, #tpu.memory_space<semaphore_mem>>
          %dma_start3A_161 = tpu.memref_slice %arg3[%add3A_154] : memref<160000xi32, #tpu.memory_space<hbm>> -> memref<128xi32, #tpu.memory_space<hbm>>
          %dma_start3A_162 = tpu.memref_slice %arg3[%add3A_154] : memref<160000xi32, #tpu.memory_space<hbm>> -> memref<128xi32, #tpu.memory_space<hbm>>
          tpu.enqueue_dma source(%dma_start3A_162 : memref<128xi32, #tpu.memory_space<hbm>>) target(%arg13 : memref<128xi32, #tpu.memory_space<vmem>>) target_semaphore(%run_scoped3A : memref<!tpu.dma_semaphore, #tpu.memory_space<semaphore_mem>>)
          %dma_wait3A_163 = tpu.memref_slice %arg3[%add3A_154] : memref<160000xi32, #tpu.memory_space<hbm>> -> memref<128xi32, #tpu.memory_space<hbm>>
          %dma_wait3A_164 = tpu.memref_slice %arg3[%add3A_154] : memref<160000xi32, #tpu.memory_space<hbm>> -> memref<128xi32, #tpu.memory_space<hbm>>
          tpu.wait_dma2 semaphore(%run_scoped3A : memref<!tpu.dma_semaphore, #tpu.memory_space<semaphore_mem>>) src(%dma_wait3A_164 : memref<128xi32, #tpu.memory_space<hbm>>) dst(%arg13 : memref<128xi32, #tpu.memory_space<vmem>>)
          tpu.yield
        }) : () -> ()
        %mul3A_155 = arith.constant 128 : i32
        %mul3A_156 = arith.muli %add3A_104, %mul3A_155 : i32
        %add3A_157 = arith.addi %mul3A_9, %mul3A_156 : i32
        "tpu.region"() ({
          %run_scoped3A = tpu.sem_alloc : memref<!tpu.dma_semaphore, #tpu.memory_space<semaphore_mem>>
          %dma_start3A_161 = tpu.memref_slice %arg4[%add3A_157] : memref<160000xi32, #tpu.memory_space<hbm>> -> memref<128xi32, #tpu.memory_space<hbm>>
          %dma_start3A_162 = tpu.memref_slice %arg4[%add3A_157] : memref<160000xi32, #tpu.memory_space<hbm>> -> memref<128xi32, #tpu.memory_space<hbm>>
          tpu.enqueue_dma source(%dma_start3A_162 : memref<128xi32, #tpu.memory_space<hbm>>) target(%arg18 : memref<128xi32, #tpu.memory_space<vmem>>) target_semaphore(%run_scoped3A : memref<!tpu.dma_semaphore, #tpu.memory_space<semaphore_mem>>)
          %dma_wait3A_163 = tpu.memref_slice %arg4[%add3A_157] : memref<160000xi32, #tpu.memory_space<hbm>> -> memref<128xi32, #tpu.memory_space<hbm>>
          %dma_wait3A_164 = tpu.memref_slice %arg4[%add3A_157] : memref<160000xi32, #tpu.memory_space<hbm>> -> memref<128xi32, #tpu.memory_space<hbm>>
          tpu.wait_dma2 semaphore(%run_scoped3A : memref<!tpu.dma_semaphore, #tpu.memory_space<semaphore_mem>>) src(%dma_wait3A_164 : memref<128xi32, #tpu.memory_space<hbm>>) dst(%arg18 : memref<128xi32, #tpu.memory_space<vmem>>)
          tpu.yield
        }) : () -> ()
        %dma_start3A_158 = arith.constant 0 : i32
        %dma_start3A_159 = arith.constant 0 : i32
        %dma_start3A_160 = tpu.memref_slice %arg2[%dma_start3A_158, %dma_start3A_159] : memref<5000x128xf32, #tpu.memory_space<hbm>> -> memref<5000x128xf32, #tpu.memory_space<hbm>>
        tpu.enqueue_indirect_dma source(%dma_start3A_160 : memref<5000x128xf32, #tpu.memory_space<hbm>>) target(%arg27 : memref<128x128xf32, #tpu.memory_space<vmem>>) offsets(%arg13 : memref<128xi32, #tpu.memory_space<vmem>>) semaphore(%arg32 : memref<!tpu.dma_semaphore, #tpu.memory_space<semaphore_mem>>)
      } else {
      }
      %mul3A_110 = arith.constant 5 : i32
      %mul3A_111 = arith.muli %mul3A_110, %scan3A_81 : i32
      %add3A_112 = arith.constant 2 : i32
      %add3A_113 = arith.addi %mul3A_111, %add3A_112 : i32
      %dma_wait3A_114 = arith.constant 0 : i32
      %dma_wait3A_115 = arith.constant 0 : i32
      %dma_wait3A_116 = tpu.memref_slice %arg2[%dma_wait3A_114, %dma_wait3A_115] : memref<5000x128xf32, #tpu.memory_space<hbm>> -> memref<5000x128xf32, #tpu.memory_space<hbm>>
      tpu.wait_indirect_dma semaphore(%arg30 : memref<!tpu.dma_semaphore, #tpu.memory_space<semaphore_mem>>) src(%dma_wait3A_116 : memref<5000x128xf32, #tpu.memory_space<hbm>>) dst(%arg25 : memref<128x128xf32, #tpu.memory_space<vmem>>)
      "tpu.region"() ({
        %run_scoped3A = tpu.sem_alloc : memref<!tpu.dma_semaphore, #tpu.memory_space<semaphore_mem>>
        %dma_start3A_152 = arith.constant 0 : i32
        %dma_start3A_153 = arith.constant 0 : i32
        %dma_start3A_154 = tpu.memref_slice %arg7[%dma_start3A_152, %dma_start3A_153] : memref<1000x128xf32, #tpu.memory_space<vmem_shared>> -> memref<1000x128xf32, #tpu.memory_space<vmem_shared>>
        tpu.enqueue_indirect_dma source(%arg25 : memref<128x128xf32, #tpu.memory_space<vmem>>) target(%dma_start3A_154 : memref<1000x128xf32, #tpu.memory_space<vmem_shared>>) offsets(%arg16 : memref<128xi32, #tpu.memory_space<vmem>>) semaphore(%run_scoped3A : memref<!tpu.dma_semaphore, #tpu.memory_space<semaphore_mem>>) {add = true}
        %dma_wait3A_155 = arith.constant 0 : i32
        %dma_wait3A_156 = arith.constant 0 : i32
        %dma_wait3A_157 = tpu.memref_slice %arg7[%dma_wait3A_155, %dma_wait3A_156] : memref<1000x128xf32, #tpu.memory_space<vmem_shared>> -> memref<1000x128xf32, #tpu.memory_space<vmem_shared>>
        tpu.wait_indirect_dma semaphore(%run_scoped3A : memref<!tpu.dma_semaphore, #tpu.memory_space<semaphore_mem>>) src(%arg25 : memref<128x128xf32, #tpu.memory_space<vmem>>) dst(%dma_wait3A_157 : memref<1000x128xf32, #tpu.memory_space<vmem_shared>>)
        tpu.yield
      }) : () -> ()
      %add3A_117 = arith.constant 3 : i32
      %add3A_118 = arith.addi %add3A_113, %add3A_117 : i32
      %lt3A_119 = arith.constant 39 : i32
      %lt3A_120 = arith.cmpi slt, %add3A_118, %lt3A_119 : i32
      %convert_element_type3A_121 = arith.extui %lt3A_120 : i1 to i32
      %cond3A_122 = arith.constant 0 : i32
      %cond3A_123 = arith.cmpi ne, %convert_element_type3A_121, %cond3A_122 : i32
      scf.if %cond3A_123 {
        %mul3A_152 = arith.constant 128 : i32
        %mul3A_153 = arith.muli %add3A_118, %mul3A_152 : i32
        %add3A_154 = arith.addi %mul3A_9, %mul3A_153 : i32
        "tpu.region"() ({
          %run_scoped3A = tpu.sem_alloc : memref<!tpu.dma_semaphore, #tpu.memory_space<semaphore_mem>>
          %dma_start3A_161 = tpu.memref_slice %arg3[%add3A_154] : memref<160000xi32, #tpu.memory_space<hbm>> -> memref<128xi32, #tpu.memory_space<hbm>>
          %dma_start3A_162 = tpu.memref_slice %arg3[%add3A_154] : memref<160000xi32, #tpu.memory_space<hbm>> -> memref<128xi32, #tpu.memory_space<hbm>>
          tpu.enqueue_dma source(%dma_start3A_162 : memref<128xi32, #tpu.memory_space<hbm>>) target(%arg9 : memref<128xi32, #tpu.memory_space<vmem>>) target_semaphore(%run_scoped3A : memref<!tpu.dma_semaphore, #tpu.memory_space<semaphore_mem>>)
          %dma_wait3A_163 = tpu.memref_slice %arg3[%add3A_154] : memref<160000xi32, #tpu.memory_space<hbm>> -> memref<128xi32, #tpu.memory_space<hbm>>
          %dma_wait3A_164 = tpu.memref_slice %arg3[%add3A_154] : memref<160000xi32, #tpu.memory_space<hbm>> -> memref<128xi32, #tpu.memory_space<hbm>>
          tpu.wait_dma2 semaphore(%run_scoped3A : memref<!tpu.dma_semaphore, #tpu.memory_space<semaphore_mem>>) src(%dma_wait3A_164 : memref<128xi32, #tpu.memory_space<hbm>>) dst(%arg9 : memref<128xi32, #tpu.memory_space<vmem>>)
          tpu.yield
        }) : () -> ()
        %mul3A_155 = arith.constant 128 : i32
        %mul3A_156 = arith.muli %add3A_118, %mul3A_155 : i32
        %add3A_157 = arith.addi %mul3A_9, %mul3A_156 : i32
        "tpu.region"() ({
          %run_scoped3A = tpu.sem_alloc : memref<!tpu.dma_semaphore, #tpu.memory_space<semaphore_mem>>
          %dma_start3A_161 = tpu.memref_slice %arg4[%add3A_157] : memref<160000xi32, #tpu.memory_space<hbm>> -> memref<128xi32, #tpu.memory_space<hbm>>
          %dma_start3A_162 = tpu.memref_slice %arg4[%add3A_157] : memref<160000xi32, #tpu.memory_space<hbm>> -> memref<128xi32, #tpu.memory_space<hbm>>
          tpu.enqueue_dma source(%dma_start3A_162 : memref<128xi32, #tpu.memory_space<hbm>>) target(%arg14 : memref<128xi32, #tpu.memory_space<vmem>>) target_semaphore(%run_scoped3A : memref<!tpu.dma_semaphore, #tpu.memory_space<semaphore_mem>>)
          %dma_wait3A_163 = tpu.memref_slice %arg4[%add3A_157] : memref<160000xi32, #tpu.memory_space<hbm>> -> memref<128xi32, #tpu.memory_space<hbm>>
          %dma_wait3A_164 = tpu.memref_slice %arg4[%add3A_157] : memref<160000xi32, #tpu.memory_space<hbm>> -> memref<128xi32, #tpu.memory_space<hbm>>
          tpu.wait_dma2 semaphore(%run_scoped3A : memref<!tpu.dma_semaphore, #tpu.memory_space<semaphore_mem>>) src(%dma_wait3A_164 : memref<128xi32, #tpu.memory_space<hbm>>) dst(%arg14 : memref<128xi32, #tpu.memory_space<vmem>>)
          tpu.yield
        }) : () -> ()
        %dma_start3A_158 = arith.constant 0 : i32
        %dma_start3A_159 = arith.constant 0 : i32
        %dma_start3A_160 = tpu.memref_slice %arg2[%dma_start3A_158, %dma_start3A_159] : memref<5000x128xf32, #tpu.memory_space<hbm>> -> memref<5000x128xf32, #tpu.memory_space<hbm>>
        tpu.enqueue_indirect_dma source(%dma_start3A_160 : memref<5000x128xf32, #tpu.memory_space<hbm>>) target(%arg23 : memref<128x128xf32, #tpu.memory_space<vmem>>) offsets(%arg9 : memref<128xi32, #tpu.memory_space<vmem>>) semaphore(%arg28 : memref<!tpu.dma_semaphore, #tpu.memory_space<semaphore_mem>>)
      } else {
      }
      %mul3A_124 = arith.constant 5 : i32
      %mul3A_125 = arith.muli %mul3A_124, %scan3A_81 : i32
      %add3A_126 = arith.constant 3 : i32
      %add3A_127 = arith.addi %mul3A_125, %add3A_126 : i32
      %dma_wait3A_128 = arith.constant 0 : i32
      %dma_wait3A_129 = arith.constant 0 : i32
      %dma_wait3A_130 = tpu.memref_slice %arg2[%dma_wait3A_128, %dma_wait3A_129] : memref<5000x128xf32, #tpu.memory_space<hbm>> -> memref<5000x128xf32, #tpu.memory_space<hbm>>
      tpu.wait_indirect_dma semaphore(%arg31 : memref<!tpu.dma_semaphore, #tpu.memory_space<semaphore_mem>>) src(%dma_wait3A_130 : memref<5000x128xf32, #tpu.memory_space<hbm>>) dst(%arg26 : memref<128x128xf32, #tpu.memory_space<vmem>>)
      "tpu.region"() ({
        %run_scoped3A = tpu.sem_alloc : memref<!tpu.dma_semaphore, #tpu.memory_space<semaphore_mem>>
        %dma_start3A_152 = arith.constant 0 : i32
        %dma_start3A_153 = arith.constant 0 : i32
        %dma_start3A_154 = tpu.memref_slice %arg7[%dma_start3A_152, %dma_start3A_153] : memref<1000x128xf32, #tpu.memory_space<vmem_shared>> -> memref<1000x128xf32, #tpu.memory_space<vmem_shared>>
        tpu.enqueue_indirect_dma source(%arg26 : memref<128x128xf32, #tpu.memory_space<vmem>>) target(%dma_start3A_154 : memref<1000x128xf32, #tpu.memory_space<vmem_shared>>) offsets(%arg17 : memref<128xi32, #tpu.memory_space<vmem>>) semaphore(%run_scoped3A : memref<!tpu.dma_semaphore, #tpu.memory_space<semaphore_mem>>) {add = true}
        %dma_wait3A_155 = arith.constant 0 : i32
        %dma_wait3A_156 = arith.constant 0 : i32
        %dma_wait3A_157 = tpu.memref_slice %arg7[%dma_wait3A_155, %dma_wait3A_156] : memref<1000x128xf32, #tpu.memory_space<vmem_shared>> -> memref<1000x128xf32, #tpu.memory_space<vmem_shared>>
        tpu.wait_indirect_dma semaphore(%run_scoped3A : memref<!tpu.dma_semaphore, #tpu.memory_space<semaphore_mem>>) src(%arg26 : memref<128x128xf32, #tpu.memory_space<vmem>>) dst(%dma_wait3A_157 : memref<1000x128xf32, #tpu.memory_space<vmem_shared>>)
        tpu.yield
      }) : () -> ()
      %add3A_131 = arith.constant 3 : i32
      %add3A_132 = arith.addi %add3A_127, %add3A_131 : i32
      %lt3A_133 = arith.constant 39 : i32
      %lt3A_134 = arith.cmpi slt, %add3A_132, %lt3A_133 : i32
      %convert_element_type3A_135 = arith.extui %lt3A_134 : i1 to i32
      %cond3A_136 = arith.constant 0 : i32
      %cond3A_137 = arith.cmpi ne, %convert_element_type3A_135, %cond3A_136 : i32
      scf.if %cond3A_137 {
        %mul3A_152 = arith.constant 128 : i32
        %mul3A_153 = arith.muli %add3A_132, %mul3A_152 : i32
        %add3A_154 = arith.addi %mul3A_9, %mul3A_153 : i32
        "tpu.region"() ({
          %run_scoped3A = tpu.sem_alloc : memref<!tpu.dma_semaphore, #tpu.memory_space<semaphore_mem>>
          %dma_start3A_161 = tpu.memref_slice %arg3[%add3A_154] : memref<160000xi32, #tpu.memory_space<hbm>> -> memref<128xi32, #tpu.memory_space<hbm>>
          %dma_start3A_162 = tpu.memref_slice %arg3[%add3A_154] : memref<160000xi32, #tpu.memory_space<hbm>> -> memref<128xi32, #tpu.memory_space<hbm>>
          tpu.enqueue_dma source(%dma_start3A_162 : memref<128xi32, #tpu.memory_space<hbm>>) target(%arg10 : memref<128xi32, #tpu.memory_space<vmem>>) target_semaphore(%run_scoped3A : memref<!tpu.dma_semaphore, #tpu.memory_space<semaphore_mem>>)
          %dma_wait3A_163 = tpu.memref_slice %arg3[%add3A_154] : memref<160000xi32, #tpu.memory_space<hbm>> -> memref<128xi32, #tpu.memory_space<hbm>>
          %dma_wait3A_164 = tpu.memref_slice %arg3[%add3A_154] : memref<160000xi32, #tpu.memory_space<hbm>> -> memref<128xi32, #tpu.memory_space<hbm>>
          tpu.wait_dma2 semaphore(%run_scoped3A : memref<!tpu.dma_semaphore, #tpu.memory_space<semaphore_mem>>) src(%dma_wait3A_164 : memref<128xi32, #tpu.memory_space<hbm>>) dst(%arg10 : memref<128xi32, #tpu.memory_space<vmem>>)
          tpu.yield
        }) : () -> ()
        %mul3A_155 = arith.constant 128 : i32
        %mul3A_156 = arith.muli %add3A_132, %mul3A_155 : i32
        %add3A_157 = arith.addi %mul3A_9, %mul3A_156 : i32
        "tpu.region"() ({
          %run_scoped3A = tpu.sem_alloc : memref<!tpu.dma_semaphore, #tpu.memory_space<semaphore_mem>>
          %dma_start3A_161 = tpu.memref_slice %arg4[%add3A_157] : memref<160000xi32, #tpu.memory_space<hbm>> -> memref<128xi32, #tpu.memory_space<hbm>>
          %dma_start3A_162 = tpu.memref_slice %arg4[%add3A_157] : memref<160000xi32, #tpu.memory_space<hbm>> -> memref<128xi32, #tpu.memory_space<hbm>>
          tpu.enqueue_dma source(%dma_start3A_162 : memref<128xi32, #tpu.memory_space<hbm>>) target(%arg15 : memref<128xi32, #tpu.memory_space<vmem>>) target_semaphore(%run_scoped3A : memref<!tpu.dma_semaphore, #tpu.memory_space<semaphore_mem>>)
          %dma_wait3A_163 = tpu.memref_slice %arg4[%add3A_157] : memref<160000xi32, #tpu.memory_space<hbm>> -> memref<128xi32, #tpu.memory_space<hbm>>
          %dma_wait3A_164 = tpu.memref_slice %arg4[%add3A_157] : memref<160000xi32, #tpu.memory_space<hbm>> -> memref<128xi32, #tpu.memory_space<hbm>>
          tpu.wait_dma2 semaphore(%run_scoped3A : memref<!tpu.dma_semaphore, #tpu.memory_space<semaphore_mem>>) src(%dma_wait3A_164 : memref<128xi32, #tpu.memory_space<hbm>>) dst(%arg15 : memref<128xi32, #tpu.memory_space<vmem>>)
          tpu.yield
        }) : () -> ()
        %dma_start3A_158 = arith.constant 0 : i32
        %dma_start3A_159 = arith.constant 0 : i32
        %dma_start3A_160 = tpu.memref_slice %arg2[%dma_start3A_158, %dma_start3A_159] : memref<5000x128xf32, #tpu.memory_space<hbm>> -> memref<5000x128xf32, #tpu.memory_space<hbm>>
        tpu.enqueue_indirect_dma source(%dma_start3A_160 : memref<5000x128xf32, #tpu.memory_space<hbm>>) target(%arg24 : memref<128x128xf32, #tpu.memory_space<vmem>>) offsets(%arg10 : memref<128xi32, #tpu.memory_space<vmem>>) semaphore(%arg29 : memref<!tpu.dma_semaphore, #tpu.memory_space<semaphore_mem>>)
      } else {
      }
      %mul3A_138 = arith.constant 5 : i32
      %mul3A_139 = arith.muli %mul3A_138, %scan3A_81 : i32
      %add3A_140 = arith.constant 4 : i32
      %add3A_141 = arith.addi %mul3A_139, %add3A_140 : i32
      %dma_wait3A_142 = arith.constant 0 : i32
      %dma_wait3A_143 = arith.constant 0 : i32
      %dma_wait3A_144 = tpu.memref_slice %arg2[%dma_wait3A_142, %dma_wait3A_143] : memref<5000x128xf32, #tpu.memory_space<hbm>> -> memref<5000x128xf32, #tpu.memory_space<hbm>>
      tpu.wait_indirect_dma semaphore(%arg32 : memref<!tpu.dma_semaphore, #tpu.memory_space<semaphore_mem>>) src(%dma_wait3A_144 : memref<5000x128xf32, #tpu.memory_space<hbm>>) dst(%arg27 : memref<128x128xf32, #tpu.memory_space<vmem>>)
      "tpu.region"() ({
        %run_scoped3A = tpu.sem_alloc : memref<!tpu.dma_semaphore, #tpu.memory_space<semaphore_mem>>
        %dma_start3A_152 = arith.constant 0 : i32
        %dma_start3A_153 = arith.constant 0 : i32
        %dma_start3A_154 = tpu.memref_slice %arg7[%dma_start3A_152, %dma_start3A_153] : memref<1000x128xf32, #tpu.memory_space<vmem_shared>> -> memref<1000x128xf32, #tpu.memory_space<vmem_shared>>
        tpu.enqueue_indirect_dma source(%arg27 : memref<128x128xf32, #tpu.memory_space<vmem>>) target(%dma_start3A_154 : memref<1000x128xf32, #tpu.memory_space<vmem_shared>>) offsets(%arg18 : memref<128xi32, #tpu.memory_space<vmem>>) semaphore(%run_scoped3A : memref<!tpu.dma_semaphore, #tpu.memory_space<semaphore_mem>>) {add = true}
        %dma_wait3A_155 = arith.constant 0 : i32
        %dma_wait3A_156 = arith.constant 0 : i32
        %dma_wait3A_157 = tpu.memref_slice %arg7[%dma_wait3A_155, %dma_wait3A_156] : memref<1000x128xf32, #tpu.memory_space<vmem_shared>> -> memref<1000x128xf32, #tpu.memory_space<vmem_shared>>
        tpu.wait_indirect_dma semaphore(%run_scoped3A : memref<!tpu.dma_semaphore, #tpu.memory_space<semaphore_mem>>) src(%arg27 : memref<128x128xf32, #tpu.memory_space<vmem>>) dst(%dma_wait3A_157 : memref<1000x128xf32, #tpu.memory_space<vmem_shared>>)
        tpu.yield
      }) : () -> ()
      %add3A_145 = arith.constant 3 : i32
      %add3A_146 = arith.addi %add3A_141, %add3A_145 : i32
      %lt3A_147 = arith.constant 39 : i32
      %lt3A_148 = arith.cmpi slt, %add3A_146, %lt3A_147 : i32
      %convert_element_type3A_149 = arith.extui %lt3A_148 : i1 to i32
      %cond3A_150 = arith.constant 0 : i32
      %cond3A_151 = arith.cmpi ne, %convert_element_type3A_149, %cond3A_150 : i32
      scf.if %cond3A_151 {
        %mul3A_152 = arith.constant 128 : i32
        %mul3A_153 = arith.muli %add3A_146, %mul3A_152 : i32
        %add3A_154 = arith.addi %mul3A_9, %mul3A_153 : i32
        "tpu.region"() ({
          %run_scoped3A = tpu.sem_alloc : memref<!tpu.dma_semaphore, #tpu.memory_space<semaphore_mem>>
          %dma_start3A_161 = tpu.memref_slice %arg3[%add3A_154] : memref<160000xi32, #tpu.memory_space<hbm>> -> memref<128xi32, #tpu.memory_space<hbm>>
          %dma_start3A_162 = tpu.memref_slice %arg3[%add3A_154] : memref<160000xi32, #tpu.memory_space<hbm>> -> memref<128xi32, #tpu.memory_space<hbm>>
          tpu.enqueue_dma source(%dma_start3A_162 : memref<128xi32, #tpu.memory_space<hbm>>) target(%arg11 : memref<128xi32, #tpu.memory_space<vmem>>) target_semaphore(%run_scoped3A : memref<!tpu.dma_semaphore, #tpu.memory_space<semaphore_mem>>)
          %dma_wait3A_163 = tpu.memref_slice %arg3[%add3A_154] : memref<160000xi32, #tpu.memory_space<hbm>> -> memref<128xi32, #tpu.memory_space<hbm>>
          %dma_wait3A_164 = tpu.memref_slice %arg3[%add3A_154] : memref<160000xi32, #tpu.memory_space<hbm>> -> memref<128xi32, #tpu.memory_space<hbm>>
          tpu.wait_dma2 semaphore(%run_scoped3A : memref<!tpu.dma_semaphore, #tpu.memory_space<semaphore_mem>>) src(%dma_wait3A_164 : memref<128xi32, #tpu.memory_space<hbm>>) dst(%arg11 : memref<128xi32, #tpu.memory_space<vmem>>)
          tpu.yield
        }) : () -> ()
        %mul3A_155 = arith.constant 128 : i32
        %mul3A_156 = arith.muli %add3A_146, %mul3A_155 : i32
        %add3A_157 = arith.addi %mul3A_9, %mul3A_156 : i32
        "tpu.region"() ({
          %run_scoped3A = tpu.sem_alloc : memref<!tpu.dma_semaphore, #tpu.memory_space<semaphore_mem>>
          %dma_start3A_161 = tpu.memref_slice %arg4[%add3A_157] : memref<160000xi32, #tpu.memory_space<hbm>> -> memref<128xi32, #tpu.memory_space<hbm>>
          %dma_start3A_162 = tpu.memref_slice %arg4[%add3A_157] : memref<160000xi32, #tpu.memory_space<hbm>> -> memref<128xi32, #tpu.memory_space<hbm>>
          tpu.enqueue_dma source(%dma_start3A_162 : memref<128xi32, #tpu.memory_space<hbm>>) target(%arg16 : memref<128xi32, #tpu.memory_space<vmem>>) target_semaphore(%run_scoped3A : memref<!tpu.dma_semaphore, #tpu.memory_space<semaphore_mem>>)
          %dma_wait3A_163 = tpu.memref_slice %arg4[%add3A_157] : memref<160000xi32, #tpu.memory_space<hbm>> -> memref<128xi32, #tpu.memory_space<hbm>>
          %dma_wait3A_164 = tpu.memref_slice %arg4[%add3A_157] : memref<160000xi32, #tpu.memory_space<hbm>> -> memref<128xi32, #tpu.memory_space<hbm>>
          tpu.wait_dma2 semaphore(%run_scoped3A : memref<!tpu.dma_semaphore, #tpu.memory_space<semaphore_mem>>) src(%dma_wait3A_164 : memref<128xi32, #tpu.memory_space<hbm>>) dst(%arg16 : memref<128xi32, #tpu.memory_space<vmem>>)
          tpu.yield
        }) : () -> ()
        %dma_start3A_158 = arith.constant 0 : i32
        %dma_start3A_159 = arith.constant 0 : i32
        %dma_start3A_160 = tpu.memref_slice %arg2[%dma_start3A_158, %dma_start3A_159] : memref<5000x128xf32, #tpu.memory_space<hbm>> -> memref<5000x128xf32, #tpu.memory_space<hbm>>
        tpu.enqueue_indirect_dma source(%dma_start3A_160 : memref<5000x128xf32, #tpu.memory_space<hbm>>) target(%arg25 : memref<128x128xf32, #tpu.memory_space<vmem>>) offsets(%arg11 : memref<128xi32, #tpu.memory_space<vmem>>) semaphore(%arg30 : memref<!tpu.dma_semaphore, #tpu.memory_space<semaphore_mem>>)
      } else {
      }
    }
    %scan3A_34 = arith.constant 7 : i32
    %dma_wait3A = arith.constant 0 : i32
    %dma_wait3A_35 = arith.constant 0 : i32
    %dma_wait3A_36 = tpu.memref_slice %arg2[%dma_wait3A, %dma_wait3A_35] : memref<5000x128xf32, #tpu.memory_space<hbm>> -> memref<5000x128xf32, #tpu.memory_space<hbm>>
    tpu.wait_indirect_dma semaphore(%arg28 : memref<!tpu.dma_semaphore, #tpu.memory_space<semaphore_mem>>) src(%dma_wait3A_36 : memref<5000x128xf32, #tpu.memory_space<hbm>>) dst(%arg23 : memref<128x128xf32, #tpu.memory_space<vmem>>)
    "tpu.region"() ({
      %run_scoped3A = tpu.sem_alloc : memref<!tpu.dma_semaphore, #tpu.memory_space<semaphore_mem>>
      %dma_start3A_81 = arith.constant 0 : i32
      %dma_start3A_82 = arith.constant 0 : i32
      %dma_start3A_83 = tpu.memref_slice %arg7[%dma_start3A_81, %dma_start3A_82] : memref<1000x128xf32, #tpu.memory_space<vmem_shared>> -> memref<1000x128xf32, #tpu.memory_space<vmem_shared>>
      tpu.enqueue_indirect_dma source(%arg23 : memref<128x128xf32, #tpu.memory_space<vmem>>) target(%dma_start3A_83 : memref<1000x128xf32, #tpu.memory_space<vmem_shared>>) offsets(%arg14 : memref<128xi32, #tpu.memory_space<vmem>>) semaphore(%run_scoped3A : memref<!tpu.dma_semaphore, #tpu.memory_space<semaphore_mem>>) {add = true}
      %dma_wait3A_84 = arith.constant 0 : i32
      %dma_wait3A_85 = arith.constant 0 : i32
      %dma_wait3A_86 = tpu.memref_slice %arg7[%dma_wait3A_84, %dma_wait3A_85] : memref<1000x128xf32, #tpu.memory_space<vmem_shared>> -> memref<1000x128xf32, #tpu.memory_space<vmem_shared>>
      tpu.wait_indirect_dma semaphore(%run_scoped3A : memref<!tpu.dma_semaphore, #tpu.memory_space<semaphore_mem>>) src(%arg23 : memref<128x128xf32, #tpu.memory_space<vmem>>) dst(%dma_wait3A_86 : memref<1000x128xf32, #tpu.memory_space<vmem_shared>>)
      tpu.yield
    }) : () -> ()
    %add3A_37 = arith.constant 4864 : i32
    %add3A_38 = arith.addi %mul3A_9, %add3A_37 : i32
    "tpu.region"() ({
      %run_scoped3A = tpu.sem_alloc : memref<!tpu.dma_semaphore, #tpu.memory_space<semaphore_mem>>
      %dma_start3A_81 = tpu.memref_slice %arg3[%add3A_38] : memref<160000xi32, #tpu.memory_space<hbm>> -> memref<128xi32, #tpu.memory_space<hbm>>
      %dma_start3A_82 = tpu.memref_slice %arg3[%add3A_38] : memref<160000xi32, #tpu.memory_space<hbm>> -> memref<128xi32, #tpu.memory_space<hbm>>
      tpu.enqueue_dma source(%dma_start3A_82 : memref<128xi32, #tpu.memory_space<hbm>>) target(%arg12 : memref<128xi32, #tpu.memory_space<vmem>>) target_semaphore(%run_scoped3A : memref<!tpu.dma_semaphore, #tpu.memory_space<semaphore_mem>>)
      %dma_wait3A_83 = tpu.memref_slice %arg3[%add3A_38] : memref<160000xi32, #tpu.memory_space<hbm>> -> memref<128xi32, #tpu.memory_space<hbm>>
      %dma_wait3A_84 = tpu.memref_slice %arg3[%add3A_38] : memref<160000xi32, #tpu.memory_space<hbm>> -> memref<128xi32, #tpu.memory_space<hbm>>
      tpu.wait_dma2 semaphore(%run_scoped3A : memref<!tpu.dma_semaphore, #tpu.memory_space<semaphore_mem>>) src(%dma_wait3A_84 : memref<128xi32, #tpu.memory_space<hbm>>) dst(%arg12 : memref<128xi32, #tpu.memory_space<vmem>>)
      tpu.yield
    }) : () -> ()
    %add3A_39 = arith.constant 4864 : i32
    %add3A_40 = arith.addi %mul3A_9, %add3A_39 : i32
    "tpu.region"() ({
      %run_scoped3A = tpu.sem_alloc : memref<!tpu.dma_semaphore, #tpu.memory_space<semaphore_mem>>
      %dma_start3A_81 = tpu.memref_slice %arg4[%add3A_40] : memref<160000xi32, #tpu.memory_space<hbm>> -> memref<128xi32, #tpu.memory_space<hbm>>
      %dma_start3A_82 = tpu.memref_slice %arg4[%add3A_40] : memref<160000xi32, #tpu.memory_space<hbm>> -> memref<128xi32, #tpu.memory_space<hbm>>
      tpu.enqueue_dma source(%dma_start3A_82 : memref<128xi32, #tpu.memory_space<hbm>>) target(%arg17 : memref<128xi32, #tpu.memory_space<vmem>>) target_semaphore(%run_scoped3A : memref<!tpu.dma_semaphore, #tpu.memory_space<semaphore_mem>>)
      %dma_wait3A_83 = tpu.memref_slice %arg4[%add3A_40] : memref<160000xi32, #tpu.memory_space<hbm>> -> memref<128xi32, #tpu.memory_space<hbm>>
      %dma_wait3A_84 = tpu.memref_slice %arg4[%add3A_40] : memref<160000xi32, #tpu.memory_space<hbm>> -> memref<128xi32, #tpu.memory_space<hbm>>
      tpu.wait_dma2 semaphore(%run_scoped3A : memref<!tpu.dma_semaphore, #tpu.memory_space<semaphore_mem>>) src(%dma_wait3A_84 : memref<128xi32, #tpu.memory_space<hbm>>) dst(%arg17 : memref<128xi32, #tpu.memory_space<vmem>>)
      tpu.yield
    }) : () -> ()
    %dma_start3A_41 = arith.constant 0 : i32
    %dma_start3A_42 = arith.constant 0 : i32
    %dma_start3A_43 = tpu.memref_slice %arg2[%dma_start3A_41, %dma_start3A_42] : memref<5000x128xf32, #tpu.memory_space<hbm>> -> memref<5000x128xf32, #tpu.memory_space<hbm>>
    tpu.enqueue_indirect_dma source(%dma_start3A_43 : memref<5000x128xf32, #tpu.memory_space<hbm>>) target(%arg26 : memref<128x128xf32, #tpu.memory_space<vmem>>) offsets(%arg12 : memref<128xi32, #tpu.memory_space<vmem>>) semaphore(%arg31 : memref<!tpu.dma_semaphore, #tpu.memory_space<semaphore_mem>>)
    %dma_wait3A_44 = arith.constant 0 : i32
    %dma_wait3A_45 = arith.constant 0 : i32
    %dma_wait3A_46 = tpu.memref_slice %arg2[%dma_wait3A_44, %dma_wait3A_45] : memref<5000x128xf32, #tpu.memory_space<hbm>> -> memref<5000x128xf32, #tpu.memory_space<hbm>>
    tpu.wait_indirect_dma semaphore(%arg29 : memref<!tpu.dma_semaphore, #tpu.memory_space<semaphore_mem>>) src(%dma_wait3A_46 : memref<5000x128xf32, #tpu.memory_space<hbm>>) dst(%arg24 : memref<128x128xf32, #tpu.memory_space<vmem>>)
    "tpu.region"() ({
      %run_scoped3A = tpu.sem_alloc : memref<!tpu.dma_semaphore, #tpu.memory_space<semaphore_mem>>
      %dma_start3A_81 = arith.constant 0 : i32
      %dma_start3A_82 = arith.constant 0 : i32
      %dma_start3A_83 = tpu.memref_slice %arg7[%dma_start3A_81, %dma_start3A_82] : memref<1000x128xf32, #tpu.memory_space<vmem_shared>> -> memref<1000x128xf32, #tpu.memory_space<vmem_shared>>
      tpu.enqueue_indirect_dma source(%arg24 : memref<128x128xf32, #tpu.memory_space<vmem>>) target(%dma_start3A_83 : memref<1000x128xf32, #tpu.memory_space<vmem_shared>>) offsets(%arg15 : memref<128xi32, #tpu.memory_space<vmem>>) semaphore(%run_scoped3A : memref<!tpu.dma_semaphore, #tpu.memory_space<semaphore_mem>>) {add = true}
      %dma_wait3A_84 = arith.constant 0 : i32
      %dma_wait3A_85 = arith.constant 0 : i32
      %dma_wait3A_86 = tpu.memref_slice %arg7[%dma_wait3A_84, %dma_wait3A_85] : memref<1000x128xf32, #tpu.memory_space<vmem_shared>> -> memref<1000x128xf32, #tpu.memory_space<vmem_shared>>
      tpu.wait_indirect_dma semaphore(%run_scoped3A : memref<!tpu.dma_semaphore, #tpu.memory_space<semaphore_mem>>) src(%arg24 : memref<128x128xf32, #tpu.memory_space<vmem>>) dst(%dma_wait3A_86 : memref<1000x128xf32, #tpu.memory_space<vmem_shared>>)
      tpu.yield
    }) : () -> ()
    %dma_wait3A_47 = arith.constant 0 : i32
    %dma_wait3A_48 = arith.constant 0 : i32
    %dma_wait3A_49 = tpu.memref_slice %arg2[%dma_wait3A_47, %dma_wait3A_48] : memref<5000x128xf32, #tpu.memory_space<hbm>> -> memref<5000x128xf32, #tpu.memory_space<hbm>>
    tpu.wait_indirect_dma semaphore(%arg30 : memref<!tpu.dma_semaphore, #tpu.memory_space<semaphore_mem>>) src(%dma_wait3A_49 : memref<5000x128xf32, #tpu.memory_space<hbm>>) dst(%arg25 : memref<128x128xf32, #tpu.memory_space<vmem>>)
    "tpu.region"() ({
      %run_scoped3A = tpu.sem_alloc : memref<!tpu.dma_semaphore, #tpu.memory_space<semaphore_mem>>
      %dma_start3A_81 = arith.constant 0 : i32
      %dma_start3A_82 = arith.constant 0 : i32
      %dma_start3A_83 = tpu.memref_slice %arg7[%dma_start3A_81, %dma_start3A_82] : memref<1000x128xf32, #tpu.memory_space<vmem_shared>> -> memref<1000x128xf32, #tpu.memory_space<vmem_shared>>
      tpu.enqueue_indirect_dma source(%arg25 : memref<128x128xf32, #tpu.memory_space<vmem>>) target(%dma_start3A_83 : memref<1000x128xf32, #tpu.memory_space<vmem_shared>>) offsets(%arg16 : memref<128xi32, #tpu.memory_space<vmem>>) semaphore(%run_scoped3A : memref<!tpu.dma_semaphore, #tpu.memory_space<semaphore_mem>>) {add = true}
      %dma_wait3A_84 = arith.constant 0 : i32
      %dma_wait3A_85 = arith.constant 0 : i32
      %dma_wait3A_86 = tpu.memref_slice %arg7[%dma_wait3A_84, %dma_wait3A_85] : memref<1000x128xf32, #tpu.memory_space<vmem_shared>> -> memref<1000x128xf32, #tpu.memory_space<vmem_shared>>
      tpu.wait_indirect_dma semaphore(%run_scoped3A : memref<!tpu.dma_semaphore, #tpu.memory_space<semaphore_mem>>) src(%arg25 : memref<128x128xf32, #tpu.memory_space<vmem>>) dst(%dma_wait3A_86 : memref<1000x128xf32, #tpu.memory_space<vmem_shared>>)
      tpu.yield
    }) : () -> ()
    %dma_wait3A_50 = arith.constant 0 : i32
    %dma_wait3A_51 = arith.constant 0 : i32
    %dma_wait3A_52 = tpu.memref_slice %arg2[%dma_wait3A_50, %dma_wait3A_51] : memref<5000x128xf32, #tpu.memory_space<hbm>> -> memref<5000x128xf32, #tpu.memory_space<hbm>>
    tpu.wait_indirect_dma semaphore(%arg31 : memref<!tpu.dma_semaphore, #tpu.memory_space<semaphore_mem>>) src(%dma_wait3A_52 : memref<5000x128xf32, #tpu.memory_space<hbm>>) dst(%arg26 : memref<128x128xf32, #tpu.memory_space<vmem>>)
    "tpu.region"() ({
      %run_scoped3A = tpu.sem_alloc : memref<!tpu.dma_semaphore, #tpu.memory_space<semaphore_mem>>
      %dma_start3A_81 = arith.constant 0 : i32
      %dma_start3A_82 = arith.constant 0 : i32
      %dma_start3A_83 = tpu.memref_slice %arg7[%dma_start3A_81, %dma_start3A_82] : memref<1000x128xf32, #tpu.memory_space<vmem_shared>> -> memref<1000x128xf32, #tpu.memory_space<vmem_shared>>
      tpu.enqueue_indirect_dma source(%arg26 : memref<128x128xf32, #tpu.memory_space<vmem>>) target(%dma_start3A_83 : memref<1000x128xf32, #tpu.memory_space<vmem_shared>>) offsets(%arg17 : memref<128xi32, #tpu.memory_space<vmem>>) semaphore(%run_scoped3A : memref<!tpu.dma_semaphore, #tpu.memory_space<semaphore_mem>>) {add = true}
      %dma_wait3A_84 = arith.constant 0 : i32
      %dma_wait3A_85 = arith.constant 0 : i32
      %dma_wait3A_86 = tpu.memref_slice %arg7[%dma_wait3A_84, %dma_wait3A_85] : memref<1000x128xf32, #tpu.memory_space<vmem_shared>> -> memref<1000x128xf32, #tpu.memory_space<vmem_shared>>
      tpu.wait_indirect_dma semaphore(%run_scoped3A : memref<!tpu.dma_semaphore, #tpu.memory_space<semaphore_mem>>) src(%arg26 : memref<128x128xf32, #tpu.memory_space<vmem>>) dst(%dma_wait3A_86 : memref<1000x128xf32, #tpu.memory_space<vmem_shared>>)
      tpu.yield
    }) : () -> ()
    %add3A_53 = arith.constant 4992 : i32
    %add3A_54 = arith.addi %mul3A_9, %add3A_53 : i32
    "tpu.region"() ({
      %run_scoped3A = tpu.sem_alloc : memref<!tpu.dma_semaphore, #tpu.memory_space<semaphore_mem>>
      %dma_start3A_81 = tpu.memref_slice %arg3[%add3A_54] : memref<160000xi32, #tpu.memory_space<hbm>> -> memref<8xi32, #tpu.memory_space<hbm>>
      %dma_start3A_82 = tpu.memref_slice %arg3[%add3A_54] : memref<160000xi32, #tpu.memory_space<hbm>> -> memref<8xi32, #tpu.memory_space<hbm>>
      tpu.enqueue_dma source(%dma_start3A_82 : memref<8xi32, #tpu.memory_space<hbm>>) target(%arg21 : memref<8xi32, #tpu.memory_space<vmem>>) target_semaphore(%run_scoped3A : memref<!tpu.dma_semaphore, #tpu.memory_space<semaphore_mem>>)
      %dma_wait3A_83 = tpu.memref_slice %arg3[%add3A_54] : memref<160000xi32, #tpu.memory_space<hbm>> -> memref<8xi32, #tpu.memory_space<hbm>>
      %dma_wait3A_84 = tpu.memref_slice %arg3[%add3A_54] : memref<160000xi32, #tpu.memory_space<hbm>> -> memref<8xi32, #tpu.memory_space<hbm>>
      tpu.wait_dma2 semaphore(%run_scoped3A : memref<!tpu.dma_semaphore, #tpu.memory_space<semaphore_mem>>) src(%dma_wait3A_84 : memref<8xi32, #tpu.memory_space<hbm>>) dst(%arg21 : memref<8xi32, #tpu.memory_space<vmem>>)
      tpu.yield
    }) : () -> ()
    "tpu.region"() ({
      %run_scoped3A = tpu.sem_alloc : memref<!tpu.dma_semaphore, #tpu.memory_space<semaphore_mem>>
      %dma_start3A_81 = tpu.memref_slice %arg4[%add3A_54] : memref<160000xi32, #tpu.memory_space<hbm>> -> memref<8xi32, #tpu.memory_space<hbm>>
      %dma_start3A_82 = tpu.memref_slice %arg4[%add3A_54] : memref<160000xi32, #tpu.memory_space<hbm>> -> memref<8xi32, #tpu.memory_space<hbm>>
      tpu.enqueue_dma source(%dma_start3A_82 : memref<8xi32, #tpu.memory_space<hbm>>) target(%arg22 : memref<8xi32, #tpu.memory_space<vmem>>) target_semaphore(%run_scoped3A : memref<!tpu.dma_semaphore, #tpu.memory_space<semaphore_mem>>)
      %dma_wait3A_83 = tpu.memref_slice %arg4[%add3A_54] : memref<160000xi32, #tpu.memory_space<hbm>> -> memref<8xi32, #tpu.memory_space<hbm>>
      %dma_wait3A_84 = tpu.memref_slice %arg4[%add3A_54] : memref<160000xi32, #tpu.memory_space<hbm>> -> memref<8xi32, #tpu.memory_space<hbm>>
      tpu.wait_dma2 semaphore(%run_scoped3A : memref<!tpu.dma_semaphore, #tpu.memory_space<semaphore_mem>>) src(%dma_wait3A_84 : memref<8xi32, #tpu.memory_space<hbm>>) dst(%arg22 : memref<8xi32, #tpu.memory_space<vmem>>)
      tpu.yield
    }) : () -> ()
    %dma_start3A_55 = arith.constant 0 : i32
    %dma_start3A_56 = arith.constant 0 : i32
    %dma_start3A_57 = tpu.memref_slice %arg23[%dma_start3A_55, %dma_start3A_56] : memref<128x128xf32, #tpu.memory_space<vmem>> -> memref<8x128xf32, #tpu.memory_space<vmem>>
    %dma_start3A_58 = arith.constant 0 : i32
    %dma_start3A_59 = arith.constant 0 : i32
    %dma_start3A_60 = tpu.memref_slice %arg2[%dma_start3A_58, %dma_start3A_59] : memref<5000x128xf32, #tpu.memory_space<hbm>> -> memref<5000x128xf32, #tpu.memory_space<hbm>>
    tpu.enqueue_indirect_dma source(%dma_start3A_60 : memref<5000x128xf32, #tpu.memory_space<hbm>>) target(%dma_start3A_57 : memref<8x128xf32, #tpu.memory_space<vmem>>) offsets(%arg21 : memref<8xi32, #tpu.memory_space<vmem>>) semaphore(%arg28 : memref<!tpu.dma_semaphore, #tpu.memory_space<semaphore_mem>>)
    %dma_wait3A_61 = arith.constant 0 : i32
    %dma_wait3A_62 = arith.constant 0 : i32
    %dma_wait3A_63 = tpu.memref_slice %arg23[%dma_wait3A_61, %dma_wait3A_62] : memref<128x128xf32, #tpu.memory_space<vmem>> -> memref<8x128xf32, #tpu.memory_space<vmem>>
    %dma_wait3A_64 = arith.constant 0 : i32
    %dma_wait3A_65 = arith.constant 0 : i32
    %dma_wait3A_66 = tpu.memref_slice %arg2[%dma_wait3A_64, %dma_wait3A_65] : memref<5000x128xf32, #tpu.memory_space<hbm>> -> memref<5000x128xf32, #tpu.memory_space<hbm>>
    tpu.wait_indirect_dma semaphore(%arg28 : memref<!tpu.dma_semaphore, #tpu.memory_space<semaphore_mem>>) src(%dma_wait3A_66 : memref<5000x128xf32, #tpu.memory_space<hbm>>) dst(%dma_wait3A_63 : memref<8x128xf32, #tpu.memory_space<vmem>>)
    "tpu.region"() ({
      %run_scoped3A = tpu.sem_alloc : memref<!tpu.dma_semaphore, #tpu.memory_space<semaphore_mem>>
      %dma_start3A_81 = arith.constant 0 : i32
      %dma_start3A_82 = arith.constant 0 : i32
      %dma_start3A_83 = tpu.memref_slice %arg23[%dma_start3A_81, %dma_start3A_82] : memref<128x128xf32, #tpu.memory_space<vmem>> -> memref<8x128xf32, #tpu.memory_space<vmem>>
      %dma_start3A_84 = arith.constant 0 : i32
      %dma_start3A_85 = arith.constant 0 : i32
      %dma_start3A_86 = tpu.memref_slice %arg7[%dma_start3A_84, %dma_start3A_85] : memref<1000x128xf32, #tpu.memory_space<vmem_shared>> -> memref<1000x128xf32, #tpu.memory_space<vmem_shared>>
      tpu.enqueue_indirect_dma source(%dma_start3A_83 : memref<8x128xf32, #tpu.memory_space<vmem>>) target(%dma_start3A_86 : memref<1000x128xf32, #tpu.memory_space<vmem_shared>>) offsets(%arg22 : memref<8xi32, #tpu.memory_space<vmem>>) semaphore(%run_scoped3A : memref<!tpu.dma_semaphore, #tpu.memory_space<semaphore_mem>>) {add = true}
      %dma_wait3A_87 = arith.constant 0 : i32
      %dma_wait3A_88 = arith.constant 0 : i32
      %dma_wait3A_89 = tpu.memref_slice %arg23[%dma_wait3A_87, %dma_wait3A_88] : memref<128x128xf32, #tpu.memory_space<vmem>> -> memref<8x128xf32, #tpu.memory_space<vmem>>
      %dma_wait3A_90 = arith.constant 0 : i32
      %dma_wait3A_91 = arith.constant 0 : i32
      %dma_wait3A_92 = tpu.memref_slice %arg7[%dma_wait3A_90, %dma_wait3A_91] : memref<1000x128xf32, #tpu.memory_space<vmem_shared>> -> memref<1000x128xf32, #tpu.memory_space<vmem_shared>>
      tpu.wait_indirect_dma semaphore(%run_scoped3A : memref<!tpu.dma_semaphore, #tpu.memory_space<semaphore_mem>>) src(%dma_wait3A_89 : memref<8x128xf32, #tpu.memory_space<vmem>>) dst(%dma_wait3A_92 : memref<1000x128xf32, #tpu.memory_space<vmem_shared>>)
      tpu.yield
    }) : () -> ()
    %barrier3A_67 = arith.constant 0 : index
    tpu.barrier barrier_id(%barrier3A_67)
    %ge3A_68 = arith.constant 0 : i32
    %ge3A_69 = arith.cmpi sge, %arg1, %ge3A_68 : i32
    %lt3A_70 = arith.constant 7 : i32
    %lt3A_71 = arith.cmpi slt, %arg1, %lt3A_70 : i32
    %and3A_72 = arith.andi %ge3A_69, %lt3A_71 : i1
    %convert_element_type3A_73 = arith.extui %and3A_72 : i1 to i32
    %cond3A_74 = arith.constant 0 : i32
    %cond3A_75 = arith.cmpi ne, %convert_element_type3A_73, %cond3A_74 : i32
    scf.if %cond3A_75 {
      %sub3A = arith.constant 0 : i32
      %sub3A_81 = arith.subi %arg1, %sub3A : i32
      %mul3A_82 = arith.constant 128 : i32
      %mul3A_83 = arith.muli %sub3A_81, %mul3A_82 : i32
      %add3A_84 = arith.constant 0 : i32
      %add3A_85 = arith.addi %mul3A_83, %add3A_84 : i32
      %mul3A_86 = arith.constant 1000 : i32
      %mul3A_87 = arith.muli %arg0, %mul3A_86 : i32
      %add3A_88 = arith.addi %mul3A_87, %add3A_85 : i32
      "tpu.region"() ({
        %run_scoped3A = tpu.sem_alloc : memref<!tpu.dma_semaphore, #tpu.memory_space<semaphore_mem>>
        %dma_start3A_89 = arith.constant 0 : i32
        %dma_start3A_90 = tpu.memref_slice %arg6[%add3A_88, %dma_start3A_89] : memref<2000x128xf32, #tpu.memory_space<hbm>> -> memref<128x128xf32, #tpu.memory_space<hbm>>
        %dma_start3A_91 = arith.constant 0 : i32
        %dma_start3A_92 = tpu.memref_slice %arg7[%add3A_85, %dma_start3A_91] : memref<1000x128xf32, #tpu.memory_space<vmem_shared>> -> memref<128x128xf32, #tpu.memory_space<vmem_shared>>
        tpu.enqueue_dma source(%dma_start3A_92 : memref<128x128xf32, #tpu.memory_space<vmem_shared>>) target(%dma_start3A_90 : memref<128x128xf32, #tpu.memory_space<hbm>>) target_semaphore(%run_scoped3A : memref<!tpu.dma_semaphore, #tpu.memory_space<semaphore_mem>>)
        %dma_wait3A_93 = arith.constant 0 : i32
        %dma_wait3A_94 = tpu.memref_slice %arg6[%add3A_88, %dma_wait3A_93] : memref<2000x128xf32, #tpu.memory_space<hbm>> -> memref<128x128xf32, #tpu.memory_space<hbm>>
        %dma_wait3A_95 = arith.constant 0 : i32
        %dma_wait3A_96 = tpu.memref_slice %arg7[%add3A_85, %dma_wait3A_95] : memref<1000x128xf32, #tpu.memory_space<vmem_shared>> -> memref<128x128xf32, #tpu.memory_space<vmem_shared>>
        tpu.wait_dma2 semaphore(%run_scoped3A : memref<!tpu.dma_semaphore, #tpu.memory_space<semaphore_mem>>) src(%dma_wait3A_96 : memref<128x128xf32, #tpu.memory_space<vmem_shared>>) dst(%dma_wait3A_94 : memref<128x128xf32, #tpu.memory_space<hbm>>)
        tpu.yield
      }) : () -> ()
    } else {
    }
    %eq3A_76 = arith.constant 7 : i32
    %eq3A_77 = arith.cmpi eq, %arg1, %eq3A_76 : i32
    %convert_element_type3A_78 = arith.extui %eq3A_77 : i1 to i32
    %cond3A_79 = arith.constant 0 : i32
    %cond3A_80 = arith.cmpi ne, %convert_element_type3A_78, %cond3A_79 : i32
    scf.if %cond3A_80 {
      %mul3A_81 = arith.constant 1000 : i32
      %mul3A_82 = arith.muli %arg0, %mul3A_81 : i32
      %add3A_83 = arith.constant 896 : i32
      %add3A_84 = arith.addi %mul3A_82, %add3A_83 : i32
      "tpu.region"() ({
        %run_scoped3A = tpu.sem_alloc : memref<!tpu.dma_semaphore, #tpu.memory_space<semaphore_mem>>
        %dma_start3A_85 = arith.constant 0 : i32
        %dma_start3A_86 = tpu.memref_slice %arg6[%add3A_84, %dma_start3A_85] : memref<2000x128xf32, #tpu.memory_space<hbm>> -> memref<104x128xf32, #tpu.memory_space<hbm>>
        %dma_start3A_87 = arith.constant 896 : i32
        %dma_start3A_88 = arith.constant 0 : i32
        %dma_start3A_89 = tpu.memref_slice %arg7[%dma_start3A_87, %dma_start3A_88] : memref<1000x128xf32, #tpu.memory_space<vmem_shared>> -> memref<104x128xf32, #tpu.memory_space<vmem_shared>>
        tpu.enqueue_dma source(%dma_start3A_89 : memref<104x128xf32, #tpu.memory_space<vmem_shared>>) target(%dma_start3A_86 : memref<104x128xf32, #tpu.memory_space<hbm>>) target_semaphore(%run_scoped3A : memref<!tpu.dma_semaphore, #tpu.memory_space<semaphore_mem>>)
        %dma_wait3A_90 = arith.constant 0 : i32
        %dma_wait3A_91 = tpu.memref_slice %arg6[%add3A_84, %dma_wait3A_90] : memref<2000x128xf32, #tpu.memory_space<hbm>> -> memref<104x128xf32, #tpu.memory_space<hbm>>
        %dma_wait3A_92 = arith.constant 896 : i32
        %dma_wait3A_93 = arith.constant 0 : i32
        %dma_wait3A_94 = tpu.memref_slice %arg7[%dma_wait3A_92, %dma_wait3A_93] : memref<1000x128xf32, #tpu.memory_space<vmem_shared>> -> memref<104x128xf32, #tpu.memory_space<vmem_shared>>
        tpu.wait_dma2 semaphore(%run_scoped3A : memref<!tpu.dma_semaphore, #tpu.memory_space<semaphore_mem>>) src(%dma_wait3A_94 : memref<104x128xf32, #tpu.memory_space<vmem_shared>>) dst(%dma_wait3A_91 : memref<104x128xf32, #tpu.memory_space<hbm>>)
        tpu.yield
      }) : () -> ()
    } else {
    }
    return
  }
}

#map = affine_map<(d0, d1) -> (0, 0)>
#map1 = affine_map<(d0, d1) -> (0)>
module attributes {stable_mosaic.version = 14 : i64} {
  func.func @sc_embed(%arg0: i32, %arg1: i32, %arg2: memref<100000x128xf32, #tpu.memory_space<hbm>>, %arg3: memref<500000xi32, #tpu.memory_space<hbm>>, %arg4: memref<512000xi32, #tpu.memory_space<hbm>>, %arg5: memref<128x128xf32, #tpu.memory_space<hbm>>, %arg6: memref<10000x128xf32, #tpu.memory_space<hbm>>, %arg7: memref<5120x128xf32, #tpu.memory_space<vmem_shared>>, %arg8: memref<40x128xf32, #tpu.memory_space<vmem>>, %arg9: memref<128xi32, #tpu.memory_space<vmem>>, %arg10: memref<128xi32, #tpu.memory_space<vmem>>, %arg11: memref<128xi32, #tpu.memory_space<vmem>>, %arg12: memref<128xi32, #tpu.memory_space<vmem>>, %arg13: memref<128xi32, #tpu.memory_space<vmem>>, %arg14: memref<128xi32, #tpu.memory_space<vmem>>, %arg15: memref<128xi32, #tpu.memory_space<vmem>>, %arg16: memref<128xi32, #tpu.memory_space<vmem>>, %arg17: memref<128xi32, #tpu.memory_space<vmem>>, %arg18: memref<128xi32, #tpu.memory_space<vmem>>, %arg19: memref<128x128xf32, #tpu.memory_space<vmem>>, %arg20: memref<128x128xf32, #tpu.memory_space<vmem>>, %arg21: memref<128x128xf32, #tpu.memory_space<vmem>>, %arg22: memref<128x128xf32, #tpu.memory_space<vmem>>, %arg23: memref<128x128xf32, #tpu.memory_space<vmem>>, %arg24: memref<!tpu.dma_semaphore, #tpu.memory_space<semaphore_mem>>, %arg25: memref<!tpu.dma_semaphore, #tpu.memory_space<semaphore_mem>>, %arg26: memref<!tpu.dma_semaphore, #tpu.memory_space<semaphore_mem>>, %arg27: memref<!tpu.dma_semaphore, #tpu.memory_space<semaphore_mem>>, %arg28: memref<!tpu.dma_semaphore, #tpu.memory_space<semaphore_mem>>, %arg29: memref<!tpu.dma_semaphore, #tpu.memory_space<semaphore_mem>>, %arg30: memref<!tpu.dma_semaphore, #tpu.memory_space<semaphore_mem>>, %arg31: memref<!tpu.dma_semaphore, #tpu.memory_space<semaphore_mem>>, %arg32: memref<!tpu.dma_semaphore, #tpu.memory_space<semaphore_mem>>, %arg33: memref<!tpu.dma_semaphore, #tpu.memory_space<semaphore_mem>>) attributes {dimension_semantics = [#tpu.dimension_semantics<core_parallel>, #tpu.dimension_semantics<subcore_parallel>], iteration_bounds = array<i64: 2, 16>, scalar_prefetch = 0 : i64, scratch_operands = 27 : i64, tpu.core_type = #tpu.core_type<sc_vector_subcore>, window_params = [{transform_indices = #map}, {transform_indices = #map1}, {transform_indices = #map1}, {transform_indices = #map}, {transform_indices = #map}]} {
    %mul3A = arith.constant 16 : i32
    %mul3A_0 = arith.muli %arg0, %mul3A : i32
    %add3A = arith.addi %mul3A_0, %arg1 : i32
    %mul3A_1 = arith.constant 320 : i32
    %mul3A_2 = arith.muli %arg1, %mul3A_1 : i32
    "tpu.region"() ({
      %run_scoped3A = tpu.sem_alloc : memref<!tpu.dma_semaphore, #tpu.memory_space<semaphore_mem>>
      %dma_start3A_55 = arith.constant 0 : i32
      %dma_start3A_56 = arith.constant 0 : i32
      %dma_start3A_57 = tpu.memref_slice %arg5[%dma_start3A_55, %dma_start3A_56] : memref<128x128xf32, #tpu.memory_space<hbm>> -> memref<40x128xf32, #tpu.memory_space<hbm>>
      %dma_start3A_58 = arith.constant 0 : i32
      %dma_start3A_59 = arith.constant 0 : i32
      %dma_start3A_60 = tpu.memref_slice %arg5[%dma_start3A_58, %dma_start3A_59] : memref<128x128xf32, #tpu.memory_space<hbm>> -> memref<40x128xf32, #tpu.memory_space<hbm>>
      tpu.enqueue_dma source(%dma_start3A_60 : memref<40x128xf32, #tpu.memory_space<hbm>>) target(%arg8 : memref<40x128xf32, #tpu.memory_space<vmem>>) target_semaphore(%run_scoped3A : memref<!tpu.dma_semaphore, #tpu.memory_space<semaphore_mem>>)
      %dma_wait3A = arith.constant 0 : i32
      %dma_wait3A_61 = arith.constant 0 : i32
      %dma_wait3A_62 = tpu.memref_slice %arg5[%dma_wait3A, %dma_wait3A_61] : memref<128x128xf32, #tpu.memory_space<hbm>> -> memref<40x128xf32, #tpu.memory_space<hbm>>
      %dma_wait3A_63 = arith.constant 0 : i32
      %dma_wait3A_64 = arith.constant 0 : i32
      %dma_wait3A_65 = tpu.memref_slice %arg5[%dma_wait3A_63, %dma_wait3A_64] : memref<128x128xf32, #tpu.memory_space<hbm>> -> memref<40x128xf32, #tpu.memory_space<hbm>>
      tpu.wait_dma2 semaphore(%run_scoped3A : memref<!tpu.dma_semaphore, #tpu.memory_space<semaphore_mem>>) src(%dma_wait3A_65 : memref<40x128xf32, #tpu.memory_space<hbm>>) dst(%arg8 : memref<40x128xf32, #tpu.memory_space<vmem>>)
      tpu.yield
    }) : () -> ()
    %add3A_3 = arith.constant 0 : i32
    %add3A_4 = arith.addi %mul3A_2, %add3A_3 : i32
    "tpu.region"() ({
      %run_scoped3A = tpu.sem_alloc : memref<!tpu.dma_semaphore, #tpu.memory_space<semaphore_mem>>
      %dma_start3A_55 = arith.constant 0 : i32
      %dma_start3A_56 = tpu.memref_slice %arg7[%add3A_4, %dma_start3A_55] : memref<5120x128xf32, #tpu.memory_space<vmem_shared>> -> memref<40x128xf32, #tpu.memory_space<vmem_shared>>
      %dma_start3A_57 = arith.constant 0 : i32
      %dma_start3A_58 = tpu.memref_slice %arg7[%add3A_4, %dma_start3A_57] : memref<5120x128xf32, #tpu.memory_space<vmem_shared>> -> memref<40x128xf32, #tpu.memory_space<vmem_shared>>
      tpu.enqueue_dma source(%arg8 : memref<40x128xf32, #tpu.memory_space<vmem>>) target(%dma_start3A_58 : memref<40x128xf32, #tpu.memory_space<vmem_shared>>) target_semaphore(%run_scoped3A : memref<!tpu.dma_semaphore, #tpu.memory_space<semaphore_mem>>)
      %dma_wait3A = arith.constant 0 : i32
      %dma_wait3A_59 = tpu.memref_slice %arg7[%add3A_4, %dma_wait3A] : memref<5120x128xf32, #tpu.memory_space<vmem_shared>> -> memref<40x128xf32, #tpu.memory_space<vmem_shared>>
      %dma_wait3A_60 = arith.constant 0 : i32
      %dma_wait3A_61 = tpu.memref_slice %arg7[%add3A_4, %dma_wait3A_60] : memref<5120x128xf32, #tpu.memory_space<vmem_shared>> -> memref<40x128xf32, #tpu.memory_space<vmem_shared>>
      tpu.wait_dma2 semaphore(%run_scoped3A : memref<!tpu.dma_semaphore, #tpu.memory_space<semaphore_mem>>) src(%arg8 : memref<40x128xf32, #tpu.memory_space<vmem>>) dst(%dma_wait3A_61 : memref<40x128xf32, #tpu.memory_space<vmem_shared>>)
      tpu.yield
    }) : () -> ()
    %add3A_5 = arith.constant 40 : i32
    %add3A_6 = arith.addi %mul3A_2, %add3A_5 : i32
    "tpu.region"() ({
      %run_scoped3A = tpu.sem_alloc : memref<!tpu.dma_semaphore, #tpu.memory_space<semaphore_mem>>
      %dma_start3A_55 = arith.constant 0 : i32
      %dma_start3A_56 = tpu.memref_slice %arg7[%add3A_6, %dma_start3A_55] : memref<5120x128xf32, #tpu.memory_space<vmem_shared>> -> memref<40x128xf32, #tpu.memory_space<vmem_shared>>
      %dma_start3A_57 = arith.constant 0 : i32
      %dma_start3A_58 = tpu.memref_slice %arg7[%add3A_6, %dma_start3A_57] : memref<5120x128xf32, #tpu.memory_space<vmem_shared>> -> memref<40x128xf32, #tpu.memory_space<vmem_shared>>
      tpu.enqueue_dma source(%arg8 : memref<40x128xf32, #tpu.memory_space<vmem>>) target(%dma_start3A_58 : memref<40x128xf32, #tpu.memory_space<vmem_shared>>) target_semaphore(%run_scoped3A : memref<!tpu.dma_semaphore, #tpu.memory_space<semaphore_mem>>)
      %dma_wait3A = arith.constant 0 : i32
      %dma_wait3A_59 = tpu.memref_slice %arg7[%add3A_6, %dma_wait3A] : memref<5120x128xf32, #tpu.memory_space<vmem_shared>> -> memref<40x128xf32, #tpu.memory_space<vmem_shared>>
      %dma_wait3A_60 = arith.constant 0 : i32
      %dma_wait3A_61 = tpu.memref_slice %arg7[%add3A_6, %dma_wait3A_60] : memref<5120x128xf32, #tpu.memory_space<vmem_shared>> -> memref<40x128xf32, #tpu.memory_space<vmem_shared>>
      tpu.wait_dma2 semaphore(%run_scoped3A : memref<!tpu.dma_semaphore, #tpu.memory_space<semaphore_mem>>) src(%arg8 : memref<40x128xf32, #tpu.memory_space<vmem>>) dst(%dma_wait3A_61 : memref<40x128xf32, #tpu.memory_space<vmem_shared>>)
      tpu.yield
    }) : () -> ()
    %add3A_7 = arith.constant 80 : i32
    %add3A_8 = arith.addi %mul3A_2, %add3A_7 : i32
    "tpu.region"() ({
      %run_scoped3A = tpu.sem_alloc : memref<!tpu.dma_semaphore, #tpu.memory_space<semaphore_mem>>
      %dma_start3A_55 = arith.constant 0 : i32
      %dma_start3A_56 = tpu.memref_slice %arg7[%add3A_8, %dma_start3A_55] : memref<5120x128xf32, #tpu.memory_space<vmem_shared>> -> memref<40x128xf32, #tpu.memory_space<vmem_shared>>
      %dma_start3A_57 = arith.constant 0 : i32
      %dma_start3A_58 = tpu.memref_slice %arg7[%add3A_8, %dma_start3A_57] : memref<5120x128xf32, #tpu.memory_space<vmem_shared>> -> memref<40x128xf32, #tpu.memory_space<vmem_shared>>
      tpu.enqueue_dma source(%arg8 : memref<40x128xf32, #tpu.memory_space<vmem>>) target(%dma_start3A_58 : memref<40x128xf32, #tpu.memory_space<vmem_shared>>) target_semaphore(%run_scoped3A : memref<!tpu.dma_semaphore, #tpu.memory_space<semaphore_mem>>)
      %dma_wait3A = arith.constant 0 : i32
      %dma_wait3A_59 = tpu.memref_slice %arg7[%add3A_8, %dma_wait3A] : memref<5120x128xf32, #tpu.memory_space<vmem_shared>> -> memref<40x128xf32, #tpu.memory_space<vmem_shared>>
      %dma_wait3A_60 = arith.constant 0 : i32
      %dma_wait3A_61 = tpu.memref_slice %arg7[%add3A_8, %dma_wait3A_60] : memref<5120x128xf32, #tpu.memory_space<vmem_shared>> -> memref<40x128xf32, #tpu.memory_space<vmem_shared>>
      tpu.wait_dma2 semaphore(%run_scoped3A : memref<!tpu.dma_semaphore, #tpu.memory_space<semaphore_mem>>) src(%arg8 : memref<40x128xf32, #tpu.memory_space<vmem>>) dst(%dma_wait3A_61 : memref<40x128xf32, #tpu.memory_space<vmem_shared>>)
      tpu.yield
    }) : () -> ()
    %add3A_9 = arith.constant 120 : i32
    %add3A_10 = arith.addi %mul3A_2, %add3A_9 : i32
    "tpu.region"() ({
      %run_scoped3A = tpu.sem_alloc : memref<!tpu.dma_semaphore, #tpu.memory_space<semaphore_mem>>
      %dma_start3A_55 = arith.constant 0 : i32
      %dma_start3A_56 = tpu.memref_slice %arg7[%add3A_10, %dma_start3A_55] : memref<5120x128xf32, #tpu.memory_space<vmem_shared>> -> memref<40x128xf32, #tpu.memory_space<vmem_shared>>
      %dma_start3A_57 = arith.constant 0 : i32
      %dma_start3A_58 = tpu.memref_slice %arg7[%add3A_10, %dma_start3A_57] : memref<5120x128xf32, #tpu.memory_space<vmem_shared>> -> memref<40x128xf32, #tpu.memory_space<vmem_shared>>
      tpu.enqueue_dma source(%arg8 : memref<40x128xf32, #tpu.memory_space<vmem>>) target(%dma_start3A_58 : memref<40x128xf32, #tpu.memory_space<vmem_shared>>) target_semaphore(%run_scoped3A : memref<!tpu.dma_semaphore, #tpu.memory_space<semaphore_mem>>)
      %dma_wait3A = arith.constant 0 : i32
      %dma_wait3A_59 = tpu.memref_slice %arg7[%add3A_10, %dma_wait3A] : memref<5120x128xf32, #tpu.memory_space<vmem_shared>> -> memref<40x128xf32, #tpu.memory_space<vmem_shared>>
      %dma_wait3A_60 = arith.constant 0 : i32
      %dma_wait3A_61 = tpu.memref_slice %arg7[%add3A_10, %dma_wait3A_60] : memref<5120x128xf32, #tpu.memory_space<vmem_shared>> -> memref<40x128xf32, #tpu.memory_space<vmem_shared>>
      tpu.wait_dma2 semaphore(%run_scoped3A : memref<!tpu.dma_semaphore, #tpu.memory_space<semaphore_mem>>) src(%arg8 : memref<40x128xf32, #tpu.memory_space<vmem>>) dst(%dma_wait3A_61 : memref<40x128xf32, #tpu.memory_space<vmem_shared>>)
      tpu.yield
    }) : () -> ()
    %add3A_11 = arith.constant 160 : i32
    %add3A_12 = arith.addi %mul3A_2, %add3A_11 : i32
    "tpu.region"() ({
      %run_scoped3A = tpu.sem_alloc : memref<!tpu.dma_semaphore, #tpu.memory_space<semaphore_mem>>
      %dma_start3A_55 = arith.constant 0 : i32
      %dma_start3A_56 = tpu.memref_slice %arg7[%add3A_12, %dma_start3A_55] : memref<5120x128xf32, #tpu.memory_space<vmem_shared>> -> memref<40x128xf32, #tpu.memory_space<vmem_shared>>
      %dma_start3A_57 = arith.constant 0 : i32
      %dma_start3A_58 = tpu.memref_slice %arg7[%add3A_12, %dma_start3A_57] : memref<5120x128xf32, #tpu.memory_space<vmem_shared>> -> memref<40x128xf32, #tpu.memory_space<vmem_shared>>
      tpu.enqueue_dma source(%arg8 : memref<40x128xf32, #tpu.memory_space<vmem>>) target(%dma_start3A_58 : memref<40x128xf32, #tpu.memory_space<vmem_shared>>) target_semaphore(%run_scoped3A : memref<!tpu.dma_semaphore, #tpu.memory_space<semaphore_mem>>)
      %dma_wait3A = arith.constant 0 : i32
      %dma_wait3A_59 = tpu.memref_slice %arg7[%add3A_12, %dma_wait3A] : memref<5120x128xf32, #tpu.memory_space<vmem_shared>> -> memref<40x128xf32, #tpu.memory_space<vmem_shared>>
      %dma_wait3A_60 = arith.constant 0 : i32
      %dma_wait3A_61 = tpu.memref_slice %arg7[%add3A_12, %dma_wait3A_60] : memref<5120x128xf32, #tpu.memory_space<vmem_shared>> -> memref<40x128xf32, #tpu.memory_space<vmem_shared>>
      tpu.wait_dma2 semaphore(%run_scoped3A : memref<!tpu.dma_semaphore, #tpu.memory_space<semaphore_mem>>) src(%arg8 : memref<40x128xf32, #tpu.memory_space<vmem>>) dst(%dma_wait3A_61 : memref<40x128xf32, #tpu.memory_space<vmem_shared>>)
      tpu.yield
    }) : () -> ()
    %add3A_13 = arith.constant 200 : i32
    %add3A_14 = arith.addi %mul3A_2, %add3A_13 : i32
    "tpu.region"() ({
      %run_scoped3A = tpu.sem_alloc : memref<!tpu.dma_semaphore, #tpu.memory_space<semaphore_mem>>
      %dma_start3A_55 = arith.constant 0 : i32
      %dma_start3A_56 = tpu.memref_slice %arg7[%add3A_14, %dma_start3A_55] : memref<5120x128xf32, #tpu.memory_space<vmem_shared>> -> memref<40x128xf32, #tpu.memory_space<vmem_shared>>
      %dma_start3A_57 = arith.constant 0 : i32
      %dma_start3A_58 = tpu.memref_slice %arg7[%add3A_14, %dma_start3A_57] : memref<5120x128xf32, #tpu.memory_space<vmem_shared>> -> memref<40x128xf32, #tpu.memory_space<vmem_shared>>
      tpu.enqueue_dma source(%arg8 : memref<40x128xf32, #tpu.memory_space<vmem>>) target(%dma_start3A_58 : memref<40x128xf32, #tpu.memory_space<vmem_shared>>) target_semaphore(%run_scoped3A : memref<!tpu.dma_semaphore, #tpu.memory_space<semaphore_mem>>)
      %dma_wait3A = arith.constant 0 : i32
      %dma_wait3A_59 = tpu.memref_slice %arg7[%add3A_14, %dma_wait3A] : memref<5120x128xf32, #tpu.memory_space<vmem_shared>> -> memref<40x128xf32, #tpu.memory_space<vmem_shared>>
      %dma_wait3A_60 = arith.constant 0 : i32
      %dma_wait3A_61 = tpu.memref_slice %arg7[%add3A_14, %dma_wait3A_60] : memref<5120x128xf32, #tpu.memory_space<vmem_shared>> -> memref<40x128xf32, #tpu.memory_space<vmem_shared>>
      tpu.wait_dma2 semaphore(%run_scoped3A : memref<!tpu.dma_semaphore, #tpu.memory_space<semaphore_mem>>) src(%arg8 : memref<40x128xf32, #tpu.memory_space<vmem>>) dst(%dma_wait3A_61 : memref<40x128xf32, #tpu.memory_space<vmem_shared>>)
      tpu.yield
    }) : () -> ()
    %add3A_15 = arith.constant 240 : i32
    %add3A_16 = arith.addi %mul3A_2, %add3A_15 : i32
    "tpu.region"() ({
      %run_scoped3A = tpu.sem_alloc : memref<!tpu.dma_semaphore, #tpu.memory_space<semaphore_mem>>
      %dma_start3A_55 = arith.constant 0 : i32
      %dma_start3A_56 = tpu.memref_slice %arg7[%add3A_16, %dma_start3A_55] : memref<5120x128xf32, #tpu.memory_space<vmem_shared>> -> memref<40x128xf32, #tpu.memory_space<vmem_shared>>
      %dma_start3A_57 = arith.constant 0 : i32
      %dma_start3A_58 = tpu.memref_slice %arg7[%add3A_16, %dma_start3A_57] : memref<5120x128xf32, #tpu.memory_space<vmem_shared>> -> memref<40x128xf32, #tpu.memory_space<vmem_shared>>
      tpu.enqueue_dma source(%arg8 : memref<40x128xf32, #tpu.memory_space<vmem>>) target(%dma_start3A_58 : memref<40x128xf32, #tpu.memory_space<vmem_shared>>) target_semaphore(%run_scoped3A : memref<!tpu.dma_semaphore, #tpu.memory_space<semaphore_mem>>)
      %dma_wait3A = arith.constant 0 : i32
      %dma_wait3A_59 = tpu.memref_slice %arg7[%add3A_16, %dma_wait3A] : memref<5120x128xf32, #tpu.memory_space<vmem_shared>> -> memref<40x128xf32, #tpu.memory_space<vmem_shared>>
      %dma_wait3A_60 = arith.constant 0 : i32
      %dma_wait3A_61 = tpu.memref_slice %arg7[%add3A_16, %dma_wait3A_60] : memref<5120x128xf32, #tpu.memory_space<vmem_shared>> -> memref<40x128xf32, #tpu.memory_space<vmem_shared>>
      tpu.wait_dma2 semaphore(%run_scoped3A : memref<!tpu.dma_semaphore, #tpu.memory_space<semaphore_mem>>) src(%arg8 : memref<40x128xf32, #tpu.memory_space<vmem>>) dst(%dma_wait3A_61 : memref<40x128xf32, #tpu.memory_space<vmem_shared>>)
      tpu.yield
    }) : () -> ()
    %add3A_17 = arith.constant 280 : i32
    %add3A_18 = arith.addi %mul3A_2, %add3A_17 : i32
    "tpu.region"() ({
      %run_scoped3A = tpu.sem_alloc : memref<!tpu.dma_semaphore, #tpu.memory_space<semaphore_mem>>
      %dma_start3A_55 = arith.constant 0 : i32
      %dma_start3A_56 = tpu.memref_slice %arg7[%add3A_18, %dma_start3A_55] : memref<5120x128xf32, #tpu.memory_space<vmem_shared>> -> memref<40x128xf32, #tpu.memory_space<vmem_shared>>
      %dma_start3A_57 = arith.constant 0 : i32
      %dma_start3A_58 = tpu.memref_slice %arg7[%add3A_18, %dma_start3A_57] : memref<5120x128xf32, #tpu.memory_space<vmem_shared>> -> memref<40x128xf32, #tpu.memory_space<vmem_shared>>
      tpu.enqueue_dma source(%arg8 : memref<40x128xf32, #tpu.memory_space<vmem>>) target(%dma_start3A_58 : memref<40x128xf32, #tpu.memory_space<vmem_shared>>) target_semaphore(%run_scoped3A : memref<!tpu.dma_semaphore, #tpu.memory_space<semaphore_mem>>)
      %dma_wait3A = arith.constant 0 : i32
      %dma_wait3A_59 = tpu.memref_slice %arg7[%add3A_18, %dma_wait3A] : memref<5120x128xf32, #tpu.memory_space<vmem_shared>> -> memref<40x128xf32, #tpu.memory_space<vmem_shared>>
      %dma_wait3A_60 = arith.constant 0 : i32
      %dma_wait3A_61 = tpu.memref_slice %arg7[%add3A_18, %dma_wait3A_60] : memref<5120x128xf32, #tpu.memory_space<vmem_shared>> -> memref<40x128xf32, #tpu.memory_space<vmem_shared>>
      tpu.wait_dma2 semaphore(%run_scoped3A : memref<!tpu.dma_semaphore, #tpu.memory_space<semaphore_mem>>) src(%arg8 : memref<40x128xf32, #tpu.memory_space<vmem>>) dst(%dma_wait3A_61 : memref<40x128xf32, #tpu.memory_space<vmem_shared>>)
      tpu.yield
    }) : () -> ()
    %mul3A_19 = arith.constant 16000 : i32
    %mul3A_20 = arith.muli %add3A, %mul3A_19 : i32
    %min3A = arith.constant 484000 : i32
    %min3A_21 = arith.minsi %mul3A_20, %min3A : i32
    %mul3A_22 = arith.constant 16000 : i32
    %mul3A_23 = arith.muli %add3A, %mul3A_22 : i32
    %add3A_24 = arith.constant 0 : i32
    %add3A_25 = arith.addi %min3A_21, %add3A_24 : i32
    "tpu.region"() ({
      %run_scoped3A = tpu.sem_alloc : memref<!tpu.dma_semaphore, #tpu.memory_space<semaphore_mem>>
      %dma_start3A_55 = tpu.memref_slice %arg3[%add3A_25] : memref<500000xi32, #tpu.memory_space<hbm>> -> memref<128xi32, #tpu.memory_space<hbm>>
      %dma_start3A_56 = tpu.memref_slice %arg3[%add3A_25] : memref<500000xi32, #tpu.memory_space<hbm>> -> memref<128xi32, #tpu.memory_space<hbm>>
      tpu.enqueue_dma source(%dma_start3A_56 : memref<128xi32, #tpu.memory_space<hbm>>) target(%arg9 : memref<128xi32, #tpu.memory_space<vmem>>) target_semaphore(%run_scoped3A : memref<!tpu.dma_semaphore, #tpu.memory_space<semaphore_mem>>)
      %dma_wait3A = tpu.memref_slice %arg3[%add3A_25] : memref<500000xi32, #tpu.memory_space<hbm>> -> memref<128xi32, #tpu.memory_space<hbm>>
      %dma_wait3A_57 = tpu.memref_slice %arg3[%add3A_25] : memref<500000xi32, #tpu.memory_space<hbm>> -> memref<128xi32, #tpu.memory_space<hbm>>
      tpu.wait_dma2 semaphore(%run_scoped3A : memref<!tpu.dma_semaphore, #tpu.memory_space<semaphore_mem>>) src(%dma_wait3A_57 : memref<128xi32, #tpu.memory_space<hbm>>) dst(%arg9 : memref<128xi32, #tpu.memory_space<vmem>>)
      tpu.yield
    }) : () -> ()
    %add3A_26 = arith.constant 0 : i32
    %add3A_27 = arith.addi %mul3A_23, %add3A_26 : i32
    "tpu.region"() ({
      %run_scoped3A = tpu.sem_alloc : memref<!tpu.dma_semaphore, #tpu.memory_space<semaphore_mem>>
      %dma_start3A_55 = tpu.memref_slice %arg4[%add3A_27] : memref<512000xi32, #tpu.memory_space<hbm>> -> memref<128xi32, #tpu.memory_space<hbm>>
      %dma_start3A_56 = tpu.memref_slice %arg4[%add3A_27] : memref<512000xi32, #tpu.memory_space<hbm>> -> memref<128xi32, #tpu.memory_space<hbm>>
      tpu.enqueue_dma source(%dma_start3A_56 : memref<128xi32, #tpu.memory_space<hbm>>) target(%arg14 : memref<128xi32, #tpu.memory_space<vmem>>) target_semaphore(%run_scoped3A : memref<!tpu.dma_semaphore, #tpu.memory_space<semaphore_mem>>)
      %dma_wait3A = tpu.memref_slice %arg4[%add3A_27] : memref<512000xi32, #tpu.memory_space<hbm>> -> memref<128xi32, #tpu.memory_space<hbm>>
      %dma_wait3A_57 = tpu.memref_slice %arg4[%add3A_27] : memref<512000xi32, #tpu.memory_space<hbm>> -> memref<128xi32, #tpu.memory_space<hbm>>
      tpu.wait_dma2 semaphore(%run_scoped3A : memref<!tpu.dma_semaphore, #tpu.memory_space<semaphore_mem>>) src(%dma_wait3A_57 : memref<128xi32, #tpu.memory_space<hbm>>) dst(%arg14 : memref<128xi32, #tpu.memory_space<vmem>>)
      tpu.yield
    }) : () -> ()
    %dma_start3A = arith.constant 0 : i32
    %dma_start3A_28 = arith.constant 0 : i32
    %dma_start3A_29 = tpu.memref_slice %arg2[%dma_start3A, %dma_start3A_28] : memref<100000x128xf32, #tpu.memory_space<hbm>> -> memref<100000x128xf32, #tpu.memory_space<hbm>>
    tpu.enqueue_indirect_dma source(%dma_start3A_29 : memref<100000x128xf32, #tpu.memory_space<hbm>>) target(%arg19 : memref<128x128xf32, #tpu.memory_space<vmem>>) offsets(%arg9 : memref<128xi32, #tpu.memory_space<vmem>>) semaphore(%arg24 : memref<!tpu.dma_semaphore, #tpu.memory_space<semaphore_mem>>)
    %add3A_30 = arith.constant 128 : i32
    %add3A_31 = arith.addi %min3A_21, %add3A_30 : i32
    "tpu.region"() ({
      %run_scoped3A = tpu.sem_alloc : memref<!tpu.dma_semaphore, #tpu.memory_space<semaphore_mem>>
      %dma_start3A_55 = tpu.memref_slice %arg3[%add3A_31] : memref<500000xi32, #tpu.memory_space<hbm>> -> memref<128xi32, #tpu.memory_space<hbm>>
      %dma_start3A_56 = tpu.memref_slice %arg3[%add3A_31] : memref<500000xi32, #tpu.memory_space<hbm>> -> memref<128xi32, #tpu.memory_space<hbm>>
      tpu.enqueue_dma source(%dma_start3A_56 : memref<128xi32, #tpu.memory_space<hbm>>) target(%arg10 : memref<128xi32, #tpu.memory_space<vmem>>) target_semaphore(%run_scoped3A : memref<!tpu.dma_semaphore, #tpu.memory_space<semaphore_mem>>)
      %dma_wait3A = tpu.memref_slice %arg3[%add3A_31] : memref<500000xi32, #tpu.memory_space<hbm>> -> memref<128xi32, #tpu.memory_space<hbm>>
      %dma_wait3A_57 = tpu.memref_slice %arg3[%add3A_31] : memref<500000xi32, #tpu.memory_space<hbm>> -> memref<128xi32, #tpu.memory_space<hbm>>
      tpu.wait_dma2 semaphore(%run_scoped3A : memref<!tpu.dma_semaphore, #tpu.memory_space<semaphore_mem>>) src(%dma_wait3A_57 : memref<128xi32, #tpu.memory_space<hbm>>) dst(%arg10 : memref<128xi32, #tpu.memory_space<vmem>>)
      tpu.yield
    }) : () -> ()
    %add3A_32 = arith.constant 128 : i32
    %add3A_33 = arith.addi %mul3A_23, %add3A_32 : i32
    "tpu.region"() ({
      %run_scoped3A = tpu.sem_alloc : memref<!tpu.dma_semaphore, #tpu.memory_space<semaphore_mem>>
      %dma_start3A_55 = tpu.memref_slice %arg4[%add3A_33] : memref<512000xi32, #tpu.memory_space<hbm>> -> memref<128xi32, #tpu.memory_space<hbm>>
      %dma_start3A_56 = tpu.memref_slice %arg4[%add3A_33] : memref<512000xi32, #tpu.memory_space<hbm>> -> memref<128xi32, #tpu.memory_space<hbm>>
      tpu.enqueue_dma source(%dma_start3A_56 : memref<128xi32, #tpu.memory_space<hbm>>) target(%arg15 : memref<128xi32, #tpu.memory_space<vmem>>) target_semaphore(%run_scoped3A : memref<!tpu.dma_semaphore, #tpu.memory_space<semaphore_mem>>)
      %dma_wait3A = tpu.memref_slice %arg4[%add3A_33] : memref<512000xi32, #tpu.memory_space<hbm>> -> memref<128xi32, #tpu.memory_space<hbm>>
      %dma_wait3A_57 = tpu.memref_slice %arg4[%add3A_33] : memref<512000xi32, #tpu.memory_space<hbm>> -> memref<128xi32, #tpu.memory_space<hbm>>
      tpu.wait_dma2 semaphore(%run_scoped3A : memref<!tpu.dma_semaphore, #tpu.memory_space<semaphore_mem>>) src(%dma_wait3A_57 : memref<128xi32, #tpu.memory_space<hbm>>) dst(%arg15 : memref<128xi32, #tpu.memory_space<vmem>>)
      tpu.yield
    }) : () -> ()
    %dma_start3A_34 = arith.constant 0 : i32
    %dma_start3A_35 = arith.constant 0 : i32
    %dma_start3A_36 = tpu.memref_slice %arg2[%dma_start3A_34, %dma_start3A_35] : memref<100000x128xf32, #tpu.memory_space<hbm>> -> memref<100000x128xf32, #tpu.memory_space<hbm>>
    tpu.enqueue_indirect_dma source(%dma_start3A_36 : memref<100000x128xf32, #tpu.memory_space<hbm>>) target(%arg20 : memref<128x128xf32, #tpu.memory_space<vmem>>) offsets(%arg10 : memref<128xi32, #tpu.memory_space<vmem>>) semaphore(%arg25 : memref<!tpu.dma_semaphore, #tpu.memory_space<semaphore_mem>>)
    %add3A_37 = arith.constant 256 : i32
    %add3A_38 = arith.addi %min3A_21, %add3A_37 : i32
    "tpu.region"() ({
      %run_scoped3A = tpu.sem_alloc : memref<!tpu.dma_semaphore, #tpu.memory_space<semaphore_mem>>
      %dma_start3A_55 = tpu.memref_slice %arg3[%add3A_38] : memref<500000xi32, #tpu.memory_space<hbm>> -> memref<128xi32, #tpu.memory_space<hbm>>
      %dma_start3A_56 = tpu.memref_slice %arg3[%add3A_38] : memref<500000xi32, #tpu.memory_space<hbm>> -> memref<128xi32, #tpu.memory_space<hbm>>
      tpu.enqueue_dma source(%dma_start3A_56 : memref<128xi32, #tpu.memory_space<hbm>>) target(%arg11 : memref<128xi32, #tpu.memory_space<vmem>>) target_semaphore(%run_scoped3A : memref<!tpu.dma_semaphore, #tpu.memory_space<semaphore_mem>>)
      %dma_wait3A = tpu.memref_slice %arg3[%add3A_38] : memref<500000xi32, #tpu.memory_space<hbm>> -> memref<128xi32, #tpu.memory_space<hbm>>
      %dma_wait3A_57 = tpu.memref_slice %arg3[%add3A_38] : memref<500000xi32, #tpu.memory_space<hbm>> -> memref<128xi32, #tpu.memory_space<hbm>>
      tpu.wait_dma2 semaphore(%run_scoped3A : memref<!tpu.dma_semaphore, #tpu.memory_space<semaphore_mem>>) src(%dma_wait3A_57 : memref<128xi32, #tpu.memory_space<hbm>>) dst(%arg11 : memref<128xi32, #tpu.memory_space<vmem>>)
      tpu.yield
    }) : () -> ()
    %add3A_39 = arith.constant 256 : i32
    %add3A_40 = arith.addi %mul3A_23, %add3A_39 : i32
    "tpu.region"() ({
      %run_scoped3A = tpu.sem_alloc : memref<!tpu.dma_semaphore, #tpu.memory_space<semaphore_mem>>
      %dma_start3A_55 = tpu.memref_slice %arg4[%add3A_40] : memref<512000xi32, #tpu.memory_space<hbm>> -> memref<128xi32, #tpu.memory_space<hbm>>
      %dma_start3A_56 = tpu.memref_slice %arg4[%add3A_40] : memref<512000xi32, #tpu.memory_space<hbm>> -> memref<128xi32, #tpu.memory_space<hbm>>
      tpu.enqueue_dma source(%dma_start3A_56 : memref<128xi32, #tpu.memory_space<hbm>>) target(%arg16 : memref<128xi32, #tpu.memory_space<vmem>>) target_semaphore(%run_scoped3A : memref<!tpu.dma_semaphore, #tpu.memory_space<semaphore_mem>>)
      %dma_wait3A = tpu.memref_slice %arg4[%add3A_40] : memref<512000xi32, #tpu.memory_space<hbm>> -> memref<128xi32, #tpu.memory_space<hbm>>
      %dma_wait3A_57 = tpu.memref_slice %arg4[%add3A_40] : memref<512000xi32, #tpu.memory_space<hbm>> -> memref<128xi32, #tpu.memory_space<hbm>>
      tpu.wait_dma2 semaphore(%run_scoped3A : memref<!tpu.dma_semaphore, #tpu.memory_space<semaphore_mem>>) src(%dma_wait3A_57 : memref<128xi32, #tpu.memory_space<hbm>>) dst(%arg16 : memref<128xi32, #tpu.memory_space<vmem>>)
      tpu.yield
    }) : () -> ()
    %dma_start3A_41 = arith.constant 0 : i32
    %dma_start3A_42 = arith.constant 0 : i32
    %dma_start3A_43 = tpu.memref_slice %arg2[%dma_start3A_41, %dma_start3A_42] : memref<100000x128xf32, #tpu.memory_space<hbm>> -> memref<100000x128xf32, #tpu.memory_space<hbm>>
    tpu.enqueue_indirect_dma source(%dma_start3A_43 : memref<100000x128xf32, #tpu.memory_space<hbm>>) target(%arg21 : memref<128x128xf32, #tpu.memory_space<vmem>>) offsets(%arg11 : memref<128xi32, #tpu.memory_space<vmem>>) semaphore(%arg26 : memref<!tpu.dma_semaphore, #tpu.memory_space<semaphore_mem>>)
    %scan3A = arith.constant 0 : i32
    %scan3A_44 = arith.constant 0 : i32
    %scan3A_45 = arith.constant 25 : i32
    %scan3A_46 = arith.addi %scan3A_44, %scan3A_45 : i32
    %scan3A_47 = arith.constant 1 : i32
    scf.for %scan3A_55 = %scan3A_44 to %scan3A_46 step %scan3A_47  : i32 {
      %mul3A_56 = arith.constant 5 : i32
      %mul3A_57 = arith.muli %mul3A_56, %scan3A_55 : i32
      %add3A_58 = arith.constant 0 : i32
      %add3A_59 = arith.addi %mul3A_57, %add3A_58 : i32
      %dma_wait3A = arith.constant 0 : i32
      %dma_wait3A_60 = arith.constant 0 : i32
      %dma_wait3A_61 = tpu.memref_slice %arg2[%dma_wait3A, %dma_wait3A_60] : memref<100000x128xf32, #tpu.memory_space<hbm>> -> memref<100000x128xf32, #tpu.memory_space<hbm>>
      tpu.wait_indirect_dma semaphore(%arg24 : memref<!tpu.dma_semaphore, #tpu.memory_space<semaphore_mem>>) src(%dma_wait3A_61 : memref<100000x128xf32, #tpu.memory_space<hbm>>) dst(%arg19 : memref<128x128xf32, #tpu.memory_space<vmem>>)
      "tpu.region"() ({
        %run_scoped3A = tpu.sem_alloc : memref<!tpu.dma_semaphore, #tpu.memory_space<semaphore_mem>>
        %dma_start3A_125 = arith.constant 0 : i32
        %dma_start3A_126 = arith.constant 0 : i32
        %dma_start3A_127 = tpu.memref_slice %arg7[%dma_start3A_125, %dma_start3A_126] : memref<5120x128xf32, #tpu.memory_space<vmem_shared>> -> memref<5120x128xf32, #tpu.memory_space<vmem_shared>>
        tpu.enqueue_indirect_dma source(%arg19 : memref<128x128xf32, #tpu.memory_space<vmem>>) target(%dma_start3A_127 : memref<5120x128xf32, #tpu.memory_space<vmem_shared>>) offsets(%arg14 : memref<128xi32, #tpu.memory_space<vmem>>) semaphore(%run_scoped3A : memref<!tpu.dma_semaphore, #tpu.memory_space<semaphore_mem>>) {add = true}
        %dma_wait3A_128 = arith.constant 0 : i32
        %dma_wait3A_129 = arith.constant 0 : i32
        %dma_wait3A_130 = tpu.memref_slice %arg7[%dma_wait3A_128, %dma_wait3A_129] : memref<5120x128xf32, #tpu.memory_space<vmem_shared>> -> memref<5120x128xf32, #tpu.memory_space<vmem_shared>>
        tpu.wait_indirect_dma semaphore(%run_scoped3A : memref<!tpu.dma_semaphore, #tpu.memory_space<semaphore_mem>>) src(%arg19 : memref<128x128xf32, #tpu.memory_space<vmem>>) dst(%dma_wait3A_130 : memref<5120x128xf32, #tpu.memory_space<vmem_shared>>)
        tpu.yield
      }) : () -> ()
      %add3A_62 = arith.constant 3 : i32
      %add3A_63 = arith.addi %add3A_59, %add3A_62 : i32
      %lt3A_64 = arith.constant 125 : i32
      %lt3A_65 = arith.cmpi slt, %add3A_63, %lt3A_64 : i32
      %convert_element_type3A_66 = arith.extui %lt3A_65 : i1 to i32
      %cond3A_67 = arith.constant 0 : i32
      %cond3A_68 = arith.cmpi ne, %convert_element_type3A_66, %cond3A_67 : i32
      scf.if %cond3A_68 {
        %mul3A_125 = arith.constant 128 : i32
        %mul3A_126 = arith.muli %add3A_63, %mul3A_125 : i32
        %add3A_127 = arith.addi %min3A_21, %mul3A_126 : i32
        "tpu.region"() ({
          %run_scoped3A = tpu.sem_alloc : memref<!tpu.dma_semaphore, #tpu.memory_space<semaphore_mem>>
          %dma_start3A_134 = tpu.memref_slice %arg3[%add3A_127] : memref<500000xi32, #tpu.memory_space<hbm>> -> memref<128xi32, #tpu.memory_space<hbm>>
          %dma_start3A_135 = tpu.memref_slice %arg3[%add3A_127] : memref<500000xi32, #tpu.memory_space<hbm>> -> memref<128xi32, #tpu.memory_space<hbm>>
          tpu.enqueue_dma source(%dma_start3A_135 : memref<128xi32, #tpu.memory_space<hbm>>) target(%arg12 : memref<128xi32, #tpu.memory_space<vmem>>) target_semaphore(%run_scoped3A : memref<!tpu.dma_semaphore, #tpu.memory_space<semaphore_mem>>)
          %dma_wait3A_136 = tpu.memref_slice %arg3[%add3A_127] : memref<500000xi32, #tpu.memory_space<hbm>> -> memref<128xi32, #tpu.memory_space<hbm>>
          %dma_wait3A_137 = tpu.memref_slice %arg3[%add3A_127] : memref<500000xi32, #tpu.memory_space<hbm>> -> memref<128xi32, #tpu.memory_space<hbm>>
          tpu.wait_dma2 semaphore(%run_scoped3A : memref<!tpu.dma_semaphore, #tpu.memory_space<semaphore_mem>>) src(%dma_wait3A_137 : memref<128xi32, #tpu.memory_space<hbm>>) dst(%arg12 : memref<128xi32, #tpu.memory_space<vmem>>)
          tpu.yield
        }) : () -> ()
        %mul3A_128 = arith.constant 128 : i32
        %mul3A_129 = arith.muli %add3A_63, %mul3A_128 : i32
        %add3A_130 = arith.addi %mul3A_23, %mul3A_129 : i32
        "tpu.region"() ({
          %run_scoped3A = tpu.sem_alloc : memref<!tpu.dma_semaphore, #tpu.memory_space<semaphore_mem>>
          %dma_start3A_134 = tpu.memref_slice %arg4[%add3A_130] : memref<512000xi32, #tpu.memory_space<hbm>> -> memref<128xi32, #tpu.memory_space<hbm>>
          %dma_start3A_135 = tpu.memref_slice %arg4[%add3A_130] : memref<512000xi32, #tpu.memory_space<hbm>> -> memref<128xi32, #tpu.memory_space<hbm>>
          tpu.enqueue_dma source(%dma_start3A_135 : memref<128xi32, #tpu.memory_space<hbm>>) target(%arg17 : memref<128xi32, #tpu.memory_space<vmem>>) target_semaphore(%run_scoped3A : memref<!tpu.dma_semaphore, #tpu.memory_space<semaphore_mem>>)
          %dma_wait3A_136 = tpu.memref_slice %arg4[%add3A_130] : memref<512000xi32, #tpu.memory_space<hbm>> -> memref<128xi32, #tpu.memory_space<hbm>>
          %dma_wait3A_137 = tpu.memref_slice %arg4[%add3A_130] : memref<512000xi32, #tpu.memory_space<hbm>> -> memref<128xi32, #tpu.memory_space<hbm>>
          tpu.wait_dma2 semaphore(%run_scoped3A : memref<!tpu.dma_semaphore, #tpu.memory_space<semaphore_mem>>) src(%dma_wait3A_137 : memref<128xi32, #tpu.memory_space<hbm>>) dst(%arg17 : memref<128xi32, #tpu.memory_space<vmem>>)
          tpu.yield
        }) : () -> ()
        %dma_start3A_131 = arith.constant 0 : i32
        %dma_start3A_132 = arith.constant 0 : i32
        %dma_start3A_133 = tpu.memref_slice %arg2[%dma_start3A_131, %dma_start3A_132] : memref<100000x128xf32, #tpu.memory_space<hbm>> -> memref<100000x128xf32, #tpu.memory_space<hbm>>
        tpu.enqueue_indirect_dma source(%dma_start3A_133 : memref<100000x128xf32, #tpu.memory_space<hbm>>) target(%arg22 : memref<128x128xf32, #tpu.memory_space<vmem>>) offsets(%arg12 : memref<128xi32, #tpu.memory_space<vmem>>) semaphore(%arg27 : memref<!tpu.dma_semaphore, #tpu.memory_space<semaphore_mem>>)
      } else {
      }
      %mul3A_69 = arith.constant 5 : i32
      %mul3A_70 = arith.muli %mul3A_69, %scan3A_55 : i32
      %add3A_71 = arith.constant 1 : i32
      %add3A_72 = arith.addi %mul3A_70, %add3A_71 : i32
      %dma_wait3A_73 = arith.constant 0 : i32
      %dma_wait3A_74 = arith.constant 0 : i32
      %dma_wait3A_75 = tpu.memref_slice %arg2[%dma_wait3A_73, %dma_wait3A_74] : memref<100000x128xf32, #tpu.memory_space<hbm>> -> memref<100000x128xf32, #tpu.memory_space<hbm>>
      tpu.wait_indirect_dma semaphore(%arg25 : memref<!tpu.dma_semaphore, #tpu.memory_space<semaphore_mem>>) src(%dma_wait3A_75 : memref<100000x128xf32, #tpu.memory_space<hbm>>) dst(%arg20 : memref<128x128xf32, #tpu.memory_space<vmem>>)
      "tpu.region"() ({
        %run_scoped3A = tpu.sem_alloc : memref<!tpu.dma_semaphore, #tpu.memory_space<semaphore_mem>>
        %dma_start3A_125 = arith.constant 0 : i32
        %dma_start3A_126 = arith.constant 0 : i32
        %dma_start3A_127 = tpu.memref_slice %arg7[%dma_start3A_125, %dma_start3A_126] : memref<5120x128xf32, #tpu.memory_space<vmem_shared>> -> memref<5120x128xf32, #tpu.memory_space<vmem_shared>>
        tpu.enqueue_indirect_dma source(%arg20 : memref<128x128xf32, #tpu.memory_space<vmem>>) target(%dma_start3A_127 : memref<5120x128xf32, #tpu.memory_space<vmem_shared>>) offsets(%arg15 : memref<128xi32, #tpu.memory_space<vmem>>) semaphore(%run_scoped3A : memref<!tpu.dma_semaphore, #tpu.memory_space<semaphore_mem>>) {add = true}
        %dma_wait3A_128 = arith.constant 0 : i32
        %dma_wait3A_129 = arith.constant 0 : i32
        %dma_wait3A_130 = tpu.memref_slice %arg7[%dma_wait3A_128, %dma_wait3A_129] : memref<5120x128xf32, #tpu.memory_space<vmem_shared>> -> memref<5120x128xf32, #tpu.memory_space<vmem_shared>>
        tpu.wait_indirect_dma semaphore(%run_scoped3A : memref<!tpu.dma_semaphore, #tpu.memory_space<semaphore_mem>>) src(%arg20 : memref<128x128xf32, #tpu.memory_space<vmem>>) dst(%dma_wait3A_130 : memref<5120x128xf32, #tpu.memory_space<vmem_shared>>)
        tpu.yield
      }) : () -> ()
      %add3A_76 = arith.constant 3 : i32
      %add3A_77 = arith.addi %add3A_72, %add3A_76 : i32
      %lt3A_78 = arith.constant 125 : i32
      %lt3A_79 = arith.cmpi slt, %add3A_77, %lt3A_78 : i32
      %convert_element_type3A_80 = arith.extui %lt3A_79 : i1 to i32
      %cond3A_81 = arith.constant 0 : i32
      %cond3A_82 = arith.cmpi ne, %convert_element_type3A_80, %cond3A_81 : i32
      scf.if %cond3A_82 {
        %mul3A_125 = arith.constant 128 : i32
        %mul3A_126 = arith.muli %add3A_77, %mul3A_125 : i32
        %add3A_127 = arith.addi %min3A_21, %mul3A_126 : i32
        "tpu.region"() ({
          %run_scoped3A = tpu.sem_alloc : memref<!tpu.dma_semaphore, #tpu.memory_space<semaphore_mem>>
          %dma_start3A_134 = tpu.memref_slice %arg3[%add3A_127] : memref<500000xi32, #tpu.memory_space<hbm>> -> memref<128xi32, #tpu.memory_space<hbm>>
          %dma_start3A_135 = tpu.memref_slice %arg3[%add3A_127] : memref<500000xi32, #tpu.memory_space<hbm>> -> memref<128xi32, #tpu.memory_space<hbm>>
          tpu.enqueue_dma source(%dma_start3A_135 : memref<128xi32, #tpu.memory_space<hbm>>) target(%arg13 : memref<128xi32, #tpu.memory_space<vmem>>) target_semaphore(%run_scoped3A : memref<!tpu.dma_semaphore, #tpu.memory_space<semaphore_mem>>)
          %dma_wait3A_136 = tpu.memref_slice %arg3[%add3A_127] : memref<500000xi32, #tpu.memory_space<hbm>> -> memref<128xi32, #tpu.memory_space<hbm>>
          %dma_wait3A_137 = tpu.memref_slice %arg3[%add3A_127] : memref<500000xi32, #tpu.memory_space<hbm>> -> memref<128xi32, #tpu.memory_space<hbm>>
          tpu.wait_dma2 semaphore(%run_scoped3A : memref<!tpu.dma_semaphore, #tpu.memory_space<semaphore_mem>>) src(%dma_wait3A_137 : memref<128xi32, #tpu.memory_space<hbm>>) dst(%arg13 : memref<128xi32, #tpu.memory_space<vmem>>)
          tpu.yield
        }) : () -> ()
        %mul3A_128 = arith.constant 128 : i32
        %mul3A_129 = arith.muli %add3A_77, %mul3A_128 : i32
        %add3A_130 = arith.addi %mul3A_23, %mul3A_129 : i32
        "tpu.region"() ({
          %run_scoped3A = tpu.sem_alloc : memref<!tpu.dma_semaphore, #tpu.memory_space<semaphore_mem>>
          %dma_start3A_134 = tpu.memref_slice %arg4[%add3A_130] : memref<512000xi32, #tpu.memory_space<hbm>> -> memref<128xi32, #tpu.memory_space<hbm>>
          %dma_start3A_135 = tpu.memref_slice %arg4[%add3A_130] : memref<512000xi32, #tpu.memory_space<hbm>> -> memref<128xi32, #tpu.memory_space<hbm>>
          tpu.enqueue_dma source(%dma_start3A_135 : memref<128xi32, #tpu.memory_space<hbm>>) target(%arg18 : memref<128xi32, #tpu.memory_space<vmem>>) target_semaphore(%run_scoped3A : memref<!tpu.dma_semaphore, #tpu.memory_space<semaphore_mem>>)
          %dma_wait3A_136 = tpu.memref_slice %arg4[%add3A_130] : memref<512000xi32, #tpu.memory_space<hbm>> -> memref<128xi32, #tpu.memory_space<hbm>>
          %dma_wait3A_137 = tpu.memref_slice %arg4[%add3A_130] : memref<512000xi32, #tpu.memory_space<hbm>> -> memref<128xi32, #tpu.memory_space<hbm>>
          tpu.wait_dma2 semaphore(%run_scoped3A : memref<!tpu.dma_semaphore, #tpu.memory_space<semaphore_mem>>) src(%dma_wait3A_137 : memref<128xi32, #tpu.memory_space<hbm>>) dst(%arg18 : memref<128xi32, #tpu.memory_space<vmem>>)
          tpu.yield
        }) : () -> ()
        %dma_start3A_131 = arith.constant 0 : i32
        %dma_start3A_132 = arith.constant 0 : i32
        %dma_start3A_133 = tpu.memref_slice %arg2[%dma_start3A_131, %dma_start3A_132] : memref<100000x128xf32, #tpu.memory_space<hbm>> -> memref<100000x128xf32, #tpu.memory_space<hbm>>
        tpu.enqueue_indirect_dma source(%dma_start3A_133 : memref<100000x128xf32, #tpu.memory_space<hbm>>) target(%arg23 : memref<128x128xf32, #tpu.memory_space<vmem>>) offsets(%arg13 : memref<128xi32, #tpu.memory_space<vmem>>) semaphore(%arg28 : memref<!tpu.dma_semaphore, #tpu.memory_space<semaphore_mem>>)
      } else {
      }
      %mul3A_83 = arith.constant 5 : i32
      %mul3A_84 = arith.muli %mul3A_83, %scan3A_55 : i32
      %add3A_85 = arith.constant 2 : i32
      %add3A_86 = arith.addi %mul3A_84, %add3A_85 : i32
      %dma_wait3A_87 = arith.constant 0 : i32
      %dma_wait3A_88 = arith.constant 0 : i32
      %dma_wait3A_89 = tpu.memref_slice %arg2[%dma_wait3A_87, %dma_wait3A_88] : memref<100000x128xf32, #tpu.memory_space<hbm>> -> memref<100000x128xf32, #tpu.memory_space<hbm>>
      tpu.wait_indirect_dma semaphore(%arg26 : memref<!tpu.dma_semaphore, #tpu.memory_space<semaphore_mem>>) src(%dma_wait3A_89 : memref<100000x128xf32, #tpu.memory_space<hbm>>) dst(%arg21 : memref<128x128xf32, #tpu.memory_space<vmem>>)
      "tpu.region"() ({
        %run_scoped3A = tpu.sem_alloc : memref<!tpu.dma_semaphore, #tpu.memory_space<semaphore_mem>>
        %dma_start3A_125 = arith.constant 0 : i32
        %dma_start3A_126 = arith.constant 0 : i32
        %dma_start3A_127 = tpu.memref_slice %arg7[%dma_start3A_125, %dma_start3A_126] : memref<5120x128xf32, #tpu.memory_space<vmem_shared>> -> memref<5120x128xf32, #tpu.memory_space<vmem_shared>>
        tpu.enqueue_indirect_dma source(%arg21 : memref<128x128xf32, #tpu.memory_space<vmem>>) target(%dma_start3A_127 : memref<5120x128xf32, #tpu.memory_space<vmem_shared>>) offsets(%arg16 : memref<128xi32, #tpu.memory_space<vmem>>) semaphore(%run_scoped3A : memref<!tpu.dma_semaphore, #tpu.memory_space<semaphore_mem>>) {add = true}
        %dma_wait3A_128 = arith.constant 0 : i32
        %dma_wait3A_129 = arith.constant 0 : i32
        %dma_wait3A_130 = tpu.memref_slice %arg7[%dma_wait3A_128, %dma_wait3A_129] : memref<5120x128xf32, #tpu.memory_space<vmem_shared>> -> memref<5120x128xf32, #tpu.memory_space<vmem_shared>>
        tpu.wait_indirect_dma semaphore(%run_scoped3A : memref<!tpu.dma_semaphore, #tpu.memory_space<semaphore_mem>>) src(%arg21 : memref<128x128xf32, #tpu.memory_space<vmem>>) dst(%dma_wait3A_130 : memref<5120x128xf32, #tpu.memory_space<vmem_shared>>)
        tpu.yield
      }) : () -> ()
      %add3A_90 = arith.constant 3 : i32
      %add3A_91 = arith.addi %add3A_86, %add3A_90 : i32
      %lt3A_92 = arith.constant 125 : i32
      %lt3A_93 = arith.cmpi slt, %add3A_91, %lt3A_92 : i32
      %convert_element_type3A_94 = arith.extui %lt3A_93 : i1 to i32
      %cond3A_95 = arith.constant 0 : i32
      %cond3A_96 = arith.cmpi ne, %convert_element_type3A_94, %cond3A_95 : i32
      scf.if %cond3A_96 {
        %mul3A_125 = arith.constant 128 : i32
        %mul3A_126 = arith.muli %add3A_91, %mul3A_125 : i32
        %add3A_127 = arith.addi %min3A_21, %mul3A_126 : i32
        "tpu.region"() ({
          %run_scoped3A = tpu.sem_alloc : memref<!tpu.dma_semaphore, #tpu.memory_space<semaphore_mem>>
          %dma_start3A_134 = tpu.memref_slice %arg3[%add3A_127] : memref<500000xi32, #tpu.memory_space<hbm>> -> memref<128xi32, #tpu.memory_space<hbm>>
          %dma_start3A_135 = tpu.memref_slice %arg3[%add3A_127] : memref<500000xi32, #tpu.memory_space<hbm>> -> memref<128xi32, #tpu.memory_space<hbm>>
          tpu.enqueue_dma source(%dma_start3A_135 : memref<128xi32, #tpu.memory_space<hbm>>) target(%arg9 : memref<128xi32, #tpu.memory_space<vmem>>) target_semaphore(%run_scoped3A : memref<!tpu.dma_semaphore, #tpu.memory_space<semaphore_mem>>)
          %dma_wait3A_136 = tpu.memref_slice %arg3[%add3A_127] : memref<500000xi32, #tpu.memory_space<hbm>> -> memref<128xi32, #tpu.memory_space<hbm>>
          %dma_wait3A_137 = tpu.memref_slice %arg3[%add3A_127] : memref<500000xi32, #tpu.memory_space<hbm>> -> memref<128xi32, #tpu.memory_space<hbm>>
          tpu.wait_dma2 semaphore(%run_scoped3A : memref<!tpu.dma_semaphore, #tpu.memory_space<semaphore_mem>>) src(%dma_wait3A_137 : memref<128xi32, #tpu.memory_space<hbm>>) dst(%arg9 : memref<128xi32, #tpu.memory_space<vmem>>)
          tpu.yield
        }) : () -> ()
        %mul3A_128 = arith.constant 128 : i32
        %mul3A_129 = arith.muli %add3A_91, %mul3A_128 : i32
        %add3A_130 = arith.addi %mul3A_23, %mul3A_129 : i32
        "tpu.region"() ({
          %run_scoped3A = tpu.sem_alloc : memref<!tpu.dma_semaphore, #tpu.memory_space<semaphore_mem>>
          %dma_start3A_134 = tpu.memref_slice %arg4[%add3A_130] : memref<512000xi32, #tpu.memory_space<hbm>> -> memref<128xi32, #tpu.memory_space<hbm>>
          %dma_start3A_135 = tpu.memref_slice %arg4[%add3A_130] : memref<512000xi32, #tpu.memory_space<hbm>> -> memref<128xi32, #tpu.memory_space<hbm>>
          tpu.enqueue_dma source(%dma_start3A_135 : memref<128xi32, #tpu.memory_space<hbm>>) target(%arg14 : memref<128xi32, #tpu.memory_space<vmem>>) target_semaphore(%run_scoped3A : memref<!tpu.dma_semaphore, #tpu.memory_space<semaphore_mem>>)
          %dma_wait3A_136 = tpu.memref_slice %arg4[%add3A_130] : memref<512000xi32, #tpu.memory_space<hbm>> -> memref<128xi32, #tpu.memory_space<hbm>>
          %dma_wait3A_137 = tpu.memref_slice %arg4[%add3A_130] : memref<512000xi32, #tpu.memory_space<hbm>> -> memref<128xi32, #tpu.memory_space<hbm>>
          tpu.wait_dma2 semaphore(%run_scoped3A : memref<!tpu.dma_semaphore, #tpu.memory_space<semaphore_mem>>) src(%dma_wait3A_137 : memref<128xi32, #tpu.memory_space<hbm>>) dst(%arg14 : memref<128xi32, #tpu.memory_space<vmem>>)
          tpu.yield
        }) : () -> ()
        %dma_start3A_131 = arith.constant 0 : i32
        %dma_start3A_132 = arith.constant 0 : i32
        %dma_start3A_133 = tpu.memref_slice %arg2[%dma_start3A_131, %dma_start3A_132] : memref<100000x128xf32, #tpu.memory_space<hbm>> -> memref<100000x128xf32, #tpu.memory_space<hbm>>
        tpu.enqueue_indirect_dma source(%dma_start3A_133 : memref<100000x128xf32, #tpu.memory_space<hbm>>) target(%arg19 : memref<128x128xf32, #tpu.memory_space<vmem>>) offsets(%arg9 : memref<128xi32, #tpu.memory_space<vmem>>) semaphore(%arg24 : memref<!tpu.dma_semaphore, #tpu.memory_space<semaphore_mem>>)
      } else {
      }
      %mul3A_97 = arith.constant 5 : i32
      %mul3A_98 = arith.muli %mul3A_97, %scan3A_55 : i32
      %add3A_99 = arith.constant 3 : i32
      %add3A_100 = arith.addi %mul3A_98, %add3A_99 : i32
      %dma_wait3A_101 = arith.constant 0 : i32
      %dma_wait3A_102 = arith.constant 0 : i32
      %dma_wait3A_103 = tpu.memref_slice %arg2[%dma_wait3A_101, %dma_wait3A_102] : memref<100000x128xf32, #tpu.memory_space<hbm>> -> memref<100000x128xf32, #tpu.memory_space<hbm>>
      tpu.wait_indirect_dma semaphore(%arg27 : memref<!tpu.dma_semaphore, #tpu.memory_space<semaphore_mem>>) src(%dma_wait3A_103 : memref<100000x128xf32, #tpu.memory_space<hbm>>) dst(%arg22 : memref<128x128xf32, #tpu.memory_space<vmem>>)
      "tpu.region"() ({
        %run_scoped3A = tpu.sem_alloc : memref<!tpu.dma_semaphore, #tpu.memory_space<semaphore_mem>>
        %dma_start3A_125 = arith.constant 0 : i32
        %dma_start3A_126 = arith.constant 0 : i32
        %dma_start3A_127 = tpu.memref_slice %arg7[%dma_start3A_125, %dma_start3A_126] : memref<5120x128xf32, #tpu.memory_space<vmem_shared>> -> memref<5120x128xf32, #tpu.memory_space<vmem_shared>>
        tpu.enqueue_indirect_dma source(%arg22 : memref<128x128xf32, #tpu.memory_space<vmem>>) target(%dma_start3A_127 : memref<5120x128xf32, #tpu.memory_space<vmem_shared>>) offsets(%arg17 : memref<128xi32, #tpu.memory_space<vmem>>) semaphore(%run_scoped3A : memref<!tpu.dma_semaphore, #tpu.memory_space<semaphore_mem>>) {add = true}
        %dma_wait3A_128 = arith.constant 0 : i32
        %dma_wait3A_129 = arith.constant 0 : i32
        %dma_wait3A_130 = tpu.memref_slice %arg7[%dma_wait3A_128, %dma_wait3A_129] : memref<5120x128xf32, #tpu.memory_space<vmem_shared>> -> memref<5120x128xf32, #tpu.memory_space<vmem_shared>>
        tpu.wait_indirect_dma semaphore(%run_scoped3A : memref<!tpu.dma_semaphore, #tpu.memory_space<semaphore_mem>>) src(%arg22 : memref<128x128xf32, #tpu.memory_space<vmem>>) dst(%dma_wait3A_130 : memref<5120x128xf32, #tpu.memory_space<vmem_shared>>)
        tpu.yield
      }) : () -> ()
      %add3A_104 = arith.constant 3 : i32
      %add3A_105 = arith.addi %add3A_100, %add3A_104 : i32
      %lt3A_106 = arith.constant 125 : i32
      %lt3A_107 = arith.cmpi slt, %add3A_105, %lt3A_106 : i32
      %convert_element_type3A_108 = arith.extui %lt3A_107 : i1 to i32
      %cond3A_109 = arith.constant 0 : i32
      %cond3A_110 = arith.cmpi ne, %convert_element_type3A_108, %cond3A_109 : i32
      scf.if %cond3A_110 {
        %mul3A_125 = arith.constant 128 : i32
        %mul3A_126 = arith.muli %add3A_105, %mul3A_125 : i32
        %add3A_127 = arith.addi %min3A_21, %mul3A_126 : i32
        "tpu.region"() ({
          %run_scoped3A = tpu.sem_alloc : memref<!tpu.dma_semaphore, #tpu.memory_space<semaphore_mem>>
          %dma_start3A_134 = tpu.memref_slice %arg3[%add3A_127] : memref<500000xi32, #tpu.memory_space<hbm>> -> memref<128xi32, #tpu.memory_space<hbm>>
          %dma_start3A_135 = tpu.memref_slice %arg3[%add3A_127] : memref<500000xi32, #tpu.memory_space<hbm>> -> memref<128xi32, #tpu.memory_space<hbm>>
          tpu.enqueue_dma source(%dma_start3A_135 : memref<128xi32, #tpu.memory_space<hbm>>) target(%arg10 : memref<128xi32, #tpu.memory_space<vmem>>) target_semaphore(%run_scoped3A : memref<!tpu.dma_semaphore, #tpu.memory_space<semaphore_mem>>)
          %dma_wait3A_136 = tpu.memref_slice %arg3[%add3A_127] : memref<500000xi32, #tpu.memory_space<hbm>> -> memref<128xi32, #tpu.memory_space<hbm>>
          %dma_wait3A_137 = tpu.memref_slice %arg3[%add3A_127] : memref<500000xi32, #tpu.memory_space<hbm>> -> memref<128xi32, #tpu.memory_space<hbm>>
          tpu.wait_dma2 semaphore(%run_scoped3A : memref<!tpu.dma_semaphore, #tpu.memory_space<semaphore_mem>>) src(%dma_wait3A_137 : memref<128xi32, #tpu.memory_space<hbm>>) dst(%arg10 : memref<128xi32, #tpu.memory_space<vmem>>)
          tpu.yield
        }) : () -> ()
        %mul3A_128 = arith.constant 128 : i32
        %mul3A_129 = arith.muli %add3A_105, %mul3A_128 : i32
        %add3A_130 = arith.addi %mul3A_23, %mul3A_129 : i32
        "tpu.region"() ({
          %run_scoped3A = tpu.sem_alloc : memref<!tpu.dma_semaphore, #tpu.memory_space<semaphore_mem>>
          %dma_start3A_134 = tpu.memref_slice %arg4[%add3A_130] : memref<512000xi32, #tpu.memory_space<hbm>> -> memref<128xi32, #tpu.memory_space<hbm>>
          %dma_start3A_135 = tpu.memref_slice %arg4[%add3A_130] : memref<512000xi32, #tpu.memory_space<hbm>> -> memref<128xi32, #tpu.memory_space<hbm>>
          tpu.enqueue_dma source(%dma_start3A_135 : memref<128xi32, #tpu.memory_space<hbm>>) target(%arg15 : memref<128xi32, #tpu.memory_space<vmem>>) target_semaphore(%run_scoped3A : memref<!tpu.dma_semaphore, #tpu.memory_space<semaphore_mem>>)
          %dma_wait3A_136 = tpu.memref_slice %arg4[%add3A_130] : memref<512000xi32, #tpu.memory_space<hbm>> -> memref<128xi32, #tpu.memory_space<hbm>>
          %dma_wait3A_137 = tpu.memref_slice %arg4[%add3A_130] : memref<512000xi32, #tpu.memory_space<hbm>> -> memref<128xi32, #tpu.memory_space<hbm>>
          tpu.wait_dma2 semaphore(%run_scoped3A : memref<!tpu.dma_semaphore, #tpu.memory_space<semaphore_mem>>) src(%dma_wait3A_137 : memref<128xi32, #tpu.memory_space<hbm>>) dst(%arg15 : memref<128xi32, #tpu.memory_space<vmem>>)
          tpu.yield
        }) : () -> ()
        %dma_start3A_131 = arith.constant 0 : i32
        %dma_start3A_132 = arith.constant 0 : i32
        %dma_start3A_133 = tpu.memref_slice %arg2[%dma_start3A_131, %dma_start3A_132] : memref<100000x128xf32, #tpu.memory_space<hbm>> -> memref<100000x128xf32, #tpu.memory_space<hbm>>
        tpu.enqueue_indirect_dma source(%dma_start3A_133 : memref<100000x128xf32, #tpu.memory_space<hbm>>) target(%arg20 : memref<128x128xf32, #tpu.memory_space<vmem>>) offsets(%arg10 : memref<128xi32, #tpu.memory_space<vmem>>) semaphore(%arg25 : memref<!tpu.dma_semaphore, #tpu.memory_space<semaphore_mem>>)
      } else {
      }
      %mul3A_111 = arith.constant 5 : i32
      %mul3A_112 = arith.muli %mul3A_111, %scan3A_55 : i32
      %add3A_113 = arith.constant 4 : i32
      %add3A_114 = arith.addi %mul3A_112, %add3A_113 : i32
      %dma_wait3A_115 = arith.constant 0 : i32
      %dma_wait3A_116 = arith.constant 0 : i32
      %dma_wait3A_117 = tpu.memref_slice %arg2[%dma_wait3A_115, %dma_wait3A_116] : memref<100000x128xf32, #tpu.memory_space<hbm>> -> memref<100000x128xf32, #tpu.memory_space<hbm>>
      tpu.wait_indirect_dma semaphore(%arg28 : memref<!tpu.dma_semaphore, #tpu.memory_space<semaphore_mem>>) src(%dma_wait3A_117 : memref<100000x128xf32, #tpu.memory_space<hbm>>) dst(%arg23 : memref<128x128xf32, #tpu.memory_space<vmem>>)
      "tpu.region"() ({
        %run_scoped3A = tpu.sem_alloc : memref<!tpu.dma_semaphore, #tpu.memory_space<semaphore_mem>>
        %dma_start3A_125 = arith.constant 0 : i32
        %dma_start3A_126 = arith.constant 0 : i32
        %dma_start3A_127 = tpu.memref_slice %arg7[%dma_start3A_125, %dma_start3A_126] : memref<5120x128xf32, #tpu.memory_space<vmem_shared>> -> memref<5120x128xf32, #tpu.memory_space<vmem_shared>>
        tpu.enqueue_indirect_dma source(%arg23 : memref<128x128xf32, #tpu.memory_space<vmem>>) target(%dma_start3A_127 : memref<5120x128xf32, #tpu.memory_space<vmem_shared>>) offsets(%arg18 : memref<128xi32, #tpu.memory_space<vmem>>) semaphore(%run_scoped3A : memref<!tpu.dma_semaphore, #tpu.memory_space<semaphore_mem>>) {add = true}
        %dma_wait3A_128 = arith.constant 0 : i32
        %dma_wait3A_129 = arith.constant 0 : i32
        %dma_wait3A_130 = tpu.memref_slice %arg7[%dma_wait3A_128, %dma_wait3A_129] : memref<5120x128xf32, #tpu.memory_space<vmem_shared>> -> memref<5120x128xf32, #tpu.memory_space<vmem_shared>>
        tpu.wait_indirect_dma semaphore(%run_scoped3A : memref<!tpu.dma_semaphore, #tpu.memory_space<semaphore_mem>>) src(%arg23 : memref<128x128xf32, #tpu.memory_space<vmem>>) dst(%dma_wait3A_130 : memref<5120x128xf32, #tpu.memory_space<vmem_shared>>)
        tpu.yield
      }) : () -> ()
      %add3A_118 = arith.constant 3 : i32
      %add3A_119 = arith.addi %add3A_114, %add3A_118 : i32
      %lt3A_120 = arith.constant 125 : i32
      %lt3A_121 = arith.cmpi slt, %add3A_119, %lt3A_120 : i32
      %convert_element_type3A_122 = arith.extui %lt3A_121 : i1 to i32
      %cond3A_123 = arith.constant 0 : i32
      %cond3A_124 = arith.cmpi ne, %convert_element_type3A_122, %cond3A_123 : i32
      scf.if %cond3A_124 {
        %mul3A_125 = arith.constant 128 : i32
        %mul3A_126 = arith.muli %add3A_119, %mul3A_125 : i32
        %add3A_127 = arith.addi %min3A_21, %mul3A_126 : i32
        "tpu.region"() ({
          %run_scoped3A = tpu.sem_alloc : memref<!tpu.dma_semaphore, #tpu.memory_space<semaphore_mem>>
          %dma_start3A_134 = tpu.memref_slice %arg3[%add3A_127] : memref<500000xi32, #tpu.memory_space<hbm>> -> memref<128xi32, #tpu.memory_space<hbm>>
          %dma_start3A_135 = tpu.memref_slice %arg3[%add3A_127] : memref<500000xi32, #tpu.memory_space<hbm>> -> memref<128xi32, #tpu.memory_space<hbm>>
          tpu.enqueue_dma source(%dma_start3A_135 : memref<128xi32, #tpu.memory_space<hbm>>) target(%arg11 : memref<128xi32, #tpu.memory_space<vmem>>) target_semaphore(%run_scoped3A : memref<!tpu.dma_semaphore, #tpu.memory_space<semaphore_mem>>)
          %dma_wait3A_136 = tpu.memref_slice %arg3[%add3A_127] : memref<500000xi32, #tpu.memory_space<hbm>> -> memref<128xi32, #tpu.memory_space<hbm>>
          %dma_wait3A_137 = tpu.memref_slice %arg3[%add3A_127] : memref<500000xi32, #tpu.memory_space<hbm>> -> memref<128xi32, #tpu.memory_space<hbm>>
          tpu.wait_dma2 semaphore(%run_scoped3A : memref<!tpu.dma_semaphore, #tpu.memory_space<semaphore_mem>>) src(%dma_wait3A_137 : memref<128xi32, #tpu.memory_space<hbm>>) dst(%arg11 : memref<128xi32, #tpu.memory_space<vmem>>)
          tpu.yield
        }) : () -> ()
        %mul3A_128 = arith.constant 128 : i32
        %mul3A_129 = arith.muli %add3A_119, %mul3A_128 : i32
        %add3A_130 = arith.addi %mul3A_23, %mul3A_129 : i32
        "tpu.region"() ({
          %run_scoped3A = tpu.sem_alloc : memref<!tpu.dma_semaphore, #tpu.memory_space<semaphore_mem>>
          %dma_start3A_134 = tpu.memref_slice %arg4[%add3A_130] : memref<512000xi32, #tpu.memory_space<hbm>> -> memref<128xi32, #tpu.memory_space<hbm>>
          %dma_start3A_135 = tpu.memref_slice %arg4[%add3A_130] : memref<512000xi32, #tpu.memory_space<hbm>> -> memref<128xi32, #tpu.memory_space<hbm>>
          tpu.enqueue_dma source(%dma_start3A_135 : memref<128xi32, #tpu.memory_space<hbm>>) target(%arg16 : memref<128xi32, #tpu.memory_space<vmem>>) target_semaphore(%run_scoped3A : memref<!tpu.dma_semaphore, #tpu.memory_space<semaphore_mem>>)
          %dma_wait3A_136 = tpu.memref_slice %arg4[%add3A_130] : memref<512000xi32, #tpu.memory_space<hbm>> -> memref<128xi32, #tpu.memory_space<hbm>>
          %dma_wait3A_137 = tpu.memref_slice %arg4[%add3A_130] : memref<512000xi32, #tpu.memory_space<hbm>> -> memref<128xi32, #tpu.memory_space<hbm>>
          tpu.wait_dma2 semaphore(%run_scoped3A : memref<!tpu.dma_semaphore, #tpu.memory_space<semaphore_mem>>) src(%dma_wait3A_137 : memref<128xi32, #tpu.memory_space<hbm>>) dst(%arg16 : memref<128xi32, #tpu.memory_space<vmem>>)
          tpu.yield
        }) : () -> ()
        %dma_start3A_131 = arith.constant 0 : i32
        %dma_start3A_132 = arith.constant 0 : i32
        %dma_start3A_133 = tpu.memref_slice %arg2[%dma_start3A_131, %dma_start3A_132] : memref<100000x128xf32, #tpu.memory_space<hbm>> -> memref<100000x128xf32, #tpu.memory_space<hbm>>
        tpu.enqueue_indirect_dma source(%dma_start3A_133 : memref<100000x128xf32, #tpu.memory_space<hbm>>) target(%arg21 : memref<128x128xf32, #tpu.memory_space<vmem>>) offsets(%arg11 : memref<128xi32, #tpu.memory_space<vmem>>) semaphore(%arg26 : memref<!tpu.dma_semaphore, #tpu.memory_space<semaphore_mem>>)
      } else {
      }
    }
    %scan3A_48 = arith.constant 25 : i32
    %lt3A = arith.constant 31 : i32
    %lt3A_49 = arith.cmpi slt, %add3A, %lt3A : i32
    %convert_element_type3A = arith.extui %lt3A_49 : i1 to i32
    %cond3A = arith.constant 0 : i32
    %cond3A_50 = arith.cmpi ne, %convert_element_type3A, %cond3A : i32
    scf.if %cond3A_50 {
      %add3A_55 = arith.constant 0 : i32
      %add3A_56 = arith.addi %mul3A_2, %add3A_55 : i32
      %mul3A_57 = arith.constant 320 : i32
      %mul3A_58 = arith.muli %add3A, %mul3A_57 : i32
      %add3A_59 = arith.constant 0 : i32
      %add3A_60 = arith.addi %mul3A_58, %add3A_59 : i32
      "tpu.region"() ({
        %run_scoped3A = tpu.sem_alloc : memref<!tpu.dma_semaphore, #tpu.memory_space<semaphore_mem>>
        %dma_start3A_76 = arith.constant 0 : i32
        %dma_start3A_77 = tpu.memref_slice %arg6[%add3A_60, %dma_start3A_76] : memref<10000x128xf32, #tpu.memory_space<hbm>> -> memref<128x128xf32, #tpu.memory_space<hbm>>
        %dma_start3A_78 = arith.constant 0 : i32
        %dma_start3A_79 = tpu.memref_slice %arg7[%add3A_56, %dma_start3A_78] : memref<5120x128xf32, #tpu.memory_space<vmem_shared>> -> memref<128x128xf32, #tpu.memory_space<vmem_shared>>
        tpu.enqueue_dma source(%dma_start3A_79 : memref<128x128xf32, #tpu.memory_space<vmem_shared>>) target(%dma_start3A_77 : memref<128x128xf32, #tpu.memory_space<hbm>>) target_semaphore(%run_scoped3A : memref<!tpu.dma_semaphore, #tpu.memory_space<semaphore_mem>>)
        %dma_wait3A = arith.constant 0 : i32
        %dma_wait3A_80 = tpu.memref_slice %arg6[%add3A_60, %dma_wait3A] : memref<10000x128xf32, #tpu.memory_space<hbm>> -> memref<128x128xf32, #tpu.memory_space<hbm>>
        %dma_wait3A_81 = arith.constant 0 : i32
        %dma_wait3A_82 = tpu.memref_slice %arg7[%add3A_56, %dma_wait3A_81] : memref<5120x128xf32, #tpu.memory_space<vmem_shared>> -> memref<128x128xf32, #tpu.memory_space<vmem_shared>>
        tpu.wait_dma2 semaphore(%run_scoped3A : memref<!tpu.dma_semaphore, #tpu.memory_space<semaphore_mem>>) src(%dma_wait3A_82 : memref<128x128xf32, #tpu.memory_space<vmem_shared>>) dst(%dma_wait3A_80 : memref<128x128xf32, #tpu.memory_space<hbm>>)
        tpu.yield
      }) : () -> ()
      %add3A_61 = arith.constant 128 : i32
      %add3A_62 = arith.addi %mul3A_2, %add3A_61 : i32
      %mul3A_63 = arith.constant 320 : i32
      %mul3A_64 = arith.muli %add3A, %mul3A_63 : i32
      %add3A_65 = arith.constant 128 : i32
      %add3A_66 = arith.addi %mul3A_64, %add3A_65 : i32
      "tpu.region"() ({
        %run_scoped3A = tpu.sem_alloc : memref<!tpu.dma_semaphore, #tpu.memory_space<semaphore_mem>>
        %dma_start3A_76 = arith.constant 0 : i32
        %dma_start3A_77 = tpu.memref_slice %arg6[%add3A_66, %dma_start3A_76] : memref<10000x128xf32, #tpu.memory_space<hbm>> -> memref<128x128xf32, #tpu.memory_space<hbm>>
        %dma_start3A_78 = arith.constant 0 : i32
        %dma_start3A_79 = tpu.memref_slice %arg7[%add3A_62, %dma_start3A_78] : memref<5120x128xf32, #tpu.memory_space<vmem_shared>> -> memref<128x128xf32, #tpu.memory_space<vmem_shared>>
        tpu.enqueue_dma source(%dma_start3A_79 : memref<128x128xf32, #tpu.memory_space<vmem_shared>>) target(%dma_start3A_77 : memref<128x128xf32, #tpu.memory_space<hbm>>) target_semaphore(%run_scoped3A : memref<!tpu.dma_semaphore, #tpu.memory_space<semaphore_mem>>)
        %dma_wait3A = arith.constant 0 : i32
        %dma_wait3A_80 = tpu.memref_slice %arg6[%add3A_66, %dma_wait3A] : memref<10000x128xf32, #tpu.memory_space<hbm>> -> memref<128x128xf32, #tpu.memory_space<hbm>>
        %dma_wait3A_81 = arith.constant 0 : i32
        %dma_wait3A_82 = tpu.memref_slice %arg7[%add3A_62, %dma_wait3A_81] : memref<5120x128xf32, #tpu.memory_space<vmem_shared>> -> memref<128x128xf32, #tpu.memory_space<vmem_shared>>
        tpu.wait_dma2 semaphore(%run_scoped3A : memref<!tpu.dma_semaphore, #tpu.memory_space<semaphore_mem>>) src(%dma_wait3A_82 : memref<128x128xf32, #tpu.memory_space<vmem_shared>>) dst(%dma_wait3A_80 : memref<128x128xf32, #tpu.memory_space<hbm>>)
        tpu.yield
      }) : () -> ()
      %add3A_67 = arith.constant 320 : i32
      %add3A_68 = arith.addi %mul3A_2, %add3A_67 : i32
      %sub3A = arith.constant 64 : i32
      %sub3A_69 = arith.subi %add3A_68, %sub3A : i32
      %mul3A_70 = arith.constant 320 : i32
      %mul3A_71 = arith.muli %add3A, %mul3A_70 : i32
      %add3A_72 = arith.constant 320 : i32
      %add3A_73 = arith.addi %mul3A_71, %add3A_72 : i32
      %sub3A_74 = arith.constant 64 : i32
      %sub3A_75 = arith.subi %add3A_73, %sub3A_74 : i32
      "tpu.region"() ({
        %run_scoped3A = tpu.sem_alloc : memref<!tpu.dma_semaphore, #tpu.memory_space<semaphore_mem>>
        %dma_start3A_76 = arith.constant 0 : i32
        %dma_start3A_77 = tpu.memref_slice %arg6[%sub3A_75, %dma_start3A_76] : memref<10000x128xf32, #tpu.memory_space<hbm>> -> memref<64x128xf32, #tpu.memory_space<hbm>>
        %dma_start3A_78 = arith.constant 0 : i32
        %dma_start3A_79 = tpu.memref_slice %arg7[%sub3A_69, %dma_start3A_78] : memref<5120x128xf32, #tpu.memory_space<vmem_shared>> -> memref<64x128xf32, #tpu.memory_space<vmem_shared>>
        tpu.enqueue_dma source(%dma_start3A_79 : memref<64x128xf32, #tpu.memory_space<vmem_shared>>) target(%dma_start3A_77 : memref<64x128xf32, #tpu.memory_space<hbm>>) target_semaphore(%run_scoped3A : memref<!tpu.dma_semaphore, #tpu.memory_space<semaphore_mem>>)
        %dma_wait3A = arith.constant 0 : i32
        %dma_wait3A_80 = tpu.memref_slice %arg6[%sub3A_75, %dma_wait3A] : memref<10000x128xf32, #tpu.memory_space<hbm>> -> memref<64x128xf32, #tpu.memory_space<hbm>>
        %dma_wait3A_81 = arith.constant 0 : i32
        %dma_wait3A_82 = tpu.memref_slice %arg7[%sub3A_69, %dma_wait3A_81] : memref<5120x128xf32, #tpu.memory_space<vmem_shared>> -> memref<64x128xf32, #tpu.memory_space<vmem_shared>>
        tpu.wait_dma2 semaphore(%run_scoped3A : memref<!tpu.dma_semaphore, #tpu.memory_space<semaphore_mem>>) src(%dma_wait3A_82 : memref<64x128xf32, #tpu.memory_space<vmem_shared>>) dst(%dma_wait3A_80 : memref<64x128xf32, #tpu.memory_space<hbm>>)
        tpu.yield
      }) : () -> ()
    } else {
    }
    %eq3A = arith.constant 31 : i32
    %eq3A_51 = arith.cmpi eq, %add3A, %eq3A : i32
    %convert_element_type3A_52 = arith.extui %eq3A_51 : i1 to i32
    %cond3A_53 = arith.constant 0 : i32
    %cond3A_54 = arith.cmpi ne, %convert_element_type3A_52, %cond3A_53 : i32
    scf.if %cond3A_54 {
      "tpu.region"() ({
        %run_scoped3A = tpu.sem_alloc : memref<!tpu.dma_semaphore, #tpu.memory_space<semaphore_mem>>
        %dma_start3A_55 = arith.constant 9920 : i32
        %dma_start3A_56 = arith.constant 0 : i32
        %dma_start3A_57 = tpu.memref_slice %arg6[%dma_start3A_55, %dma_start3A_56] : memref<10000x128xf32, #tpu.memory_space<hbm>> -> memref<80x128xf32, #tpu.memory_space<hbm>>
        %dma_start3A_58 = arith.constant 0 : i32
        %dma_start3A_59 = tpu.memref_slice %arg7[%mul3A_2, %dma_start3A_58] : memref<5120x128xf32, #tpu.memory_space<vmem_shared>> -> memref<80x128xf32, #tpu.memory_space<vmem_shared>>
        tpu.enqueue_dma source(%dma_start3A_59 : memref<80x128xf32, #tpu.memory_space<vmem_shared>>) target(%dma_start3A_57 : memref<80x128xf32, #tpu.memory_space<hbm>>) target_semaphore(%run_scoped3A : memref<!tpu.dma_semaphore, #tpu.memory_space<semaphore_mem>>)
        %dma_wait3A = arith.constant 9920 : i32
        %dma_wait3A_60 = arith.constant 0 : i32
        %dma_wait3A_61 = tpu.memref_slice %arg6[%dma_wait3A, %dma_wait3A_60] : memref<10000x128xf32, #tpu.memory_space<hbm>> -> memref<80x128xf32, #tpu.memory_space<hbm>>
        %dma_wait3A_62 = arith.constant 0 : i32
        %dma_wait3A_63 = tpu.memref_slice %arg7[%mul3A_2, %dma_wait3A_62] : memref<5120x128xf32, #tpu.memory_space<vmem_shared>> -> memref<80x128xf32, #tpu.memory_space<vmem_shared>>
        tpu.wait_dma2 semaphore(%run_scoped3A : memref<!tpu.dma_semaphore, #tpu.memory_space<semaphore_mem>>) src(%dma_wait3A_63 : memref<80x128xf32, #tpu.memory_space<vmem_shared>>) dst(%dma_wait3A_61 : memref<80x128xf32, #tpu.memory_space<hbm>>)
        tpu.yield
      }) : () -> ()
    } else {
    }
    return
  }
}

#map = affine_map<(d0, d1) -> (0, 0)>
#map1 = affine_map<(d0, d1) -> (0)>
module attributes {stable_mosaic.version = 14 : i64} {
  func.func @sc_msg_5000(%arg0: i32, %arg1: i32, %arg2: memref<10000x128xf32, #tpu.memory_space<hbm>>, %arg3: memref<320000xi32, #tpu.memory_space<hbm>>, %arg4: memref<320000xi32, #tpu.memory_space<hbm>>, %arg5: memref<128x128xf32, #tpu.memory_space<hbm>>, %arg6: memref<10000x128xf32, #tpu.memory_space<hbm>>, %arg7: memref<5000x128xf32, #tpu.memory_space<vmem_shared>>, %arg8: memref<40x128xf32, #tpu.memory_space<vmem>>, %arg9: memref<128xi32, #tpu.memory_space<vmem>>, %arg10: memref<128xi32, #tpu.memory_space<vmem>>, %arg11: memref<128xi32, #tpu.memory_space<vmem>>, %arg12: memref<128xi32, #tpu.memory_space<vmem>>, %arg13: memref<128xi32, #tpu.memory_space<vmem>>, %arg14: memref<128xi32, #tpu.memory_space<vmem>>, %arg15: memref<128xi32, #tpu.memory_space<vmem>>, %arg16: memref<128xi32, #tpu.memory_space<vmem>>, %arg17: memref<128xi32, #tpu.memory_space<vmem>>, %arg18: memref<128xi32, #tpu.memory_space<vmem>>, %arg19: memref<16xi32, #tpu.memory_space<vmem>>, %arg20: memref<16xi32, #tpu.memory_space<vmem>>, %arg21: memref<8xi32, #tpu.memory_space<vmem>>, %arg22: memref<8xi32, #tpu.memory_space<vmem>>, %arg23: memref<128x128xf32, #tpu.memory_space<vmem>>, %arg24: memref<128x128xf32, #tpu.memory_space<vmem>>, %arg25: memref<128x128xf32, #tpu.memory_space<vmem>>, %arg26: memref<128x128xf32, #tpu.memory_space<vmem>>, %arg27: memref<128x128xf32, #tpu.memory_space<vmem>>, %arg28: memref<!tpu.dma_semaphore, #tpu.memory_space<semaphore_mem>>, %arg29: memref<!tpu.dma_semaphore, #tpu.memory_space<semaphore_mem>>, %arg30: memref<!tpu.dma_semaphore, #tpu.memory_space<semaphore_mem>>, %arg31: memref<!tpu.dma_semaphore, #tpu.memory_space<semaphore_mem>>, %arg32: memref<!tpu.dma_semaphore, #tpu.memory_space<semaphore_mem>>, %arg33: memref<!tpu.dma_semaphore, #tpu.memory_space<semaphore_mem>>, %arg34: memref<!tpu.dma_semaphore, #tpu.memory_space<semaphore_mem>>, %arg35: memref<!tpu.dma_semaphore, #tpu.memory_space<semaphore_mem>>, %arg36: memref<!tpu.dma_semaphore, #tpu.memory_space<semaphore_mem>>, %arg37: memref<!tpu.dma_semaphore, #tpu.memory_space<semaphore_mem>>) attributes {dimension_semantics = [#tpu.dimension_semantics<core_parallel>, #tpu.dimension_semantics<subcore_parallel>], iteration_bounds = array<i64: 2, 16>, scalar_prefetch = 0 : i64, scratch_operands = 31 : i64, tpu.core_type = #tpu.core_type<sc_vector_subcore>, window_params = [{transform_indices = #map}, {transform_indices = #map1}, {transform_indices = #map1}, {transform_indices = #map}, {transform_indices = #map}]} {
    %mul3A = arith.constant 16 : i32
    %mul3A_0 = arith.muli %arg0, %mul3A : i32
    %add3A = arith.addi %mul3A_0, %arg1 : i32
    "tpu.region"() ({
      %run_scoped3A = tpu.sem_alloc : memref<!tpu.dma_semaphore, #tpu.memory_space<semaphore_mem>>
      %dma_start3A_71 = arith.constant 0 : i32
      %dma_start3A_72 = arith.constant 0 : i32
      %dma_start3A_73 = tpu.memref_slice %arg5[%dma_start3A_71, %dma_start3A_72] : memref<128x128xf32, #tpu.memory_space<hbm>> -> memref<40x128xf32, #tpu.memory_space<hbm>>
      %dma_start3A_74 = arith.constant 0 : i32
      %dma_start3A_75 = arith.constant 0 : i32
      %dma_start3A_76 = tpu.memref_slice %arg5[%dma_start3A_74, %dma_start3A_75] : memref<128x128xf32, #tpu.memory_space<hbm>> -> memref<40x128xf32, #tpu.memory_space<hbm>>
      tpu.enqueue_dma source(%dma_start3A_76 : memref<40x128xf32, #tpu.memory_space<hbm>>) target(%arg8 : memref<40x128xf32, #tpu.memory_space<vmem>>) target_semaphore(%run_scoped3A : memref<!tpu.dma_semaphore, #tpu.memory_space<semaphore_mem>>)
      %dma_wait3A_77 = arith.constant 0 : i32
      %dma_wait3A_78 = arith.constant 0 : i32
      %dma_wait3A_79 = tpu.memref_slice %arg5[%dma_wait3A_77, %dma_wait3A_78] : memref<128x128xf32, #tpu.memory_space<hbm>> -> memref<40x128xf32, #tpu.memory_space<hbm>>
      %dma_wait3A_80 = arith.constant 0 : i32
      %dma_wait3A_81 = arith.constant 0 : i32
      %dma_wait3A_82 = tpu.memref_slice %arg5[%dma_wait3A_80, %dma_wait3A_81] : memref<128x128xf32, #tpu.memory_space<hbm>> -> memref<40x128xf32, #tpu.memory_space<hbm>>
      tpu.wait_dma2 semaphore(%run_scoped3A : memref<!tpu.dma_semaphore, #tpu.memory_space<semaphore_mem>>) src(%dma_wait3A_82 : memref<40x128xf32, #tpu.memory_space<hbm>>) dst(%arg8 : memref<40x128xf32, #tpu.memory_space<vmem>>)
      tpu.yield
    }) : () -> ()
    %ge3A = arith.constant 0 : i32
    %ge3A_1 = arith.cmpi sge, %arg1, %ge3A : i32
    %lt3A = arith.constant 7 : i32
    %lt3A_2 = arith.cmpi slt, %arg1, %lt3A : i32
    %and3A = arith.andi %ge3A_1, %lt3A_2 : i1
    %convert_element_type3A = arith.extui %and3A : i1 to i32
    %cond3A = arith.constant 0 : i32
    %cond3A_3 = arith.cmpi ne, %convert_element_type3A, %cond3A : i32
    scf.if %cond3A_3 {
      %sub3A = arith.constant 0 : i32
      %sub3A_71 = arith.subi %arg1, %sub3A : i32
      %mul3A_72 = arith.constant 632 : i32
      %mul3A_73 = arith.muli %sub3A_71, %mul3A_72 : i32
      %add3A_74 = arith.constant 0 : i32
      %add3A_75 = arith.addi %mul3A_73, %add3A_74 : i32
      "tpu.region"() ({
        %run_scoped3A = tpu.sem_alloc : memref<!tpu.dma_semaphore, #tpu.memory_space<semaphore_mem>>
        %dma_start3A_106 = arith.constant 0 : i32
        %dma_start3A_107 = arith.constant 0 : i32
        %dma_start3A_108 = tpu.memref_slice %arg8[%dma_start3A_106, %dma_start3A_107] : memref<40x128xf32, #tpu.memory_space<vmem>> -> memref<40x128xf32, #tpu.memory_space<vmem>>
        %dma_start3A_109 = arith.constant 0 : i32
        %dma_start3A_110 = tpu.memref_slice %arg7[%add3A_75, %dma_start3A_109] : memref<5000x128xf32, #tpu.memory_space<vmem_shared>> -> memref<40x128xf32, #tpu.memory_space<vmem_shared>>
        %dma_start3A_111 = arith.constant 0 : i32
        %dma_start3A_112 = tpu.memref_slice %arg7[%add3A_75, %dma_start3A_111] : memref<5000x128xf32, #tpu.memory_space<vmem_shared>> -> memref<40x128xf32, #tpu.memory_space<vmem_shared>>
        %dma_start3A_113 = arith.constant 0 : i32
        %dma_start3A_114 = arith.constant 0 : i32
        %dma_start3A_115 = tpu.memref_slice %arg8[%dma_start3A_113, %dma_start3A_114] : memref<40x128xf32, #tpu.memory_space<vmem>> -> memref<40x128xf32, #tpu.memory_space<vmem>>
        tpu.enqueue_dma source(%dma_start3A_115 : memref<40x128xf32, #tpu.memory_space<vmem>>) target(%dma_start3A_112 : memref<40x128xf32, #tpu.memory_space<vmem_shared>>) target_semaphore(%run_scoped3A : memref<!tpu.dma_semaphore, #tpu.memory_space<semaphore_mem>>)
        %dma_wait3A_116 = arith.constant 0 : i32
        %dma_wait3A_117 = arith.constant 0 : i32
        %dma_wait3A_118 = tpu.memref_slice %arg8[%dma_wait3A_116, %dma_wait3A_117] : memref<40x128xf32, #tpu.memory_space<vmem>> -> memref<40x128xf32, #tpu.memory_space<vmem>>
        %dma_wait3A_119 = arith.constant 0 : i32
        %dma_wait3A_120 = tpu.memref_slice %arg7[%add3A_75, %dma_wait3A_119] : memref<5000x128xf32, #tpu.memory_space<vmem_shared>> -> memref<40x128xf32, #tpu.memory_space<vmem_shared>>
        %dma_wait3A_121 = arith.constant 0 : i32
        %dma_wait3A_122 = tpu.memref_slice %arg7[%add3A_75, %dma_wait3A_121] : memref<5000x128xf32, #tpu.memory_space<vmem_shared>> -> memref<40x128xf32, #tpu.memory_space<vmem_shared>>
        %dma_wait3A_123 = arith.constant 0 : i32
        %dma_wait3A_124 = arith.constant 0 : i32
        %dma_wait3A_125 = tpu.memref_slice %arg8[%dma_wait3A_123, %dma_wait3A_124] : memref<40x128xf32, #tpu.memory_space<vmem>> -> memref<40x128xf32, #tpu.memory_space<vmem>>
        tpu.wait_dma2 semaphore(%run_scoped3A : memref<!tpu.dma_semaphore, #tpu.memory_space<semaphore_mem>>) src(%dma_wait3A_125 : memref<40x128xf32, #tpu.memory_space<vmem>>) dst(%dma_wait3A_122 : memref<40x128xf32, #tpu.memory_space<vmem_shared>>)
        tpu.yield
      }) : () -> ()
      %add3A_76 = arith.constant 40 : i32
      %add3A_77 = arith.addi %mul3A_73, %add3A_76 : i32
      "tpu.region"() ({
        %run_scoped3A = tpu.sem_alloc : memref<!tpu.dma_semaphore, #tpu.memory_space<semaphore_mem>>
        %dma_start3A_106 = arith.constant 0 : i32
        %dma_start3A_107 = arith.constant 0 : i32
        %dma_start3A_108 = tpu.memref_slice %arg8[%dma_start3A_106, %dma_start3A_107] : memref<40x128xf32, #tpu.memory_space<vmem>> -> memref<40x128xf32, #tpu.memory_space<vmem>>
        %dma_start3A_109 = arith.constant 0 : i32
        %dma_start3A_110 = tpu.memref_slice %arg7[%add3A_77, %dma_start3A_109] : memref<5000x128xf32, #tpu.memory_space<vmem_shared>> -> memref<40x128xf32, #tpu.memory_space<vmem_shared>>
        %dma_start3A_111 = arith.constant 0 : i32
        %dma_start3A_112 = tpu.memref_slice %arg7[%add3A_77, %dma_start3A_111] : memref<5000x128xf32, #tpu.memory_space<vmem_shared>> -> memref<40x128xf32, #tpu.memory_space<vmem_shared>>
        %dma_start3A_113 = arith.constant 0 : i32
        %dma_start3A_114 = arith.constant 0 : i32
        %dma_start3A_115 = tpu.memref_slice %arg8[%dma_start3A_113, %dma_start3A_114] : memref<40x128xf32, #tpu.memory_space<vmem>> -> memref<40x128xf32, #tpu.memory_space<vmem>>
        tpu.enqueue_dma source(%dma_start3A_115 : memref<40x128xf32, #tpu.memory_space<vmem>>) target(%dma_start3A_112 : memref<40x128xf32, #tpu.memory_space<vmem_shared>>) target_semaphore(%run_scoped3A : memref<!tpu.dma_semaphore, #tpu.memory_space<semaphore_mem>>)
        %dma_wait3A_116 = arith.constant 0 : i32
        %dma_wait3A_117 = arith.constant 0 : i32
        %dma_wait3A_118 = tpu.memref_slice %arg8[%dma_wait3A_116, %dma_wait3A_117] : memref<40x128xf32, #tpu.memory_space<vmem>> -> memref<40x128xf32, #tpu.memory_space<vmem>>
        %dma_wait3A_119 = arith.constant 0 : i32
        %dma_wait3A_120 = tpu.memref_slice %arg7[%add3A_77, %dma_wait3A_119] : memref<5000x128xf32, #tpu.memory_space<vmem_shared>> -> memref<40x128xf32, #tpu.memory_space<vmem_shared>>
        %dma_wait3A_121 = arith.constant 0 : i32
        %dma_wait3A_122 = tpu.memref_slice %arg7[%add3A_77, %dma_wait3A_121] : memref<5000x128xf32, #tpu.memory_space<vmem_shared>> -> memref<40x128xf32, #tpu.memory_space<vmem_shared>>
        %dma_wait3A_123 = arith.constant 0 : i32
        %dma_wait3A_124 = arith.constant 0 : i32
        %dma_wait3A_125 = tpu.memref_slice %arg8[%dma_wait3A_123, %dma_wait3A_124] : memref<40x128xf32, #tpu.memory_space<vmem>> -> memref<40x128xf32, #tpu.memory_space<vmem>>
        tpu.wait_dma2 semaphore(%run_scoped3A : memref<!tpu.dma_semaphore, #tpu.memory_space<semaphore_mem>>) src(%dma_wait3A_125 : memref<40x128xf32, #tpu.memory_space<vmem>>) dst(%dma_wait3A_122 : memref<40x128xf32, #tpu.memory_space<vmem_shared>>)
        tpu.yield
      }) : () -> ()
      %add3A_78 = arith.constant 80 : i32
      %add3A_79 = arith.addi %mul3A_73, %add3A_78 : i32
      "tpu.region"() ({
        %run_scoped3A = tpu.sem_alloc : memref<!tpu.dma_semaphore, #tpu.memory_space<semaphore_mem>>
        %dma_start3A_106 = arith.constant 0 : i32
        %dma_start3A_107 = arith.constant 0 : i32
        %dma_start3A_108 = tpu.memref_slice %arg8[%dma_start3A_106, %dma_start3A_107] : memref<40x128xf32, #tpu.memory_space<vmem>> -> memref<40x128xf32, #tpu.memory_space<vmem>>
        %dma_start3A_109 = arith.constant 0 : i32
        %dma_start3A_110 = tpu.memref_slice %arg7[%add3A_79, %dma_start3A_109] : memref<5000x128xf32, #tpu.memory_space<vmem_shared>> -> memref<40x128xf32, #tpu.memory_space<vmem_shared>>
        %dma_start3A_111 = arith.constant 0 : i32
        %dma_start3A_112 = tpu.memref_slice %arg7[%add3A_79, %dma_start3A_111] : memref<5000x128xf32, #tpu.memory_space<vmem_shared>> -> memref<40x128xf32, #tpu.memory_space<vmem_shared>>
        %dma_start3A_113 = arith.constant 0 : i32
        %dma_start3A_114 = arith.constant 0 : i32
        %dma_start3A_115 = tpu.memref_slice %arg8[%dma_start3A_113, %dma_start3A_114] : memref<40x128xf32, #tpu.memory_space<vmem>> -> memref<40x128xf32, #tpu.memory_space<vmem>>
        tpu.enqueue_dma source(%dma_start3A_115 : memref<40x128xf32, #tpu.memory_space<vmem>>) target(%dma_start3A_112 : memref<40x128xf32, #tpu.memory_space<vmem_shared>>) target_semaphore(%run_scoped3A : memref<!tpu.dma_semaphore, #tpu.memory_space<semaphore_mem>>)
        %dma_wait3A_116 = arith.constant 0 : i32
        %dma_wait3A_117 = arith.constant 0 : i32
        %dma_wait3A_118 = tpu.memref_slice %arg8[%dma_wait3A_116, %dma_wait3A_117] : memref<40x128xf32, #tpu.memory_space<vmem>> -> memref<40x128xf32, #tpu.memory_space<vmem>>
        %dma_wait3A_119 = arith.constant 0 : i32
        %dma_wait3A_120 = tpu.memref_slice %arg7[%add3A_79, %dma_wait3A_119] : memref<5000x128xf32, #tpu.memory_space<vmem_shared>> -> memref<40x128xf32, #tpu.memory_space<vmem_shared>>
        %dma_wait3A_121 = arith.constant 0 : i32
        %dma_wait3A_122 = tpu.memref_slice %arg7[%add3A_79, %dma_wait3A_121] : memref<5000x128xf32, #tpu.memory_space<vmem_shared>> -> memref<40x128xf32, #tpu.memory_space<vmem_shared>>
        %dma_wait3A_123 = arith.constant 0 : i32
        %dma_wait3A_124 = arith.constant 0 : i32
        %dma_wait3A_125 = tpu.memref_slice %arg8[%dma_wait3A_123, %dma_wait3A_124] : memref<40x128xf32, #tpu.memory_space<vmem>> -> memref<40x128xf32, #tpu.memory_space<vmem>>
        tpu.wait_dma2 semaphore(%run_scoped3A : memref<!tpu.dma_semaphore, #tpu.memory_space<semaphore_mem>>) src(%dma_wait3A_125 : memref<40x128xf32, #tpu.memory_space<vmem>>) dst(%dma_wait3A_122 : memref<40x128xf32, #tpu.memory_space<vmem_shared>>)
        tpu.yield
      }) : () -> ()
      %add3A_80 = arith.constant 120 : i32
      %add3A_81 = arith.addi %mul3A_73, %add3A_80 : i32
      "tpu.region"() ({
        %run_scoped3A = tpu.sem_alloc : memref<!tpu.dma_semaphore, #tpu.memory_space<semaphore_mem>>
        %dma_start3A_106 = arith.constant 0 : i32
        %dma_start3A_107 = arith.constant 0 : i32
        %dma_start3A_108 = tpu.memref_slice %arg8[%dma_start3A_106, %dma_start3A_107] : memref<40x128xf32, #tpu.memory_space<vmem>> -> memref<40x128xf32, #tpu.memory_space<vmem>>
        %dma_start3A_109 = arith.constant 0 : i32
        %dma_start3A_110 = tpu.memref_slice %arg7[%add3A_81, %dma_start3A_109] : memref<5000x128xf32, #tpu.memory_space<vmem_shared>> -> memref<40x128xf32, #tpu.memory_space<vmem_shared>>
        %dma_start3A_111 = arith.constant 0 : i32
        %dma_start3A_112 = tpu.memref_slice %arg7[%add3A_81, %dma_start3A_111] : memref<5000x128xf32, #tpu.memory_space<vmem_shared>> -> memref<40x128xf32, #tpu.memory_space<vmem_shared>>
        %dma_start3A_113 = arith.constant 0 : i32
        %dma_start3A_114 = arith.constant 0 : i32
        %dma_start3A_115 = tpu.memref_slice %arg8[%dma_start3A_113, %dma_start3A_114] : memref<40x128xf32, #tpu.memory_space<vmem>> -> memref<40x128xf32, #tpu.memory_space<vmem>>
        tpu.enqueue_dma source(%dma_start3A_115 : memref<40x128xf32, #tpu.memory_space<vmem>>) target(%dma_start3A_112 : memref<40x128xf32, #tpu.memory_space<vmem_shared>>) target_semaphore(%run_scoped3A : memref<!tpu.dma_semaphore, #tpu.memory_space<semaphore_mem>>)
        %dma_wait3A_116 = arith.constant 0 : i32
        %dma_wait3A_117 = arith.constant 0 : i32
        %dma_wait3A_118 = tpu.memref_slice %arg8[%dma_wait3A_116, %dma_wait3A_117] : memref<40x128xf32, #tpu.memory_space<vmem>> -> memref<40x128xf32, #tpu.memory_space<vmem>>
        %dma_wait3A_119 = arith.constant 0 : i32
        %dma_wait3A_120 = tpu.memref_slice %arg7[%add3A_81, %dma_wait3A_119] : memref<5000x128xf32, #tpu.memory_space<vmem_shared>> -> memref<40x128xf32, #tpu.memory_space<vmem_shared>>
        %dma_wait3A_121 = arith.constant 0 : i32
        %dma_wait3A_122 = tpu.memref_slice %arg7[%add3A_81, %dma_wait3A_121] : memref<5000x128xf32, #tpu.memory_space<vmem_shared>> -> memref<40x128xf32, #tpu.memory_space<vmem_shared>>
        %dma_wait3A_123 = arith.constant 0 : i32
        %dma_wait3A_124 = arith.constant 0 : i32
        %dma_wait3A_125 = tpu.memref_slice %arg8[%dma_wait3A_123, %dma_wait3A_124] : memref<40x128xf32, #tpu.memory_space<vmem>> -> memref<40x128xf32, #tpu.memory_space<vmem>>
        tpu.wait_dma2 semaphore(%run_scoped3A : memref<!tpu.dma_semaphore, #tpu.memory_space<semaphore_mem>>) src(%dma_wait3A_125 : memref<40x128xf32, #tpu.memory_space<vmem>>) dst(%dma_wait3A_122 : memref<40x128xf32, #tpu.memory_space<vmem_shared>>)
        tpu.yield
      }) : () -> ()
      %add3A_82 = arith.constant 160 : i32
      %add3A_83 = arith.addi %mul3A_73, %add3A_82 : i32
      "tpu.region"() ({
        %run_scoped3A = tpu.sem_alloc : memref<!tpu.dma_semaphore, #tpu.memory_space<semaphore_mem>>
        %dma_start3A_106 = arith.constant 0 : i32
        %dma_start3A_107 = arith.constant 0 : i32
        %dma_start3A_108 = tpu.memref_slice %arg8[%dma_start3A_106, %dma_start3A_107] : memref<40x128xf32, #tpu.memory_space<vmem>> -> memref<40x128xf32, #tpu.memory_space<vmem>>
        %dma_start3A_109 = arith.constant 0 : i32
        %dma_start3A_110 = tpu.memref_slice %arg7[%add3A_83, %dma_start3A_109] : memref<5000x128xf32, #tpu.memory_space<vmem_shared>> -> memref<40x128xf32, #tpu.memory_space<vmem_shared>>
        %dma_start3A_111 = arith.constant 0 : i32
        %dma_start3A_112 = tpu.memref_slice %arg7[%add3A_83, %dma_start3A_111] : memref<5000x128xf32, #tpu.memory_space<vmem_shared>> -> memref<40x128xf32, #tpu.memory_space<vmem_shared>>
        %dma_start3A_113 = arith.constant 0 : i32
        %dma_start3A_114 = arith.constant 0 : i32
        %dma_start3A_115 = tpu.memref_slice %arg8[%dma_start3A_113, %dma_start3A_114] : memref<40x128xf32, #tpu.memory_space<vmem>> -> memref<40x128xf32, #tpu.memory_space<vmem>>
        tpu.enqueue_dma source(%dma_start3A_115 : memref<40x128xf32, #tpu.memory_space<vmem>>) target(%dma_start3A_112 : memref<40x128xf32, #tpu.memory_space<vmem_shared>>) target_semaphore(%run_scoped3A : memref<!tpu.dma_semaphore, #tpu.memory_space<semaphore_mem>>)
        %dma_wait3A_116 = arith.constant 0 : i32
        %dma_wait3A_117 = arith.constant 0 : i32
        %dma_wait3A_118 = tpu.memref_slice %arg8[%dma_wait3A_116, %dma_wait3A_117] : memref<40x128xf32, #tpu.memory_space<vmem>> -> memref<40x128xf32, #tpu.memory_space<vmem>>
        %dma_wait3A_119 = arith.constant 0 : i32
        %dma_wait3A_120 = tpu.memref_slice %arg7[%add3A_83, %dma_wait3A_119] : memref<5000x128xf32, #tpu.memory_space<vmem_shared>> -> memref<40x128xf32, #tpu.memory_space<vmem_shared>>
        %dma_wait3A_121 = arith.constant 0 : i32
        %dma_wait3A_122 = tpu.memref_slice %arg7[%add3A_83, %dma_wait3A_121] : memref<5000x128xf32, #tpu.memory_space<vmem_shared>> -> memref<40x128xf32, #tpu.memory_space<vmem_shared>>
        %dma_wait3A_123 = arith.constant 0 : i32
        %dma_wait3A_124 = arith.constant 0 : i32
        %dma_wait3A_125 = tpu.memref_slice %arg8[%dma_wait3A_123, %dma_wait3A_124] : memref<40x128xf32, #tpu.memory_space<vmem>> -> memref<40x128xf32, #tpu.memory_space<vmem>>
        tpu.wait_dma2 semaphore(%run_scoped3A : memref<!tpu.dma_semaphore, #tpu.memory_space<semaphore_mem>>) src(%dma_wait3A_125 : memref<40x128xf32, #tpu.memory_space<vmem>>) dst(%dma_wait3A_122 : memref<40x128xf32, #tpu.memory_space<vmem_shared>>)
        tpu.yield
      }) : () -> ()
      %add3A_84 = arith.constant 200 : i32
      %add3A_85 = arith.addi %mul3A_73, %add3A_84 : i32
      "tpu.region"() ({
        %run_scoped3A = tpu.sem_alloc : memref<!tpu.dma_semaphore, #tpu.memory_space<semaphore_mem>>
        %dma_start3A_106 = arith.constant 0 : i32
        %dma_start3A_107 = arith.constant 0 : i32
        %dma_start3A_108 = tpu.memref_slice %arg8[%dma_start3A_106, %dma_start3A_107] : memref<40x128xf32, #tpu.memory_space<vmem>> -> memref<40x128xf32, #tpu.memory_space<vmem>>
        %dma_start3A_109 = arith.constant 0 : i32
        %dma_start3A_110 = tpu.memref_slice %arg7[%add3A_85, %dma_start3A_109] : memref<5000x128xf32, #tpu.memory_space<vmem_shared>> -> memref<40x128xf32, #tpu.memory_space<vmem_shared>>
        %dma_start3A_111 = arith.constant 0 : i32
        %dma_start3A_112 = tpu.memref_slice %arg7[%add3A_85, %dma_start3A_111] : memref<5000x128xf32, #tpu.memory_space<vmem_shared>> -> memref<40x128xf32, #tpu.memory_space<vmem_shared>>
        %dma_start3A_113 = arith.constant 0 : i32
        %dma_start3A_114 = arith.constant 0 : i32
        %dma_start3A_115 = tpu.memref_slice %arg8[%dma_start3A_113, %dma_start3A_114] : memref<40x128xf32, #tpu.memory_space<vmem>> -> memref<40x128xf32, #tpu.memory_space<vmem>>
        tpu.enqueue_dma source(%dma_start3A_115 : memref<40x128xf32, #tpu.memory_space<vmem>>) target(%dma_start3A_112 : memref<40x128xf32, #tpu.memory_space<vmem_shared>>) target_semaphore(%run_scoped3A : memref<!tpu.dma_semaphore, #tpu.memory_space<semaphore_mem>>)
        %dma_wait3A_116 = arith.constant 0 : i32
        %dma_wait3A_117 = arith.constant 0 : i32
        %dma_wait3A_118 = tpu.memref_slice %arg8[%dma_wait3A_116, %dma_wait3A_117] : memref<40x128xf32, #tpu.memory_space<vmem>> -> memref<40x128xf32, #tpu.memory_space<vmem>>
        %dma_wait3A_119 = arith.constant 0 : i32
        %dma_wait3A_120 = tpu.memref_slice %arg7[%add3A_85, %dma_wait3A_119] : memref<5000x128xf32, #tpu.memory_space<vmem_shared>> -> memref<40x128xf32, #tpu.memory_space<vmem_shared>>
        %dma_wait3A_121 = arith.constant 0 : i32
        %dma_wait3A_122 = tpu.memref_slice %arg7[%add3A_85, %dma_wait3A_121] : memref<5000x128xf32, #tpu.memory_space<vmem_shared>> -> memref<40x128xf32, #tpu.memory_space<vmem_shared>>
        %dma_wait3A_123 = arith.constant 0 : i32
        %dma_wait3A_124 = arith.constant 0 : i32
        %dma_wait3A_125 = tpu.memref_slice %arg8[%dma_wait3A_123, %dma_wait3A_124] : memref<40x128xf32, #tpu.memory_space<vmem>> -> memref<40x128xf32, #tpu.memory_space<vmem>>
        tpu.wait_dma2 semaphore(%run_scoped3A : memref<!tpu.dma_semaphore, #tpu.memory_space<semaphore_mem>>) src(%dma_wait3A_125 : memref<40x128xf32, #tpu.memory_space<vmem>>) dst(%dma_wait3A_122 : memref<40x128xf32, #tpu.memory_space<vmem_shared>>)
        tpu.yield
      }) : () -> ()
      %add3A_86 = arith.constant 240 : i32
      %add3A_87 = arith.addi %mul3A_73, %add3A_86 : i32
      "tpu.region"() ({
        %run_scoped3A = tpu.sem_alloc : memref<!tpu.dma_semaphore, #tpu.memory_space<semaphore_mem>>
        %dma_start3A_106 = arith.constant 0 : i32
        %dma_start3A_107 = arith.constant 0 : i32
        %dma_start3A_108 = tpu.memref_slice %arg8[%dma_start3A_106, %dma_start3A_107] : memref<40x128xf32, #tpu.memory_space<vmem>> -> memref<40x128xf32, #tpu.memory_space<vmem>>
        %dma_start3A_109 = arith.constant 0 : i32
        %dma_start3A_110 = tpu.memref_slice %arg7[%add3A_87, %dma_start3A_109] : memref<5000x128xf32, #tpu.memory_space<vmem_shared>> -> memref<40x128xf32, #tpu.memory_space<vmem_shared>>
        %dma_start3A_111 = arith.constant 0 : i32
        %dma_start3A_112 = tpu.memref_slice %arg7[%add3A_87, %dma_start3A_111] : memref<5000x128xf32, #tpu.memory_space<vmem_shared>> -> memref<40x128xf32, #tpu.memory_space<vmem_shared>>
        %dma_start3A_113 = arith.constant 0 : i32
        %dma_start3A_114 = arith.constant 0 : i32
        %dma_start3A_115 = tpu.memref_slice %arg8[%dma_start3A_113, %dma_start3A_114] : memref<40x128xf32, #tpu.memory_space<vmem>> -> memref<40x128xf32, #tpu.memory_space<vmem>>
        tpu.enqueue_dma source(%dma_start3A_115 : memref<40x128xf32, #tpu.memory_space<vmem>>) target(%dma_start3A_112 : memref<40x128xf32, #tpu.memory_space<vmem_shared>>) target_semaphore(%run_scoped3A : memref<!tpu.dma_semaphore, #tpu.memory_space<semaphore_mem>>)
        %dma_wait3A_116 = arith.constant 0 : i32
        %dma_wait3A_117 = arith.constant 0 : i32
        %dma_wait3A_118 = tpu.memref_slice %arg8[%dma_wait3A_116, %dma_wait3A_117] : memref<40x128xf32, #tpu.memory_space<vmem>> -> memref<40x128xf32, #tpu.memory_space<vmem>>
        %dma_wait3A_119 = arith.constant 0 : i32
        %dma_wait3A_120 = tpu.memref_slice %arg7[%add3A_87, %dma_wait3A_119] : memref<5000x128xf32, #tpu.memory_space<vmem_shared>> -> memref<40x128xf32, #tpu.memory_space<vmem_shared>>
        %dma_wait3A_121 = arith.constant 0 : i32
        %dma_wait3A_122 = tpu.memref_slice %arg7[%add3A_87, %dma_wait3A_121] : memref<5000x128xf32, #tpu.memory_space<vmem_shared>> -> memref<40x128xf32, #tpu.memory_space<vmem_shared>>
        %dma_wait3A_123 = arith.constant 0 : i32
        %dma_wait3A_124 = arith.constant 0 : i32
        %dma_wait3A_125 = tpu.memref_slice %arg8[%dma_wait3A_123, %dma_wait3A_124] : memref<40x128xf32, #tpu.memory_space<vmem>> -> memref<40x128xf32, #tpu.memory_space<vmem>>
        tpu.wait_dma2 semaphore(%run_scoped3A : memref<!tpu.dma_semaphore, #tpu.memory_space<semaphore_mem>>) src(%dma_wait3A_125 : memref<40x128xf32, #tpu.memory_space<vmem>>) dst(%dma_wait3A_122 : memref<40x128xf32, #tpu.memory_space<vmem_shared>>)
        tpu.yield
      }) : () -> ()
      %add3A_88 = arith.constant 280 : i32
      %add3A_89 = arith.addi %mul3A_73, %add3A_88 : i32
      "tpu.region"() ({
        %run_scoped3A = tpu.sem_alloc : memref<!tpu.dma_semaphore, #tpu.memory_space<semaphore_mem>>
        %dma_start3A_106 = arith.constant 0 : i32
        %dma_start3A_107 = arith.constant 0 : i32
        %dma_start3A_108 = tpu.memref_slice %arg8[%dma_start3A_106, %dma_start3A_107] : memref<40x128xf32, #tpu.memory_space<vmem>> -> memref<40x128xf32, #tpu.memory_space<vmem>>
        %dma_start3A_109 = arith.constant 0 : i32
        %dma_start3A_110 = tpu.memref_slice %arg7[%add3A_89, %dma_start3A_109] : memref<5000x128xf32, #tpu.memory_space<vmem_shared>> -> memref<40x128xf32, #tpu.memory_space<vmem_shared>>
        %dma_start3A_111 = arith.constant 0 : i32
        %dma_start3A_112 = tpu.memref_slice %arg7[%add3A_89, %dma_start3A_111] : memref<5000x128xf32, #tpu.memory_space<vmem_shared>> -> memref<40x128xf32, #tpu.memory_space<vmem_shared>>
        %dma_start3A_113 = arith.constant 0 : i32
        %dma_start3A_114 = arith.constant 0 : i32
        %dma_start3A_115 = tpu.memref_slice %arg8[%dma_start3A_113, %dma_start3A_114] : memref<40x128xf32, #tpu.memory_space<vmem>> -> memref<40x128xf32, #tpu.memory_space<vmem>>
        tpu.enqueue_dma source(%dma_start3A_115 : memref<40x128xf32, #tpu.memory_space<vmem>>) target(%dma_start3A_112 : memref<40x128xf32, #tpu.memory_space<vmem_shared>>) target_semaphore(%run_scoped3A : memref<!tpu.dma_semaphore, #tpu.memory_space<semaphore_mem>>)
        %dma_wait3A_116 = arith.constant 0 : i32
        %dma_wait3A_117 = arith.constant 0 : i32
        %dma_wait3A_118 = tpu.memref_slice %arg8[%dma_wait3A_116, %dma_wait3A_117] : memref<40x128xf32, #tpu.memory_space<vmem>> -> memref<40x128xf32, #tpu.memory_space<vmem>>
        %dma_wait3A_119 = arith.constant 0 : i32
        %dma_wait3A_120 = tpu.memref_slice %arg7[%add3A_89, %dma_wait3A_119] : memref<5000x128xf32, #tpu.memory_space<vmem_shared>> -> memref<40x128xf32, #tpu.memory_space<vmem_shared>>
        %dma_wait3A_121 = arith.constant 0 : i32
        %dma_wait3A_122 = tpu.memref_slice %arg7[%add3A_89, %dma_wait3A_121] : memref<5000x128xf32, #tpu.memory_space<vmem_shared>> -> memref<40x128xf32, #tpu.memory_space<vmem_shared>>
        %dma_wait3A_123 = arith.constant 0 : i32
        %dma_wait3A_124 = arith.constant 0 : i32
        %dma_wait3A_125 = tpu.memref_slice %arg8[%dma_wait3A_123, %dma_wait3A_124] : memref<40x128xf32, #tpu.memory_space<vmem>> -> memref<40x128xf32, #tpu.memory_space<vmem>>
        tpu.wait_dma2 semaphore(%run_scoped3A : memref<!tpu.dma_semaphore, #tpu.memory_space<semaphore_mem>>) src(%dma_wait3A_125 : memref<40x128xf32, #tpu.memory_space<vmem>>) dst(%dma_wait3A_122 : memref<40x128xf32, #tpu.memory_space<vmem_shared>>)
        tpu.yield
      }) : () -> ()
      %add3A_90 = arith.constant 320 : i32
      %add3A_91 = arith.addi %mul3A_73, %add3A_90 : i32
      "tpu.region"() ({
        %run_scoped3A = tpu.sem_alloc : memref<!tpu.dma_semaphore, #tpu.memory_space<semaphore_mem>>
        %dma_start3A_106 = arith.constant 0 : i32
        %dma_start3A_107 = arith.constant 0 : i32
        %dma_start3A_108 = tpu.memref_slice %arg8[%dma_start3A_106, %dma_start3A_107] : memref<40x128xf32, #tpu.memory_space<vmem>> -> memref<40x128xf32, #tpu.memory_space<vmem>>
        %dma_start3A_109 = arith.constant 0 : i32
        %dma_start3A_110 = tpu.memref_slice %arg7[%add3A_91, %dma_start3A_109] : memref<5000x128xf32, #tpu.memory_space<vmem_shared>> -> memref<40x128xf32, #tpu.memory_space<vmem_shared>>
        %dma_start3A_111 = arith.constant 0 : i32
        %dma_start3A_112 = tpu.memref_slice %arg7[%add3A_91, %dma_start3A_111] : memref<5000x128xf32, #tpu.memory_space<vmem_shared>> -> memref<40x128xf32, #tpu.memory_space<vmem_shared>>
        %dma_start3A_113 = arith.constant 0 : i32
        %dma_start3A_114 = arith.constant 0 : i32
        %dma_start3A_115 = tpu.memref_slice %arg8[%dma_start3A_113, %dma_start3A_114] : memref<40x128xf32, #tpu.memory_space<vmem>> -> memref<40x128xf32, #tpu.memory_space<vmem>>
        tpu.enqueue_dma source(%dma_start3A_115 : memref<40x128xf32, #tpu.memory_space<vmem>>) target(%dma_start3A_112 : memref<40x128xf32, #tpu.memory_space<vmem_shared>>) target_semaphore(%run_scoped3A : memref<!tpu.dma_semaphore, #tpu.memory_space<semaphore_mem>>)
        %dma_wait3A_116 = arith.constant 0 : i32
        %dma_wait3A_117 = arith.constant 0 : i32
        %dma_wait3A_118 = tpu.memref_slice %arg8[%dma_wait3A_116, %dma_wait3A_117] : memref<40x128xf32, #tpu.memory_space<vmem>> -> memref<40x128xf32, #tpu.memory_space<vmem>>
        %dma_wait3A_119 = arith.constant 0 : i32
        %dma_wait3A_120 = tpu.memref_slice %arg7[%add3A_91, %dma_wait3A_119] : memref<5000x128xf32, #tpu.memory_space<vmem_shared>> -> memref<40x128xf32, #tpu.memory_space<vmem_shared>>
        %dma_wait3A_121 = arith.constant 0 : i32
        %dma_wait3A_122 = tpu.memref_slice %arg7[%add3A_91, %dma_wait3A_121] : memref<5000x128xf32, #tpu.memory_space<vmem_shared>> -> memref<40x128xf32, #tpu.memory_space<vmem_shared>>
        %dma_wait3A_123 = arith.constant 0 : i32
        %dma_wait3A_124 = arith.constant 0 : i32
        %dma_wait3A_125 = tpu.memref_slice %arg8[%dma_wait3A_123, %dma_wait3A_124] : memref<40x128xf32, #tpu.memory_space<vmem>> -> memref<40x128xf32, #tpu.memory_space<vmem>>
        tpu.wait_dma2 semaphore(%run_scoped3A : memref<!tpu.dma_semaphore, #tpu.memory_space<semaphore_mem>>) src(%dma_wait3A_125 : memref<40x128xf32, #tpu.memory_space<vmem>>) dst(%dma_wait3A_122 : memref<40x128xf32, #tpu.memory_space<vmem_shared>>)
        tpu.yield
      }) : () -> ()
      %add3A_92 = arith.constant 360 : i32
      %add3A_93 = arith.addi %mul3A_73, %add3A_92 : i32
      "tpu.region"() ({
        %run_scoped3A = tpu.sem_alloc : memref<!tpu.dma_semaphore, #tpu.memory_space<semaphore_mem>>
        %dma_start3A_106 = arith.constant 0 : i32
        %dma_start3A_107 = arith.constant 0 : i32
        %dma_start3A_108 = tpu.memref_slice %arg8[%dma_start3A_106, %dma_start3A_107] : memref<40x128xf32, #tpu.memory_space<vmem>> -> memref<40x128xf32, #tpu.memory_space<vmem>>
        %dma_start3A_109 = arith.constant 0 : i32
        %dma_start3A_110 = tpu.memref_slice %arg7[%add3A_93, %dma_start3A_109] : memref<5000x128xf32, #tpu.memory_space<vmem_shared>> -> memref<40x128xf32, #tpu.memory_space<vmem_shared>>
        %dma_start3A_111 = arith.constant 0 : i32
        %dma_start3A_112 = tpu.memref_slice %arg7[%add3A_93, %dma_start3A_111] : memref<5000x128xf32, #tpu.memory_space<vmem_shared>> -> memref<40x128xf32, #tpu.memory_space<vmem_shared>>
        %dma_start3A_113 = arith.constant 0 : i32
        %dma_start3A_114 = arith.constant 0 : i32
        %dma_start3A_115 = tpu.memref_slice %arg8[%dma_start3A_113, %dma_start3A_114] : memref<40x128xf32, #tpu.memory_space<vmem>> -> memref<40x128xf32, #tpu.memory_space<vmem>>
        tpu.enqueue_dma source(%dma_start3A_115 : memref<40x128xf32, #tpu.memory_space<vmem>>) target(%dma_start3A_112 : memref<40x128xf32, #tpu.memory_space<vmem_shared>>) target_semaphore(%run_scoped3A : memref<!tpu.dma_semaphore, #tpu.memory_space<semaphore_mem>>)
        %dma_wait3A_116 = arith.constant 0 : i32
        %dma_wait3A_117 = arith.constant 0 : i32
        %dma_wait3A_118 = tpu.memref_slice %arg8[%dma_wait3A_116, %dma_wait3A_117] : memref<40x128xf32, #tpu.memory_space<vmem>> -> memref<40x128xf32, #tpu.memory_space<vmem>>
        %dma_wait3A_119 = arith.constant 0 : i32
        %dma_wait3A_120 = tpu.memref_slice %arg7[%add3A_93, %dma_wait3A_119] : memref<5000x128xf32, #tpu.memory_space<vmem_shared>> -> memref<40x128xf32, #tpu.memory_space<vmem_shared>>
        %dma_wait3A_121 = arith.constant 0 : i32
        %dma_wait3A_122 = tpu.memref_slice %arg7[%add3A_93, %dma_wait3A_121] : memref<5000x128xf32, #tpu.memory_space<vmem_shared>> -> memref<40x128xf32, #tpu.memory_space<vmem_shared>>
        %dma_wait3A_123 = arith.constant 0 : i32
        %dma_wait3A_124 = arith.constant 0 : i32
        %dma_wait3A_125 = tpu.memref_slice %arg8[%dma_wait3A_123, %dma_wait3A_124] : memref<40x128xf32, #tpu.memory_space<vmem>> -> memref<40x128xf32, #tpu.memory_space<vmem>>
        tpu.wait_dma2 semaphore(%run_scoped3A : memref<!tpu.dma_semaphore, #tpu.memory_space<semaphore_mem>>) src(%dma_wait3A_125 : memref<40x128xf32, #tpu.memory_space<vmem>>) dst(%dma_wait3A_122 : memref<40x128xf32, #tpu.memory_space<vmem_shared>>)
        tpu.yield
      }) : () -> ()
      %add3A_94 = arith.constant 400 : i32
      %add3A_95 = arith.addi %mul3A_73, %add3A_94 : i32
      "tpu.region"() ({
        %run_scoped3A = tpu.sem_alloc : memref<!tpu.dma_semaphore, #tpu.memory_space<semaphore_mem>>
        %dma_start3A_106 = arith.constant 0 : i32
        %dma_start3A_107 = arith.constant 0 : i32
        %dma_start3A_108 = tpu.memref_slice %arg8[%dma_start3A_106, %dma_start3A_107] : memref<40x128xf32, #tpu.memory_space<vmem>> -> memref<40x128xf32, #tpu.memory_space<vmem>>
        %dma_start3A_109 = arith.constant 0 : i32
        %dma_start3A_110 = tpu.memref_slice %arg7[%add3A_95, %dma_start3A_109] : memref<5000x128xf32, #tpu.memory_space<vmem_shared>> -> memref<40x128xf32, #tpu.memory_space<vmem_shared>>
        %dma_start3A_111 = arith.constant 0 : i32
        %dma_start3A_112 = tpu.memref_slice %arg7[%add3A_95, %dma_start3A_111] : memref<5000x128xf32, #tpu.memory_space<vmem_shared>> -> memref<40x128xf32, #tpu.memory_space<vmem_shared>>
        %dma_start3A_113 = arith.constant 0 : i32
        %dma_start3A_114 = arith.constant 0 : i32
        %dma_start3A_115 = tpu.memref_slice %arg8[%dma_start3A_113, %dma_start3A_114] : memref<40x128xf32, #tpu.memory_space<vmem>> -> memref<40x128xf32, #tpu.memory_space<vmem>>
        tpu.enqueue_dma source(%dma_start3A_115 : memref<40x128xf32, #tpu.memory_space<vmem>>) target(%dma_start3A_112 : memref<40x128xf32, #tpu.memory_space<vmem_shared>>) target_semaphore(%run_scoped3A : memref<!tpu.dma_semaphore, #tpu.memory_space<semaphore_mem>>)
        %dma_wait3A_116 = arith.constant 0 : i32
        %dma_wait3A_117 = arith.constant 0 : i32
        %dma_wait3A_118 = tpu.memref_slice %arg8[%dma_wait3A_116, %dma_wait3A_117] : memref<40x128xf32, #tpu.memory_space<vmem>> -> memref<40x128xf32, #tpu.memory_space<vmem>>
        %dma_wait3A_119 = arith.constant 0 : i32
        %dma_wait3A_120 = tpu.memref_slice %arg7[%add3A_95, %dma_wait3A_119] : memref<5000x128xf32, #tpu.memory_space<vmem_shared>> -> memref<40x128xf32, #tpu.memory_space<vmem_shared>>
        %dma_wait3A_121 = arith.constant 0 : i32
        %dma_wait3A_122 = tpu.memref_slice %arg7[%add3A_95, %dma_wait3A_121] : memref<5000x128xf32, #tpu.memory_space<vmem_shared>> -> memref<40x128xf32, #tpu.memory_space<vmem_shared>>
        %dma_wait3A_123 = arith.constant 0 : i32
        %dma_wait3A_124 = arith.constant 0 : i32
        %dma_wait3A_125 = tpu.memref_slice %arg8[%dma_wait3A_123, %dma_wait3A_124] : memref<40x128xf32, #tpu.memory_space<vmem>> -> memref<40x128xf32, #tpu.memory_space<vmem>>
        tpu.wait_dma2 semaphore(%run_scoped3A : memref<!tpu.dma_semaphore, #tpu.memory_space<semaphore_mem>>) src(%dma_wait3A_125 : memref<40x128xf32, #tpu.memory_space<vmem>>) dst(%dma_wait3A_122 : memref<40x128xf32, #tpu.memory_space<vmem_shared>>)
        tpu.yield
      }) : () -> ()
      %add3A_96 = arith.constant 440 : i32
      %add3A_97 = arith.addi %mul3A_73, %add3A_96 : i32
      "tpu.region"() ({
        %run_scoped3A = tpu.sem_alloc : memref<!tpu.dma_semaphore, #tpu.memory_space<semaphore_mem>>
        %dma_start3A_106 = arith.constant 0 : i32
        %dma_start3A_107 = arith.constant 0 : i32
        %dma_start3A_108 = tpu.memref_slice %arg8[%dma_start3A_106, %dma_start3A_107] : memref<40x128xf32, #tpu.memory_space<vmem>> -> memref<40x128xf32, #tpu.memory_space<vmem>>
        %dma_start3A_109 = arith.constant 0 : i32
        %dma_start3A_110 = tpu.memref_slice %arg7[%add3A_97, %dma_start3A_109] : memref<5000x128xf32, #tpu.memory_space<vmem_shared>> -> memref<40x128xf32, #tpu.memory_space<vmem_shared>>
        %dma_start3A_111 = arith.constant 0 : i32
        %dma_start3A_112 = tpu.memref_slice %arg7[%add3A_97, %dma_start3A_111] : memref<5000x128xf32, #tpu.memory_space<vmem_shared>> -> memref<40x128xf32, #tpu.memory_space<vmem_shared>>
        %dma_start3A_113 = arith.constant 0 : i32
        %dma_start3A_114 = arith.constant 0 : i32
        %dma_start3A_115 = tpu.memref_slice %arg8[%dma_start3A_113, %dma_start3A_114] : memref<40x128xf32, #tpu.memory_space<vmem>> -> memref<40x128xf32, #tpu.memory_space<vmem>>
        tpu.enqueue_dma source(%dma_start3A_115 : memref<40x128xf32, #tpu.memory_space<vmem>>) target(%dma_start3A_112 : memref<40x128xf32, #tpu.memory_space<vmem_shared>>) target_semaphore(%run_scoped3A : memref<!tpu.dma_semaphore, #tpu.memory_space<semaphore_mem>>)
        %dma_wait3A_116 = arith.constant 0 : i32
        %dma_wait3A_117 = arith.constant 0 : i32
        %dma_wait3A_118 = tpu.memref_slice %arg8[%dma_wait3A_116, %dma_wait3A_117] : memref<40x128xf32, #tpu.memory_space<vmem>> -> memref<40x128xf32, #tpu.memory_space<vmem>>
        %dma_wait3A_119 = arith.constant 0 : i32
        %dma_wait3A_120 = tpu.memref_slice %arg7[%add3A_97, %dma_wait3A_119] : memref<5000x128xf32, #tpu.memory_space<vmem_shared>> -> memref<40x128xf32, #tpu.memory_space<vmem_shared>>
        %dma_wait3A_121 = arith.constant 0 : i32
        %dma_wait3A_122 = tpu.memref_slice %arg7[%add3A_97, %dma_wait3A_121] : memref<5000x128xf32, #tpu.memory_space<vmem_shared>> -> memref<40x128xf32, #tpu.memory_space<vmem_shared>>
        %dma_wait3A_123 = arith.constant 0 : i32
        %dma_wait3A_124 = arith.constant 0 : i32
        %dma_wait3A_125 = tpu.memref_slice %arg8[%dma_wait3A_123, %dma_wait3A_124] : memref<40x128xf32, #tpu.memory_space<vmem>> -> memref<40x128xf32, #tpu.memory_space<vmem>>
        tpu.wait_dma2 semaphore(%run_scoped3A : memref<!tpu.dma_semaphore, #tpu.memory_space<semaphore_mem>>) src(%dma_wait3A_125 : memref<40x128xf32, #tpu.memory_space<vmem>>) dst(%dma_wait3A_122 : memref<40x128xf32, #tpu.memory_space<vmem_shared>>)
        tpu.yield
      }) : () -> ()
      %add3A_98 = arith.constant 480 : i32
      %add3A_99 = arith.addi %mul3A_73, %add3A_98 : i32
      "tpu.region"() ({
        %run_scoped3A = tpu.sem_alloc : memref<!tpu.dma_semaphore, #tpu.memory_space<semaphore_mem>>
        %dma_start3A_106 = arith.constant 0 : i32
        %dma_start3A_107 = arith.constant 0 : i32
        %dma_start3A_108 = tpu.memref_slice %arg8[%dma_start3A_106, %dma_start3A_107] : memref<40x128xf32, #tpu.memory_space<vmem>> -> memref<40x128xf32, #tpu.memory_space<vmem>>
        %dma_start3A_109 = arith.constant 0 : i32
        %dma_start3A_110 = tpu.memref_slice %arg7[%add3A_99, %dma_start3A_109] : memref<5000x128xf32, #tpu.memory_space<vmem_shared>> -> memref<40x128xf32, #tpu.memory_space<vmem_shared>>
        %dma_start3A_111 = arith.constant 0 : i32
        %dma_start3A_112 = tpu.memref_slice %arg7[%add3A_99, %dma_start3A_111] : memref<5000x128xf32, #tpu.memory_space<vmem_shared>> -> memref<40x128xf32, #tpu.memory_space<vmem_shared>>
        %dma_start3A_113 = arith.constant 0 : i32
        %dma_start3A_114 = arith.constant 0 : i32
        %dma_start3A_115 = tpu.memref_slice %arg8[%dma_start3A_113, %dma_start3A_114] : memref<40x128xf32, #tpu.memory_space<vmem>> -> memref<40x128xf32, #tpu.memory_space<vmem>>
        tpu.enqueue_dma source(%dma_start3A_115 : memref<40x128xf32, #tpu.memory_space<vmem>>) target(%dma_start3A_112 : memref<40x128xf32, #tpu.memory_space<vmem_shared>>) target_semaphore(%run_scoped3A : memref<!tpu.dma_semaphore, #tpu.memory_space<semaphore_mem>>)
        %dma_wait3A_116 = arith.constant 0 : i32
        %dma_wait3A_117 = arith.constant 0 : i32
        %dma_wait3A_118 = tpu.memref_slice %arg8[%dma_wait3A_116, %dma_wait3A_117] : memref<40x128xf32, #tpu.memory_space<vmem>> -> memref<40x128xf32, #tpu.memory_space<vmem>>
        %dma_wait3A_119 = arith.constant 0 : i32
        %dma_wait3A_120 = tpu.memref_slice %arg7[%add3A_99, %dma_wait3A_119] : memref<5000x128xf32, #tpu.memory_space<vmem_shared>> -> memref<40x128xf32, #tpu.memory_space<vmem_shared>>
        %dma_wait3A_121 = arith.constant 0 : i32
        %dma_wait3A_122 = tpu.memref_slice %arg7[%add3A_99, %dma_wait3A_121] : memref<5000x128xf32, #tpu.memory_space<vmem_shared>> -> memref<40x128xf32, #tpu.memory_space<vmem_shared>>
        %dma_wait3A_123 = arith.constant 0 : i32
        %dma_wait3A_124 = arith.constant 0 : i32
        %dma_wait3A_125 = tpu.memref_slice %arg8[%dma_wait3A_123, %dma_wait3A_124] : memref<40x128xf32, #tpu.memory_space<vmem>> -> memref<40x128xf32, #tpu.memory_space<vmem>>
        tpu.wait_dma2 semaphore(%run_scoped3A : memref<!tpu.dma_semaphore, #tpu.memory_space<semaphore_mem>>) src(%dma_wait3A_125 : memref<40x128xf32, #tpu.memory_space<vmem>>) dst(%dma_wait3A_122 : memref<40x128xf32, #tpu.memory_space<vmem_shared>>)
        tpu.yield
      }) : () -> ()
      %add3A_100 = arith.constant 520 : i32
      %add3A_101 = arith.addi %mul3A_73, %add3A_100 : i32
      "tpu.region"() ({
        %run_scoped3A = tpu.sem_alloc : memref<!tpu.dma_semaphore, #tpu.memory_space<semaphore_mem>>
        %dma_start3A_106 = arith.constant 0 : i32
        %dma_start3A_107 = arith.constant 0 : i32
        %dma_start3A_108 = tpu.memref_slice %arg8[%dma_start3A_106, %dma_start3A_107] : memref<40x128xf32, #tpu.memory_space<vmem>> -> memref<40x128xf32, #tpu.memory_space<vmem>>
        %dma_start3A_109 = arith.constant 0 : i32
        %dma_start3A_110 = tpu.memref_slice %arg7[%add3A_101, %dma_start3A_109] : memref<5000x128xf32, #tpu.memory_space<vmem_shared>> -> memref<40x128xf32, #tpu.memory_space<vmem_shared>>
        %dma_start3A_111 = arith.constant 0 : i32
        %dma_start3A_112 = tpu.memref_slice %arg7[%add3A_101, %dma_start3A_111] : memref<5000x128xf32, #tpu.memory_space<vmem_shared>> -> memref<40x128xf32, #tpu.memory_space<vmem_shared>>
        %dma_start3A_113 = arith.constant 0 : i32
        %dma_start3A_114 = arith.constant 0 : i32
        %dma_start3A_115 = tpu.memref_slice %arg8[%dma_start3A_113, %dma_start3A_114] : memref<40x128xf32, #tpu.memory_space<vmem>> -> memref<40x128xf32, #tpu.memory_space<vmem>>
        tpu.enqueue_dma source(%dma_start3A_115 : memref<40x128xf32, #tpu.memory_space<vmem>>) target(%dma_start3A_112 : memref<40x128xf32, #tpu.memory_space<vmem_shared>>) target_semaphore(%run_scoped3A : memref<!tpu.dma_semaphore, #tpu.memory_space<semaphore_mem>>)
        %dma_wait3A_116 = arith.constant 0 : i32
        %dma_wait3A_117 = arith.constant 0 : i32
        %dma_wait3A_118 = tpu.memref_slice %arg8[%dma_wait3A_116, %dma_wait3A_117] : memref<40x128xf32, #tpu.memory_space<vmem>> -> memref<40x128xf32, #tpu.memory_space<vmem>>
        %dma_wait3A_119 = arith.constant 0 : i32
        %dma_wait3A_120 = tpu.memref_slice %arg7[%add3A_101, %dma_wait3A_119] : memref<5000x128xf32, #tpu.memory_space<vmem_shared>> -> memref<40x128xf32, #tpu.memory_space<vmem_shared>>
        %dma_wait3A_121 = arith.constant 0 : i32
        %dma_wait3A_122 = tpu.memref_slice %arg7[%add3A_101, %dma_wait3A_121] : memref<5000x128xf32, #tpu.memory_space<vmem_shared>> -> memref<40x128xf32, #tpu.memory_space<vmem_shared>>
        %dma_wait3A_123 = arith.constant 0 : i32
        %dma_wait3A_124 = arith.constant 0 : i32
        %dma_wait3A_125 = tpu.memref_slice %arg8[%dma_wait3A_123, %dma_wait3A_124] : memref<40x128xf32, #tpu.memory_space<vmem>> -> memref<40x128xf32, #tpu.memory_space<vmem>>
        tpu.wait_dma2 semaphore(%run_scoped3A : memref<!tpu.dma_semaphore, #tpu.memory_space<semaphore_mem>>) src(%dma_wait3A_125 : memref<40x128xf32, #tpu.memory_space<vmem>>) dst(%dma_wait3A_122 : memref<40x128xf32, #tpu.memory_space<vmem_shared>>)
        tpu.yield
      }) : () -> ()
      %add3A_102 = arith.constant 560 : i32
      %add3A_103 = arith.addi %mul3A_73, %add3A_102 : i32
      "tpu.region"() ({
        %run_scoped3A = tpu.sem_alloc : memref<!tpu.dma_semaphore, #tpu.memory_space<semaphore_mem>>
        %dma_start3A_106 = arith.constant 0 : i32
        %dma_start3A_107 = arith.constant 0 : i32
        %dma_start3A_108 = tpu.memref_slice %arg8[%dma_start3A_106, %dma_start3A_107] : memref<40x128xf32, #tpu.memory_space<vmem>> -> memref<40x128xf32, #tpu.memory_space<vmem>>
        %dma_start3A_109 = arith.constant 0 : i32
        %dma_start3A_110 = tpu.memref_slice %arg7[%add3A_103, %dma_start3A_109] : memref<5000x128xf32, #tpu.memory_space<vmem_shared>> -> memref<40x128xf32, #tpu.memory_space<vmem_shared>>
        %dma_start3A_111 = arith.constant 0 : i32
        %dma_start3A_112 = tpu.memref_slice %arg7[%add3A_103, %dma_start3A_111] : memref<5000x128xf32, #tpu.memory_space<vmem_shared>> -> memref<40x128xf32, #tpu.memory_space<vmem_shared>>
        %dma_start3A_113 = arith.constant 0 : i32
        %dma_start3A_114 = arith.constant 0 : i32
        %dma_start3A_115 = tpu.memref_slice %arg8[%dma_start3A_113, %dma_start3A_114] : memref<40x128xf32, #tpu.memory_space<vmem>> -> memref<40x128xf32, #tpu.memory_space<vmem>>
        tpu.enqueue_dma source(%dma_start3A_115 : memref<40x128xf32, #tpu.memory_space<vmem>>) target(%dma_start3A_112 : memref<40x128xf32, #tpu.memory_space<vmem_shared>>) target_semaphore(%run_scoped3A : memref<!tpu.dma_semaphore, #tpu.memory_space<semaphore_mem>>)
        %dma_wait3A_116 = arith.constant 0 : i32
        %dma_wait3A_117 = arith.constant 0 : i32
        %dma_wait3A_118 = tpu.memref_slice %arg8[%dma_wait3A_116, %dma_wait3A_117] : memref<40x128xf32, #tpu.memory_space<vmem>> -> memref<40x128xf32, #tpu.memory_space<vmem>>
        %dma_wait3A_119 = arith.constant 0 : i32
        %dma_wait3A_120 = tpu.memref_slice %arg7[%add3A_103, %dma_wait3A_119] : memref<5000x128xf32, #tpu.memory_space<vmem_shared>> -> memref<40x128xf32, #tpu.memory_space<vmem_shared>>
        %dma_wait3A_121 = arith.constant 0 : i32
        %dma_wait3A_122 = tpu.memref_slice %arg7[%add3A_103, %dma_wait3A_121] : memref<5000x128xf32, #tpu.memory_space<vmem_shared>> -> memref<40x128xf32, #tpu.memory_space<vmem_shared>>
        %dma_wait3A_123 = arith.constant 0 : i32
        %dma_wait3A_124 = arith.constant 0 : i32
        %dma_wait3A_125 = tpu.memref_slice %arg8[%dma_wait3A_123, %dma_wait3A_124] : memref<40x128xf32, #tpu.memory_space<vmem>> -> memref<40x128xf32, #tpu.memory_space<vmem>>
        tpu.wait_dma2 semaphore(%run_scoped3A : memref<!tpu.dma_semaphore, #tpu.memory_space<semaphore_mem>>) src(%dma_wait3A_125 : memref<40x128xf32, #tpu.memory_space<vmem>>) dst(%dma_wait3A_122 : memref<40x128xf32, #tpu.memory_space<vmem_shared>>)
        tpu.yield
      }) : () -> ()
      %add3A_104 = arith.constant 600 : i32
      %add3A_105 = arith.addi %mul3A_73, %add3A_104 : i32
      "tpu.region"() ({
        %run_scoped3A = tpu.sem_alloc : memref<!tpu.dma_semaphore, #tpu.memory_space<semaphore_mem>>
        %dma_start3A_106 = arith.constant 0 : i32
        %dma_start3A_107 = arith.constant 0 : i32
        %dma_start3A_108 = tpu.memref_slice %arg8[%dma_start3A_106, %dma_start3A_107] : memref<40x128xf32, #tpu.memory_space<vmem>> -> memref<32x128xf32, #tpu.memory_space<vmem>>
        %dma_start3A_109 = arith.constant 0 : i32
        %dma_start3A_110 = tpu.memref_slice %arg7[%add3A_105, %dma_start3A_109] : memref<5000x128xf32, #tpu.memory_space<vmem_shared>> -> memref<32x128xf32, #tpu.memory_space<vmem_shared>>
        %dma_start3A_111 = arith.constant 0 : i32
        %dma_start3A_112 = tpu.memref_slice %arg7[%add3A_105, %dma_start3A_111] : memref<5000x128xf32, #tpu.memory_space<vmem_shared>> -> memref<32x128xf32, #tpu.memory_space<vmem_shared>>
        %dma_start3A_113 = arith.constant 0 : i32
        %dma_start3A_114 = arith.constant 0 : i32
        %dma_start3A_115 = tpu.memref_slice %arg8[%dma_start3A_113, %dma_start3A_114] : memref<40x128xf32, #tpu.memory_space<vmem>> -> memref<32x128xf32, #tpu.memory_space<vmem>>
        tpu.enqueue_dma source(%dma_start3A_115 : memref<32x128xf32, #tpu.memory_space<vmem>>) target(%dma_start3A_112 : memref<32x128xf32, #tpu.memory_space<vmem_shared>>) target_semaphore(%run_scoped3A : memref<!tpu.dma_semaphore, #tpu.memory_space<semaphore_mem>>)
        %dma_wait3A_116 = arith.constant 0 : i32
        %dma_wait3A_117 = arith.constant 0 : i32
        %dma_wait3A_118 = tpu.memref_slice %arg8[%dma_wait3A_116, %dma_wait3A_117] : memref<40x128xf32, #tpu.memory_space<vmem>> -> memref<32x128xf32, #tpu.memory_space<vmem>>
        %dma_wait3A_119 = arith.constant 0 : i32
        %dma_wait3A_120 = tpu.memref_slice %arg7[%add3A_105, %dma_wait3A_119] : memref<5000x128xf32, #tpu.memory_space<vmem_shared>> -> memref<32x128xf32, #tpu.memory_space<vmem_shared>>
        %dma_wait3A_121 = arith.constant 0 : i32
        %dma_wait3A_122 = tpu.memref_slice %arg7[%add3A_105, %dma_wait3A_121] : memref<5000x128xf32, #tpu.memory_space<vmem_shared>> -> memref<32x128xf32, #tpu.memory_space<vmem_shared>>
        %dma_wait3A_123 = arith.constant 0 : i32
        %dma_wait3A_124 = arith.constant 0 : i32
        %dma_wait3A_125 = tpu.memref_slice %arg8[%dma_wait3A_123, %dma_wait3A_124] : memref<40x128xf32, #tpu.memory_space<vmem>> -> memref<32x128xf32, #tpu.memory_space<vmem>>
        tpu.wait_dma2 semaphore(%run_scoped3A : memref<!tpu.dma_semaphore, #tpu.memory_space<semaphore_mem>>) src(%dma_wait3A_125 : memref<32x128xf32, #tpu.memory_space<vmem>>) dst(%dma_wait3A_122 : memref<32x128xf32, #tpu.memory_space<vmem_shared>>)
        tpu.yield
      }) : () -> ()
    } else {
    }
    %eq3A = arith.constant 7 : i32
    %eq3A_4 = arith.cmpi eq, %arg1, %eq3A : i32
    %convert_element_type3A_5 = arith.extui %eq3A_4 : i1 to i32
    %cond3A_6 = arith.constant 0 : i32
    %cond3A_7 = arith.cmpi ne, %convert_element_type3A_5, %cond3A_6 : i32
    scf.if %cond3A_7 {
      "tpu.region"() ({
        %run_scoped3A = tpu.sem_alloc : memref<!tpu.dma_semaphore, #tpu.memory_space<semaphore_mem>>
        %dma_start3A_71 = arith.constant 0 : i32
        %dma_start3A_72 = arith.constant 0 : i32
        %dma_start3A_73 = tpu.memref_slice %arg8[%dma_start3A_71, %dma_start3A_72] : memref<40x128xf32, #tpu.memory_space<vmem>> -> memref<40x128xf32, #tpu.memory_space<vmem>>
        %dma_start3A_74 = arith.constant 4424 : i32
        %dma_start3A_75 = arith.constant 0 : i32
        %dma_start3A_76 = tpu.memref_slice %arg7[%dma_start3A_74, %dma_start3A_75] : memref<5000x128xf32, #tpu.memory_space<vmem_shared>> -> memref<40x128xf32, #tpu.memory_space<vmem_shared>>
        %dma_start3A_77 = arith.constant 4424 : i32
        %dma_start3A_78 = arith.constant 0 : i32
        %dma_start3A_79 = tpu.memref_slice %arg7[%dma_start3A_77, %dma_start3A_78] : memref<5000x128xf32, #tpu.memory_space<vmem_shared>> -> memref<40x128xf32, #tpu.memory_space<vmem_shared>>
        %dma_start3A_80 = arith.constant 0 : i32
        %dma_start3A_81 = arith.constant 0 : i32
        %dma_start3A_82 = tpu.memref_slice %arg8[%dma_start3A_80, %dma_start3A_81] : memref<40x128xf32, #tpu.memory_space<vmem>> -> memref<40x128xf32, #tpu.memory_space<vmem>>
        tpu.enqueue_dma source(%dma_start3A_82 : memref<40x128xf32, #tpu.memory_space<vmem>>) target(%dma_start3A_79 : memref<40x128xf32, #tpu.memory_space<vmem_shared>>) target_semaphore(%run_scoped3A : memref<!tpu.dma_semaphore, #tpu.memory_space<semaphore_mem>>)
        %dma_wait3A_83 = arith.constant 0 : i32
        %dma_wait3A_84 = arith.constant 0 : i32
        %dma_wait3A_85 = tpu.memref_slice %arg8[%dma_wait3A_83, %dma_wait3A_84] : memref<40x128xf32, #tpu.memory_space<vmem>> -> memref<40x128xf32, #tpu.memory_space<vmem>>
        %dma_wait3A_86 = arith.constant 4424 : i32
        %dma_wait3A_87 = arith.constant 0 : i32
        %dma_wait3A_88 = tpu.memref_slice %arg7[%dma_wait3A_86, %dma_wait3A_87] : memref<5000x128xf32, #tpu.memory_space<vmem_shared>> -> memref<40x128xf32, #tpu.memory_space<vmem_shared>>
        %dma_wait3A_89 = arith.constant 4424 : i32
        %dma_wait3A_90 = arith.constant 0 : i32
        %dma_wait3A_91 = tpu.memref_slice %arg7[%dma_wait3A_89, %dma_wait3A_90] : memref<5000x128xf32, #tpu.memory_space<vmem_shared>> -> memref<40x128xf32, #tpu.memory_space<vmem_shared>>
        %dma_wait3A_92 = arith.constant 0 : i32
        %dma_wait3A_93 = arith.constant 0 : i32
        %dma_wait3A_94 = tpu.memref_slice %arg8[%dma_wait3A_92, %dma_wait3A_93] : memref<40x128xf32, #tpu.memory_space<vmem>> -> memref<40x128xf32, #tpu.memory_space<vmem>>
        tpu.wait_dma2 semaphore(%run_scoped3A : memref<!tpu.dma_semaphore, #tpu.memory_space<semaphore_mem>>) src(%dma_wait3A_94 : memref<40x128xf32, #tpu.memory_space<vmem>>) dst(%dma_wait3A_91 : memref<40x128xf32, #tpu.memory_space<vmem_shared>>)
        tpu.yield
      }) : () -> ()
      "tpu.region"() ({
        %run_scoped3A = tpu.sem_alloc : memref<!tpu.dma_semaphore, #tpu.memory_space<semaphore_mem>>
        %dma_start3A_71 = arith.constant 0 : i32
        %dma_start3A_72 = arith.constant 0 : i32
        %dma_start3A_73 = tpu.memref_slice %arg8[%dma_start3A_71, %dma_start3A_72] : memref<40x128xf32, #tpu.memory_space<vmem>> -> memref<40x128xf32, #tpu.memory_space<vmem>>
        %dma_start3A_74 = arith.constant 4464 : i32
        %dma_start3A_75 = arith.constant 0 : i32
        %dma_start3A_76 = tpu.memref_slice %arg7[%dma_start3A_74, %dma_start3A_75] : memref<5000x128xf32, #tpu.memory_space<vmem_shared>> -> memref<40x128xf32, #tpu.memory_space<vmem_shared>>
        %dma_start3A_77 = arith.constant 4464 : i32
        %dma_start3A_78 = arith.constant 0 : i32
        %dma_start3A_79 = tpu.memref_slice %arg7[%dma_start3A_77, %dma_start3A_78] : memref<5000x128xf32, #tpu.memory_space<vmem_shared>> -> memref<40x128xf32, #tpu.memory_space<vmem_shared>>
        %dma_start3A_80 = arith.constant 0 : i32
        %dma_start3A_81 = arith.constant 0 : i32
        %dma_start3A_82 = tpu.memref_slice %arg8[%dma_start3A_80, %dma_start3A_81] : memref<40x128xf32, #tpu.memory_space<vmem>> -> memref<40x128xf32, #tpu.memory_space<vmem>>
        tpu.enqueue_dma source(%dma_start3A_82 : memref<40x128xf32, #tpu.memory_space<vmem>>) target(%dma_start3A_79 : memref<40x128xf32, #tpu.memory_space<vmem_shared>>) target_semaphore(%run_scoped3A : memref<!tpu.dma_semaphore, #tpu.memory_space<semaphore_mem>>)
        %dma_wait3A_83 = arith.constant 0 : i32
        %dma_wait3A_84 = arith.constant 0 : i32
        %dma_wait3A_85 = tpu.memref_slice %arg8[%dma_wait3A_83, %dma_wait3A_84] : memref<40x128xf32, #tpu.memory_space<vmem>> -> memref<40x128xf32, #tpu.memory_space<vmem>>
        %dma_wait3A_86 = arith.constant 4464 : i32
        %dma_wait3A_87 = arith.constant 0 : i32
        %dma_wait3A_88 = tpu.memref_slice %arg7[%dma_wait3A_86, %dma_wait3A_87] : memref<5000x128xf32, #tpu.memory_space<vmem_shared>> -> memref<40x128xf32, #tpu.memory_space<vmem_shared>>
        %dma_wait3A_89 = arith.constant 4464 : i32
        %dma_wait3A_90 = arith.constant 0 : i32
        %dma_wait3A_91 = tpu.memref_slice %arg7[%dma_wait3A_89, %dma_wait3A_90] : memref<5000x128xf32, #tpu.memory_space<vmem_shared>> -> memref<40x128xf32, #tpu.memory_space<vmem_shared>>
        %dma_wait3A_92 = arith.constant 0 : i32
        %dma_wait3A_93 = arith.constant 0 : i32
        %dma_wait3A_94 = tpu.memref_slice %arg8[%dma_wait3A_92, %dma_wait3A_93] : memref<40x128xf32, #tpu.memory_space<vmem>> -> memref<40x128xf32, #tpu.memory_space<vmem>>
        tpu.wait_dma2 semaphore(%run_scoped3A : memref<!tpu.dma_semaphore, #tpu.memory_space<semaphore_mem>>) src(%dma_wait3A_94 : memref<40x128xf32, #tpu.memory_space<vmem>>) dst(%dma_wait3A_91 : memref<40x128xf32, #tpu.memory_space<vmem_shared>>)
        tpu.yield
      }) : () -> ()
      "tpu.region"() ({
        %run_scoped3A = tpu.sem_alloc : memref<!tpu.dma_semaphore, #tpu.memory_space<semaphore_mem>>
        %dma_start3A_71 = arith.constant 0 : i32
        %dma_start3A_72 = arith.constant 0 : i32
        %dma_start3A_73 = tpu.memref_slice %arg8[%dma_start3A_71, %dma_start3A_72] : memref<40x128xf32, #tpu.memory_space<vmem>> -> memref<40x128xf32, #tpu.memory_space<vmem>>
        %dma_start3A_74 = arith.constant 4504 : i32
        %dma_start3A_75 = arith.constant 0 : i32
        %dma_start3A_76 = tpu.memref_slice %arg7[%dma_start3A_74, %dma_start3A_75] : memref<5000x128xf32, #tpu.memory_space<vmem_shared>> -> memref<40x128xf32, #tpu.memory_space<vmem_shared>>
        %dma_start3A_77 = arith.constant 4504 : i32
        %dma_start3A_78 = arith.constant 0 : i32
        %dma_start3A_79 = tpu.memref_slice %arg7[%dma_start3A_77, %dma_start3A_78] : memref<5000x128xf32, #tpu.memory_space<vmem_shared>> -> memref<40x128xf32, #tpu.memory_space<vmem_shared>>
        %dma_start3A_80 = arith.constant 0 : i32
        %dma_start3A_81 = arith.constant 0 : i32
        %dma_start3A_82 = tpu.memref_slice %arg8[%dma_start3A_80, %dma_start3A_81] : memref<40x128xf32, #tpu.memory_space<vmem>> -> memref<40x128xf32, #tpu.memory_space<vmem>>
        tpu.enqueue_dma source(%dma_start3A_82 : memref<40x128xf32, #tpu.memory_space<vmem>>) target(%dma_start3A_79 : memref<40x128xf32, #tpu.memory_space<vmem_shared>>) target_semaphore(%run_scoped3A : memref<!tpu.dma_semaphore, #tpu.memory_space<semaphore_mem>>)
        %dma_wait3A_83 = arith.constant 0 : i32
        %dma_wait3A_84 = arith.constant 0 : i32
        %dma_wait3A_85 = tpu.memref_slice %arg8[%dma_wait3A_83, %dma_wait3A_84] : memref<40x128xf32, #tpu.memory_space<vmem>> -> memref<40x128xf32, #tpu.memory_space<vmem>>
        %dma_wait3A_86 = arith.constant 4504 : i32
        %dma_wait3A_87 = arith.constant 0 : i32
        %dma_wait3A_88 = tpu.memref_slice %arg7[%dma_wait3A_86, %dma_wait3A_87] : memref<5000x128xf32, #tpu.memory_space<vmem_shared>> -> memref<40x128xf32, #tpu.memory_space<vmem_shared>>
        %dma_wait3A_89 = arith.constant 4504 : i32
        %dma_wait3A_90 = arith.constant 0 : i32
        %dma_wait3A_91 = tpu.memref_slice %arg7[%dma_wait3A_89, %dma_wait3A_90] : memref<5000x128xf32, #tpu.memory_space<vmem_shared>> -> memref<40x128xf32, #tpu.memory_space<vmem_shared>>
        %dma_wait3A_92 = arith.constant 0 : i32
        %dma_wait3A_93 = arith.constant 0 : i32
        %dma_wait3A_94 = tpu.memref_slice %arg8[%dma_wait3A_92, %dma_wait3A_93] : memref<40x128xf32, #tpu.memory_space<vmem>> -> memref<40x128xf32, #tpu.memory_space<vmem>>
        tpu.wait_dma2 semaphore(%run_scoped3A : memref<!tpu.dma_semaphore, #tpu.memory_space<semaphore_mem>>) src(%dma_wait3A_94 : memref<40x128xf32, #tpu.memory_space<vmem>>) dst(%dma_wait3A_91 : memref<40x128xf32, #tpu.memory_space<vmem_shared>>)
        tpu.yield
      }) : () -> ()
      "tpu.region"() ({
        %run_scoped3A = tpu.sem_alloc : memref<!tpu.dma_semaphore, #tpu.memory_space<semaphore_mem>>
        %dma_start3A_71 = arith.constant 0 : i32
        %dma_start3A_72 = arith.constant 0 : i32
        %dma_start3A_73 = tpu.memref_slice %arg8[%dma_start3A_71, %dma_start3A_72] : memref<40x128xf32, #tpu.memory_space<vmem>> -> memref<40x128xf32, #tpu.memory_space<vmem>>
        %dma_start3A_74 = arith.constant 4544 : i32
        %dma_start3A_75 = arith.constant 0 : i32
        %dma_start3A_76 = tpu.memref_slice %arg7[%dma_start3A_74, %dma_start3A_75] : memref<5000x128xf32, #tpu.memory_space<vmem_shared>> -> memref<40x128xf32, #tpu.memory_space<vmem_shared>>
        %dma_start3A_77 = arith.constant 4544 : i32
        %dma_start3A_78 = arith.constant 0 : i32
        %dma_start3A_79 = tpu.memref_slice %arg7[%dma_start3A_77, %dma_start3A_78] : memref<5000x128xf32, #tpu.memory_space<vmem_shared>> -> memref<40x128xf32, #tpu.memory_space<vmem_shared>>
        %dma_start3A_80 = arith.constant 0 : i32
        %dma_start3A_81 = arith.constant 0 : i32
        %dma_start3A_82 = tpu.memref_slice %arg8[%dma_start3A_80, %dma_start3A_81] : memref<40x128xf32, #tpu.memory_space<vmem>> -> memref<40x128xf32, #tpu.memory_space<vmem>>
        tpu.enqueue_dma source(%dma_start3A_82 : memref<40x128xf32, #tpu.memory_space<vmem>>) target(%dma_start3A_79 : memref<40x128xf32, #tpu.memory_space<vmem_shared>>) target_semaphore(%run_scoped3A : memref<!tpu.dma_semaphore, #tpu.memory_space<semaphore_mem>>)
        %dma_wait3A_83 = arith.constant 0 : i32
        %dma_wait3A_84 = arith.constant 0 : i32
        %dma_wait3A_85 = tpu.memref_slice %arg8[%dma_wait3A_83, %dma_wait3A_84] : memref<40x128xf32, #tpu.memory_space<vmem>> -> memref<40x128xf32, #tpu.memory_space<vmem>>
        %dma_wait3A_86 = arith.constant 4544 : i32
        %dma_wait3A_87 = arith.constant 0 : i32
        %dma_wait3A_88 = tpu.memref_slice %arg7[%dma_wait3A_86, %dma_wait3A_87] : memref<5000x128xf32, #tpu.memory_space<vmem_shared>> -> memref<40x128xf32, #tpu.memory_space<vmem_shared>>
        %dma_wait3A_89 = arith.constant 4544 : i32
        %dma_wait3A_90 = arith.constant 0 : i32
        %dma_wait3A_91 = tpu.memref_slice %arg7[%dma_wait3A_89, %dma_wait3A_90] : memref<5000x128xf32, #tpu.memory_space<vmem_shared>> -> memref<40x128xf32, #tpu.memory_space<vmem_shared>>
        %dma_wait3A_92 = arith.constant 0 : i32
        %dma_wait3A_93 = arith.constant 0 : i32
        %dma_wait3A_94 = tpu.memref_slice %arg8[%dma_wait3A_92, %dma_wait3A_93] : memref<40x128xf32, #tpu.memory_space<vmem>> -> memref<40x128xf32, #tpu.memory_space<vmem>>
        tpu.wait_dma2 semaphore(%run_scoped3A : memref<!tpu.dma_semaphore, #tpu.memory_space<semaphore_mem>>) src(%dma_wait3A_94 : memref<40x128xf32, #tpu.memory_space<vmem>>) dst(%dma_wait3A_91 : memref<40x128xf32, #tpu.memory_space<vmem_shared>>)
        tpu.yield
      }) : () -> ()
      "tpu.region"() ({
        %run_scoped3A = tpu.sem_alloc : memref<!tpu.dma_semaphore, #tpu.memory_space<semaphore_mem>>
        %dma_start3A_71 = arith.constant 0 : i32
        %dma_start3A_72 = arith.constant 0 : i32
        %dma_start3A_73 = tpu.memref_slice %arg8[%dma_start3A_71, %dma_start3A_72] : memref<40x128xf32, #tpu.memory_space<vmem>> -> memref<40x128xf32, #tpu.memory_space<vmem>>
        %dma_start3A_74 = arith.constant 4584 : i32
        %dma_start3A_75 = arith.constant 0 : i32
        %dma_start3A_76 = tpu.memref_slice %arg7[%dma_start3A_74, %dma_start3A_75] : memref<5000x128xf32, #tpu.memory_space<vmem_shared>> -> memref<40x128xf32, #tpu.memory_space<vmem_shared>>
        %dma_start3A_77 = arith.constant 4584 : i32
        %dma_start3A_78 = arith.constant 0 : i32
        %dma_start3A_79 = tpu.memref_slice %arg7[%dma_start3A_77, %dma_start3A_78] : memref<5000x128xf32, #tpu.memory_space<vmem_shared>> -> memref<40x128xf32, #tpu.memory_space<vmem_shared>>
        %dma_start3A_80 = arith.constant 0 : i32
        %dma_start3A_81 = arith.constant 0 : i32
        %dma_start3A_82 = tpu.memref_slice %arg8[%dma_start3A_80, %dma_start3A_81] : memref<40x128xf32, #tpu.memory_space<vmem>> -> memref<40x128xf32, #tpu.memory_space<vmem>>
        tpu.enqueue_dma source(%dma_start3A_82 : memref<40x128xf32, #tpu.memory_space<vmem>>) target(%dma_start3A_79 : memref<40x128xf32, #tpu.memory_space<vmem_shared>>) target_semaphore(%run_scoped3A : memref<!tpu.dma_semaphore, #tpu.memory_space<semaphore_mem>>)
        %dma_wait3A_83 = arith.constant 0 : i32
        %dma_wait3A_84 = arith.constant 0 : i32
        %dma_wait3A_85 = tpu.memref_slice %arg8[%dma_wait3A_83, %dma_wait3A_84] : memref<40x128xf32, #tpu.memory_space<vmem>> -> memref<40x128xf32, #tpu.memory_space<vmem>>
        %dma_wait3A_86 = arith.constant 4584 : i32
        %dma_wait3A_87 = arith.constant 0 : i32
        %dma_wait3A_88 = tpu.memref_slice %arg7[%dma_wait3A_86, %dma_wait3A_87] : memref<5000x128xf32, #tpu.memory_space<vmem_shared>> -> memref<40x128xf32, #tpu.memory_space<vmem_shared>>
        %dma_wait3A_89 = arith.constant 4584 : i32
        %dma_wait3A_90 = arith.constant 0 : i32
        %dma_wait3A_91 = tpu.memref_slice %arg7[%dma_wait3A_89, %dma_wait3A_90] : memref<5000x128xf32, #tpu.memory_space<vmem_shared>> -> memref<40x128xf32, #tpu.memory_space<vmem_shared>>
        %dma_wait3A_92 = arith.constant 0 : i32
        %dma_wait3A_93 = arith.constant 0 : i32
        %dma_wait3A_94 = tpu.memref_slice %arg8[%dma_wait3A_92, %dma_wait3A_93] : memref<40x128xf32, #tpu.memory_space<vmem>> -> memref<40x128xf32, #tpu.memory_space<vmem>>
        tpu.wait_dma2 semaphore(%run_scoped3A : memref<!tpu.dma_semaphore, #tpu.memory_space<semaphore_mem>>) src(%dma_wait3A_94 : memref<40x128xf32, #tpu.memory_space<vmem>>) dst(%dma_wait3A_91 : memref<40x128xf32, #tpu.memory_space<vmem_shared>>)
        tpu.yield
      }) : () -> ()
      "tpu.region"() ({
        %run_scoped3A = tpu.sem_alloc : memref<!tpu.dma_semaphore, #tpu.memory_space<semaphore_mem>>
        %dma_start3A_71 = arith.constant 0 : i32
        %dma_start3A_72 = arith.constant 0 : i32
        %dma_start3A_73 = tpu.memref_slice %arg8[%dma_start3A_71, %dma_start3A_72] : memref<40x128xf32, #tpu.memory_space<vmem>> -> memref<40x128xf32, #tpu.memory_space<vmem>>
        %dma_start3A_74 = arith.constant 4624 : i32
        %dma_start3A_75 = arith.constant 0 : i32
        %dma_start3A_76 = tpu.memref_slice %arg7[%dma_start3A_74, %dma_start3A_75] : memref<5000x128xf32, #tpu.memory_space<vmem_shared>> -> memref<40x128xf32, #tpu.memory_space<vmem_shared>>
        %dma_start3A_77 = arith.constant 4624 : i32
        %dma_start3A_78 = arith.constant 0 : i32
        %dma_start3A_79 = tpu.memref_slice %arg7[%dma_start3A_77, %dma_start3A_78] : memref<5000x128xf32, #tpu.memory_space<vmem_shared>> -> memref<40x128xf32, #tpu.memory_space<vmem_shared>>
        %dma_start3A_80 = arith.constant 0 : i32
        %dma_start3A_81 = arith.constant 0 : i32
        %dma_start3A_82 = tpu.memref_slice %arg8[%dma_start3A_80, %dma_start3A_81] : memref<40x128xf32, #tpu.memory_space<vmem>> -> memref<40x128xf32, #tpu.memory_space<vmem>>
        tpu.enqueue_dma source(%dma_start3A_82 : memref<40x128xf32, #tpu.memory_space<vmem>>) target(%dma_start3A_79 : memref<40x128xf32, #tpu.memory_space<vmem_shared>>) target_semaphore(%run_scoped3A : memref<!tpu.dma_semaphore, #tpu.memory_space<semaphore_mem>>)
        %dma_wait3A_83 = arith.constant 0 : i32
        %dma_wait3A_84 = arith.constant 0 : i32
        %dma_wait3A_85 = tpu.memref_slice %arg8[%dma_wait3A_83, %dma_wait3A_84] : memref<40x128xf32, #tpu.memory_space<vmem>> -> memref<40x128xf32, #tpu.memory_space<vmem>>
        %dma_wait3A_86 = arith.constant 4624 : i32
        %dma_wait3A_87 = arith.constant 0 : i32
        %dma_wait3A_88 = tpu.memref_slice %arg7[%dma_wait3A_86, %dma_wait3A_87] : memref<5000x128xf32, #tpu.memory_space<vmem_shared>> -> memref<40x128xf32, #tpu.memory_space<vmem_shared>>
        %dma_wait3A_89 = arith.constant 4624 : i32
        %dma_wait3A_90 = arith.constant 0 : i32
        %dma_wait3A_91 = tpu.memref_slice %arg7[%dma_wait3A_89, %dma_wait3A_90] : memref<5000x128xf32, #tpu.memory_space<vmem_shared>> -> memref<40x128xf32, #tpu.memory_space<vmem_shared>>
        %dma_wait3A_92 = arith.constant 0 : i32
        %dma_wait3A_93 = arith.constant 0 : i32
        %dma_wait3A_94 = tpu.memref_slice %arg8[%dma_wait3A_92, %dma_wait3A_93] : memref<40x128xf32, #tpu.memory_space<vmem>> -> memref<40x128xf32, #tpu.memory_space<vmem>>
        tpu.wait_dma2 semaphore(%run_scoped3A : memref<!tpu.dma_semaphore, #tpu.memory_space<semaphore_mem>>) src(%dma_wait3A_94 : memref<40x128xf32, #tpu.memory_space<vmem>>) dst(%dma_wait3A_91 : memref<40x128xf32, #tpu.memory_space<vmem_shared>>)
        tpu.yield
      }) : () -> ()
      "tpu.region"() ({
        %run_scoped3A = tpu.sem_alloc : memref<!tpu.dma_semaphore, #tpu.memory_space<semaphore_mem>>
        %dma_start3A_71 = arith.constant 0 : i32
        %dma_start3A_72 = arith.constant 0 : i32
        %dma_start3A_73 = tpu.memref_slice %arg8[%dma_start3A_71, %dma_start3A_72] : memref<40x128xf32, #tpu.memory_space<vmem>> -> memref<40x128xf32, #tpu.memory_space<vmem>>
        %dma_start3A_74 = arith.constant 4664 : i32
        %dma_start3A_75 = arith.constant 0 : i32
        %dma_start3A_76 = tpu.memref_slice %arg7[%dma_start3A_74, %dma_start3A_75] : memref<5000x128xf32, #tpu.memory_space<vmem_shared>> -> memref<40x128xf32, #tpu.memory_space<vmem_shared>>
        %dma_start3A_77 = arith.constant 4664 : i32
        %dma_start3A_78 = arith.constant 0 : i32
        %dma_start3A_79 = tpu.memref_slice %arg7[%dma_start3A_77, %dma_start3A_78] : memref<5000x128xf32, #tpu.memory_space<vmem_shared>> -> memref<40x128xf32, #tpu.memory_space<vmem_shared>>
        %dma_start3A_80 = arith.constant 0 : i32
        %dma_start3A_81 = arith.constant 0 : i32
        %dma_start3A_82 = tpu.memref_slice %arg8[%dma_start3A_80, %dma_start3A_81] : memref<40x128xf32, #tpu.memory_space<vmem>> -> memref<40x128xf32, #tpu.memory_space<vmem>>
        tpu.enqueue_dma source(%dma_start3A_82 : memref<40x128xf32, #tpu.memory_space<vmem>>) target(%dma_start3A_79 : memref<40x128xf32, #tpu.memory_space<vmem_shared>>) target_semaphore(%run_scoped3A : memref<!tpu.dma_semaphore, #tpu.memory_space<semaphore_mem>>)
        %dma_wait3A_83 = arith.constant 0 : i32
        %dma_wait3A_84 = arith.constant 0 : i32
        %dma_wait3A_85 = tpu.memref_slice %arg8[%dma_wait3A_83, %dma_wait3A_84] : memref<40x128xf32, #tpu.memory_space<vmem>> -> memref<40x128xf32, #tpu.memory_space<vmem>>
        %dma_wait3A_86 = arith.constant 4664 : i32
        %dma_wait3A_87 = arith.constant 0 : i32
        %dma_wait3A_88 = tpu.memref_slice %arg7[%dma_wait3A_86, %dma_wait3A_87] : memref<5000x128xf32, #tpu.memory_space<vmem_shared>> -> memref<40x128xf32, #tpu.memory_space<vmem_shared>>
        %dma_wait3A_89 = arith.constant 4664 : i32
        %dma_wait3A_90 = arith.constant 0 : i32
        %dma_wait3A_91 = tpu.memref_slice %arg7[%dma_wait3A_89, %dma_wait3A_90] : memref<5000x128xf32, #tpu.memory_space<vmem_shared>> -> memref<40x128xf32, #tpu.memory_space<vmem_shared>>
        %dma_wait3A_92 = arith.constant 0 : i32
        %dma_wait3A_93 = arith.constant 0 : i32
        %dma_wait3A_94 = tpu.memref_slice %arg8[%dma_wait3A_92, %dma_wait3A_93] : memref<40x128xf32, #tpu.memory_space<vmem>> -> memref<40x128xf32, #tpu.memory_space<vmem>>
        tpu.wait_dma2 semaphore(%run_scoped3A : memref<!tpu.dma_semaphore, #tpu.memory_space<semaphore_mem>>) src(%dma_wait3A_94 : memref<40x128xf32, #tpu.memory_space<vmem>>) dst(%dma_wait3A_91 : memref<40x128xf32, #tpu.memory_space<vmem_shared>>)
        tpu.yield
      }) : () -> ()
      "tpu.region"() ({
        %run_scoped3A = tpu.sem_alloc : memref<!tpu.dma_semaphore, #tpu.memory_space<semaphore_mem>>
        %dma_start3A_71 = arith.constant 0 : i32
        %dma_start3A_72 = arith.constant 0 : i32
        %dma_start3A_73 = tpu.memref_slice %arg8[%dma_start3A_71, %dma_start3A_72] : memref<40x128xf32, #tpu.memory_space<vmem>> -> memref<40x128xf32, #tpu.memory_space<vmem>>
        %dma_start3A_74 = arith.constant 4704 : i32
        %dma_start3A_75 = arith.constant 0 : i32
        %dma_start3A_76 = tpu.memref_slice %arg7[%dma_start3A_74, %dma_start3A_75] : memref<5000x128xf32, #tpu.memory_space<vmem_shared>> -> memref<40x128xf32, #tpu.memory_space<vmem_shared>>
        %dma_start3A_77 = arith.constant 4704 : i32
        %dma_start3A_78 = arith.constant 0 : i32
        %dma_start3A_79 = tpu.memref_slice %arg7[%dma_start3A_77, %dma_start3A_78] : memref<5000x128xf32, #tpu.memory_space<vmem_shared>> -> memref<40x128xf32, #tpu.memory_space<vmem_shared>>
        %dma_start3A_80 = arith.constant 0 : i32
        %dma_start3A_81 = arith.constant 0 : i32
        %dma_start3A_82 = tpu.memref_slice %arg8[%dma_start3A_80, %dma_start3A_81] : memref<40x128xf32, #tpu.memory_space<vmem>> -> memref<40x128xf32, #tpu.memory_space<vmem>>
        tpu.enqueue_dma source(%dma_start3A_82 : memref<40x128xf32, #tpu.memory_space<vmem>>) target(%dma_start3A_79 : memref<40x128xf32, #tpu.memory_space<vmem_shared>>) target_semaphore(%run_scoped3A : memref<!tpu.dma_semaphore, #tpu.memory_space<semaphore_mem>>)
        %dma_wait3A_83 = arith.constant 0 : i32
        %dma_wait3A_84 = arith.constant 0 : i32
        %dma_wait3A_85 = tpu.memref_slice %arg8[%dma_wait3A_83, %dma_wait3A_84] : memref<40x128xf32, #tpu.memory_space<vmem>> -> memref<40x128xf32, #tpu.memory_space<vmem>>
        %dma_wait3A_86 = arith.constant 4704 : i32
        %dma_wait3A_87 = arith.constant 0 : i32
        %dma_wait3A_88 = tpu.memref_slice %arg7[%dma_wait3A_86, %dma_wait3A_87] : memref<5000x128xf32, #tpu.memory_space<vmem_shared>> -> memref<40x128xf32, #tpu.memory_space<vmem_shared>>
        %dma_wait3A_89 = arith.constant 4704 : i32
        %dma_wait3A_90 = arith.constant 0 : i32
        %dma_wait3A_91 = tpu.memref_slice %arg7[%dma_wait3A_89, %dma_wait3A_90] : memref<5000x128xf32, #tpu.memory_space<vmem_shared>> -> memref<40x128xf32, #tpu.memory_space<vmem_shared>>
        %dma_wait3A_92 = arith.constant 0 : i32
        %dma_wait3A_93 = arith.constant 0 : i32
        %dma_wait3A_94 = tpu.memref_slice %arg8[%dma_wait3A_92, %dma_wait3A_93] : memref<40x128xf32, #tpu.memory_space<vmem>> -> memref<40x128xf32, #tpu.memory_space<vmem>>
        tpu.wait_dma2 semaphore(%run_scoped3A : memref<!tpu.dma_semaphore, #tpu.memory_space<semaphore_mem>>) src(%dma_wait3A_94 : memref<40x128xf32, #tpu.memory_space<vmem>>) dst(%dma_wait3A_91 : memref<40x128xf32, #tpu.memory_space<vmem_shared>>)
        tpu.yield
      }) : () -> ()
      "tpu.region"() ({
        %run_scoped3A = tpu.sem_alloc : memref<!tpu.dma_semaphore, #tpu.memory_space<semaphore_mem>>
        %dma_start3A_71 = arith.constant 0 : i32
        %dma_start3A_72 = arith.constant 0 : i32
        %dma_start3A_73 = tpu.memref_slice %arg8[%dma_start3A_71, %dma_start3A_72] : memref<40x128xf32, #tpu.memory_space<vmem>> -> memref<40x128xf32, #tpu.memory_space<vmem>>
        %dma_start3A_74 = arith.constant 4744 : i32
        %dma_start3A_75 = arith.constant 0 : i32
        %dma_start3A_76 = tpu.memref_slice %arg7[%dma_start3A_74, %dma_start3A_75] : memref<5000x128xf32, #tpu.memory_space<vmem_shared>> -> memref<40x128xf32, #tpu.memory_space<vmem_shared>>
        %dma_start3A_77 = arith.constant 4744 : i32
        %dma_start3A_78 = arith.constant 0 : i32
        %dma_start3A_79 = tpu.memref_slice %arg7[%dma_start3A_77, %dma_start3A_78] : memref<5000x128xf32, #tpu.memory_space<vmem_shared>> -> memref<40x128xf32, #tpu.memory_space<vmem_shared>>
        %dma_start3A_80 = arith.constant 0 : i32
        %dma_start3A_81 = arith.constant 0 : i32
        %dma_start3A_82 = tpu.memref_slice %arg8[%dma_start3A_80, %dma_start3A_81] : memref<40x128xf32, #tpu.memory_space<vmem>> -> memref<40x128xf32, #tpu.memory_space<vmem>>
        tpu.enqueue_dma source(%dma_start3A_82 : memref<40x128xf32, #tpu.memory_space<vmem>>) target(%dma_start3A_79 : memref<40x128xf32, #tpu.memory_space<vmem_shared>>) target_semaphore(%run_scoped3A : memref<!tpu.dma_semaphore, #tpu.memory_space<semaphore_mem>>)
        %dma_wait3A_83 = arith.constant 0 : i32
        %dma_wait3A_84 = arith.constant 0 : i32
        %dma_wait3A_85 = tpu.memref_slice %arg8[%dma_wait3A_83, %dma_wait3A_84] : memref<40x128xf32, #tpu.memory_space<vmem>> -> memref<40x128xf32, #tpu.memory_space<vmem>>
        %dma_wait3A_86 = arith.constant 4744 : i32
        %dma_wait3A_87 = arith.constant 0 : i32
        %dma_wait3A_88 = tpu.memref_slice %arg7[%dma_wait3A_86, %dma_wait3A_87] : memref<5000x128xf32, #tpu.memory_space<vmem_shared>> -> memref<40x128xf32, #tpu.memory_space<vmem_shared>>
        %dma_wait3A_89 = arith.constant 4744 : i32
        %dma_wait3A_90 = arith.constant 0 : i32
        %dma_wait3A_91 = tpu.memref_slice %arg7[%dma_wait3A_89, %dma_wait3A_90] : memref<5000x128xf32, #tpu.memory_space<vmem_shared>> -> memref<40x128xf32, #tpu.memory_space<vmem_shared>>
        %dma_wait3A_92 = arith.constant 0 : i32
        %dma_wait3A_93 = arith.constant 0 : i32
        %dma_wait3A_94 = tpu.memref_slice %arg8[%dma_wait3A_92, %dma_wait3A_93] : memref<40x128xf32, #tpu.memory_space<vmem>> -> memref<40x128xf32, #tpu.memory_space<vmem>>
        tpu.wait_dma2 semaphore(%run_scoped3A : memref<!tpu.dma_semaphore, #tpu.memory_space<semaphore_mem>>) src(%dma_wait3A_94 : memref<40x128xf32, #tpu.memory_space<vmem>>) dst(%dma_wait3A_91 : memref<40x128xf32, #tpu.memory_space<vmem_shared>>)
        tpu.yield
      }) : () -> ()
      "tpu.region"() ({
        %run_scoped3A = tpu.sem_alloc : memref<!tpu.dma_semaphore, #tpu.memory_space<semaphore_mem>>
        %dma_start3A_71 = arith.constant 0 : i32
        %dma_start3A_72 = arith.constant 0 : i32
        %dma_start3A_73 = tpu.memref_slice %arg8[%dma_start3A_71, %dma_start3A_72] : memref<40x128xf32, #tpu.memory_space<vmem>> -> memref<40x128xf32, #tpu.memory_space<vmem>>
        %dma_start3A_74 = arith.constant 4784 : i32
        %dma_start3A_75 = arith.constant 0 : i32
        %dma_start3A_76 = tpu.memref_slice %arg7[%dma_start3A_74, %dma_start3A_75] : memref<5000x128xf32, #tpu.memory_space<vmem_shared>> -> memref<40x128xf32, #tpu.memory_space<vmem_shared>>
        %dma_start3A_77 = arith.constant 4784 : i32
        %dma_start3A_78 = arith.constant 0 : i32
        %dma_start3A_79 = tpu.memref_slice %arg7[%dma_start3A_77, %dma_start3A_78] : memref<5000x128xf32, #tpu.memory_space<vmem_shared>> -> memref<40x128xf32, #tpu.memory_space<vmem_shared>>
        %dma_start3A_80 = arith.constant 0 : i32
        %dma_start3A_81 = arith.constant 0 : i32
        %dma_start3A_82 = tpu.memref_slice %arg8[%dma_start3A_80, %dma_start3A_81] : memref<40x128xf32, #tpu.memory_space<vmem>> -> memref<40x128xf32, #tpu.memory_space<vmem>>
        tpu.enqueue_dma source(%dma_start3A_82 : memref<40x128xf32, #tpu.memory_space<vmem>>) target(%dma_start3A_79 : memref<40x128xf32, #tpu.memory_space<vmem_shared>>) target_semaphore(%run_scoped3A : memref<!tpu.dma_semaphore, #tpu.memory_space<semaphore_mem>>)
        %dma_wait3A_83 = arith.constant 0 : i32
        %dma_wait3A_84 = arith.constant 0 : i32
        %dma_wait3A_85 = tpu.memref_slice %arg8[%dma_wait3A_83, %dma_wait3A_84] : memref<40x128xf32, #tpu.memory_space<vmem>> -> memref<40x128xf32, #tpu.memory_space<vmem>>
        %dma_wait3A_86 = arith.constant 4784 : i32
        %dma_wait3A_87 = arith.constant 0 : i32
        %dma_wait3A_88 = tpu.memref_slice %arg7[%dma_wait3A_86, %dma_wait3A_87] : memref<5000x128xf32, #tpu.memory_space<vmem_shared>> -> memref<40x128xf32, #tpu.memory_space<vmem_shared>>
        %dma_wait3A_89 = arith.constant 4784 : i32
        %dma_wait3A_90 = arith.constant 0 : i32
        %dma_wait3A_91 = tpu.memref_slice %arg7[%dma_wait3A_89, %dma_wait3A_90] : memref<5000x128xf32, #tpu.memory_space<vmem_shared>> -> memref<40x128xf32, #tpu.memory_space<vmem_shared>>
        %dma_wait3A_92 = arith.constant 0 : i32
        %dma_wait3A_93 = arith.constant 0 : i32
        %dma_wait3A_94 = tpu.memref_slice %arg8[%dma_wait3A_92, %dma_wait3A_93] : memref<40x128xf32, #tpu.memory_space<vmem>> -> memref<40x128xf32, #tpu.memory_space<vmem>>
        tpu.wait_dma2 semaphore(%run_scoped3A : memref<!tpu.dma_semaphore, #tpu.memory_space<semaphore_mem>>) src(%dma_wait3A_94 : memref<40x128xf32, #tpu.memory_space<vmem>>) dst(%dma_wait3A_91 : memref<40x128xf32, #tpu.memory_space<vmem_shared>>)
        tpu.yield
      }) : () -> ()
      "tpu.region"() ({
        %run_scoped3A = tpu.sem_alloc : memref<!tpu.dma_semaphore, #tpu.memory_space<semaphore_mem>>
        %dma_start3A_71 = arith.constant 0 : i32
        %dma_start3A_72 = arith.constant 0 : i32
        %dma_start3A_73 = tpu.memref_slice %arg8[%dma_start3A_71, %dma_start3A_72] : memref<40x128xf32, #tpu.memory_space<vmem>> -> memref<40x128xf32, #tpu.memory_space<vmem>>
        %dma_start3A_74 = arith.constant 4824 : i32
        %dma_start3A_75 = arith.constant 0 : i32
        %dma_start3A_76 = tpu.memref_slice %arg7[%dma_start3A_74, %dma_start3A_75] : memref<5000x128xf32, #tpu.memory_space<vmem_shared>> -> memref<40x128xf32, #tpu.memory_space<vmem_shared>>
        %dma_start3A_77 = arith.constant 4824 : i32
        %dma_start3A_78 = arith.constant 0 : i32
        %dma_start3A_79 = tpu.memref_slice %arg7[%dma_start3A_77, %dma_start3A_78] : memref<5000x128xf32, #tpu.memory_space<vmem_shared>> -> memref<40x128xf32, #tpu.memory_space<vmem_shared>>
        %dma_start3A_80 = arith.constant 0 : i32
        %dma_start3A_81 = arith.constant 0 : i32
        %dma_start3A_82 = tpu.memref_slice %arg8[%dma_start3A_80, %dma_start3A_81] : memref<40x128xf32, #tpu.memory_space<vmem>> -> memref<40x128xf32, #tpu.memory_space<vmem>>
        tpu.enqueue_dma source(%dma_start3A_82 : memref<40x128xf32, #tpu.memory_space<vmem>>) target(%dma_start3A_79 : memref<40x128xf32, #tpu.memory_space<vmem_shared>>) target_semaphore(%run_scoped3A : memref<!tpu.dma_semaphore, #tpu.memory_space<semaphore_mem>>)
        %dma_wait3A_83 = arith.constant 0 : i32
        %dma_wait3A_84 = arith.constant 0 : i32
        %dma_wait3A_85 = tpu.memref_slice %arg8[%dma_wait3A_83, %dma_wait3A_84] : memref<40x128xf32, #tpu.memory_space<vmem>> -> memref<40x128xf32, #tpu.memory_space<vmem>>
        %dma_wait3A_86 = arith.constant 4824 : i32
        %dma_wait3A_87 = arith.constant 0 : i32
        %dma_wait3A_88 = tpu.memref_slice %arg7[%dma_wait3A_86, %dma_wait3A_87] : memref<5000x128xf32, #tpu.memory_space<vmem_shared>> -> memref<40x128xf32, #tpu.memory_space<vmem_shared>>
        %dma_wait3A_89 = arith.constant 4824 : i32
        %dma_wait3A_90 = arith.constant 0 : i32
        %dma_wait3A_91 = tpu.memref_slice %arg7[%dma_wait3A_89, %dma_wait3A_90] : memref<5000x128xf32, #tpu.memory_space<vmem_shared>> -> memref<40x128xf32, #tpu.memory_space<vmem_shared>>
        %dma_wait3A_92 = arith.constant 0 : i32
        %dma_wait3A_93 = arith.constant 0 : i32
        %dma_wait3A_94 = tpu.memref_slice %arg8[%dma_wait3A_92, %dma_wait3A_93] : memref<40x128xf32, #tpu.memory_space<vmem>> -> memref<40x128xf32, #tpu.memory_space<vmem>>
        tpu.wait_dma2 semaphore(%run_scoped3A : memref<!tpu.dma_semaphore, #tpu.memory_space<semaphore_mem>>) src(%dma_wait3A_94 : memref<40x128xf32, #tpu.memory_space<vmem>>) dst(%dma_wait3A_91 : memref<40x128xf32, #tpu.memory_space<vmem_shared>>)
        tpu.yield
      }) : () -> ()
      "tpu.region"() ({
        %run_scoped3A = tpu.sem_alloc : memref<!tpu.dma_semaphore, #tpu.memory_space<semaphore_mem>>
        %dma_start3A_71 = arith.constant 0 : i32
        %dma_start3A_72 = arith.constant 0 : i32
        %dma_start3A_73 = tpu.memref_slice %arg8[%dma_start3A_71, %dma_start3A_72] : memref<40x128xf32, #tpu.memory_space<vmem>> -> memref<40x128xf32, #tpu.memory_space<vmem>>
        %dma_start3A_74 = arith.constant 4864 : i32
        %dma_start3A_75 = arith.constant 0 : i32
        %dma_start3A_76 = tpu.memref_slice %arg7[%dma_start3A_74, %dma_start3A_75] : memref<5000x128xf32, #tpu.memory_space<vmem_shared>> -> memref<40x128xf32, #tpu.memory_space<vmem_shared>>
        %dma_start3A_77 = arith.constant 4864 : i32
        %dma_start3A_78 = arith.constant 0 : i32
        %dma_start3A_79 = tpu.memref_slice %arg7[%dma_start3A_77, %dma_start3A_78] : memref<5000x128xf32, #tpu.memory_space<vmem_shared>> -> memref<40x128xf32, #tpu.memory_space<vmem_shared>>
        %dma_start3A_80 = arith.constant 0 : i32
        %dma_start3A_81 = arith.constant 0 : i32
        %dma_start3A_82 = tpu.memref_slice %arg8[%dma_start3A_80, %dma_start3A_81] : memref<40x128xf32, #tpu.memory_space<vmem>> -> memref<40x128xf32, #tpu.memory_space<vmem>>
        tpu.enqueue_dma source(%dma_start3A_82 : memref<40x128xf32, #tpu.memory_space<vmem>>) target(%dma_start3A_79 : memref<40x128xf32, #tpu.memory_space<vmem_shared>>) target_semaphore(%run_scoped3A : memref<!tpu.dma_semaphore, #tpu.memory_space<semaphore_mem>>)
        %dma_wait3A_83 = arith.constant 0 : i32
        %dma_wait3A_84 = arith.constant 0 : i32
        %dma_wait3A_85 = tpu.memref_slice %arg8[%dma_wait3A_83, %dma_wait3A_84] : memref<40x128xf32, #tpu.memory_space<vmem>> -> memref<40x128xf32, #tpu.memory_space<vmem>>
        %dma_wait3A_86 = arith.constant 4864 : i32
        %dma_wait3A_87 = arith.constant 0 : i32
        %dma_wait3A_88 = tpu.memref_slice %arg7[%dma_wait3A_86, %dma_wait3A_87] : memref<5000x128xf32, #tpu.memory_space<vmem_shared>> -> memref<40x128xf32, #tpu.memory_space<vmem_shared>>
        %dma_wait3A_89 = arith.constant 4864 : i32
        %dma_wait3A_90 = arith.constant 0 : i32
        %dma_wait3A_91 = tpu.memref_slice %arg7[%dma_wait3A_89, %dma_wait3A_90] : memref<5000x128xf32, #tpu.memory_space<vmem_shared>> -> memref<40x128xf32, #tpu.memory_space<vmem_shared>>
        %dma_wait3A_92 = arith.constant 0 : i32
        %dma_wait3A_93 = arith.constant 0 : i32
        %dma_wait3A_94 = tpu.memref_slice %arg8[%dma_wait3A_92, %dma_wait3A_93] : memref<40x128xf32, #tpu.memory_space<vmem>> -> memref<40x128xf32, #tpu.memory_space<vmem>>
        tpu.wait_dma2 semaphore(%run_scoped3A : memref<!tpu.dma_semaphore, #tpu.memory_space<semaphore_mem>>) src(%dma_wait3A_94 : memref<40x128xf32, #tpu.memory_space<vmem>>) dst(%dma_wait3A_91 : memref<40x128xf32, #tpu.memory_space<vmem_shared>>)
        tpu.yield
      }) : () -> ()
      "tpu.region"() ({
        %run_scoped3A = tpu.sem_alloc : memref<!tpu.dma_semaphore, #tpu.memory_space<semaphore_mem>>
        %dma_start3A_71 = arith.constant 0 : i32
        %dma_start3A_72 = arith.constant 0 : i32
        %dma_start3A_73 = tpu.memref_slice %arg8[%dma_start3A_71, %dma_start3A_72] : memref<40x128xf32, #tpu.memory_space<vmem>> -> memref<40x128xf32, #tpu.memory_space<vmem>>
        %dma_start3A_74 = arith.constant 4904 : i32
        %dma_start3A_75 = arith.constant 0 : i32
        %dma_start3A_76 = tpu.memref_slice %arg7[%dma_start3A_74, %dma_start3A_75] : memref<5000x128xf32, #tpu.memory_space<vmem_shared>> -> memref<40x128xf32, #tpu.memory_space<vmem_shared>>
        %dma_start3A_77 = arith.constant 4904 : i32
        %dma_start3A_78 = arith.constant 0 : i32
        %dma_start3A_79 = tpu.memref_slice %arg7[%dma_start3A_77, %dma_start3A_78] : memref<5000x128xf32, #tpu.memory_space<vmem_shared>> -> memref<40x128xf32, #tpu.memory_space<vmem_shared>>
        %dma_start3A_80 = arith.constant 0 : i32
        %dma_start3A_81 = arith.constant 0 : i32
        %dma_start3A_82 = tpu.memref_slice %arg8[%dma_start3A_80, %dma_start3A_81] : memref<40x128xf32, #tpu.memory_space<vmem>> -> memref<40x128xf32, #tpu.memory_space<vmem>>
        tpu.enqueue_dma source(%dma_start3A_82 : memref<40x128xf32, #tpu.memory_space<vmem>>) target(%dma_start3A_79 : memref<40x128xf32, #tpu.memory_space<vmem_shared>>) target_semaphore(%run_scoped3A : memref<!tpu.dma_semaphore, #tpu.memory_space<semaphore_mem>>)
        %dma_wait3A_83 = arith.constant 0 : i32
        %dma_wait3A_84 = arith.constant 0 : i32
        %dma_wait3A_85 = tpu.memref_slice %arg8[%dma_wait3A_83, %dma_wait3A_84] : memref<40x128xf32, #tpu.memory_space<vmem>> -> memref<40x128xf32, #tpu.memory_space<vmem>>
        %dma_wait3A_86 = arith.constant 4904 : i32
        %dma_wait3A_87 = arith.constant 0 : i32
        %dma_wait3A_88 = tpu.memref_slice %arg7[%dma_wait3A_86, %dma_wait3A_87] : memref<5000x128xf32, #tpu.memory_space<vmem_shared>> -> memref<40x128xf32, #tpu.memory_space<vmem_shared>>
        %dma_wait3A_89 = arith.constant 4904 : i32
        %dma_wait3A_90 = arith.constant 0 : i32
        %dma_wait3A_91 = tpu.memref_slice %arg7[%dma_wait3A_89, %dma_wait3A_90] : memref<5000x128xf32, #tpu.memory_space<vmem_shared>> -> memref<40x128xf32, #tpu.memory_space<vmem_shared>>
        %dma_wait3A_92 = arith.constant 0 : i32
        %dma_wait3A_93 = arith.constant 0 : i32
        %dma_wait3A_94 = tpu.memref_slice %arg8[%dma_wait3A_92, %dma_wait3A_93] : memref<40x128xf32, #tpu.memory_space<vmem>> -> memref<40x128xf32, #tpu.memory_space<vmem>>
        tpu.wait_dma2 semaphore(%run_scoped3A : memref<!tpu.dma_semaphore, #tpu.memory_space<semaphore_mem>>) src(%dma_wait3A_94 : memref<40x128xf32, #tpu.memory_space<vmem>>) dst(%dma_wait3A_91 : memref<40x128xf32, #tpu.memory_space<vmem_shared>>)
        tpu.yield
      }) : () -> ()
      "tpu.region"() ({
        %run_scoped3A = tpu.sem_alloc : memref<!tpu.dma_semaphore, #tpu.memory_space<semaphore_mem>>
        %dma_start3A_71 = arith.constant 0 : i32
        %dma_start3A_72 = arith.constant 0 : i32
        %dma_start3A_73 = tpu.memref_slice %arg8[%dma_start3A_71, %dma_start3A_72] : memref<40x128xf32, #tpu.memory_space<vmem>> -> memref<40x128xf32, #tpu.memory_space<vmem>>
        %dma_start3A_74 = arith.constant 4944 : i32
        %dma_start3A_75 = arith.constant 0 : i32
        %dma_start3A_76 = tpu.memref_slice %arg7[%dma_start3A_74, %dma_start3A_75] : memref<5000x128xf32, #tpu.memory_space<vmem_shared>> -> memref<40x128xf32, #tpu.memory_space<vmem_shared>>
        %dma_start3A_77 = arith.constant 4944 : i32
        %dma_start3A_78 = arith.constant 0 : i32
        %dma_start3A_79 = tpu.memref_slice %arg7[%dma_start3A_77, %dma_start3A_78] : memref<5000x128xf32, #tpu.memory_space<vmem_shared>> -> memref<40x128xf32, #tpu.memory_space<vmem_shared>>
        %dma_start3A_80 = arith.constant 0 : i32
        %dma_start3A_81 = arith.constant 0 : i32
        %dma_start3A_82 = tpu.memref_slice %arg8[%dma_start3A_80, %dma_start3A_81] : memref<40x128xf32, #tpu.memory_space<vmem>> -> memref<40x128xf32, #tpu.memory_space<vmem>>
        tpu.enqueue_dma source(%dma_start3A_82 : memref<40x128xf32, #tpu.memory_space<vmem>>) target(%dma_start3A_79 : memref<40x128xf32, #tpu.memory_space<vmem_shared>>) target_semaphore(%run_scoped3A : memref<!tpu.dma_semaphore, #tpu.memory_space<semaphore_mem>>)
        %dma_wait3A_83 = arith.constant 0 : i32
        %dma_wait3A_84 = arith.constant 0 : i32
        %dma_wait3A_85 = tpu.memref_slice %arg8[%dma_wait3A_83, %dma_wait3A_84] : memref<40x128xf32, #tpu.memory_space<vmem>> -> memref<40x128xf32, #tpu.memory_space<vmem>>
        %dma_wait3A_86 = arith.constant 4944 : i32
        %dma_wait3A_87 = arith.constant 0 : i32
        %dma_wait3A_88 = tpu.memref_slice %arg7[%dma_wait3A_86, %dma_wait3A_87] : memref<5000x128xf32, #tpu.memory_space<vmem_shared>> -> memref<40x128xf32, #tpu.memory_space<vmem_shared>>
        %dma_wait3A_89 = arith.constant 4944 : i32
        %dma_wait3A_90 = arith.constant 0 : i32
        %dma_wait3A_91 = tpu.memref_slice %arg7[%dma_wait3A_89, %dma_wait3A_90] : memref<5000x128xf32, #tpu.memory_space<vmem_shared>> -> memref<40x128xf32, #tpu.memory_space<vmem_shared>>
        %dma_wait3A_92 = arith.constant 0 : i32
        %dma_wait3A_93 = arith.constant 0 : i32
        %dma_wait3A_94 = tpu.memref_slice %arg8[%dma_wait3A_92, %dma_wait3A_93] : memref<40x128xf32, #tpu.memory_space<vmem>> -> memref<40x128xf32, #tpu.memory_space<vmem>>
        tpu.wait_dma2 semaphore(%run_scoped3A : memref<!tpu.dma_semaphore, #tpu.memory_space<semaphore_mem>>) src(%dma_wait3A_94 : memref<40x128xf32, #tpu.memory_space<vmem>>) dst(%dma_wait3A_91 : memref<40x128xf32, #tpu.memory_space<vmem_shared>>)
        tpu.yield
      }) : () -> ()
      "tpu.region"() ({
        %run_scoped3A = tpu.sem_alloc : memref<!tpu.dma_semaphore, #tpu.memory_space<semaphore_mem>>
        %dma_start3A_71 = arith.constant 0 : i32
        %dma_start3A_72 = arith.constant 0 : i32
        %dma_start3A_73 = tpu.memref_slice %arg8[%dma_start3A_71, %dma_start3A_72] : memref<40x128xf32, #tpu.memory_space<vmem>> -> memref<16x128xf32, #tpu.memory_space<vmem>>
        %dma_start3A_74 = arith.constant 4984 : i32
        %dma_start3A_75 = arith.constant 0 : i32
        %dma_start3A_76 = tpu.memref_slice %arg7[%dma_start3A_74, %dma_start3A_75] : memref<5000x128xf32, #tpu.memory_space<vmem_shared>> -> memref<16x128xf32, #tpu.memory_space<vmem_shared>>
        %dma_start3A_77 = arith.constant 4984 : i32
        %dma_start3A_78 = arith.constant 0 : i32
        %dma_start3A_79 = tpu.memref_slice %arg7[%dma_start3A_77, %dma_start3A_78] : memref<5000x128xf32, #tpu.memory_space<vmem_shared>> -> memref<16x128xf32, #tpu.memory_space<vmem_shared>>
        %dma_start3A_80 = arith.constant 0 : i32
        %dma_start3A_81 = arith.constant 0 : i32
        %dma_start3A_82 = tpu.memref_slice %arg8[%dma_start3A_80, %dma_start3A_81] : memref<40x128xf32, #tpu.memory_space<vmem>> -> memref<16x128xf32, #tpu.memory_space<vmem>>
        tpu.enqueue_dma source(%dma_start3A_82 : memref<16x128xf32, #tpu.memory_space<vmem>>) target(%dma_start3A_79 : memref<16x128xf32, #tpu.memory_space<vmem_shared>>) target_semaphore(%run_scoped3A : memref<!tpu.dma_semaphore, #tpu.memory_space<semaphore_mem>>)
        %dma_wait3A_83 = arith.constant 0 : i32
        %dma_wait3A_84 = arith.constant 0 : i32
        %dma_wait3A_85 = tpu.memref_slice %arg8[%dma_wait3A_83, %dma_wait3A_84] : memref<40x128xf32, #tpu.memory_space<vmem>> -> memref<16x128xf32, #tpu.memory_space<vmem>>
        %dma_wait3A_86 = arith.constant 4984 : i32
        %dma_wait3A_87 = arith.constant 0 : i32
        %dma_wait3A_88 = tpu.memref_slice %arg7[%dma_wait3A_86, %dma_wait3A_87] : memref<5000x128xf32, #tpu.memory_space<vmem_shared>> -> memref<16x128xf32, #tpu.memory_space<vmem_shared>>
        %dma_wait3A_89 = arith.constant 4984 : i32
        %dma_wait3A_90 = arith.constant 0 : i32
        %dma_wait3A_91 = tpu.memref_slice %arg7[%dma_wait3A_89, %dma_wait3A_90] : memref<5000x128xf32, #tpu.memory_space<vmem_shared>> -> memref<16x128xf32, #tpu.memory_space<vmem_shared>>
        %dma_wait3A_92 = arith.constant 0 : i32
        %dma_wait3A_93 = arith.constant 0 : i32
        %dma_wait3A_94 = tpu.memref_slice %arg8[%dma_wait3A_92, %dma_wait3A_93] : memref<40x128xf32, #tpu.memory_space<vmem>> -> memref<16x128xf32, #tpu.memory_space<vmem>>
        tpu.wait_dma2 semaphore(%run_scoped3A : memref<!tpu.dma_semaphore, #tpu.memory_space<semaphore_mem>>) src(%dma_wait3A_94 : memref<16x128xf32, #tpu.memory_space<vmem>>) dst(%dma_wait3A_91 : memref<16x128xf32, #tpu.memory_space<vmem_shared>>)
        tpu.yield
      }) : () -> ()
    } else {
    }
    %barrier3A = arith.constant 0 : index
    tpu.barrier barrier_id(%barrier3A)
    %mul3A_8 = arith.constant 10000 : i32
    %mul3A_9 = arith.muli %add3A, %mul3A_8 : i32
    %add3A_10 = arith.constant 0 : i32
    %add3A_11 = arith.addi %mul3A_9, %add3A_10 : i32
    "tpu.region"() ({
      %run_scoped3A = tpu.sem_alloc : memref<!tpu.dma_semaphore, #tpu.memory_space<semaphore_mem>>
      %dma_start3A_71 = tpu.memref_slice %arg3[%add3A_11] : memref<320000xi32, #tpu.memory_space<hbm>> -> memref<128xi32, #tpu.memory_space<hbm>>
      %dma_start3A_72 = tpu.memref_slice %arg3[%add3A_11] : memref<320000xi32, #tpu.memory_space<hbm>> -> memref<128xi32, #tpu.memory_space<hbm>>
      tpu.enqueue_dma source(%dma_start3A_72 : memref<128xi32, #tpu.memory_space<hbm>>) target(%arg9 : memref<128xi32, #tpu.memory_space<vmem>>) target_semaphore(%run_scoped3A : memref<!tpu.dma_semaphore, #tpu.memory_space<semaphore_mem>>)
      %dma_wait3A_73 = tpu.memref_slice %arg3[%add3A_11] : memref<320000xi32, #tpu.memory_space<hbm>> -> memref<128xi32, #tpu.memory_space<hbm>>
      %dma_wait3A_74 = tpu.memref_slice %arg3[%add3A_11] : memref<320000xi32, #tpu.memory_space<hbm>> -> memref<128xi32, #tpu.memory_space<hbm>>
      tpu.wait_dma2 semaphore(%run_scoped3A : memref<!tpu.dma_semaphore, #tpu.memory_space<semaphore_mem>>) src(%dma_wait3A_74 : memref<128xi32, #tpu.memory_space<hbm>>) dst(%arg9 : memref<128xi32, #tpu.memory_space<vmem>>)
      tpu.yield
    }) : () -> ()
    %add3A_12 = arith.constant 0 : i32
    %add3A_13 = arith.addi %mul3A_9, %add3A_12 : i32
    "tpu.region"() ({
      %run_scoped3A = tpu.sem_alloc : memref<!tpu.dma_semaphore, #tpu.memory_space<semaphore_mem>>
      %dma_start3A_71 = tpu.memref_slice %arg4[%add3A_13] : memref<320000xi32, #tpu.memory_space<hbm>> -> memref<128xi32, #tpu.memory_space<hbm>>
      %dma_start3A_72 = tpu.memref_slice %arg4[%add3A_13] : memref<320000xi32, #tpu.memory_space<hbm>> -> memref<128xi32, #tpu.memory_space<hbm>>
      tpu.enqueue_dma source(%dma_start3A_72 : memref<128xi32, #tpu.memory_space<hbm>>) target(%arg14 : memref<128xi32, #tpu.memory_space<vmem>>) target_semaphore(%run_scoped3A : memref<!tpu.dma_semaphore, #tpu.memory_space<semaphore_mem>>)
      %dma_wait3A_73 = tpu.memref_slice %arg4[%add3A_13] : memref<320000xi32, #tpu.memory_space<hbm>> -> memref<128xi32, #tpu.memory_space<hbm>>
      %dma_wait3A_74 = tpu.memref_slice %arg4[%add3A_13] : memref<320000xi32, #tpu.memory_space<hbm>> -> memref<128xi32, #tpu.memory_space<hbm>>
      tpu.wait_dma2 semaphore(%run_scoped3A : memref<!tpu.dma_semaphore, #tpu.memory_space<semaphore_mem>>) src(%dma_wait3A_74 : memref<128xi32, #tpu.memory_space<hbm>>) dst(%arg14 : memref<128xi32, #tpu.memory_space<vmem>>)
      tpu.yield
    }) : () -> ()
    %dma_start3A = arith.constant 0 : i32
    %dma_start3A_14 = arith.constant 0 : i32
    %dma_start3A_15 = tpu.memref_slice %arg2[%dma_start3A, %dma_start3A_14] : memref<10000x128xf32, #tpu.memory_space<hbm>> -> memref<10000x128xf32, #tpu.memory_space<hbm>>
    tpu.enqueue_indirect_dma source(%dma_start3A_15 : memref<10000x128xf32, #tpu.memory_space<hbm>>) target(%arg23 : memref<128x128xf32, #tpu.memory_space<vmem>>) offsets(%arg9 : memref<128xi32, #tpu.memory_space<vmem>>) semaphore(%arg28 : memref<!tpu.dma_semaphore, #tpu.memory_space<semaphore_mem>>)
    %add3A_16 = arith.constant 128 : i32
    %add3A_17 = arith.addi %mul3A_9, %add3A_16 : i32
    "tpu.region"() ({
      %run_scoped3A = tpu.sem_alloc : memref<!tpu.dma_semaphore, #tpu.memory_space<semaphore_mem>>
      %dma_start3A_71 = tpu.memref_slice %arg3[%add3A_17] : memref<320000xi32, #tpu.memory_space<hbm>> -> memref<128xi32, #tpu.memory_space<hbm>>
      %dma_start3A_72 = tpu.memref_slice %arg3[%add3A_17] : memref<320000xi32, #tpu.memory_space<hbm>> -> memref<128xi32, #tpu.memory_space<hbm>>
      tpu.enqueue_dma source(%dma_start3A_72 : memref<128xi32, #tpu.memory_space<hbm>>) target(%arg10 : memref<128xi32, #tpu.memory_space<vmem>>) target_semaphore(%run_scoped3A : memref<!tpu.dma_semaphore, #tpu.memory_space<semaphore_mem>>)
      %dma_wait3A_73 = tpu.memref_slice %arg3[%add3A_17] : memref<320000xi32, #tpu.memory_space<hbm>> -> memref<128xi32, #tpu.memory_space<hbm>>
      %dma_wait3A_74 = tpu.memref_slice %arg3[%add3A_17] : memref<320000xi32, #tpu.memory_space<hbm>> -> memref<128xi32, #tpu.memory_space<hbm>>
      tpu.wait_dma2 semaphore(%run_scoped3A : memref<!tpu.dma_semaphore, #tpu.memory_space<semaphore_mem>>) src(%dma_wait3A_74 : memref<128xi32, #tpu.memory_space<hbm>>) dst(%arg10 : memref<128xi32, #tpu.memory_space<vmem>>)
      tpu.yield
    }) : () -> ()
    %add3A_18 = arith.constant 128 : i32
    %add3A_19 = arith.addi %mul3A_9, %add3A_18 : i32
    "tpu.region"() ({
      %run_scoped3A = tpu.sem_alloc : memref<!tpu.dma_semaphore, #tpu.memory_space<semaphore_mem>>
      %dma_start3A_71 = tpu.memref_slice %arg4[%add3A_19] : memref<320000xi32, #tpu.memory_space<hbm>> -> memref<128xi32, #tpu.memory_space<hbm>>
      %dma_start3A_72 = tpu.memref_slice %arg4[%add3A_19] : memref<320000xi32, #tpu.memory_space<hbm>> -> memref<128xi32, #tpu.memory_space<hbm>>
      tpu.enqueue_dma source(%dma_start3A_72 : memref<128xi32, #tpu.memory_space<hbm>>) target(%arg15 : memref<128xi32, #tpu.memory_space<vmem>>) target_semaphore(%run_scoped3A : memref<!tpu.dma_semaphore, #tpu.memory_space<semaphore_mem>>)
      %dma_wait3A_73 = tpu.memref_slice %arg4[%add3A_19] : memref<320000xi32, #tpu.memory_space<hbm>> -> memref<128xi32, #tpu.memory_space<hbm>>
      %dma_wait3A_74 = tpu.memref_slice %arg4[%add3A_19] : memref<320000xi32, #tpu.memory_space<hbm>> -> memref<128xi32, #tpu.memory_space<hbm>>
      tpu.wait_dma2 semaphore(%run_scoped3A : memref<!tpu.dma_semaphore, #tpu.memory_space<semaphore_mem>>) src(%dma_wait3A_74 : memref<128xi32, #tpu.memory_space<hbm>>) dst(%arg15 : memref<128xi32, #tpu.memory_space<vmem>>)
      tpu.yield
    }) : () -> ()
    %dma_start3A_20 = arith.constant 0 : i32
    %dma_start3A_21 = arith.constant 0 : i32
    %dma_start3A_22 = tpu.memref_slice %arg2[%dma_start3A_20, %dma_start3A_21] : memref<10000x128xf32, #tpu.memory_space<hbm>> -> memref<10000x128xf32, #tpu.memory_space<hbm>>
    tpu.enqueue_indirect_dma source(%dma_start3A_22 : memref<10000x128xf32, #tpu.memory_space<hbm>>) target(%arg24 : memref<128x128xf32, #tpu.memory_space<vmem>>) offsets(%arg10 : memref<128xi32, #tpu.memory_space<vmem>>) semaphore(%arg29 : memref<!tpu.dma_semaphore, #tpu.memory_space<semaphore_mem>>)
    %add3A_23 = arith.constant 256 : i32
    %add3A_24 = arith.addi %mul3A_9, %add3A_23 : i32
    "tpu.region"() ({
      %run_scoped3A = tpu.sem_alloc : memref<!tpu.dma_semaphore, #tpu.memory_space<semaphore_mem>>
      %dma_start3A_71 = tpu.memref_slice %arg3[%add3A_24] : memref<320000xi32, #tpu.memory_space<hbm>> -> memref<128xi32, #tpu.memory_space<hbm>>
      %dma_start3A_72 = tpu.memref_slice %arg3[%add3A_24] : memref<320000xi32, #tpu.memory_space<hbm>> -> memref<128xi32, #tpu.memory_space<hbm>>
      tpu.enqueue_dma source(%dma_start3A_72 : memref<128xi32, #tpu.memory_space<hbm>>) target(%arg11 : memref<128xi32, #tpu.memory_space<vmem>>) target_semaphore(%run_scoped3A : memref<!tpu.dma_semaphore, #tpu.memory_space<semaphore_mem>>)
      %dma_wait3A_73 = tpu.memref_slice %arg3[%add3A_24] : memref<320000xi32, #tpu.memory_space<hbm>> -> memref<128xi32, #tpu.memory_space<hbm>>
      %dma_wait3A_74 = tpu.memref_slice %arg3[%add3A_24] : memref<320000xi32, #tpu.memory_space<hbm>> -> memref<128xi32, #tpu.memory_space<hbm>>
      tpu.wait_dma2 semaphore(%run_scoped3A : memref<!tpu.dma_semaphore, #tpu.memory_space<semaphore_mem>>) src(%dma_wait3A_74 : memref<128xi32, #tpu.memory_space<hbm>>) dst(%arg11 : memref<128xi32, #tpu.memory_space<vmem>>)
      tpu.yield
    }) : () -> ()
    %add3A_25 = arith.constant 256 : i32
    %add3A_26 = arith.addi %mul3A_9, %add3A_25 : i32
    "tpu.region"() ({
      %run_scoped3A = tpu.sem_alloc : memref<!tpu.dma_semaphore, #tpu.memory_space<semaphore_mem>>
      %dma_start3A_71 = tpu.memref_slice %arg4[%add3A_26] : memref<320000xi32, #tpu.memory_space<hbm>> -> memref<128xi32, #tpu.memory_space<hbm>>
      %dma_start3A_72 = tpu.memref_slice %arg4[%add3A_26] : memref<320000xi32, #tpu.memory_space<hbm>> -> memref<128xi32, #tpu.memory_space<hbm>>
      tpu.enqueue_dma source(%dma_start3A_72 : memref<128xi32, #tpu.memory_space<hbm>>) target(%arg16 : memref<128xi32, #tpu.memory_space<vmem>>) target_semaphore(%run_scoped3A : memref<!tpu.dma_semaphore, #tpu.memory_space<semaphore_mem>>)
      %dma_wait3A_73 = tpu.memref_slice %arg4[%add3A_26] : memref<320000xi32, #tpu.memory_space<hbm>> -> memref<128xi32, #tpu.memory_space<hbm>>
      %dma_wait3A_74 = tpu.memref_slice %arg4[%add3A_26] : memref<320000xi32, #tpu.memory_space<hbm>> -> memref<128xi32, #tpu.memory_space<hbm>>
      tpu.wait_dma2 semaphore(%run_scoped3A : memref<!tpu.dma_semaphore, #tpu.memory_space<semaphore_mem>>) src(%dma_wait3A_74 : memref<128xi32, #tpu.memory_space<hbm>>) dst(%arg16 : memref<128xi32, #tpu.memory_space<vmem>>)
      tpu.yield
    }) : () -> ()
    %dma_start3A_27 = arith.constant 0 : i32
    %dma_start3A_28 = arith.constant 0 : i32
    %dma_start3A_29 = tpu.memref_slice %arg2[%dma_start3A_27, %dma_start3A_28] : memref<10000x128xf32, #tpu.memory_space<hbm>> -> memref<10000x128xf32, #tpu.memory_space<hbm>>
    tpu.enqueue_indirect_dma source(%dma_start3A_29 : memref<10000x128xf32, #tpu.memory_space<hbm>>) target(%arg25 : memref<128x128xf32, #tpu.memory_space<vmem>>) offsets(%arg11 : memref<128xi32, #tpu.memory_space<vmem>>) semaphore(%arg30 : memref<!tpu.dma_semaphore, #tpu.memory_space<semaphore_mem>>)
    %scan3A = arith.constant 0 : i32
    %scan3A_30 = arith.constant 0 : i32
    %scan3A_31 = arith.constant 15 : i32
    %scan3A_32 = arith.addi %scan3A_30, %scan3A_31 : i32
    %scan3A_33 = arith.constant 1 : i32
    scf.for %scan3A_71 = %scan3A_30 to %scan3A_32 step %scan3A_33  : i32 {
      %mul3A_72 = arith.constant 5 : i32
      %mul3A_73 = arith.muli %mul3A_72, %scan3A_71 : i32
      %add3A_74 = arith.constant 0 : i32
      %add3A_75 = arith.addi %mul3A_73, %add3A_74 : i32
      %dma_wait3A_76 = arith.constant 0 : i32
      %dma_wait3A_77 = arith.constant 0 : i32
      %dma_wait3A_78 = tpu.memref_slice %arg2[%dma_wait3A_76, %dma_wait3A_77] : memref<10000x128xf32, #tpu.memory_space<hbm>> -> memref<10000x128xf32, #tpu.memory_space<hbm>>
      tpu.wait_indirect_dma semaphore(%arg28 : memref<!tpu.dma_semaphore, #tpu.memory_space<semaphore_mem>>) src(%dma_wait3A_78 : memref<10000x128xf32, #tpu.memory_space<hbm>>) dst(%arg23 : memref<128x128xf32, #tpu.memory_space<vmem>>)
      "tpu.region"() ({
        %run_scoped3A = tpu.sem_alloc : memref<!tpu.dma_semaphore, #tpu.memory_space<semaphore_mem>>
        %dma_start3A_142 = arith.constant 0 : i32
        %dma_start3A_143 = arith.constant 0 : i32
        %dma_start3A_144 = tpu.memref_slice %arg7[%dma_start3A_142, %dma_start3A_143] : memref<5000x128xf32, #tpu.memory_space<vmem_shared>> -> memref<5000x128xf32, #tpu.memory_space<vmem_shared>>
        tpu.enqueue_indirect_dma source(%arg23 : memref<128x128xf32, #tpu.memory_space<vmem>>) target(%dma_start3A_144 : memref<5000x128xf32, #tpu.memory_space<vmem_shared>>) offsets(%arg14 : memref<128xi32, #tpu.memory_space<vmem>>) semaphore(%run_scoped3A : memref<!tpu.dma_semaphore, #tpu.memory_space<semaphore_mem>>) {add = true}
        %dma_wait3A_145 = arith.constant 0 : i32
        %dma_wait3A_146 = arith.constant 0 : i32
        %dma_wait3A_147 = tpu.memref_slice %arg7[%dma_wait3A_145, %dma_wait3A_146] : memref<5000x128xf32, #tpu.memory_space<vmem_shared>> -> memref<5000x128xf32, #tpu.memory_space<vmem_shared>>
        tpu.wait_indirect_dma semaphore(%run_scoped3A : memref<!tpu.dma_semaphore, #tpu.memory_space<semaphore_mem>>) src(%arg23 : memref<128x128xf32, #tpu.memory_space<vmem>>) dst(%dma_wait3A_147 : memref<5000x128xf32, #tpu.memory_space<vmem_shared>>)
        tpu.yield
      }) : () -> ()
      %add3A_79 = arith.constant 3 : i32
      %add3A_80 = arith.addi %add3A_75, %add3A_79 : i32
      %lt3A_81 = arith.constant 78 : i32
      %lt3A_82 = arith.cmpi slt, %add3A_80, %lt3A_81 : i32
      %convert_element_type3A_83 = arith.extui %lt3A_82 : i1 to i32
      %cond3A_84 = arith.constant 0 : i32
      %cond3A_85 = arith.cmpi ne, %convert_element_type3A_83, %cond3A_84 : i32
      scf.if %cond3A_85 {
        %mul3A_142 = arith.constant 128 : i32
        %mul3A_143 = arith.muli %add3A_80, %mul3A_142 : i32
        %add3A_144 = arith.addi %mul3A_9, %mul3A_143 : i32
        "tpu.region"() ({
          %run_scoped3A = tpu.sem_alloc : memref<!tpu.dma_semaphore, #tpu.memory_space<semaphore_mem>>
          %dma_start3A_151 = tpu.memref_slice %arg3[%add3A_144] : memref<320000xi32, #tpu.memory_space<hbm>> -> memref<128xi32, #tpu.memory_space<hbm>>
          %dma_start3A_152 = tpu.memref_slice %arg3[%add3A_144] : memref<320000xi32, #tpu.memory_space<hbm>> -> memref<128xi32, #tpu.memory_space<hbm>>
          tpu.enqueue_dma source(%dma_start3A_152 : memref<128xi32, #tpu.memory_space<hbm>>) target(%arg12 : memref<128xi32, #tpu.memory_space<vmem>>) target_semaphore(%run_scoped3A : memref<!tpu.dma_semaphore, #tpu.memory_space<semaphore_mem>>)
          %dma_wait3A_153 = tpu.memref_slice %arg3[%add3A_144] : memref<320000xi32, #tpu.memory_space<hbm>> -> memref<128xi32, #tpu.memory_space<hbm>>
          %dma_wait3A_154 = tpu.memref_slice %arg3[%add3A_144] : memref<320000xi32, #tpu.memory_space<hbm>> -> memref<128xi32, #tpu.memory_space<hbm>>
          tpu.wait_dma2 semaphore(%run_scoped3A : memref<!tpu.dma_semaphore, #tpu.memory_space<semaphore_mem>>) src(%dma_wait3A_154 : memref<128xi32, #tpu.memory_space<hbm>>) dst(%arg12 : memref<128xi32, #tpu.memory_space<vmem>>)
          tpu.yield
        }) : () -> ()
        %mul3A_145 = arith.constant 128 : i32
        %mul3A_146 = arith.muli %add3A_80, %mul3A_145 : i32
        %add3A_147 = arith.addi %mul3A_9, %mul3A_146 : i32
        "tpu.region"() ({
          %run_scoped3A = tpu.sem_alloc : memref<!tpu.dma_semaphore, #tpu.memory_space<semaphore_mem>>
          %dma_start3A_151 = tpu.memref_slice %arg4[%add3A_147] : memref<320000xi32, #tpu.memory_space<hbm>> -> memref<128xi32, #tpu.memory_space<hbm>>
          %dma_start3A_152 = tpu.memref_slice %arg4[%add3A_147] : memref<320000xi32, #tpu.memory_space<hbm>> -> memref<128xi32, #tpu.memory_space<hbm>>
          tpu.enqueue_dma source(%dma_start3A_152 : memref<128xi32, #tpu.memory_space<hbm>>) target(%arg17 : memref<128xi32, #tpu.memory_space<vmem>>) target_semaphore(%run_scoped3A : memref<!tpu.dma_semaphore, #tpu.memory_space<semaphore_mem>>)
          %dma_wait3A_153 = tpu.memref_slice %arg4[%add3A_147] : memref<320000xi32, #tpu.memory_space<hbm>> -> memref<128xi32, #tpu.memory_space<hbm>>
          %dma_wait3A_154 = tpu.memref_slice %arg4[%add3A_147] : memref<320000xi32, #tpu.memory_space<hbm>> -> memref<128xi32, #tpu.memory_space<hbm>>
          tpu.wait_dma2 semaphore(%run_scoped3A : memref<!tpu.dma_semaphore, #tpu.memory_space<semaphore_mem>>) src(%dma_wait3A_154 : memref<128xi32, #tpu.memory_space<hbm>>) dst(%arg17 : memref<128xi32, #tpu.memory_space<vmem>>)
          tpu.yield
        }) : () -> ()
        %dma_start3A_148 = arith.constant 0 : i32
        %dma_start3A_149 = arith.constant 0 : i32
        %dma_start3A_150 = tpu.memref_slice %arg2[%dma_start3A_148, %dma_start3A_149] : memref<10000x128xf32, #tpu.memory_space<hbm>> -> memref<10000x128xf32, #tpu.memory_space<hbm>>
        tpu.enqueue_indirect_dma source(%dma_start3A_150 : memref<10000x128xf32, #tpu.memory_space<hbm>>) target(%arg26 : memref<128x128xf32, #tpu.memory_space<vmem>>) offsets(%arg12 : memref<128xi32, #tpu.memory_space<vmem>>) semaphore(%arg31 : memref<!tpu.dma_semaphore, #tpu.memory_space<semaphore_mem>>)
      } else {
      }
      %mul3A_86 = arith.constant 5 : i32
      %mul3A_87 = arith.muli %mul3A_86, %scan3A_71 : i32
      %add3A_88 = arith.constant 1 : i32
      %add3A_89 = arith.addi %mul3A_87, %add3A_88 : i32
      %dma_wait3A_90 = arith.constant 0 : i32
      %dma_wait3A_91 = arith.constant 0 : i32
      %dma_wait3A_92 = tpu.memref_slice %arg2[%dma_wait3A_90, %dma_wait3A_91] : memref<10000x128xf32, #tpu.memory_space<hbm>> -> memref<10000x128xf32, #tpu.memory_space<hbm>>
      tpu.wait_indirect_dma semaphore(%arg29 : memref<!tpu.dma_semaphore, #tpu.memory_space<semaphore_mem>>) src(%dma_wait3A_92 : memref<10000x128xf32, #tpu.memory_space<hbm>>) dst(%arg24 : memref<128x128xf32, #tpu.memory_space<vmem>>)
      "tpu.region"() ({
        %run_scoped3A = tpu.sem_alloc : memref<!tpu.dma_semaphore, #tpu.memory_space<semaphore_mem>>
        %dma_start3A_142 = arith.constant 0 : i32
        %dma_start3A_143 = arith.constant 0 : i32
        %dma_start3A_144 = tpu.memref_slice %arg7[%dma_start3A_142, %dma_start3A_143] : memref<5000x128xf32, #tpu.memory_space<vmem_shared>> -> memref<5000x128xf32, #tpu.memory_space<vmem_shared>>
        tpu.enqueue_indirect_dma source(%arg24 : memref<128x128xf32, #tpu.memory_space<vmem>>) target(%dma_start3A_144 : memref<5000x128xf32, #tpu.memory_space<vmem_shared>>) offsets(%arg15 : memref<128xi32, #tpu.memory_space<vmem>>) semaphore(%run_scoped3A : memref<!tpu.dma_semaphore, #tpu.memory_space<semaphore_mem>>) {add = true}
        %dma_wait3A_145 = arith.constant 0 : i32
        %dma_wait3A_146 = arith.constant 0 : i32
        %dma_wait3A_147 = tpu.memref_slice %arg7[%dma_wait3A_145, %dma_wait3A_146] : memref<5000x128xf32, #tpu.memory_space<vmem_shared>> -> memref<5000x128xf32, #tpu.memory_space<vmem_shared>>
        tpu.wait_indirect_dma semaphore(%run_scoped3A : memref<!tpu.dma_semaphore, #tpu.memory_space<semaphore_mem>>) src(%arg24 : memref<128x128xf32, #tpu.memory_space<vmem>>) dst(%dma_wait3A_147 : memref<5000x128xf32, #tpu.memory_space<vmem_shared>>)
        tpu.yield
      }) : () -> ()
      %add3A_93 = arith.constant 3 : i32
      %add3A_94 = arith.addi %add3A_89, %add3A_93 : i32
      %lt3A_95 = arith.constant 78 : i32
      %lt3A_96 = arith.cmpi slt, %add3A_94, %lt3A_95 : i32
      %convert_element_type3A_97 = arith.extui %lt3A_96 : i1 to i32
      %cond3A_98 = arith.constant 0 : i32
      %cond3A_99 = arith.cmpi ne, %convert_element_type3A_97, %cond3A_98 : i32
      scf.if %cond3A_99 {
        %mul3A_142 = arith.constant 128 : i32
        %mul3A_143 = arith.muli %add3A_94, %mul3A_142 : i32
        %add3A_144 = arith.addi %mul3A_9, %mul3A_143 : i32
        "tpu.region"() ({
          %run_scoped3A = tpu.sem_alloc : memref<!tpu.dma_semaphore, #tpu.memory_space<semaphore_mem>>
          %dma_start3A_151 = tpu.memref_slice %arg3[%add3A_144] : memref<320000xi32, #tpu.memory_space<hbm>> -> memref<128xi32, #tpu.memory_space<hbm>>
          %dma_start3A_152 = tpu.memref_slice %arg3[%add3A_144] : memref<320000xi32, #tpu.memory_space<hbm>> -> memref<128xi32, #tpu.memory_space<hbm>>
          tpu.enqueue_dma source(%dma_start3A_152 : memref<128xi32, #tpu.memory_space<hbm>>) target(%arg13 : memref<128xi32, #tpu.memory_space<vmem>>) target_semaphore(%run_scoped3A : memref<!tpu.dma_semaphore, #tpu.memory_space<semaphore_mem>>)
          %dma_wait3A_153 = tpu.memref_slice %arg3[%add3A_144] : memref<320000xi32, #tpu.memory_space<hbm>> -> memref<128xi32, #tpu.memory_space<hbm>>
          %dma_wait3A_154 = tpu.memref_slice %arg3[%add3A_144] : memref<320000xi32, #tpu.memory_space<hbm>> -> memref<128xi32, #tpu.memory_space<hbm>>
          tpu.wait_dma2 semaphore(%run_scoped3A : memref<!tpu.dma_semaphore, #tpu.memory_space<semaphore_mem>>) src(%dma_wait3A_154 : memref<128xi32, #tpu.memory_space<hbm>>) dst(%arg13 : memref<128xi32, #tpu.memory_space<vmem>>)
          tpu.yield
        }) : () -> ()
        %mul3A_145 = arith.constant 128 : i32
        %mul3A_146 = arith.muli %add3A_94, %mul3A_145 : i32
        %add3A_147 = arith.addi %mul3A_9, %mul3A_146 : i32
        "tpu.region"() ({
          %run_scoped3A = tpu.sem_alloc : memref<!tpu.dma_semaphore, #tpu.memory_space<semaphore_mem>>
          %dma_start3A_151 = tpu.memref_slice %arg4[%add3A_147] : memref<320000xi32, #tpu.memory_space<hbm>> -> memref<128xi32, #tpu.memory_space<hbm>>
          %dma_start3A_152 = tpu.memref_slice %arg4[%add3A_147] : memref<320000xi32, #tpu.memory_space<hbm>> -> memref<128xi32, #tpu.memory_space<hbm>>
          tpu.enqueue_dma source(%dma_start3A_152 : memref<128xi32, #tpu.memory_space<hbm>>) target(%arg18 : memref<128xi32, #tpu.memory_space<vmem>>) target_semaphore(%run_scoped3A : memref<!tpu.dma_semaphore, #tpu.memory_space<semaphore_mem>>)
          %dma_wait3A_153 = tpu.memref_slice %arg4[%add3A_147] : memref<320000xi32, #tpu.memory_space<hbm>> -> memref<128xi32, #tpu.memory_space<hbm>>
          %dma_wait3A_154 = tpu.memref_slice %arg4[%add3A_147] : memref<320000xi32, #tpu.memory_space<hbm>> -> memref<128xi32, #tpu.memory_space<hbm>>
          tpu.wait_dma2 semaphore(%run_scoped3A : memref<!tpu.dma_semaphore, #tpu.memory_space<semaphore_mem>>) src(%dma_wait3A_154 : memref<128xi32, #tpu.memory_space<hbm>>) dst(%arg18 : memref<128xi32, #tpu.memory_space<vmem>>)
          tpu.yield
        }) : () -> ()
        %dma_start3A_148 = arith.constant 0 : i32
        %dma_start3A_149 = arith.constant 0 : i32
        %dma_start3A_150 = tpu.memref_slice %arg2[%dma_start3A_148, %dma_start3A_149] : memref<10000x128xf32, #tpu.memory_space<hbm>> -> memref<10000x128xf32, #tpu.memory_space<hbm>>
        tpu.enqueue_indirect_dma source(%dma_start3A_150 : memref<10000x128xf32, #tpu.memory_space<hbm>>) target(%arg27 : memref<128x128xf32, #tpu.memory_space<vmem>>) offsets(%arg13 : memref<128xi32, #tpu.memory_space<vmem>>) semaphore(%arg32 : memref<!tpu.dma_semaphore, #tpu.memory_space<semaphore_mem>>)
      } else {
      }
      %mul3A_100 = arith.constant 5 : i32
      %mul3A_101 = arith.muli %mul3A_100, %scan3A_71 : i32
      %add3A_102 = arith.constant 2 : i32
      %add3A_103 = arith.addi %mul3A_101, %add3A_102 : i32
      %dma_wait3A_104 = arith.constant 0 : i32
      %dma_wait3A_105 = arith.constant 0 : i32
      %dma_wait3A_106 = tpu.memref_slice %arg2[%dma_wait3A_104, %dma_wait3A_105] : memref<10000x128xf32, #tpu.memory_space<hbm>> -> memref<10000x128xf32, #tpu.memory_space<hbm>>
      tpu.wait_indirect_dma semaphore(%arg30 : memref<!tpu.dma_semaphore, #tpu.memory_space<semaphore_mem>>) src(%dma_wait3A_106 : memref<10000x128xf32, #tpu.memory_space<hbm>>) dst(%arg25 : memref<128x128xf32, #tpu.memory_space<vmem>>)
      "tpu.region"() ({
        %run_scoped3A = tpu.sem_alloc : memref<!tpu.dma_semaphore, #tpu.memory_space<semaphore_mem>>
        %dma_start3A_142 = arith.constant 0 : i32
        %dma_start3A_143 = arith.constant 0 : i32
        %dma_start3A_144 = tpu.memref_slice %arg7[%dma_start3A_142, %dma_start3A_143] : memref<5000x128xf32, #tpu.memory_space<vmem_shared>> -> memref<5000x128xf32, #tpu.memory_space<vmem_shared>>
        tpu.enqueue_indirect_dma source(%arg25 : memref<128x128xf32, #tpu.memory_space<vmem>>) target(%dma_start3A_144 : memref<5000x128xf32, #tpu.memory_space<vmem_shared>>) offsets(%arg16 : memref<128xi32, #tpu.memory_space<vmem>>) semaphore(%run_scoped3A : memref<!tpu.dma_semaphore, #tpu.memory_space<semaphore_mem>>) {add = true}
        %dma_wait3A_145 = arith.constant 0 : i32
        %dma_wait3A_146 = arith.constant 0 : i32
        %dma_wait3A_147 = tpu.memref_slice %arg7[%dma_wait3A_145, %dma_wait3A_146] : memref<5000x128xf32, #tpu.memory_space<vmem_shared>> -> memref<5000x128xf32, #tpu.memory_space<vmem_shared>>
        tpu.wait_indirect_dma semaphore(%run_scoped3A : memref<!tpu.dma_semaphore, #tpu.memory_space<semaphore_mem>>) src(%arg25 : memref<128x128xf32, #tpu.memory_space<vmem>>) dst(%dma_wait3A_147 : memref<5000x128xf32, #tpu.memory_space<vmem_shared>>)
        tpu.yield
      }) : () -> ()
      %add3A_107 = arith.constant 3 : i32
      %add3A_108 = arith.addi %add3A_103, %add3A_107 : i32
      %lt3A_109 = arith.constant 78 : i32
      %lt3A_110 = arith.cmpi slt, %add3A_108, %lt3A_109 : i32
      %convert_element_type3A_111 = arith.extui %lt3A_110 : i1 to i32
      %cond3A_112 = arith.constant 0 : i32
      %cond3A_113 = arith.cmpi ne, %convert_element_type3A_111, %cond3A_112 : i32
      scf.if %cond3A_113 {
        %mul3A_142 = arith.constant 128 : i32
        %mul3A_143 = arith.muli %add3A_108, %mul3A_142 : i32
        %add3A_144 = arith.addi %mul3A_9, %mul3A_143 : i32
        "tpu.region"() ({
          %run_scoped3A = tpu.sem_alloc : memref<!tpu.dma_semaphore, #tpu.memory_space<semaphore_mem>>
          %dma_start3A_151 = tpu.memref_slice %arg3[%add3A_144] : memref<320000xi32, #tpu.memory_space<hbm>> -> memref<128xi32, #tpu.memory_space<hbm>>
          %dma_start3A_152 = tpu.memref_slice %arg3[%add3A_144] : memref<320000xi32, #tpu.memory_space<hbm>> -> memref<128xi32, #tpu.memory_space<hbm>>
          tpu.enqueue_dma source(%dma_start3A_152 : memref<128xi32, #tpu.memory_space<hbm>>) target(%arg9 : memref<128xi32, #tpu.memory_space<vmem>>) target_semaphore(%run_scoped3A : memref<!tpu.dma_semaphore, #tpu.memory_space<semaphore_mem>>)
          %dma_wait3A_153 = tpu.memref_slice %arg3[%add3A_144] : memref<320000xi32, #tpu.memory_space<hbm>> -> memref<128xi32, #tpu.memory_space<hbm>>
          %dma_wait3A_154 = tpu.memref_slice %arg3[%add3A_144] : memref<320000xi32, #tpu.memory_space<hbm>> -> memref<128xi32, #tpu.memory_space<hbm>>
          tpu.wait_dma2 semaphore(%run_scoped3A : memref<!tpu.dma_semaphore, #tpu.memory_space<semaphore_mem>>) src(%dma_wait3A_154 : memref<128xi32, #tpu.memory_space<hbm>>) dst(%arg9 : memref<128xi32, #tpu.memory_space<vmem>>)
          tpu.yield
        }) : () -> ()
        %mul3A_145 = arith.constant 128 : i32
        %mul3A_146 = arith.muli %add3A_108, %mul3A_145 : i32
        %add3A_147 = arith.addi %mul3A_9, %mul3A_146 : i32
        "tpu.region"() ({
          %run_scoped3A = tpu.sem_alloc : memref<!tpu.dma_semaphore, #tpu.memory_space<semaphore_mem>>
          %dma_start3A_151 = tpu.memref_slice %arg4[%add3A_147] : memref<320000xi32, #tpu.memory_space<hbm>> -> memref<128xi32, #tpu.memory_space<hbm>>
          %dma_start3A_152 = tpu.memref_slice %arg4[%add3A_147] : memref<320000xi32, #tpu.memory_space<hbm>> -> memref<128xi32, #tpu.memory_space<hbm>>
          tpu.enqueue_dma source(%dma_start3A_152 : memref<128xi32, #tpu.memory_space<hbm>>) target(%arg14 : memref<128xi32, #tpu.memory_space<vmem>>) target_semaphore(%run_scoped3A : memref<!tpu.dma_semaphore, #tpu.memory_space<semaphore_mem>>)
          %dma_wait3A_153 = tpu.memref_slice %arg4[%add3A_147] : memref<320000xi32, #tpu.memory_space<hbm>> -> memref<128xi32, #tpu.memory_space<hbm>>
          %dma_wait3A_154 = tpu.memref_slice %arg4[%add3A_147] : memref<320000xi32, #tpu.memory_space<hbm>> -> memref<128xi32, #tpu.memory_space<hbm>>
          tpu.wait_dma2 semaphore(%run_scoped3A : memref<!tpu.dma_semaphore, #tpu.memory_space<semaphore_mem>>) src(%dma_wait3A_154 : memref<128xi32, #tpu.memory_space<hbm>>) dst(%arg14 : memref<128xi32, #tpu.memory_space<vmem>>)
          tpu.yield
        }) : () -> ()
        %dma_start3A_148 = arith.constant 0 : i32
        %dma_start3A_149 = arith.constant 0 : i32
        %dma_start3A_150 = tpu.memref_slice %arg2[%dma_start3A_148, %dma_start3A_149] : memref<10000x128xf32, #tpu.memory_space<hbm>> -> memref<10000x128xf32, #tpu.memory_space<hbm>>
        tpu.enqueue_indirect_dma source(%dma_start3A_150 : memref<10000x128xf32, #tpu.memory_space<hbm>>) target(%arg23 : memref<128x128xf32, #tpu.memory_space<vmem>>) offsets(%arg9 : memref<128xi32, #tpu.memory_space<vmem>>) semaphore(%arg28 : memref<!tpu.dma_semaphore, #tpu.memory_space<semaphore_mem>>)
      } else {
      }
      %mul3A_114 = arith.constant 5 : i32
      %mul3A_115 = arith.muli %mul3A_114, %scan3A_71 : i32
      %add3A_116 = arith.constant 3 : i32
      %add3A_117 = arith.addi %mul3A_115, %add3A_116 : i32
      %dma_wait3A_118 = arith.constant 0 : i32
      %dma_wait3A_119 = arith.constant 0 : i32
      %dma_wait3A_120 = tpu.memref_slice %arg2[%dma_wait3A_118, %dma_wait3A_119] : memref<10000x128xf32, #tpu.memory_space<hbm>> -> memref<10000x128xf32, #tpu.memory_space<hbm>>
      tpu.wait_indirect_dma semaphore(%arg31 : memref<!tpu.dma_semaphore, #tpu.memory_space<semaphore_mem>>) src(%dma_wait3A_120 : memref<10000x128xf32, #tpu.memory_space<hbm>>) dst(%arg26 : memref<128x128xf32, #tpu.memory_space<vmem>>)
      "tpu.region"() ({
        %run_scoped3A = tpu.sem_alloc : memref<!tpu.dma_semaphore, #tpu.memory_space<semaphore_mem>>
        %dma_start3A_142 = arith.constant 0 : i32
        %dma_start3A_143 = arith.constant 0 : i32
        %dma_start3A_144 = tpu.memref_slice %arg7[%dma_start3A_142, %dma_start3A_143] : memref<5000x128xf32, #tpu.memory_space<vmem_shared>> -> memref<5000x128xf32, #tpu.memory_space<vmem_shared>>
        tpu.enqueue_indirect_dma source(%arg26 : memref<128x128xf32, #tpu.memory_space<vmem>>) target(%dma_start3A_144 : memref<5000x128xf32, #tpu.memory_space<vmem_shared>>) offsets(%arg17 : memref<128xi32, #tpu.memory_space<vmem>>) semaphore(%run_scoped3A : memref<!tpu.dma_semaphore, #tpu.memory_space<semaphore_mem>>) {add = true}
        %dma_wait3A_145 = arith.constant 0 : i32
        %dma_wait3A_146 = arith.constant 0 : i32
        %dma_wait3A_147 = tpu.memref_slice %arg7[%dma_wait3A_145, %dma_wait3A_146] : memref<5000x128xf32, #tpu.memory_space<vmem_shared>> -> memref<5000x128xf32, #tpu.memory_space<vmem_shared>>
        tpu.wait_indirect_dma semaphore(%run_scoped3A : memref<!tpu.dma_semaphore, #tpu.memory_space<semaphore_mem>>) src(%arg26 : memref<128x128xf32, #tpu.memory_space<vmem>>) dst(%dma_wait3A_147 : memref<5000x128xf32, #tpu.memory_space<vmem_shared>>)
        tpu.yield
      }) : () -> ()
      %add3A_121 = arith.constant 3 : i32
      %add3A_122 = arith.addi %add3A_117, %add3A_121 : i32
      %lt3A_123 = arith.constant 78 : i32
      %lt3A_124 = arith.cmpi slt, %add3A_122, %lt3A_123 : i32
      %convert_element_type3A_125 = arith.extui %lt3A_124 : i1 to i32
      %cond3A_126 = arith.constant 0 : i32
      %cond3A_127 = arith.cmpi ne, %convert_element_type3A_125, %cond3A_126 : i32
      scf.if %cond3A_127 {
        %mul3A_142 = arith.constant 128 : i32
        %mul3A_143 = arith.muli %add3A_122, %mul3A_142 : i32
        %add3A_144 = arith.addi %mul3A_9, %mul3A_143 : i32
        "tpu.region"() ({
          %run_scoped3A = tpu.sem_alloc : memref<!tpu.dma_semaphore, #tpu.memory_space<semaphore_mem>>
          %dma_start3A_151 = tpu.memref_slice %arg3[%add3A_144] : memref<320000xi32, #tpu.memory_space<hbm>> -> memref<128xi32, #tpu.memory_space<hbm>>
          %dma_start3A_152 = tpu.memref_slice %arg3[%add3A_144] : memref<320000xi32, #tpu.memory_space<hbm>> -> memref<128xi32, #tpu.memory_space<hbm>>
          tpu.enqueue_dma source(%dma_start3A_152 : memref<128xi32, #tpu.memory_space<hbm>>) target(%arg10 : memref<128xi32, #tpu.memory_space<vmem>>) target_semaphore(%run_scoped3A : memref<!tpu.dma_semaphore, #tpu.memory_space<semaphore_mem>>)
          %dma_wait3A_153 = tpu.memref_slice %arg3[%add3A_144] : memref<320000xi32, #tpu.memory_space<hbm>> -> memref<128xi32, #tpu.memory_space<hbm>>
          %dma_wait3A_154 = tpu.memref_slice %arg3[%add3A_144] : memref<320000xi32, #tpu.memory_space<hbm>> -> memref<128xi32, #tpu.memory_space<hbm>>
          tpu.wait_dma2 semaphore(%run_scoped3A : memref<!tpu.dma_semaphore, #tpu.memory_space<semaphore_mem>>) src(%dma_wait3A_154 : memref<128xi32, #tpu.memory_space<hbm>>) dst(%arg10 : memref<128xi32, #tpu.memory_space<vmem>>)
          tpu.yield
        }) : () -> ()
        %mul3A_145 = arith.constant 128 : i32
        %mul3A_146 = arith.muli %add3A_122, %mul3A_145 : i32
        %add3A_147 = arith.addi %mul3A_9, %mul3A_146 : i32
        "tpu.region"() ({
          %run_scoped3A = tpu.sem_alloc : memref<!tpu.dma_semaphore, #tpu.memory_space<semaphore_mem>>
          %dma_start3A_151 = tpu.memref_slice %arg4[%add3A_147] : memref<320000xi32, #tpu.memory_space<hbm>> -> memref<128xi32, #tpu.memory_space<hbm>>
          %dma_start3A_152 = tpu.memref_slice %arg4[%add3A_147] : memref<320000xi32, #tpu.memory_space<hbm>> -> memref<128xi32, #tpu.memory_space<hbm>>
          tpu.enqueue_dma source(%dma_start3A_152 : memref<128xi32, #tpu.memory_space<hbm>>) target(%arg15 : memref<128xi32, #tpu.memory_space<vmem>>) target_semaphore(%run_scoped3A : memref<!tpu.dma_semaphore, #tpu.memory_space<semaphore_mem>>)
          %dma_wait3A_153 = tpu.memref_slice %arg4[%add3A_147] : memref<320000xi32, #tpu.memory_space<hbm>> -> memref<128xi32, #tpu.memory_space<hbm>>
          %dma_wait3A_154 = tpu.memref_slice %arg4[%add3A_147] : memref<320000xi32, #tpu.memory_space<hbm>> -> memref<128xi32, #tpu.memory_space<hbm>>
          tpu.wait_dma2 semaphore(%run_scoped3A : memref<!tpu.dma_semaphore, #tpu.memory_space<semaphore_mem>>) src(%dma_wait3A_154 : memref<128xi32, #tpu.memory_space<hbm>>) dst(%arg15 : memref<128xi32, #tpu.memory_space<vmem>>)
          tpu.yield
        }) : () -> ()
        %dma_start3A_148 = arith.constant 0 : i32
        %dma_start3A_149 = arith.constant 0 : i32
        %dma_start3A_150 = tpu.memref_slice %arg2[%dma_start3A_148, %dma_start3A_149] : memref<10000x128xf32, #tpu.memory_space<hbm>> -> memref<10000x128xf32, #tpu.memory_space<hbm>>
        tpu.enqueue_indirect_dma source(%dma_start3A_150 : memref<10000x128xf32, #tpu.memory_space<hbm>>) target(%arg24 : memref<128x128xf32, #tpu.memory_space<vmem>>) offsets(%arg10 : memref<128xi32, #tpu.memory_space<vmem>>) semaphore(%arg29 : memref<!tpu.dma_semaphore, #tpu.memory_space<semaphore_mem>>)
      } else {
      }
      %mul3A_128 = arith.constant 5 : i32
      %mul3A_129 = arith.muli %mul3A_128, %scan3A_71 : i32
      %add3A_130 = arith.constant 4 : i32
      %add3A_131 = arith.addi %mul3A_129, %add3A_130 : i32
      %dma_wait3A_132 = arith.constant 0 : i32
      %dma_wait3A_133 = arith.constant 0 : i32
      %dma_wait3A_134 = tpu.memref_slice %arg2[%dma_wait3A_132, %dma_wait3A_133] : memref<10000x128xf32, #tpu.memory_space<hbm>> -> memref<10000x128xf32, #tpu.memory_space<hbm>>
      tpu.wait_indirect_dma semaphore(%arg32 : memref<!tpu.dma_semaphore, #tpu.memory_space<semaphore_mem>>) src(%dma_wait3A_134 : memref<10000x128xf32, #tpu.memory_space<hbm>>) dst(%arg27 : memref<128x128xf32, #tpu.memory_space<vmem>>)
      "tpu.region"() ({
        %run_scoped3A = tpu.sem_alloc : memref<!tpu.dma_semaphore, #tpu.memory_space<semaphore_mem>>
        %dma_start3A_142 = arith.constant 0 : i32
        %dma_start3A_143 = arith.constant 0 : i32
        %dma_start3A_144 = tpu.memref_slice %arg7[%dma_start3A_142, %dma_start3A_143] : memref<5000x128xf32, #tpu.memory_space<vmem_shared>> -> memref<5000x128xf32, #tpu.memory_space<vmem_shared>>
        tpu.enqueue_indirect_dma source(%arg27 : memref<128x128xf32, #tpu.memory_space<vmem>>) target(%dma_start3A_144 : memref<5000x128xf32, #tpu.memory_space<vmem_shared>>) offsets(%arg18 : memref<128xi32, #tpu.memory_space<vmem>>) semaphore(%run_scoped3A : memref<!tpu.dma_semaphore, #tpu.memory_space<semaphore_mem>>) {add = true}
        %dma_wait3A_145 = arith.constant 0 : i32
        %dma_wait3A_146 = arith.constant 0 : i32
        %dma_wait3A_147 = tpu.memref_slice %arg7[%dma_wait3A_145, %dma_wait3A_146] : memref<5000x128xf32, #tpu.memory_space<vmem_shared>> -> memref<5000x128xf32, #tpu.memory_space<vmem_shared>>
        tpu.wait_indirect_dma semaphore(%run_scoped3A : memref<!tpu.dma_semaphore, #tpu.memory_space<semaphore_mem>>) src(%arg27 : memref<128x128xf32, #tpu.memory_space<vmem>>) dst(%dma_wait3A_147 : memref<5000x128xf32, #tpu.memory_space<vmem_shared>>)
        tpu.yield
      }) : () -> ()
      %add3A_135 = arith.constant 3 : i32
      %add3A_136 = arith.addi %add3A_131, %add3A_135 : i32
      %lt3A_137 = arith.constant 78 : i32
      %lt3A_138 = arith.cmpi slt, %add3A_136, %lt3A_137 : i32
      %convert_element_type3A_139 = arith.extui %lt3A_138 : i1 to i32
      %cond3A_140 = arith.constant 0 : i32
      %cond3A_141 = arith.cmpi ne, %convert_element_type3A_139, %cond3A_140 : i32
      scf.if %cond3A_141 {
        %mul3A_142 = arith.constant 128 : i32
        %mul3A_143 = arith.muli %add3A_136, %mul3A_142 : i32
        %add3A_144 = arith.addi %mul3A_9, %mul3A_143 : i32
        "tpu.region"() ({
          %run_scoped3A = tpu.sem_alloc : memref<!tpu.dma_semaphore, #tpu.memory_space<semaphore_mem>>
          %dma_start3A_151 = tpu.memref_slice %arg3[%add3A_144] : memref<320000xi32, #tpu.memory_space<hbm>> -> memref<128xi32, #tpu.memory_space<hbm>>
          %dma_start3A_152 = tpu.memref_slice %arg3[%add3A_144] : memref<320000xi32, #tpu.memory_space<hbm>> -> memref<128xi32, #tpu.memory_space<hbm>>
          tpu.enqueue_dma source(%dma_start3A_152 : memref<128xi32, #tpu.memory_space<hbm>>) target(%arg11 : memref<128xi32, #tpu.memory_space<vmem>>) target_semaphore(%run_scoped3A : memref<!tpu.dma_semaphore, #tpu.memory_space<semaphore_mem>>)
          %dma_wait3A_153 = tpu.memref_slice %arg3[%add3A_144] : memref<320000xi32, #tpu.memory_space<hbm>> -> memref<128xi32, #tpu.memory_space<hbm>>
          %dma_wait3A_154 = tpu.memref_slice %arg3[%add3A_144] : memref<320000xi32, #tpu.memory_space<hbm>> -> memref<128xi32, #tpu.memory_space<hbm>>
          tpu.wait_dma2 semaphore(%run_scoped3A : memref<!tpu.dma_semaphore, #tpu.memory_space<semaphore_mem>>) src(%dma_wait3A_154 : memref<128xi32, #tpu.memory_space<hbm>>) dst(%arg11 : memref<128xi32, #tpu.memory_space<vmem>>)
          tpu.yield
        }) : () -> ()
        %mul3A_145 = arith.constant 128 : i32
        %mul3A_146 = arith.muli %add3A_136, %mul3A_145 : i32
        %add3A_147 = arith.addi %mul3A_9, %mul3A_146 : i32
        "tpu.region"() ({
          %run_scoped3A = tpu.sem_alloc : memref<!tpu.dma_semaphore, #tpu.memory_space<semaphore_mem>>
          %dma_start3A_151 = tpu.memref_slice %arg4[%add3A_147] : memref<320000xi32, #tpu.memory_space<hbm>> -> memref<128xi32, #tpu.memory_space<hbm>>
          %dma_start3A_152 = tpu.memref_slice %arg4[%add3A_147] : memref<320000xi32, #tpu.memory_space<hbm>> -> memref<128xi32, #tpu.memory_space<hbm>>
          tpu.enqueue_dma source(%dma_start3A_152 : memref<128xi32, #tpu.memory_space<hbm>>) target(%arg16 : memref<128xi32, #tpu.memory_space<vmem>>) target_semaphore(%run_scoped3A : memref<!tpu.dma_semaphore, #tpu.memory_space<semaphore_mem>>)
          %dma_wait3A_153 = tpu.memref_slice %arg4[%add3A_147] : memref<320000xi32, #tpu.memory_space<hbm>> -> memref<128xi32, #tpu.memory_space<hbm>>
          %dma_wait3A_154 = tpu.memref_slice %arg4[%add3A_147] : memref<320000xi32, #tpu.memory_space<hbm>> -> memref<128xi32, #tpu.memory_space<hbm>>
          tpu.wait_dma2 semaphore(%run_scoped3A : memref<!tpu.dma_semaphore, #tpu.memory_space<semaphore_mem>>) src(%dma_wait3A_154 : memref<128xi32, #tpu.memory_space<hbm>>) dst(%arg16 : memref<128xi32, #tpu.memory_space<vmem>>)
          tpu.yield
        }) : () -> ()
        %dma_start3A_148 = arith.constant 0 : i32
        %dma_start3A_149 = arith.constant 0 : i32
        %dma_start3A_150 = tpu.memref_slice %arg2[%dma_start3A_148, %dma_start3A_149] : memref<10000x128xf32, #tpu.memory_space<hbm>> -> memref<10000x128xf32, #tpu.memory_space<hbm>>
        tpu.enqueue_indirect_dma source(%dma_start3A_150 : memref<10000x128xf32, #tpu.memory_space<hbm>>) target(%arg25 : memref<128x128xf32, #tpu.memory_space<vmem>>) offsets(%arg11 : memref<128xi32, #tpu.memory_space<vmem>>) semaphore(%arg30 : memref<!tpu.dma_semaphore, #tpu.memory_space<semaphore_mem>>)
      } else {
      }
    }
    %scan3A_34 = arith.constant 15 : i32
    %dma_wait3A = arith.constant 0 : i32
    %dma_wait3A_35 = arith.constant 0 : i32
    %dma_wait3A_36 = tpu.memref_slice %arg2[%dma_wait3A, %dma_wait3A_35] : memref<10000x128xf32, #tpu.memory_space<hbm>> -> memref<10000x128xf32, #tpu.memory_space<hbm>>
    tpu.wait_indirect_dma semaphore(%arg28 : memref<!tpu.dma_semaphore, #tpu.memory_space<semaphore_mem>>) src(%dma_wait3A_36 : memref<10000x128xf32, #tpu.memory_space<hbm>>) dst(%arg23 : memref<128x128xf32, #tpu.memory_space<vmem>>)
    "tpu.region"() ({
      %run_scoped3A = tpu.sem_alloc : memref<!tpu.dma_semaphore, #tpu.memory_space<semaphore_mem>>
      %dma_start3A_71 = arith.constant 0 : i32
      %dma_start3A_72 = arith.constant 0 : i32
      %dma_start3A_73 = tpu.memref_slice %arg7[%dma_start3A_71, %dma_start3A_72] : memref<5000x128xf32, #tpu.memory_space<vmem_shared>> -> memref<5000x128xf32, #tpu.memory_space<vmem_shared>>
      tpu.enqueue_indirect_dma source(%arg23 : memref<128x128xf32, #tpu.memory_space<vmem>>) target(%dma_start3A_73 : memref<5000x128xf32, #tpu.memory_space<vmem_shared>>) offsets(%arg14 : memref<128xi32, #tpu.memory_space<vmem>>) semaphore(%run_scoped3A : memref<!tpu.dma_semaphore, #tpu.memory_space<semaphore_mem>>) {add = true}
      %dma_wait3A_74 = arith.constant 0 : i32
      %dma_wait3A_75 = arith.constant 0 : i32
      %dma_wait3A_76 = tpu.memref_slice %arg7[%dma_wait3A_74, %dma_wait3A_75] : memref<5000x128xf32, #tpu.memory_space<vmem_shared>> -> memref<5000x128xf32, #tpu.memory_space<vmem_shared>>
      tpu.wait_indirect_dma semaphore(%run_scoped3A : memref<!tpu.dma_semaphore, #tpu.memory_space<semaphore_mem>>) src(%arg23 : memref<128x128xf32, #tpu.memory_space<vmem>>) dst(%dma_wait3A_76 : memref<5000x128xf32, #tpu.memory_space<vmem_shared>>)
      tpu.yield
    }) : () -> ()
    %dma_wait3A_37 = arith.constant 0 : i32
    %dma_wait3A_38 = arith.constant 0 : i32
    %dma_wait3A_39 = tpu.memref_slice %arg2[%dma_wait3A_37, %dma_wait3A_38] : memref<10000x128xf32, #tpu.memory_space<hbm>> -> memref<10000x128xf32, #tpu.memory_space<hbm>>
    tpu.wait_indirect_dma semaphore(%arg29 : memref<!tpu.dma_semaphore, #tpu.memory_space<semaphore_mem>>) src(%dma_wait3A_39 : memref<10000x128xf32, #tpu.memory_space<hbm>>) dst(%arg24 : memref<128x128xf32, #tpu.memory_space<vmem>>)
    "tpu.region"() ({
      %run_scoped3A = tpu.sem_alloc : memref<!tpu.dma_semaphore, #tpu.memory_space<semaphore_mem>>
      %dma_start3A_71 = arith.constant 0 : i32
      %dma_start3A_72 = arith.constant 0 : i32
      %dma_start3A_73 = tpu.memref_slice %arg7[%dma_start3A_71, %dma_start3A_72] : memref<5000x128xf32, #tpu.memory_space<vmem_shared>> -> memref<5000x128xf32, #tpu.memory_space<vmem_shared>>
      tpu.enqueue_indirect_dma source(%arg24 : memref<128x128xf32, #tpu.memory_space<vmem>>) target(%dma_start3A_73 : memref<5000x128xf32, #tpu.memory_space<vmem_shared>>) offsets(%arg15 : memref<128xi32, #tpu.memory_space<vmem>>) semaphore(%run_scoped3A : memref<!tpu.dma_semaphore, #tpu.memory_space<semaphore_mem>>) {add = true}
      %dma_wait3A_74 = arith.constant 0 : i32
      %dma_wait3A_75 = arith.constant 0 : i32
      %dma_wait3A_76 = tpu.memref_slice %arg7[%dma_wait3A_74, %dma_wait3A_75] : memref<5000x128xf32, #tpu.memory_space<vmem_shared>> -> memref<5000x128xf32, #tpu.memory_space<vmem_shared>>
      tpu.wait_indirect_dma semaphore(%run_scoped3A : memref<!tpu.dma_semaphore, #tpu.memory_space<semaphore_mem>>) src(%arg24 : memref<128x128xf32, #tpu.memory_space<vmem>>) dst(%dma_wait3A_76 : memref<5000x128xf32, #tpu.memory_space<vmem_shared>>)
      tpu.yield
    }) : () -> ()
    %dma_wait3A_40 = arith.constant 0 : i32
    %dma_wait3A_41 = arith.constant 0 : i32
    %dma_wait3A_42 = tpu.memref_slice %arg2[%dma_wait3A_40, %dma_wait3A_41] : memref<10000x128xf32, #tpu.memory_space<hbm>> -> memref<10000x128xf32, #tpu.memory_space<hbm>>
    tpu.wait_indirect_dma semaphore(%arg30 : memref<!tpu.dma_semaphore, #tpu.memory_space<semaphore_mem>>) src(%dma_wait3A_42 : memref<10000x128xf32, #tpu.memory_space<hbm>>) dst(%arg25 : memref<128x128xf32, #tpu.memory_space<vmem>>)
    "tpu.region"() ({
      %run_scoped3A = tpu.sem_alloc : memref<!tpu.dma_semaphore, #tpu.memory_space<semaphore_mem>>
      %dma_start3A_71 = arith.constant 0 : i32
      %dma_start3A_72 = arith.constant 0 : i32
      %dma_start3A_73 = tpu.memref_slice %arg7[%dma_start3A_71, %dma_start3A_72] : memref<5000x128xf32, #tpu.memory_space<vmem_shared>> -> memref<5000x128xf32, #tpu.memory_space<vmem_shared>>
      tpu.enqueue_indirect_dma source(%arg25 : memref<128x128xf32, #tpu.memory_space<vmem>>) target(%dma_start3A_73 : memref<5000x128xf32, #tpu.memory_space<vmem_shared>>) offsets(%arg16 : memref<128xi32, #tpu.memory_space<vmem>>) semaphore(%run_scoped3A : memref<!tpu.dma_semaphore, #tpu.memory_space<semaphore_mem>>) {add = true}
      %dma_wait3A_74 = arith.constant 0 : i32
      %dma_wait3A_75 = arith.constant 0 : i32
      %dma_wait3A_76 = tpu.memref_slice %arg7[%dma_wait3A_74, %dma_wait3A_75] : memref<5000x128xf32, #tpu.memory_space<vmem_shared>> -> memref<5000x128xf32, #tpu.memory_space<vmem_shared>>
      tpu.wait_indirect_dma semaphore(%run_scoped3A : memref<!tpu.dma_semaphore, #tpu.memory_space<semaphore_mem>>) src(%arg25 : memref<128x128xf32, #tpu.memory_space<vmem>>) dst(%dma_wait3A_76 : memref<5000x128xf32, #tpu.memory_space<vmem_shared>>)
      tpu.yield
    }) : () -> ()
    %add3A_43 = arith.constant 9984 : i32
    %add3A_44 = arith.addi %mul3A_9, %add3A_43 : i32
    "tpu.region"() ({
      %run_scoped3A = tpu.sem_alloc : memref<!tpu.dma_semaphore, #tpu.memory_space<semaphore_mem>>
      %dma_start3A_71 = tpu.memref_slice %arg3[%add3A_44] : memref<320000xi32, #tpu.memory_space<hbm>> -> memref<16xi32, #tpu.memory_space<hbm>>
      %dma_start3A_72 = tpu.memref_slice %arg3[%add3A_44] : memref<320000xi32, #tpu.memory_space<hbm>> -> memref<16xi32, #tpu.memory_space<hbm>>
      tpu.enqueue_dma source(%dma_start3A_72 : memref<16xi32, #tpu.memory_space<hbm>>) target(%arg19 : memref<16xi32, #tpu.memory_space<vmem>>) target_semaphore(%run_scoped3A : memref<!tpu.dma_semaphore, #tpu.memory_space<semaphore_mem>>)
      %dma_wait3A_73 = tpu.memref_slice %arg3[%add3A_44] : memref<320000xi32, #tpu.memory_space<hbm>> -> memref<16xi32, #tpu.memory_space<hbm>>
      %dma_wait3A_74 = tpu.memref_slice %arg3[%add3A_44] : memref<320000xi32, #tpu.memory_space<hbm>> -> memref<16xi32, #tpu.memory_space<hbm>>
      tpu.wait_dma2 semaphore(%run_scoped3A : memref<!tpu.dma_semaphore, #tpu.memory_space<semaphore_mem>>) src(%dma_wait3A_74 : memref<16xi32, #tpu.memory_space<hbm>>) dst(%arg19 : memref<16xi32, #tpu.memory_space<vmem>>)
      tpu.yield
    }) : () -> ()
    "tpu.region"() ({
      %run_scoped3A = tpu.sem_alloc : memref<!tpu.dma_semaphore, #tpu.memory_space<semaphore_mem>>
      %dma_start3A_71 = tpu.memref_slice %arg4[%add3A_44] : memref<320000xi32, #tpu.memory_space<hbm>> -> memref<16xi32, #tpu.memory_space<hbm>>
      %dma_start3A_72 = tpu.memref_slice %arg4[%add3A_44] : memref<320000xi32, #tpu.memory_space<hbm>> -> memref<16xi32, #tpu.memory_space<hbm>>
      tpu.enqueue_dma source(%dma_start3A_72 : memref<16xi32, #tpu.memory_space<hbm>>) target(%arg20 : memref<16xi32, #tpu.memory_space<vmem>>) target_semaphore(%run_scoped3A : memref<!tpu.dma_semaphore, #tpu.memory_space<semaphore_mem>>)
      %dma_wait3A_73 = tpu.memref_slice %arg4[%add3A_44] : memref<320000xi32, #tpu.memory_space<hbm>> -> memref<16xi32, #tpu.memory_space<hbm>>
      %dma_wait3A_74 = tpu.memref_slice %arg4[%add3A_44] : memref<320000xi32, #tpu.memory_space<hbm>> -> memref<16xi32, #tpu.memory_space<hbm>>
      tpu.wait_dma2 semaphore(%run_scoped3A : memref<!tpu.dma_semaphore, #tpu.memory_space<semaphore_mem>>) src(%dma_wait3A_74 : memref<16xi32, #tpu.memory_space<hbm>>) dst(%arg20 : memref<16xi32, #tpu.memory_space<vmem>>)
      tpu.yield
    }) : () -> ()
    %dma_start3A_45 = arith.constant 0 : i32
    %dma_start3A_46 = arith.constant 0 : i32
    %dma_start3A_47 = tpu.memref_slice %arg23[%dma_start3A_45, %dma_start3A_46] : memref<128x128xf32, #tpu.memory_space<vmem>> -> memref<16x128xf32, #tpu.memory_space<vmem>>
    %dma_start3A_48 = arith.constant 0 : i32
    %dma_start3A_49 = arith.constant 0 : i32
    %dma_start3A_50 = tpu.memref_slice %arg2[%dma_start3A_48, %dma_start3A_49] : memref<10000x128xf32, #tpu.memory_space<hbm>> -> memref<10000x128xf32, #tpu.memory_space<hbm>>
    tpu.enqueue_indirect_dma source(%dma_start3A_50 : memref<10000x128xf32, #tpu.memory_space<hbm>>) target(%dma_start3A_47 : memref<16x128xf32, #tpu.memory_space<vmem>>) offsets(%arg19 : memref<16xi32, #tpu.memory_space<vmem>>) semaphore(%arg28 : memref<!tpu.dma_semaphore, #tpu.memory_space<semaphore_mem>>)
    %dma_wait3A_51 = arith.constant 0 : i32
    %dma_wait3A_52 = arith.constant 0 : i32
    %dma_wait3A_53 = tpu.memref_slice %arg23[%dma_wait3A_51, %dma_wait3A_52] : memref<128x128xf32, #tpu.memory_space<vmem>> -> memref<16x128xf32, #tpu.memory_space<vmem>>
    %dma_wait3A_54 = arith.constant 0 : i32
    %dma_wait3A_55 = arith.constant 0 : i32
    %dma_wait3A_56 = tpu.memref_slice %arg2[%dma_wait3A_54, %dma_wait3A_55] : memref<10000x128xf32, #tpu.memory_space<hbm>> -> memref<10000x128xf32, #tpu.memory_space<hbm>>
    tpu.wait_indirect_dma semaphore(%arg28 : memref<!tpu.dma_semaphore, #tpu.memory_space<semaphore_mem>>) src(%dma_wait3A_56 : memref<10000x128xf32, #tpu.memory_space<hbm>>) dst(%dma_wait3A_53 : memref<16x128xf32, #tpu.memory_space<vmem>>)
    "tpu.region"() ({
      %run_scoped3A = tpu.sem_alloc : memref<!tpu.dma_semaphore, #tpu.memory_space<semaphore_mem>>
      %dma_start3A_71 = arith.constant 0 : i32
      %dma_start3A_72 = arith.constant 0 : i32
      %dma_start3A_73 = tpu.memref_slice %arg23[%dma_start3A_71, %dma_start3A_72] : memref<128x128xf32, #tpu.memory_space<vmem>> -> memref<16x128xf32, #tpu.memory_space<vmem>>
      %dma_start3A_74 = arith.constant 0 : i32
      %dma_start3A_75 = arith.constant 0 : i32
      %dma_start3A_76 = tpu.memref_slice %arg7[%dma_start3A_74, %dma_start3A_75] : memref<5000x128xf32, #tpu.memory_space<vmem_shared>> -> memref<5000x128xf32, #tpu.memory_space<vmem_shared>>
      tpu.enqueue_indirect_dma source(%dma_start3A_73 : memref<16x128xf32, #tpu.memory_space<vmem>>) target(%dma_start3A_76 : memref<5000x128xf32, #tpu.memory_space<vmem_shared>>) offsets(%arg20 : memref<16xi32, #tpu.memory_space<vmem>>) semaphore(%run_scoped3A : memref<!tpu.dma_semaphore, #tpu.memory_space<semaphore_mem>>) {add = true}
      %dma_wait3A_77 = arith.constant 0 : i32
      %dma_wait3A_78 = arith.constant 0 : i32
      %dma_wait3A_79 = tpu.memref_slice %arg23[%dma_wait3A_77, %dma_wait3A_78] : memref<128x128xf32, #tpu.memory_space<vmem>> -> memref<16x128xf32, #tpu.memory_space<vmem>>
      %dma_wait3A_80 = arith.constant 0 : i32
      %dma_wait3A_81 = arith.constant 0 : i32
      %dma_wait3A_82 = tpu.memref_slice %arg7[%dma_wait3A_80, %dma_wait3A_81] : memref<5000x128xf32, #tpu.memory_space<vmem_shared>> -> memref<5000x128xf32, #tpu.memory_space<vmem_shared>>
      tpu.wait_indirect_dma semaphore(%run_scoped3A : memref<!tpu.dma_semaphore, #tpu.memory_space<semaphore_mem>>) src(%dma_wait3A_79 : memref<16x128xf32, #tpu.memory_space<vmem>>) dst(%dma_wait3A_82 : memref<5000x128xf32, #tpu.memory_space<vmem_shared>>)
      tpu.yield
    }) : () -> ()
    %barrier3A_57 = arith.constant 0 : index
    tpu.barrier barrier_id(%barrier3A_57)
    %ge3A_58 = arith.constant 0 : i32
    %ge3A_59 = arith.cmpi sge, %arg1, %ge3A_58 : i32
    %lt3A_60 = arith.constant 7 : i32
    %lt3A_61 = arith.cmpi slt, %arg1, %lt3A_60 : i32
    %and3A_62 = arith.andi %ge3A_59, %lt3A_61 : i1
    %convert_element_type3A_63 = arith.extui %and3A_62 : i1 to i32
    %cond3A_64 = arith.constant 0 : i32
    %cond3A_65 = arith.cmpi ne, %convert_element_type3A_63, %cond3A_64 : i32
    scf.if %cond3A_65 {
      %sub3A = arith.constant 0 : i32
      %sub3A_71 = arith.subi %arg1, %sub3A : i32
      %mul3A_72 = arith.constant 632 : i32
      %mul3A_73 = arith.muli %sub3A_71, %mul3A_72 : i32
      %add3A_74 = arith.constant 0 : i32
      %add3A_75 = arith.addi %mul3A_73, %add3A_74 : i32
      %mul3A_76 = arith.constant 5000 : i32
      %mul3A_77 = arith.muli %arg0, %mul3A_76 : i32
      %add3A_78 = arith.addi %mul3A_77, %add3A_75 : i32
      "tpu.region"() ({
        %run_scoped3A = tpu.sem_alloc : memref<!tpu.dma_semaphore, #tpu.memory_space<semaphore_mem>>
        %dma_start3A_99 = arith.constant 0 : i32
        %dma_start3A_100 = tpu.memref_slice %arg6[%add3A_78, %dma_start3A_99] : memref<10000x128xf32, #tpu.memory_space<hbm>> -> memref<128x128xf32, #tpu.memory_space<hbm>>
        %dma_start3A_101 = arith.constant 0 : i32
        %dma_start3A_102 = tpu.memref_slice %arg7[%add3A_75, %dma_start3A_101] : memref<5000x128xf32, #tpu.memory_space<vmem_shared>> -> memref<128x128xf32, #tpu.memory_space<vmem_shared>>
        tpu.enqueue_dma source(%dma_start3A_102 : memref<128x128xf32, #tpu.memory_space<vmem_shared>>) target(%dma_start3A_100 : memref<128x128xf32, #tpu.memory_space<hbm>>) target_semaphore(%run_scoped3A : memref<!tpu.dma_semaphore, #tpu.memory_space<semaphore_mem>>)
        %dma_wait3A_103 = arith.constant 0 : i32
        %dma_wait3A_104 = tpu.memref_slice %arg6[%add3A_78, %dma_wait3A_103] : memref<10000x128xf32, #tpu.memory_space<hbm>> -> memref<128x128xf32, #tpu.memory_space<hbm>>
        %dma_wait3A_105 = arith.constant 0 : i32
        %dma_wait3A_106 = tpu.memref_slice %arg7[%add3A_75, %dma_wait3A_105] : memref<5000x128xf32, #tpu.memory_space<vmem_shared>> -> memref<128x128xf32, #tpu.memory_space<vmem_shared>>
        tpu.wait_dma2 semaphore(%run_scoped3A : memref<!tpu.dma_semaphore, #tpu.memory_space<semaphore_mem>>) src(%dma_wait3A_106 : memref<128x128xf32, #tpu.memory_space<vmem_shared>>) dst(%dma_wait3A_104 : memref<128x128xf32, #tpu.memory_space<hbm>>)
        tpu.yield
      }) : () -> ()
      %add3A_79 = arith.constant 128 : i32
      %add3A_80 = arith.addi %mul3A_73, %add3A_79 : i32
      %mul3A_81 = arith.constant 5000 : i32
      %mul3A_82 = arith.muli %arg0, %mul3A_81 : i32
      %add3A_83 = arith.addi %mul3A_82, %add3A_80 : i32
      "tpu.region"() ({
        %run_scoped3A = tpu.sem_alloc : memref<!tpu.dma_semaphore, #tpu.memory_space<semaphore_mem>>
        %dma_start3A_99 = arith.constant 0 : i32
        %dma_start3A_100 = tpu.memref_slice %arg6[%add3A_83, %dma_start3A_99] : memref<10000x128xf32, #tpu.memory_space<hbm>> -> memref<128x128xf32, #tpu.memory_space<hbm>>
        %dma_start3A_101 = arith.constant 0 : i32
        %dma_start3A_102 = tpu.memref_slice %arg7[%add3A_80, %dma_start3A_101] : memref<5000x128xf32, #tpu.memory_space<vmem_shared>> -> memref<128x128xf32, #tpu.memory_space<vmem_shared>>
        tpu.enqueue_dma source(%dma_start3A_102 : memref<128x128xf32, #tpu.memory_space<vmem_shared>>) target(%dma_start3A_100 : memref<128x128xf32, #tpu.memory_space<hbm>>) target_semaphore(%run_scoped3A : memref<!tpu.dma_semaphore, #tpu.memory_space<semaphore_mem>>)
        %dma_wait3A_103 = arith.constant 0 : i32
        %dma_wait3A_104 = tpu.memref_slice %arg6[%add3A_83, %dma_wait3A_103] : memref<10000x128xf32, #tpu.memory_space<hbm>> -> memref<128x128xf32, #tpu.memory_space<hbm>>
        %dma_wait3A_105 = arith.constant 0 : i32
        %dma_wait3A_106 = tpu.memref_slice %arg7[%add3A_80, %dma_wait3A_105] : memref<5000x128xf32, #tpu.memory_space<vmem_shared>> -> memref<128x128xf32, #tpu.memory_space<vmem_shared>>
        tpu.wait_dma2 semaphore(%run_scoped3A : memref<!tpu.dma_semaphore, #tpu.memory_space<semaphore_mem>>) src(%dma_wait3A_106 : memref<128x128xf32, #tpu.memory_space<vmem_shared>>) dst(%dma_wait3A_104 : memref<128x128xf32, #tpu.memory_space<hbm>>)
        tpu.yield
      }) : () -> ()
      %add3A_84 = arith.constant 256 : i32
      %add3A_85 = arith.addi %mul3A_73, %add3A_84 : i32
      %mul3A_86 = arith.constant 5000 : i32
      %mul3A_87 = arith.muli %arg0, %mul3A_86 : i32
      %add3A_88 = arith.addi %mul3A_87, %add3A_85 : i32
      "tpu.region"() ({
        %run_scoped3A = tpu.sem_alloc : memref<!tpu.dma_semaphore, #tpu.memory_space<semaphore_mem>>
        %dma_start3A_99 = arith.constant 0 : i32
        %dma_start3A_100 = tpu.memref_slice %arg6[%add3A_88, %dma_start3A_99] : memref<10000x128xf32, #tpu.memory_space<hbm>> -> memref<128x128xf32, #tpu.memory_space<hbm>>
        %dma_start3A_101 = arith.constant 0 : i32
        %dma_start3A_102 = tpu.memref_slice %arg7[%add3A_85, %dma_start3A_101] : memref<5000x128xf32, #tpu.memory_space<vmem_shared>> -> memref<128x128xf32, #tpu.memory_space<vmem_shared>>
        tpu.enqueue_dma source(%dma_start3A_102 : memref<128x128xf32, #tpu.memory_space<vmem_shared>>) target(%dma_start3A_100 : memref<128x128xf32, #tpu.memory_space<hbm>>) target_semaphore(%run_scoped3A : memref<!tpu.dma_semaphore, #tpu.memory_space<semaphore_mem>>)
        %dma_wait3A_103 = arith.constant 0 : i32
        %dma_wait3A_104 = tpu.memref_slice %arg6[%add3A_88, %dma_wait3A_103] : memref<10000x128xf32, #tpu.memory_space<hbm>> -> memref<128x128xf32, #tpu.memory_space<hbm>>
        %dma_wait3A_105 = arith.constant 0 : i32
        %dma_wait3A_106 = tpu.memref_slice %arg7[%add3A_85, %dma_wait3A_105] : memref<5000x128xf32, #tpu.memory_space<vmem_shared>> -> memref<128x128xf32, #tpu.memory_space<vmem_shared>>
        tpu.wait_dma2 semaphore(%run_scoped3A : memref<!tpu.dma_semaphore, #tpu.memory_space<semaphore_mem>>) src(%dma_wait3A_106 : memref<128x128xf32, #tpu.memory_space<vmem_shared>>) dst(%dma_wait3A_104 : memref<128x128xf32, #tpu.memory_space<hbm>>)
        tpu.yield
      }) : () -> ()
      %add3A_89 = arith.constant 384 : i32
      %add3A_90 = arith.addi %mul3A_73, %add3A_89 : i32
      %mul3A_91 = arith.constant 5000 : i32
      %mul3A_92 = arith.muli %arg0, %mul3A_91 : i32
      %add3A_93 = arith.addi %mul3A_92, %add3A_90 : i32
      "tpu.region"() ({
        %run_scoped3A = tpu.sem_alloc : memref<!tpu.dma_semaphore, #tpu.memory_space<semaphore_mem>>
        %dma_start3A_99 = arith.constant 0 : i32
        %dma_start3A_100 = tpu.memref_slice %arg6[%add3A_93, %dma_start3A_99] : memref<10000x128xf32, #tpu.memory_space<hbm>> -> memref<128x128xf32, #tpu.memory_space<hbm>>
        %dma_start3A_101 = arith.constant 0 : i32
        %dma_start3A_102 = tpu.memref_slice %arg7[%add3A_90, %dma_start3A_101] : memref<5000x128xf32, #tpu.memory_space<vmem_shared>> -> memref<128x128xf32, #tpu.memory_space<vmem_shared>>
        tpu.enqueue_dma source(%dma_start3A_102 : memref<128x128xf32, #tpu.memory_space<vmem_shared>>) target(%dma_start3A_100 : memref<128x128xf32, #tpu.memory_space<hbm>>) target_semaphore(%run_scoped3A : memref<!tpu.dma_semaphore, #tpu.memory_space<semaphore_mem>>)
        %dma_wait3A_103 = arith.constant 0 : i32
        %dma_wait3A_104 = tpu.memref_slice %arg6[%add3A_93, %dma_wait3A_103] : memref<10000x128xf32, #tpu.memory_space<hbm>> -> memref<128x128xf32, #tpu.memory_space<hbm>>
        %dma_wait3A_105 = arith.constant 0 : i32
        %dma_wait3A_106 = tpu.memref_slice %arg7[%add3A_90, %dma_wait3A_105] : memref<5000x128xf32, #tpu.memory_space<vmem_shared>> -> memref<128x128xf32, #tpu.memory_space<vmem_shared>>
        tpu.wait_dma2 semaphore(%run_scoped3A : memref<!tpu.dma_semaphore, #tpu.memory_space<semaphore_mem>>) src(%dma_wait3A_106 : memref<128x128xf32, #tpu.memory_space<vmem_shared>>) dst(%dma_wait3A_104 : memref<128x128xf32, #tpu.memory_space<hbm>>)
        tpu.yield
      }) : () -> ()
      %add3A_94 = arith.constant 512 : i32
      %add3A_95 = arith.addi %mul3A_73, %add3A_94 : i32
      %mul3A_96 = arith.constant 5000 : i32
      %mul3A_97 = arith.muli %arg0, %mul3A_96 : i32
      %add3A_98 = arith.addi %mul3A_97, %add3A_95 : i32
      "tpu.region"() ({
        %run_scoped3A = tpu.sem_alloc : memref<!tpu.dma_semaphore, #tpu.memory_space<semaphore_mem>>
        %dma_start3A_99 = arith.constant 0 : i32
        %dma_start3A_100 = tpu.memref_slice %arg6[%add3A_98, %dma_start3A_99] : memref<10000x128xf32, #tpu.memory_space<hbm>> -> memref<120x128xf32, #tpu.memory_space<hbm>>
        %dma_start3A_101 = arith.constant 0 : i32
        %dma_start3A_102 = tpu.memref_slice %arg7[%add3A_95, %dma_start3A_101] : memref<5000x128xf32, #tpu.memory_space<vmem_shared>> -> memref<120x128xf32, #tpu.memory_space<vmem_shared>>
        tpu.enqueue_dma source(%dma_start3A_102 : memref<120x128xf32, #tpu.memory_space<vmem_shared>>) target(%dma_start3A_100 : memref<120x128xf32, #tpu.memory_space<hbm>>) target_semaphore(%run_scoped3A : memref<!tpu.dma_semaphore, #tpu.memory_space<semaphore_mem>>)
        %dma_wait3A_103 = arith.constant 0 : i32
        %dma_wait3A_104 = tpu.memref_slice %arg6[%add3A_98, %dma_wait3A_103] : memref<10000x128xf32, #tpu.memory_space<hbm>> -> memref<120x128xf32, #tpu.memory_space<hbm>>
        %dma_wait3A_105 = arith.constant 0 : i32
        %dma_wait3A_106 = tpu.memref_slice %arg7[%add3A_95, %dma_wait3A_105] : memref<5000x128xf32, #tpu.memory_space<vmem_shared>> -> memref<120x128xf32, #tpu.memory_space<vmem_shared>>
        tpu.wait_dma2 semaphore(%run_scoped3A : memref<!tpu.dma_semaphore, #tpu.memory_space<semaphore_mem>>) src(%dma_wait3A_106 : memref<120x128xf32, #tpu.memory_space<vmem_shared>>) dst(%dma_wait3A_104 : memref<120x128xf32, #tpu.memory_space<hbm>>)
        tpu.yield
      }) : () -> ()
    } else {
    }
    %eq3A_66 = arith.constant 7 : i32
    %eq3A_67 = arith.cmpi eq, %arg1, %eq3A_66 : i32
    %convert_element_type3A_68 = arith.extui %eq3A_67 : i1 to i32
    %cond3A_69 = arith.constant 0 : i32
    %cond3A_70 = arith.cmpi ne, %convert_element_type3A_68, %cond3A_69 : i32
    scf.if %cond3A_70 {
      %mul3A_71 = arith.constant 5000 : i32
      %mul3A_72 = arith.muli %arg0, %mul3A_71 : i32
      %add3A_73 = arith.constant 4424 : i32
      %add3A_74 = arith.addi %mul3A_72, %add3A_73 : i32
      "tpu.region"() ({
        %run_scoped3A = tpu.sem_alloc : memref<!tpu.dma_semaphore, #tpu.memory_space<semaphore_mem>>
        %dma_start3A_91 = arith.constant 0 : i32
        %dma_start3A_92 = tpu.memref_slice %arg6[%add3A_74, %dma_start3A_91] : memref<10000x128xf32, #tpu.memory_space<hbm>> -> memref<128x128xf32, #tpu.memory_space<hbm>>
        %dma_start3A_93 = arith.constant 4424 : i32
        %dma_start3A_94 = arith.constant 0 : i32
        %dma_start3A_95 = tpu.memref_slice %arg7[%dma_start3A_93, %dma_start3A_94] : memref<5000x128xf32, #tpu.memory_space<vmem_shared>> -> memref<128x128xf32, #tpu.memory_space<vmem_shared>>
        tpu.enqueue_dma source(%dma_start3A_95 : memref<128x128xf32, #tpu.memory_space<vmem_shared>>) target(%dma_start3A_92 : memref<128x128xf32, #tpu.memory_space<hbm>>) target_semaphore(%run_scoped3A : memref<!tpu.dma_semaphore, #tpu.memory_space<semaphore_mem>>)
        %dma_wait3A_96 = arith.constant 0 : i32
        %dma_wait3A_97 = tpu.memref_slice %arg6[%add3A_74, %dma_wait3A_96] : memref<10000x128xf32, #tpu.memory_space<hbm>> -> memref<128x128xf32, #tpu.memory_space<hbm>>
        %dma_wait3A_98 = arith.constant 4424 : i32
        %dma_wait3A_99 = arith.constant 0 : i32
        %dma_wait3A_100 = tpu.memref_slice %arg7[%dma_wait3A_98, %dma_wait3A_99] : memref<5000x128xf32, #tpu.memory_space<vmem_shared>> -> memref<128x128xf32, #tpu.memory_space<vmem_shared>>
        tpu.wait_dma2 semaphore(%run_scoped3A : memref<!tpu.dma_semaphore, #tpu.memory_space<semaphore_mem>>) src(%dma_wait3A_100 : memref<128x128xf32, #tpu.memory_space<vmem_shared>>) dst(%dma_wait3A_97 : memref<128x128xf32, #tpu.memory_space<hbm>>)
        tpu.yield
      }) : () -> ()
      %mul3A_75 = arith.constant 5000 : i32
      %mul3A_76 = arith.muli %arg0, %mul3A_75 : i32
      %add3A_77 = arith.constant 4552 : i32
      %add3A_78 = arith.addi %mul3A_76, %add3A_77 : i32
      "tpu.region"() ({
        %run_scoped3A = tpu.sem_alloc : memref<!tpu.dma_semaphore, #tpu.memory_space<semaphore_mem>>
        %dma_start3A_91 = arith.constant 0 : i32
        %dma_start3A_92 = tpu.memref_slice %arg6[%add3A_78, %dma_start3A_91] : memref<10000x128xf32, #tpu.memory_space<hbm>> -> memref<128x128xf32, #tpu.memory_space<hbm>>
        %dma_start3A_93 = arith.constant 4552 : i32
        %dma_start3A_94 = arith.constant 0 : i32
        %dma_start3A_95 = tpu.memref_slice %arg7[%dma_start3A_93, %dma_start3A_94] : memref<5000x128xf32, #tpu.memory_space<vmem_shared>> -> memref<128x128xf32, #tpu.memory_space<vmem_shared>>
        tpu.enqueue_dma source(%dma_start3A_95 : memref<128x128xf32, #tpu.memory_space<vmem_shared>>) target(%dma_start3A_92 : memref<128x128xf32, #tpu.memory_space<hbm>>) target_semaphore(%run_scoped3A : memref<!tpu.dma_semaphore, #tpu.memory_space<semaphore_mem>>)
        %dma_wait3A_96 = arith.constant 0 : i32
        %dma_wait3A_97 = tpu.memref_slice %arg6[%add3A_78, %dma_wait3A_96] : memref<10000x128xf32, #tpu.memory_space<hbm>> -> memref<128x128xf32, #tpu.memory_space<hbm>>
        %dma_wait3A_98 = arith.constant 4552 : i32
        %dma_wait3A_99 = arith.constant 0 : i32
        %dma_wait3A_100 = tpu.memref_slice %arg7[%dma_wait3A_98, %dma_wait3A_99] : memref<5000x128xf32, #tpu.memory_space<vmem_shared>> -> memref<128x128xf32, #tpu.memory_space<vmem_shared>>
        tpu.wait_dma2 semaphore(%run_scoped3A : memref<!tpu.dma_semaphore, #tpu.memory_space<semaphore_mem>>) src(%dma_wait3A_100 : memref<128x128xf32, #tpu.memory_space<vmem_shared>>) dst(%dma_wait3A_97 : memref<128x128xf32, #tpu.memory_space<hbm>>)
        tpu.yield
      }) : () -> ()
      %mul3A_79 = arith.constant 5000 : i32
      %mul3A_80 = arith.muli %arg0, %mul3A_79 : i32
      %add3A_81 = arith.constant 4680 : i32
      %add3A_82 = arith.addi %mul3A_80, %add3A_81 : i32
      "tpu.region"() ({
        %run_scoped3A = tpu.sem_alloc : memref<!tpu.dma_semaphore, #tpu.memory_space<semaphore_mem>>
        %dma_start3A_91 = arith.constant 0 : i32
        %dma_start3A_92 = tpu.memref_slice %arg6[%add3A_82, %dma_start3A_91] : memref<10000x128xf32, #tpu.memory_space<hbm>> -> memref<128x128xf32, #tpu.memory_space<hbm>>
        %dma_start3A_93 = arith.constant 4680 : i32
        %dma_start3A_94 = arith.constant 0 : i32
        %dma_start3A_95 = tpu.memref_slice %arg7[%dma_start3A_93, %dma_start3A_94] : memref<5000x128xf32, #tpu.memory_space<vmem_shared>> -> memref<128x128xf32, #tpu.memory_space<vmem_shared>>
        tpu.enqueue_dma source(%dma_start3A_95 : memref<128x128xf32, #tpu.memory_space<vmem_shared>>) target(%dma_start3A_92 : memref<128x128xf32, #tpu.memory_space<hbm>>) target_semaphore(%run_scoped3A : memref<!tpu.dma_semaphore, #tpu.memory_space<semaphore_mem>>)
        %dma_wait3A_96 = arith.constant 0 : i32
        %dma_wait3A_97 = tpu.memref_slice %arg6[%add3A_82, %dma_wait3A_96] : memref<10000x128xf32, #tpu.memory_space<hbm>> -> memref<128x128xf32, #tpu.memory_space<hbm>>
        %dma_wait3A_98 = arith.constant 4680 : i32
        %dma_wait3A_99 = arith.constant 0 : i32
        %dma_wait3A_100 = tpu.memref_slice %arg7[%dma_wait3A_98, %dma_wait3A_99] : memref<5000x128xf32, #tpu.memory_space<vmem_shared>> -> memref<128x128xf32, #tpu.memory_space<vmem_shared>>
        tpu.wait_dma2 semaphore(%run_scoped3A : memref<!tpu.dma_semaphore, #tpu.memory_space<semaphore_mem>>) src(%dma_wait3A_100 : memref<128x128xf32, #tpu.memory_space<vmem_shared>>) dst(%dma_wait3A_97 : memref<128x128xf32, #tpu.memory_space<hbm>>)
        tpu.yield
      }) : () -> ()
      %mul3A_83 = arith.constant 5000 : i32
      %mul3A_84 = arith.muli %arg0, %mul3A_83 : i32
      %add3A_85 = arith.constant 4808 : i32
      %add3A_86 = arith.addi %mul3A_84, %add3A_85 : i32
      "tpu.region"() ({
        %run_scoped3A = tpu.sem_alloc : memref<!tpu.dma_semaphore, #tpu.memory_space<semaphore_mem>>
        %dma_start3A_91 = arith.constant 0 : i32
        %dma_start3A_92 = tpu.memref_slice %arg6[%add3A_86, %dma_start3A_91] : memref<10000x128xf32, #tpu.memory_space<hbm>> -> memref<128x128xf32, #tpu.memory_space<hbm>>
        %dma_start3A_93 = arith.constant 4808 : i32
        %dma_start3A_94 = arith.constant 0 : i32
        %dma_start3A_95 = tpu.memref_slice %arg7[%dma_start3A_93, %dma_start3A_94] : memref<5000x128xf32, #tpu.memory_space<vmem_shared>> -> memref<128x128xf32, #tpu.memory_space<vmem_shared>>
        tpu.enqueue_dma source(%dma_start3A_95 : memref<128x128xf32, #tpu.memory_space<vmem_shared>>) target(%dma_start3A_92 : memref<128x128xf32, #tpu.memory_space<hbm>>) target_semaphore(%run_scoped3A : memref<!tpu.dma_semaphore, #tpu.memory_space<semaphore_mem>>)
        %dma_wait3A_96 = arith.constant 0 : i32
        %dma_wait3A_97 = tpu.memref_slice %arg6[%add3A_86, %dma_wait3A_96] : memref<10000x128xf32, #tpu.memory_space<hbm>> -> memref<128x128xf32, #tpu.memory_space<hbm>>
        %dma_wait3A_98 = arith.constant 4808 : i32
        %dma_wait3A_99 = arith.constant 0 : i32
        %dma_wait3A_100 = tpu.memref_slice %arg7[%dma_wait3A_98, %dma_wait3A_99] : memref<5000x128xf32, #tpu.memory_space<vmem_shared>> -> memref<128x128xf32, #tpu.memory_space<vmem_shared>>
        tpu.wait_dma2 semaphore(%run_scoped3A : memref<!tpu.dma_semaphore, #tpu.memory_space<semaphore_mem>>) src(%dma_wait3A_100 : memref<128x128xf32, #tpu.memory_space<vmem_shared>>) dst(%dma_wait3A_97 : memref<128x128xf32, #tpu.memory_space<hbm>>)
        tpu.yield
      }) : () -> ()
      %mul3A_87 = arith.constant 5000 : i32
      %mul3A_88 = arith.muli %arg0, %mul3A_87 : i32
      %add3A_89 = arith.constant 4936 : i32
      %add3A_90 = arith.addi %mul3A_88, %add3A_89 : i32
      "tpu.region"() ({
        %run_scoped3A = tpu.sem_alloc : memref<!tpu.dma_semaphore, #tpu.memory_space<semaphore_mem>>
        %dma_start3A_91 = arith.constant 0 : i32
        %dma_start3A_92 = tpu.memref_slice %arg6[%add3A_90, %dma_start3A_91] : memref<10000x128xf32, #tpu.memory_space<hbm>> -> memref<64x128xf32, #tpu.memory_space<hbm>>
        %dma_start3A_93 = arith.constant 4936 : i32
        %dma_start3A_94 = arith.constant 0 : i32
        %dma_start3A_95 = tpu.memref_slice %arg7[%dma_start3A_93, %dma_start3A_94] : memref<5000x128xf32, #tpu.memory_space<vmem_shared>> -> memref<64x128xf32, #tpu.memory_space<vmem_shared>>
        tpu.enqueue_dma source(%dma_start3A_95 : memref<64x128xf32, #tpu.memory_space<vmem_shared>>) target(%dma_start3A_92 : memref<64x128xf32, #tpu.memory_space<hbm>>) target_semaphore(%run_scoped3A : memref<!tpu.dma_semaphore, #tpu.memory_space<semaphore_mem>>)
        %dma_wait3A_96 = arith.constant 0 : i32
        %dma_wait3A_97 = tpu.memref_slice %arg6[%add3A_90, %dma_wait3A_96] : memref<10000x128xf32, #tpu.memory_space<hbm>> -> memref<64x128xf32, #tpu.memory_space<hbm>>
        %dma_wait3A_98 = arith.constant 4936 : i32
        %dma_wait3A_99 = arith.constant 0 : i32
        %dma_wait3A_100 = tpu.memref_slice %arg7[%dma_wait3A_98, %dma_wait3A_99] : memref<5000x128xf32, #tpu.memory_space<vmem_shared>> -> memref<64x128xf32, #tpu.memory_space<vmem_shared>>
        tpu.wait_dma2 semaphore(%run_scoped3A : memref<!tpu.dma_semaphore, #tpu.memory_space<semaphore_mem>>) src(%dma_wait3A_100 : memref<64x128xf32, #tpu.memory_space<vmem_shared>>) dst(%dma_wait3A_97 : memref<64x128xf32, #tpu.memory_space<hbm>>)
        tpu.yield
      }) : () -> ()
    } else {
    }
    return
  }
}

#map = affine_map<(d0, d1) -> (0)>
#map1 = affine_map<(d0, d1) -> (0, 0)>
module attributes {stable_mosaic.version = 14 : i64} {
  func.func @sc_degrees(%arg0: i32, %arg1: i32, %arg2: memref<320000xi32, #tpu.memory_space<hbm>>, %arg3: memref<320000xi32, #tpu.memory_space<hbm>>, %arg4: memref<160000xi32, #tpu.memory_space<hbm>>, %arg5: memref<160000xi32, #tpu.memory_space<hbm>>, %arg6: memref<128x128xf32, #tpu.memory_space<hbm>>, %arg7: memref<80xi32, #tpu.memory_space<hbm>>, %arg8: memref<40xi32, #tpu.memory_space<hbm>>, %arg9: memref<8xi32, #tpu.memory_space<hbm>>, %arg10: memref<160x128xf32, #tpu.memory_space<hbm>>, %arg11: memref<80x128xf32, #tpu.memory_space<hbm>>, %arg12: memref<80x128xf32, #tpu.memory_space<hbm>>, %arg13: memref<16x128xf32, #tpu.memory_space<hbm>>, %arg14: memref<80x128xf32, #tpu.memory_space<vmem_shared>>, %arg15: memref<40x128xf32, #tpu.memory_space<vmem_shared>>, %arg16: memref<40x128xf32, #tpu.memory_space<vmem_shared>>, %arg17: memref<8x128xf32, #tpu.memory_space<vmem_shared>>, %arg18: memref<80x128xf32, #tpu.memory_space<vmem>>, %arg19: memref<40x128xf32, #tpu.memory_space<vmem>>, %arg20: memref<40x128xf32, #tpu.memory_space<vmem>>, %arg21: memref<8x128xf32, #tpu.memory_space<vmem>>, %arg22: memref<10000xi32, #tpu.memory_space<vmem>>, %arg23: memref<10000xi32, #tpu.memory_space<vmem>>, %arg24: memref<80xi32, #tpu.memory_space<vmem>>, %arg25: memref<40xi32, #tpu.memory_space<vmem>>, %arg26: memref<8xi32, #tpu.memory_space<vmem>>, %arg27: memref<!tpu.dma_semaphore, #tpu.memory_space<semaphore_mem>>, %arg28: memref<!tpu.dma_semaphore, #tpu.memory_space<semaphore_mem>>) attributes {dimension_semantics = [#tpu.dimension_semantics<core_parallel>, #tpu.dimension_semantics<subcore_parallel>], iteration_bounds = array<i64: 2, 16>, scalar_prefetch = 0 : i64, scratch_operands = 15 : i64, tpu.core_type = #tpu.core_type<sc_vector_subcore>, window_params = [{transform_indices = #map}, {transform_indices = #map}, {transform_indices = #map}, {transform_indices = #map}, {transform_indices = #map1}, {transform_indices = #map}, {transform_indices = #map}, {transform_indices = #map}, {transform_indices = #map1}, {transform_indices = #map1}, {transform_indices = #map1}, {transform_indices = #map1}]} {
    %mul3A = arith.constant 16 : i32
    %mul3A_0 = arith.muli %arg0, %mul3A : i32
    %add3A = arith.addi %mul3A_0, %arg1 : i32
    "tpu.region"() ({
      %run_scoped3A = tpu.sem_alloc : memref<!tpu.dma_semaphore, #tpu.memory_space<semaphore_mem>>
      %dma_start3A_129 = arith.constant 0 : i32
      %dma_start3A_130 = arith.constant 0 : i32
      %dma_start3A_131 = tpu.memref_slice %arg6[%dma_start3A_129, %dma_start3A_130] : memref<128x128xf32, #tpu.memory_space<hbm>> -> memref<80x128xf32, #tpu.memory_space<hbm>>
      %dma_start3A_132 = arith.constant 0 : i32
      %dma_start3A_133 = arith.constant 0 : i32
      %dma_start3A_134 = tpu.memref_slice %arg6[%dma_start3A_132, %dma_start3A_133] : memref<128x128xf32, #tpu.memory_space<hbm>> -> memref<80x128xf32, #tpu.memory_space<hbm>>
      tpu.enqueue_dma source(%dma_start3A_134 : memref<80x128xf32, #tpu.memory_space<hbm>>) target(%arg18 : memref<80x128xf32, #tpu.memory_space<vmem>>) target_semaphore(%run_scoped3A : memref<!tpu.dma_semaphore, #tpu.memory_space<semaphore_mem>>)
      %dma_wait3A_135 = arith.constant 0 : i32
      %dma_wait3A_136 = arith.constant 0 : i32
      %dma_wait3A_137 = tpu.memref_slice %arg6[%dma_wait3A_135, %dma_wait3A_136] : memref<128x128xf32, #tpu.memory_space<hbm>> -> memref<80x128xf32, #tpu.memory_space<hbm>>
      %dma_wait3A_138 = arith.constant 0 : i32
      %dma_wait3A_139 = arith.constant 0 : i32
      %dma_wait3A_140 = tpu.memref_slice %arg6[%dma_wait3A_138, %dma_wait3A_139] : memref<128x128xf32, #tpu.memory_space<hbm>> -> memref<80x128xf32, #tpu.memory_space<hbm>>
      tpu.wait_dma2 semaphore(%run_scoped3A : memref<!tpu.dma_semaphore, #tpu.memory_space<semaphore_mem>>) src(%dma_wait3A_140 : memref<80x128xf32, #tpu.memory_space<hbm>>) dst(%arg18 : memref<80x128xf32, #tpu.memory_space<vmem>>)
      tpu.yield
    }) : () -> ()
    "tpu.region"() ({
      %run_scoped3A = tpu.sem_alloc : memref<!tpu.dma_semaphore, #tpu.memory_space<semaphore_mem>>
      %dma_start3A_129 = arith.constant 0 : i32
      %dma_start3A_130 = arith.constant 0 : i32
      %dma_start3A_131 = tpu.memref_slice %arg6[%dma_start3A_129, %dma_start3A_130] : memref<128x128xf32, #tpu.memory_space<hbm>> -> memref<40x128xf32, #tpu.memory_space<hbm>>
      %dma_start3A_132 = arith.constant 0 : i32
      %dma_start3A_133 = arith.constant 0 : i32
      %dma_start3A_134 = tpu.memref_slice %arg6[%dma_start3A_132, %dma_start3A_133] : memref<128x128xf32, #tpu.memory_space<hbm>> -> memref<40x128xf32, #tpu.memory_space<hbm>>
      tpu.enqueue_dma source(%dma_start3A_134 : memref<40x128xf32, #tpu.memory_space<hbm>>) target(%arg19 : memref<40x128xf32, #tpu.memory_space<vmem>>) target_semaphore(%run_scoped3A : memref<!tpu.dma_semaphore, #tpu.memory_space<semaphore_mem>>)
      %dma_wait3A_135 = arith.constant 0 : i32
      %dma_wait3A_136 = arith.constant 0 : i32
      %dma_wait3A_137 = tpu.memref_slice %arg6[%dma_wait3A_135, %dma_wait3A_136] : memref<128x128xf32, #tpu.memory_space<hbm>> -> memref<40x128xf32, #tpu.memory_space<hbm>>
      %dma_wait3A_138 = arith.constant 0 : i32
      %dma_wait3A_139 = arith.constant 0 : i32
      %dma_wait3A_140 = tpu.memref_slice %arg6[%dma_wait3A_138, %dma_wait3A_139] : memref<128x128xf32, #tpu.memory_space<hbm>> -> memref<40x128xf32, #tpu.memory_space<hbm>>
      tpu.wait_dma2 semaphore(%run_scoped3A : memref<!tpu.dma_semaphore, #tpu.memory_space<semaphore_mem>>) src(%dma_wait3A_140 : memref<40x128xf32, #tpu.memory_space<hbm>>) dst(%arg19 : memref<40x128xf32, #tpu.memory_space<vmem>>)
      tpu.yield
    }) : () -> ()
    "tpu.region"() ({
      %run_scoped3A = tpu.sem_alloc : memref<!tpu.dma_semaphore, #tpu.memory_space<semaphore_mem>>
      %dma_start3A_129 = arith.constant 0 : i32
      %dma_start3A_130 = arith.constant 0 : i32
      %dma_start3A_131 = tpu.memref_slice %arg6[%dma_start3A_129, %dma_start3A_130] : memref<128x128xf32, #tpu.memory_space<hbm>> -> memref<40x128xf32, #tpu.memory_space<hbm>>
      %dma_start3A_132 = arith.constant 0 : i32
      %dma_start3A_133 = arith.constant 0 : i32
      %dma_start3A_134 = tpu.memref_slice %arg6[%dma_start3A_132, %dma_start3A_133] : memref<128x128xf32, #tpu.memory_space<hbm>> -> memref<40x128xf32, #tpu.memory_space<hbm>>
      tpu.enqueue_dma source(%dma_start3A_134 : memref<40x128xf32, #tpu.memory_space<hbm>>) target(%arg20 : memref<40x128xf32, #tpu.memory_space<vmem>>) target_semaphore(%run_scoped3A : memref<!tpu.dma_semaphore, #tpu.memory_space<semaphore_mem>>)
      %dma_wait3A_135 = arith.constant 0 : i32
      %dma_wait3A_136 = arith.constant 0 : i32
      %dma_wait3A_137 = tpu.memref_slice %arg6[%dma_wait3A_135, %dma_wait3A_136] : memref<128x128xf32, #tpu.memory_space<hbm>> -> memref<40x128xf32, #tpu.memory_space<hbm>>
      %dma_wait3A_138 = arith.constant 0 : i32
      %dma_wait3A_139 = arith.constant 0 : i32
      %dma_wait3A_140 = tpu.memref_slice %arg6[%dma_wait3A_138, %dma_wait3A_139] : memref<128x128xf32, #tpu.memory_space<hbm>> -> memref<40x128xf32, #tpu.memory_space<hbm>>
      tpu.wait_dma2 semaphore(%run_scoped3A : memref<!tpu.dma_semaphore, #tpu.memory_space<semaphore_mem>>) src(%dma_wait3A_140 : memref<40x128xf32, #tpu.memory_space<hbm>>) dst(%arg20 : memref<40x128xf32, #tpu.memory_space<vmem>>)
      tpu.yield
    }) : () -> ()
    "tpu.region"() ({
      %run_scoped3A = tpu.sem_alloc : memref<!tpu.dma_semaphore, #tpu.memory_space<semaphore_mem>>
      %dma_start3A_129 = arith.constant 0 : i32
      %dma_start3A_130 = arith.constant 0 : i32
      %dma_start3A_131 = tpu.memref_slice %arg6[%dma_start3A_129, %dma_start3A_130] : memref<128x128xf32, #tpu.memory_space<hbm>> -> memref<8x128xf32, #tpu.memory_space<hbm>>
      %dma_start3A_132 = arith.constant 0 : i32
      %dma_start3A_133 = arith.constant 0 : i32
      %dma_start3A_134 = tpu.memref_slice %arg6[%dma_start3A_132, %dma_start3A_133] : memref<128x128xf32, #tpu.memory_space<hbm>> -> memref<8x128xf32, #tpu.memory_space<hbm>>
      tpu.enqueue_dma source(%dma_start3A_134 : memref<8x128xf32, #tpu.memory_space<hbm>>) target(%arg21 : memref<8x128xf32, #tpu.memory_space<vmem>>) target_semaphore(%run_scoped3A : memref<!tpu.dma_semaphore, #tpu.memory_space<semaphore_mem>>)
      %dma_wait3A_135 = arith.constant 0 : i32
      %dma_wait3A_136 = arith.constant 0 : i32
      %dma_wait3A_137 = tpu.memref_slice %arg6[%dma_wait3A_135, %dma_wait3A_136] : memref<128x128xf32, #tpu.memory_space<hbm>> -> memref<8x128xf32, #tpu.memory_space<hbm>>
      %dma_wait3A_138 = arith.constant 0 : i32
      %dma_wait3A_139 = arith.constant 0 : i32
      %dma_wait3A_140 = tpu.memref_slice %arg6[%dma_wait3A_138, %dma_wait3A_139] : memref<128x128xf32, #tpu.memory_space<hbm>> -> memref<8x128xf32, #tpu.memory_space<hbm>>
      tpu.wait_dma2 semaphore(%run_scoped3A : memref<!tpu.dma_semaphore, #tpu.memory_space<semaphore_mem>>) src(%dma_wait3A_140 : memref<8x128xf32, #tpu.memory_space<hbm>>) dst(%arg21 : memref<8x128xf32, #tpu.memory_space<vmem>>)
      tpu.yield
    }) : () -> ()
    "tpu.region"() ({
      %run_scoped3A = tpu.sem_alloc : memref<!tpu.dma_semaphore, #tpu.memory_space<semaphore_mem>>
      tpu.enqueue_dma source(%arg7 : memref<80xi32, #tpu.memory_space<hbm>>) target(%arg24 : memref<80xi32, #tpu.memory_space<vmem>>) target_semaphore(%run_scoped3A : memref<!tpu.dma_semaphore, #tpu.memory_space<semaphore_mem>>)
      tpu.wait_dma2 semaphore(%run_scoped3A : memref<!tpu.dma_semaphore, #tpu.memory_space<semaphore_mem>>) src(%arg7 : memref<80xi32, #tpu.memory_space<hbm>>) dst(%arg24 : memref<80xi32, #tpu.memory_space<vmem>>)
      tpu.yield
    }) : () -> ()
    "tpu.region"() ({
      %run_scoped3A = tpu.sem_alloc : memref<!tpu.dma_semaphore, #tpu.memory_space<semaphore_mem>>
      tpu.enqueue_dma source(%arg8 : memref<40xi32, #tpu.memory_space<hbm>>) target(%arg25 : memref<40xi32, #tpu.memory_space<vmem>>) target_semaphore(%run_scoped3A : memref<!tpu.dma_semaphore, #tpu.memory_space<semaphore_mem>>)
      tpu.wait_dma2 semaphore(%run_scoped3A : memref<!tpu.dma_semaphore, #tpu.memory_space<semaphore_mem>>) src(%arg8 : memref<40xi32, #tpu.memory_space<hbm>>) dst(%arg25 : memref<40xi32, #tpu.memory_space<vmem>>)
      tpu.yield
    }) : () -> ()
    "tpu.region"() ({
      %run_scoped3A = tpu.sem_alloc : memref<!tpu.dma_semaphore, #tpu.memory_space<semaphore_mem>>
      tpu.enqueue_dma source(%arg9 : memref<8xi32, #tpu.memory_space<hbm>>) target(%arg26 : memref<8xi32, #tpu.memory_space<vmem>>) target_semaphore(%run_scoped3A : memref<!tpu.dma_semaphore, #tpu.memory_space<semaphore_mem>>)
      tpu.wait_dma2 semaphore(%run_scoped3A : memref<!tpu.dma_semaphore, #tpu.memory_space<semaphore_mem>>) src(%arg9 : memref<8xi32, #tpu.memory_space<hbm>>) dst(%arg26 : memref<8xi32, #tpu.memory_space<vmem>>)
      tpu.yield
    }) : () -> ()
    %eq3A = arith.constant 0 : i32
    %eq3A_1 = arith.cmpi eq, %arg1, %eq3A : i32
    %convert_element_type3A = arith.extui %eq3A_1 : i1 to i32
    %cond3A = arith.constant 0 : i32
    %cond3A_2 = arith.cmpi ne, %convert_element_type3A, %cond3A : i32
    scf.if %cond3A_2 {
      "tpu.region"() ({
        %run_scoped3A = tpu.sem_alloc : memref<!tpu.dma_semaphore, #tpu.memory_space<semaphore_mem>>
        tpu.enqueue_dma source(%arg18 : memref<80x128xf32, #tpu.memory_space<vmem>>) target(%arg14 : memref<80x128xf32, #tpu.memory_space<vmem_shared>>) target_semaphore(%run_scoped3A : memref<!tpu.dma_semaphore, #tpu.memory_space<semaphore_mem>>)
        tpu.wait_dma2 semaphore(%run_scoped3A : memref<!tpu.dma_semaphore, #tpu.memory_space<semaphore_mem>>) src(%arg18 : memref<80x128xf32, #tpu.memory_space<vmem>>) dst(%arg14 : memref<80x128xf32, #tpu.memory_space<vmem_shared>>)
        tpu.yield
      }) : () -> ()
      "tpu.region"() ({
        %run_scoped3A = tpu.sem_alloc : memref<!tpu.dma_semaphore, #tpu.memory_space<semaphore_mem>>
        tpu.enqueue_dma source(%arg19 : memref<40x128xf32, #tpu.memory_space<vmem>>) target(%arg15 : memref<40x128xf32, #tpu.memory_space<vmem_shared>>) target_semaphore(%run_scoped3A : memref<!tpu.dma_semaphore, #tpu.memory_space<semaphore_mem>>)
        tpu.wait_dma2 semaphore(%run_scoped3A : memref<!tpu.dma_semaphore, #tpu.memory_space<semaphore_mem>>) src(%arg19 : memref<40x128xf32, #tpu.memory_space<vmem>>) dst(%arg15 : memref<40x128xf32, #tpu.memory_space<vmem_shared>>)
        tpu.yield
      }) : () -> ()
      "tpu.region"() ({
        %run_scoped3A = tpu.sem_alloc : memref<!tpu.dma_semaphore, #tpu.memory_space<semaphore_mem>>
        tpu.enqueue_dma source(%arg20 : memref<40x128xf32, #tpu.memory_space<vmem>>) target(%arg16 : memref<40x128xf32, #tpu.memory_space<vmem_shared>>) target_semaphore(%run_scoped3A : memref<!tpu.dma_semaphore, #tpu.memory_space<semaphore_mem>>)
        tpu.wait_dma2 semaphore(%run_scoped3A : memref<!tpu.dma_semaphore, #tpu.memory_space<semaphore_mem>>) src(%arg20 : memref<40x128xf32, #tpu.memory_space<vmem>>) dst(%arg16 : memref<40x128xf32, #tpu.memory_space<vmem_shared>>)
        tpu.yield
      }) : () -> ()
      "tpu.region"() ({
        %run_scoped3A = tpu.sem_alloc : memref<!tpu.dma_semaphore, #tpu.memory_space<semaphore_mem>>
        tpu.enqueue_dma source(%arg21 : memref<8x128xf32, #tpu.memory_space<vmem>>) target(%arg17 : memref<8x128xf32, #tpu.memory_space<vmem_shared>>) target_semaphore(%run_scoped3A : memref<!tpu.dma_semaphore, #tpu.memory_space<semaphore_mem>>)
        tpu.wait_dma2 semaphore(%run_scoped3A : memref<!tpu.dma_semaphore, #tpu.memory_space<semaphore_mem>>) src(%arg21 : memref<8x128xf32, #tpu.memory_space<vmem>>) dst(%arg17 : memref<8x128xf32, #tpu.memory_space<vmem_shared>>)
        tpu.yield
      }) : () -> ()
    } else {
    }
    %barrier3A = arith.constant 0 : index
    tpu.barrier barrier_id(%barrier3A)
    %broadcast_in_dim3A = arith.constant 1.000000e+00 : f32
    %broadcast_in_dim3A_3 = vector.broadcast %broadcast_in_dim3A : f32 to vector<16xf32>
    %mul3A_4 = arith.constant 10000 : i32
    %mul3A_5 = arith.muli %add3A, %mul3A_4 : i32
    %dma_start3A = arith.constant 0 : i32
    %dma_start3A_6 = tpu.memref_slice %arg22[%dma_start3A] : memref<10000xi32, #tpu.memory_space<vmem>> -> memref<10000xi32, #tpu.memory_space<vmem>>
    %dma_start3A_7 = tpu.memref_slice %arg2[%mul3A_5] : memref<320000xi32, #tpu.memory_space<hbm>> -> memref<10000xi32, #tpu.memory_space<hbm>>
    %dma_start3A_8 = arith.constant 0 : i32
    %dma_start3A_9 = tpu.memref_slice %arg22[%dma_start3A_8] : memref<10000xi32, #tpu.memory_space<vmem>> -> memref<10000xi32, #tpu.memory_space<vmem>>
    %dma_start3A_10 = tpu.memref_slice %arg2[%mul3A_5] : memref<320000xi32, #tpu.memory_space<hbm>> -> memref<10000xi32, #tpu.memory_space<hbm>>
    tpu.enqueue_dma source(%dma_start3A_10 : memref<10000xi32, #tpu.memory_space<hbm>>) target(%dma_start3A_9 : memref<10000xi32, #tpu.memory_space<vmem>>) target_semaphore(%arg27 : memref<!tpu.dma_semaphore, #tpu.memory_space<semaphore_mem>>)
    %mul3A_11 = arith.constant 10000 : i32
    %mul3A_12 = arith.muli %add3A, %mul3A_11 : i32
    %dma_start3A_13 = arith.constant 0 : i32
    %dma_start3A_14 = tpu.memref_slice %arg23[%dma_start3A_13] : memref<10000xi32, #tpu.memory_space<vmem>> -> memref<10000xi32, #tpu.memory_space<vmem>>
    %dma_start3A_15 = tpu.memref_slice %arg3[%mul3A_12] : memref<320000xi32, #tpu.memory_space<hbm>> -> memref<10000xi32, #tpu.memory_space<hbm>>
    %dma_start3A_16 = arith.constant 0 : i32
    %dma_start3A_17 = tpu.memref_slice %arg23[%dma_start3A_16] : memref<10000xi32, #tpu.memory_space<vmem>> -> memref<10000xi32, #tpu.memory_space<vmem>>
    %dma_start3A_18 = tpu.memref_slice %arg3[%mul3A_12] : memref<320000xi32, #tpu.memory_space<hbm>> -> memref<10000xi32, #tpu.memory_space<hbm>>
    tpu.enqueue_dma source(%dma_start3A_18 : memref<10000xi32, #tpu.memory_space<hbm>>) target(%dma_start3A_17 : memref<10000xi32, #tpu.memory_space<vmem>>) target_semaphore(%arg28 : memref<!tpu.dma_semaphore, #tpu.memory_space<semaphore_mem>>)
    %mul3A_19 = arith.constant 10000 : i32
    %mul3A_20 = arith.muli %add3A, %mul3A_19 : i32
    %dma_wait3A = arith.constant 0 : i32
    %dma_wait3A_21 = tpu.memref_slice %arg22[%dma_wait3A] : memref<10000xi32, #tpu.memory_space<vmem>> -> memref<10000xi32, #tpu.memory_space<vmem>>
    %dma_wait3A_22 = tpu.memref_slice %arg2[%mul3A_20] : memref<320000xi32, #tpu.memory_space<hbm>> -> memref<10000xi32, #tpu.memory_space<hbm>>
    %dma_wait3A_23 = arith.constant 0 : i32
    %dma_wait3A_24 = tpu.memref_slice %arg22[%dma_wait3A_23] : memref<10000xi32, #tpu.memory_space<vmem>> -> memref<10000xi32, #tpu.memory_space<vmem>>
    %dma_wait3A_25 = tpu.memref_slice %arg2[%mul3A_20] : memref<320000xi32, #tpu.memory_space<hbm>> -> memref<10000xi32, #tpu.memory_space<hbm>>
    tpu.wait_dma2 semaphore(%arg27 : memref<!tpu.dma_semaphore, #tpu.memory_space<semaphore_mem>>) src(%dma_wait3A_25 : memref<10000xi32, #tpu.memory_space<hbm>>) dst(%dma_wait3A_24 : memref<10000xi32, #tpu.memory_space<vmem>>)
    %scan3A = arith.constant 0 : i32
    %scan3A_26 = arith.constant 0 : i32
    %scan3A_27 = arith.constant 625 : i32
    %scan3A_28 = arith.addi %scan3A_26, %scan3A_27 : i32
    %scan3A_29 = arith.constant 1 : i32
    scf.for %scan3A_129 = %scan3A_26 to %scan3A_28 step %scan3A_29  : i32 {
      %mul3A_130 = arith.constant 16 : i32
      %mul3A_131 = arith.muli %scan3A_129, %mul3A_130 : i32
      %get3A_132 = arith.index_cast %mul3A_131 : i32 to index
      %get3A_133 = tpu.vector_load %arg22[%get3A_132] {strides = array<i32>} : memref<10000xi32, #tpu.memory_space<vmem>>, vector<16xi32>,
      %shift_right_arithmetic3A_134 = arith.constant 7 : i32
      %shift_right_arithmetic3A_135 = vector.broadcast %shift_right_arithmetic3A_134 : i32 to vector<16xi32>
      %shift_right_arithmetic3A_136 = arith.shrsi %get3A_133, %shift_right_arithmetic3A_135 : vector<16xi32>
      %and3A_137 = arith.constant 127 : i32
      %and3A_138 = vector.broadcast %and3A_137 : i32 to vector<16xi32>
      %and3A_139 = arith.andi %get3A_133, %and3A_138 : vector<16xi32>
      tpu.vector_store_idx %arg18[%shift_right_arithmetic3A_136, %and3A_139], %broadcast_in_dim3A_3 {add = true} : memref<80x128xf32, #tpu.memory_space<vmem>>[vector<16xi32>, vector<16xi32>], vector<16xf32>,
    }
    %scan3A_30 = arith.constant 625 : i32
    %mul3A_31 = arith.constant 5000 : i32
    %mul3A_32 = arith.muli %add3A, %mul3A_31 : i32
    %dma_start3A_33 = arith.constant 0 : i32
    %dma_start3A_34 = tpu.memref_slice %arg22[%dma_start3A_33] : memref<10000xi32, #tpu.memory_space<vmem>> -> memref<5000xi32, #tpu.memory_space<vmem>>
    %dma_start3A_35 = tpu.memref_slice %arg4[%mul3A_32] : memref<160000xi32, #tpu.memory_space<hbm>> -> memref<5000xi32, #tpu.memory_space<hbm>>
    %dma_start3A_36 = arith.constant 0 : i32
    %dma_start3A_37 = tpu.memref_slice %arg22[%dma_start3A_36] : memref<10000xi32, #tpu.memory_space<vmem>> -> memref<5000xi32, #tpu.memory_space<vmem>>
    %dma_start3A_38 = tpu.memref_slice %arg4[%mul3A_32] : memref<160000xi32, #tpu.memory_space<hbm>> -> memref<5000xi32, #tpu.memory_space<hbm>>
    tpu.enqueue_dma source(%dma_start3A_38 : memref<5000xi32, #tpu.memory_space<hbm>>) target(%dma_start3A_37 : memref<5000xi32, #tpu.memory_space<vmem>>) target_semaphore(%arg27 : memref<!tpu.dma_semaphore, #tpu.memory_space<semaphore_mem>>)
    %mul3A_39 = arith.constant 10000 : i32
    %mul3A_40 = arith.muli %add3A, %mul3A_39 : i32
    %dma_wait3A_41 = arith.constant 0 : i32
    %dma_wait3A_42 = tpu.memref_slice %arg23[%dma_wait3A_41] : memref<10000xi32, #tpu.memory_space<vmem>> -> memref<10000xi32, #tpu.memory_space<vmem>>
    %dma_wait3A_43 = tpu.memref_slice %arg3[%mul3A_40] : memref<320000xi32, #tpu.memory_space<hbm>> -> memref<10000xi32, #tpu.memory_space<hbm>>
    %dma_wait3A_44 = arith.constant 0 : i32
    %dma_wait3A_45 = tpu.memref_slice %arg23[%dma_wait3A_44] : memref<10000xi32, #tpu.memory_space<vmem>> -> memref<10000xi32, #tpu.memory_space<vmem>>
    %dma_wait3A_46 = tpu.memref_slice %arg3[%mul3A_40] : memref<320000xi32, #tpu.memory_space<hbm>> -> memref<10000xi32, #tpu.memory_space<hbm>>
    tpu.wait_dma2 semaphore(%arg28 : memref<!tpu.dma_semaphore, #tpu.memory_space<semaphore_mem>>) src(%dma_wait3A_46 : memref<10000xi32, #tpu.memory_space<hbm>>) dst(%dma_wait3A_45 : memref<10000xi32, #tpu.memory_space<vmem>>)
    %scan3A_47 = arith.constant 0 : i32
    %scan3A_48 = arith.constant 0 : i32
    %scan3A_49 = arith.constant 625 : i32
    %scan3A_50 = arith.addi %scan3A_48, %scan3A_49 : i32
    %scan3A_51 = arith.constant 1 : i32
    scf.for %scan3A_129 = %scan3A_48 to %scan3A_50 step %scan3A_51  : i32 {
      %mul3A_130 = arith.constant 16 : i32
      %mul3A_131 = arith.muli %scan3A_129, %mul3A_130 : i32
      %get3A_132 = arith.index_cast %mul3A_131 : i32 to index
      %get3A_133 = tpu.vector_load %arg23[%get3A_132] {strides = array<i32>} : memref<10000xi32, #tpu.memory_space<vmem>>, vector<16xi32>,
      %shift_right_arithmetic3A_134 = arith.constant 7 : i32
      %shift_right_arithmetic3A_135 = vector.broadcast %shift_right_arithmetic3A_134 : i32 to vector<16xi32>
      %shift_right_arithmetic3A_136 = arith.shrsi %get3A_133, %shift_right_arithmetic3A_135 : vector<16xi32>
      %and3A_137 = arith.constant 127 : i32
      %and3A_138 = vector.broadcast %and3A_137 : i32 to vector<16xi32>
      %and3A_139 = arith.andi %get3A_133, %and3A_138 : vector<16xi32>
      tpu.vector_store_idx %arg19[%shift_right_arithmetic3A_136, %and3A_139], %broadcast_in_dim3A_3 {add = true} : memref<40x128xf32, #tpu.memory_space<vmem>>[vector<16xi32>, vector<16xi32>], vector<16xf32>,
    }
    %scan3A_52 = arith.constant 625 : i32
    %mul3A_53 = arith.constant 5000 : i32
    %mul3A_54 = arith.muli %add3A, %mul3A_53 : i32
    %dma_start3A_55 = arith.constant 0 : i32
    %dma_start3A_56 = tpu.memref_slice %arg23[%dma_start3A_55] : memref<10000xi32, #tpu.memory_space<vmem>> -> memref<5000xi32, #tpu.memory_space<vmem>>
    %dma_start3A_57 = tpu.memref_slice %arg5[%mul3A_54] : memref<160000xi32, #tpu.memory_space<hbm>> -> memref<5000xi32, #tpu.memory_space<hbm>>
    %dma_start3A_58 = arith.constant 0 : i32
    %dma_start3A_59 = tpu.memref_slice %arg23[%dma_start3A_58] : memref<10000xi32, #tpu.memory_space<vmem>> -> memref<5000xi32, #tpu.memory_space<vmem>>
    %dma_start3A_60 = tpu.memref_slice %arg5[%mul3A_54] : memref<160000xi32, #tpu.memory_space<hbm>> -> memref<5000xi32, #tpu.memory_space<hbm>>
    tpu.enqueue_dma source(%dma_start3A_60 : memref<5000xi32, #tpu.memory_space<hbm>>) target(%dma_start3A_59 : memref<5000xi32, #tpu.memory_space<vmem>>) target_semaphore(%arg28 : memref<!tpu.dma_semaphore, #tpu.memory_space<semaphore_mem>>)
    %mul3A_61 = arith.constant 5000 : i32
    %mul3A_62 = arith.muli %add3A, %mul3A_61 : i32
    %dma_wait3A_63 = arith.constant 0 : i32
    %dma_wait3A_64 = tpu.memref_slice %arg22[%dma_wait3A_63] : memref<10000xi32, #tpu.memory_space<vmem>> -> memref<5000xi32, #tpu.memory_space<vmem>>
    %dma_wait3A_65 = tpu.memref_slice %arg4[%mul3A_62] : memref<160000xi32, #tpu.memory_space<hbm>> -> memref<5000xi32, #tpu.memory_space<hbm>>
    %dma_wait3A_66 = arith.constant 0 : i32
    %dma_wait3A_67 = tpu.memref_slice %arg22[%dma_wait3A_66] : memref<10000xi32, #tpu.memory_space<vmem>> -> memref<5000xi32, #tpu.memory_space<vmem>>
    %dma_wait3A_68 = tpu.memref_slice %arg4[%mul3A_62] : memref<160000xi32, #tpu.memory_space<hbm>> -> memref<5000xi32, #tpu.memory_space<hbm>>
    tpu.wait_dma2 semaphore(%arg27 : memref<!tpu.dma_semaphore, #tpu.memory_space<semaphore_mem>>) src(%dma_wait3A_68 : memref<5000xi32, #tpu.memory_space<hbm>>) dst(%dma_wait3A_67 : memref<5000xi32, #tpu.memory_space<vmem>>)
    %scan3A_69 = arith.constant 0 : i32
    %scan3A_70 = arith.constant 0 : i32
    %scan3A_71 = arith.constant 312 : i32
    %scan3A_72 = arith.addi %scan3A_70, %scan3A_71 : i32
    %scan3A_73 = arith.constant 1 : i32
    scf.for %scan3A_129 = %scan3A_70 to %scan3A_72 step %scan3A_73  : i32 {
      %mul3A_130 = arith.constant 16 : i32
      %mul3A_131 = arith.muli %scan3A_129, %mul3A_130 : i32
      %get3A_132 = arith.index_cast %mul3A_131 : i32 to index
      %get3A_133 = tpu.vector_load %arg22[%get3A_132] {strides = array<i32>} : memref<10000xi32, #tpu.memory_space<vmem>>, vector<16xi32>,
      %shift_right_arithmetic3A_134 = arith.constant 7 : i32
      %shift_right_arithmetic3A_135 = vector.broadcast %shift_right_arithmetic3A_134 : i32 to vector<16xi32>
      %shift_right_arithmetic3A_136 = arith.shrsi %get3A_133, %shift_right_arithmetic3A_135 : vector<16xi32>
      %and3A_137 = arith.constant 127 : i32
      %and3A_138 = vector.broadcast %and3A_137 : i32 to vector<16xi32>
      %and3A_139 = arith.andi %get3A_133, %and3A_138 : vector<16xi32>
      tpu.vector_store_idx %arg20[%shift_right_arithmetic3A_136, %and3A_139], %broadcast_in_dim3A_3 {add = true} : memref<40x128xf32, #tpu.memory_space<vmem>>[vector<16xi32>, vector<16xi32>], vector<16xf32>,
    }
    %scan3A_74 = arith.constant 312 : i32
    %get3A = arith.constant 4992 : index
    %get3A_75 = tpu.vector_load %arg22[%get3A] {strides = array<i32>} : memref<10000xi32, #tpu.memory_space<vmem>>, vector<16xi32>,
    %iota3A = tpu.iota {dimensions = array<i32: 0>} : vector<16xi32>
    %lt3A = arith.constant 8 : i32
    %lt3A_76 = vector.broadcast %lt3A : i32 to vector<16xi32>
    %lt3A_77 = arith.cmpi slt, %iota3A, %lt3A_76 : vector<16xi32>
    %shift_right_arithmetic3A = arith.constant 7 : i32
    %shift_right_arithmetic3A_78 = vector.broadcast %shift_right_arithmetic3A : i32 to vector<16xi32>
    %shift_right_arithmetic3A_79 = arith.shrsi %get3A_75, %shift_right_arithmetic3A_78 : vector<16xi32>
    %and3A = arith.constant 127 : i32
    %and3A_80 = vector.broadcast %and3A : i32 to vector<16xi32>
    %and3A_81 = arith.andi %get3A_75, %and3A_80 : vector<16xi32>
    tpu.vector_store_idx %arg20[%shift_right_arithmetic3A_79, %and3A_81], %broadcast_in_dim3A_3 masked %lt3A_77 {add = true} : memref<40x128xf32, #tpu.memory_space<vmem>>[vector<16xi32>, vector<16xi32>], vector<16xf32>, vector<16xi1>
    %mul3A_82 = arith.constant 5000 : i32
    %mul3A_83 = arith.muli %add3A, %mul3A_82 : i32
    %dma_wait3A_84 = arith.constant 0 : i32
    %dma_wait3A_85 = tpu.memref_slice %arg23[%dma_wait3A_84] : memref<10000xi32, #tpu.memory_space<vmem>> -> memref<5000xi32, #tpu.memory_space<vmem>>
    %dma_wait3A_86 = tpu.memref_slice %arg5[%mul3A_83] : memref<160000xi32, #tpu.memory_space<hbm>> -> memref<5000xi32, #tpu.memory_space<hbm>>
    %dma_wait3A_87 = arith.constant 0 : i32
    %dma_wait3A_88 = tpu.memref_slice %arg23[%dma_wait3A_87] : memref<10000xi32, #tpu.memory_space<vmem>> -> memref<5000xi32, #tpu.memory_space<vmem>>
    %dma_wait3A_89 = tpu.memref_slice %arg5[%mul3A_83] : memref<160000xi32, #tpu.memory_space<hbm>> -> memref<5000xi32, #tpu.memory_space<hbm>>
    tpu.wait_dma2 semaphore(%arg28 : memref<!tpu.dma_semaphore, #tpu.memory_space<semaphore_mem>>) src(%dma_wait3A_89 : memref<5000xi32, #tpu.memory_space<hbm>>) dst(%dma_wait3A_88 : memref<5000xi32, #tpu.memory_space<vmem>>)
    %scan3A_90 = arith.constant 0 : i32
    %scan3A_91 = arith.constant 0 : i32
    %scan3A_92 = arith.constant 312 : i32
    %scan3A_93 = arith.addi %scan3A_91, %scan3A_92 : i32
    %scan3A_94 = arith.constant 1 : i32
    scf.for %scan3A_129 = %scan3A_91 to %scan3A_93 step %scan3A_94  : i32 {
      %mul3A_130 = arith.constant 16 : i32
      %mul3A_131 = arith.muli %scan3A_129, %mul3A_130 : i32
      %get3A_132 = arith.index_cast %mul3A_131 : i32 to index
      %get3A_133 = tpu.vector_load %arg23[%get3A_132] {strides = array<i32>} : memref<10000xi32, #tpu.memory_space<vmem>>, vector<16xi32>,
      %shift_right_arithmetic3A_134 = arith.constant 7 : i32
      %shift_right_arithmetic3A_135 = vector.broadcast %shift_right_arithmetic3A_134 : i32 to vector<16xi32>
      %shift_right_arithmetic3A_136 = arith.shrsi %get3A_133, %shift_right_arithmetic3A_135 : vector<16xi32>
      %and3A_137 = arith.constant 127 : i32
      %and3A_138 = vector.broadcast %and3A_137 : i32 to vector<16xi32>
      %and3A_139 = arith.andi %get3A_133, %and3A_138 : vector<16xi32>
      tpu.vector_store_idx %arg21[%shift_right_arithmetic3A_136, %and3A_139], %broadcast_in_dim3A_3 {add = true} : memref<8x128xf32, #tpu.memory_space<vmem>>[vector<16xi32>, vector<16xi32>], vector<16xf32>,
    }
    %scan3A_95 = arith.constant 312 : i32
    %get3A_96 = arith.constant 4992 : index
    %get3A_97 = tpu.vector_load %arg23[%get3A_96] {strides = array<i32>} : memref<10000xi32, #tpu.memory_space<vmem>>, vector<16xi32>,
    %iota3A_98 = tpu.iota {dimensions = array<i32: 0>} : vector<16xi32>
    %lt3A_99 = arith.constant 8 : i32
    %lt3A_100 = vector.broadcast %lt3A_99 : i32 to vector<16xi32>
    %lt3A_101 = arith.cmpi slt, %iota3A_98, %lt3A_100 : vector<16xi32>
    %shift_right_arithmetic3A_102 = arith.constant 7 : i32
    %shift_right_arithmetic3A_103 = vector.broadcast %shift_right_arithmetic3A_102 : i32 to vector<16xi32>
    %shift_right_arithmetic3A_104 = arith.shrsi %get3A_97, %shift_right_arithmetic3A_103 : vector<16xi32>
    %and3A_105 = arith.constant 127 : i32
    %and3A_106 = vector.broadcast %and3A_105 : i32 to vector<16xi32>
    %and3A_107 = arith.andi %get3A_97, %and3A_106 : vector<16xi32>
    tpu.vector_store_idx %arg21[%shift_right_arithmetic3A_104, %and3A_107], %broadcast_in_dim3A_3 masked %lt3A_101 {add = true} : memref<8x128xf32, #tpu.memory_space<vmem>>[vector<16xi32>, vector<16xi32>], vector<16xf32>, vector<16xi1>
    "tpu.region"() ({
      %run_scoped3A = tpu.sem_alloc : memref<!tpu.dma_semaphore, #tpu.memory_space<semaphore_mem>>
      %dma_start3A_129 = arith.constant 0 : i32
      %dma_start3A_130 = arith.constant 0 : i32
      %dma_start3A_131 = tpu.memref_slice %arg14[%dma_start3A_129, %dma_start3A_130] : memref<80x128xf32, #tpu.memory_space<vmem_shared>> -> memref<80x128xf32, #tpu.memory_space<vmem_shared>>
      tpu.enqueue_indirect_dma source(%arg18 : memref<80x128xf32, #tpu.memory_space<vmem>>) target(%dma_start3A_131 : memref<80x128xf32, #tpu.memory_space<vmem_shared>>) offsets(%arg24 : memref<80xi32, #tpu.memory_space<vmem>>) semaphore(%run_scoped3A : memref<!tpu.dma_semaphore, #tpu.memory_space<semaphore_mem>>) {add = true}
      %dma_wait3A_132 = arith.constant 0 : i32
      %dma_wait3A_133 = arith.constant 0 : i32
      %dma_wait3A_134 = tpu.memref_slice %arg14[%dma_wait3A_132, %dma_wait3A_133] : memref<80x128xf32, #tpu.memory_space<vmem_shared>> -> memref<80x128xf32, #tpu.memory_space<vmem_shared>>
      tpu.wait_indirect_dma semaphore(%run_scoped3A : memref<!tpu.dma_semaphore, #tpu.memory_space<semaphore_mem>>) src(%arg18 : memref<80x128xf32, #tpu.memory_space<vmem>>) dst(%dma_wait3A_134 : memref<80x128xf32, #tpu.memory_space<vmem_shared>>)
      tpu.yield
    }) : () -> ()
    "tpu.region"() ({
      %run_scoped3A = tpu.sem_alloc : memref<!tpu.dma_semaphore, #tpu.memory_space<semaphore_mem>>
      %dma_start3A_129 = arith.constant 0 : i32
      %dma_start3A_130 = arith.constant 0 : i32
      %dma_start3A_131 = tpu.memref_slice %arg15[%dma_start3A_129, %dma_start3A_130] : memref<40x128xf32, #tpu.memory_space<vmem_shared>> -> memref<40x128xf32, #tpu.memory_space<vmem_shared>>
      tpu.enqueue_indirect_dma source(%arg19 : memref<40x128xf32, #tpu.memory_space<vmem>>) target(%dma_start3A_131 : memref<40x128xf32, #tpu.memory_space<vmem_shared>>) offsets(%arg25 : memref<40xi32, #tpu.memory_space<vmem>>) semaphore(%run_scoped3A : memref<!tpu.dma_semaphore, #tpu.memory_space<semaphore_mem>>) {add = true}
      %dma_wait3A_132 = arith.constant 0 : i32
      %dma_wait3A_133 = arith.constant 0 : i32
      %dma_wait3A_134 = tpu.memref_slice %arg15[%dma_wait3A_132, %dma_wait3A_133] : memref<40x128xf32, #tpu.memory_space<vmem_shared>> -> memref<40x128xf32, #tpu.memory_space<vmem_shared>>
      tpu.wait_indirect_dma semaphore(%run_scoped3A : memref<!tpu.dma_semaphore, #tpu.memory_space<semaphore_mem>>) src(%arg19 : memref<40x128xf32, #tpu.memory_space<vmem>>) dst(%dma_wait3A_134 : memref<40x128xf32, #tpu.memory_space<vmem_shared>>)
      tpu.yield
    }) : () -> ()
    "tpu.region"() ({
      %run_scoped3A = tpu.sem_alloc : memref<!tpu.dma_semaphore, #tpu.memory_space<semaphore_mem>>
      %dma_start3A_129 = arith.constant 0 : i32
      %dma_start3A_130 = arith.constant 0 : i32
      %dma_start3A_131 = tpu.memref_slice %arg16[%dma_start3A_129, %dma_start3A_130] : memref<40x128xf32, #tpu.memory_space<vmem_shared>> -> memref<40x128xf32, #tpu.memory_space<vmem_shared>>
      tpu.enqueue_indirect_dma source(%arg20 : memref<40x128xf32, #tpu.memory_space<vmem>>) target(%dma_start3A_131 : memref<40x128xf32, #tpu.memory_space<vmem_shared>>) offsets(%arg25 : memref<40xi32, #tpu.memory_space<vmem>>) semaphore(%run_scoped3A : memref<!tpu.dma_semaphore, #tpu.memory_space<semaphore_mem>>) {add = true}
      %dma_wait3A_132 = arith.constant 0 : i32
      %dma_wait3A_133 = arith.constant 0 : i32
      %dma_wait3A_134 = tpu.memref_slice %arg16[%dma_wait3A_132, %dma_wait3A_133] : memref<40x128xf32, #tpu.memory_space<vmem_shared>> -> memref<40x128xf32, #tpu.memory_space<vmem_shared>>
      tpu.wait_indirect_dma semaphore(%run_scoped3A : memref<!tpu.dma_semaphore, #tpu.memory_space<semaphore_mem>>) src(%arg20 : memref<40x128xf32, #tpu.memory_space<vmem>>) dst(%dma_wait3A_134 : memref<40x128xf32, #tpu.memory_space<vmem_shared>>)
      tpu.yield
    }) : () -> ()
    "tpu.region"() ({
      %run_scoped3A = tpu.sem_alloc : memref<!tpu.dma_semaphore, #tpu.memory_space<semaphore_mem>>
      %dma_start3A_129 = arith.constant 0 : i32
      %dma_start3A_130 = arith.constant 0 : i32
      %dma_start3A_131 = tpu.memref_slice %arg17[%dma_start3A_129, %dma_start3A_130] : memref<8x128xf32, #tpu.memory_space<vmem_shared>> -> memref<8x128xf32, #tpu.memory_space<vmem_shared>>
      tpu.enqueue_indirect_dma source(%arg21 : memref<8x128xf32, #tpu.memory_space<vmem>>) target(%dma_start3A_131 : memref<8x128xf32, #tpu.memory_space<vmem_shared>>) offsets(%arg26 : memref<8xi32, #tpu.memory_space<vmem>>) semaphore(%run_scoped3A : memref<!tpu.dma_semaphore, #tpu.memory_space<semaphore_mem>>) {add = true}
      %dma_wait3A_132 = arith.constant 0 : i32
      %dma_wait3A_133 = arith.constant 0 : i32
      %dma_wait3A_134 = tpu.memref_slice %arg17[%dma_wait3A_132, %dma_wait3A_133] : memref<8x128xf32, #tpu.memory_space<vmem_shared>> -> memref<8x128xf32, #tpu.memory_space<vmem_shared>>
      tpu.wait_indirect_dma semaphore(%run_scoped3A : memref<!tpu.dma_semaphore, #tpu.memory_space<semaphore_mem>>) src(%arg21 : memref<8x128xf32, #tpu.memory_space<vmem>>) dst(%dma_wait3A_134 : memref<8x128xf32, #tpu.memory_space<vmem_shared>>)
      tpu.yield
    }) : () -> ()
    %barrier3A_108 = arith.constant 0 : index
    tpu.barrier barrier_id(%barrier3A_108)
    %eq3A_109 = arith.constant 0 : i32
    %eq3A_110 = arith.cmpi eq, %arg1, %eq3A_109 : i32
    %convert_element_type3A_111 = arith.extui %eq3A_110 : i1 to i32
    %cond3A_112 = arith.constant 0 : i32
    %cond3A_113 = arith.cmpi ne, %convert_element_type3A_111, %cond3A_112 : i32
    scf.if %cond3A_113 {
      %mul3A_129 = arith.constant 80 : i32
      %mul3A_130 = arith.muli %arg0, %mul3A_129 : i32
      "tpu.region"() ({
        %run_scoped3A = tpu.sem_alloc : memref<!tpu.dma_semaphore, #tpu.memory_space<semaphore_mem>>
        %dma_start3A_131 = arith.constant 0 : i32
        %dma_start3A_132 = tpu.memref_slice %arg10[%mul3A_130, %dma_start3A_131] : memref<160x128xf32, #tpu.memory_space<hbm>> -> memref<80x128xf32, #tpu.memory_space<hbm>>
        tpu.enqueue_dma source(%arg14 : memref<80x128xf32, #tpu.memory_space<vmem_shared>>) target(%dma_start3A_132 : memref<80x128xf32, #tpu.memory_space<hbm>>) target_semaphore(%run_scoped3A : memref<!tpu.dma_semaphore, #tpu.memory_space<semaphore_mem>>)
        %dma_wait3A_133 = arith.constant 0 : i32
        %dma_wait3A_134 = tpu.memref_slice %arg10[%mul3A_130, %dma_wait3A_133] : memref<160x128xf32, #tpu.memory_space<hbm>> -> memref<80x128xf32, #tpu.memory_space<hbm>>
        tpu.wait_dma2 semaphore(%run_scoped3A : memref<!tpu.dma_semaphore, #tpu.memory_space<semaphore_mem>>) src(%arg14 : memref<80x128xf32, #tpu.memory_space<vmem_shared>>) dst(%dma_wait3A_134 : memref<80x128xf32, #tpu.memory_space<hbm>>)
        tpu.yield
      }) : () -> ()
    } else {
    }
    %eq3A_114 = arith.constant 1 : i32
    %eq3A_115 = arith.cmpi eq, %arg1, %eq3A_114 : i32
    %convert_element_type3A_116 = arith.extui %eq3A_115 : i1 to i32
    %cond3A_117 = arith.constant 0 : i32
    %cond3A_118 = arith.cmpi ne, %convert_element_type3A_116, %cond3A_117 : i32
    scf.if %cond3A_118 {
      %mul3A_129 = arith.constant 40 : i32
      %mul3A_130 = arith.muli %arg0, %mul3A_129 : i32
      "tpu.region"() ({
        %run_scoped3A = tpu.sem_alloc : memref<!tpu.dma_semaphore, #tpu.memory_space<semaphore_mem>>
        %dma_start3A_131 = arith.constant 0 : i32
        %dma_start3A_132 = tpu.memref_slice %arg11[%mul3A_130, %dma_start3A_131] : memref<80x128xf32, #tpu.memory_space<hbm>> -> memref<40x128xf32, #tpu.memory_space<hbm>>
        tpu.enqueue_dma source(%arg15 : memref<40x128xf32, #tpu.memory_space<vmem_shared>>) target(%dma_start3A_132 : memref<40x128xf32, #tpu.memory_space<hbm>>) target_semaphore(%run_scoped3A : memref<!tpu.dma_semaphore, #tpu.memory_space<semaphore_mem>>)
        %dma_wait3A_133 = arith.constant 0 : i32
        %dma_wait3A_134 = tpu.memref_slice %arg11[%mul3A_130, %dma_wait3A_133] : memref<80x128xf32, #tpu.memory_space<hbm>> -> memref<40x128xf32, #tpu.memory_space<hbm>>
        tpu.wait_dma2 semaphore(%run_scoped3A : memref<!tpu.dma_semaphore, #tpu.memory_space<semaphore_mem>>) src(%arg15 : memref<40x128xf32, #tpu.memory_space<vmem_shared>>) dst(%dma_wait3A_134 : memref<40x128xf32, #tpu.memory_space<hbm>>)
        tpu.yield
      }) : () -> ()
    } else {
    }
    %eq3A_119 = arith.constant 2 : i32
    %eq3A_120 = arith.cmpi eq, %arg1, %eq3A_119 : i32
    %convert_element_type3A_121 = arith.extui %eq3A_120 : i1 to i32
    %cond3A_122 = arith.constant 0 : i32
    %cond3A_123 = arith.cmpi ne, %convert_element_type3A_121, %cond3A_122 : i32
    scf.if %cond3A_123 {
      %mul3A_129 = arith.constant 40 : i32
      %mul3A_130 = arith.muli %arg0, %mul3A_129 : i32
      "tpu.region"() ({
        %run_scoped3A = tpu.sem_alloc : memref<!tpu.dma_semaphore, #tpu.memory_space<semaphore_mem>>
        %dma_start3A_131 = arith.constant 0 : i32
        %dma_start3A_132 = tpu.memref_slice %arg12[%mul3A_130, %dma_start3A_131] : memref<80x128xf32, #tpu.memory_space<hbm>> -> memref<40x128xf32, #tpu.memory_space<hbm>>
        tpu.enqueue_dma source(%arg16 : memref<40x128xf32, #tpu.memory_space<vmem_shared>>) target(%dma_start3A_132 : memref<40x128xf32, #tpu.memory_space<hbm>>) target_semaphore(%run_scoped3A : memref<!tpu.dma_semaphore, #tpu.memory_space<semaphore_mem>>)
        %dma_wait3A_133 = arith.constant 0 : i32
        %dma_wait3A_134 = tpu.memref_slice %arg12[%mul3A_130, %dma_wait3A_133] : memref<80x128xf32, #tpu.memory_space<hbm>> -> memref<40x128xf32, #tpu.memory_space<hbm>>
        tpu.wait_dma2 semaphore(%run_scoped3A : memref<!tpu.dma_semaphore, #tpu.memory_space<semaphore_mem>>) src(%arg16 : memref<40x128xf32, #tpu.memory_space<vmem_shared>>) dst(%dma_wait3A_134 : memref<40x128xf32, #tpu.memory_space<hbm>>)
        tpu.yield
      }) : () -> ()
    } else {
    }
    %eq3A_124 = arith.constant 3 : i32
    %eq3A_125 = arith.cmpi eq, %arg1, %eq3A_124 : i32
    %convert_element_type3A_126 = arith.extui %eq3A_125 : i1 to i32
    %cond3A_127 = arith.constant 0 : i32
    %cond3A_128 = arith.cmpi ne, %convert_element_type3A_126, %cond3A_127 : i32
    scf.if %cond3A_128 {
      %mul3A_129 = arith.constant 8 : i32
      %mul3A_130 = arith.muli %arg0, %mul3A_129 : i32
      "tpu.region"() ({
        %run_scoped3A = tpu.sem_alloc : memref<!tpu.dma_semaphore, #tpu.memory_space<semaphore_mem>>
        %dma_start3A_131 = arith.constant 0 : i32
        %dma_start3A_132 = tpu.memref_slice %arg13[%mul3A_130, %dma_start3A_131] : memref<16x128xf32, #tpu.memory_space<hbm>> -> memref<8x128xf32, #tpu.memory_space<hbm>>
        tpu.enqueue_dma source(%arg17 : memref<8x128xf32, #tpu.memory_space<vmem_shared>>) target(%dma_start3A_132 : memref<8x128xf32, #tpu.memory_space<hbm>>) target_semaphore(%run_scoped3A : memref<!tpu.dma_semaphore, #tpu.memory_space<semaphore_mem>>)
        %dma_wait3A_133 = arith.constant 0 : i32
        %dma_wait3A_134 = tpu.memref_slice %arg13[%mul3A_130, %dma_wait3A_133] : memref<16x128xf32, #tpu.memory_space<hbm>> -> memref<8x128xf32, #tpu.memory_space<hbm>>
        tpu.wait_dma2 semaphore(%run_scoped3A : memref<!tpu.dma_semaphore, #tpu.memory_space<semaphore_mem>>) src(%arg17 : memref<8x128xf32, #tpu.memory_space<vmem_shared>>) dst(%dma_wait3A_134 : memref<8x128xf32, #tpu.memory_space<hbm>>)
        tpu.yield
      }) : () -> ()
    } else {
    }
    return
  }
}

module attributes {stable_mosaic.version = 14 : i64} {
  func.func @_scale_body(%arg0: i32, %arg1: memref<1000x128xf32, #tpu.memory_space<vmem>>, %arg2: memref<1000x1xf32, #tpu.memory_space<vmem>>, %arg3: memref<1000x128xf32, #tpu.memory_space<vmem>>) attributes {dimension_semantics = [#tpu.dimension_semantics<arbitrary>], iteration_bounds = array<i64: 10>, scalar_prefetch = 0 : i64, scratch_operands = 0 : i64, tpu.core_type = #tpu.core_type<tc>, window_params = [{transform_indices = @transform_0, window_bounds = array<i64: 1000, 128>}, {transform_indices = @transform_1, window_bounds = array<i64: 1000, 1>}, {transform_indices = @transform_2, window_bounds = array<i64: 1000, 128>}]} {
    %get3A = arith.constant 0 : index
    %get3A_0 = arith.constant 0 : index
    %get3A_1 = vector.load %arg2[%get3A, %get3A_0] : memref<1000x1xf32, #tpu.memory_space<vmem>>, vector<1000x1xf32>
    %max3A = arith.constant 1.000000e+00 : f32
    %max3A_2 = vector.broadcast %max3A : f32 to vector<1000x1xf32>
    %max3A_3 = arith.maximumf %get3A_1, %max3A_2 : vector<1000x1xf32>
    %get3A_4 = arith.constant 0 : index
    %get3A_5 = arith.constant 0 : index
    %get3A_6 = vector.load %arg1[%get3A_4, %get3A_5] : memref<1000x128xf32, #tpu.memory_space<vmem>>, vector<1000x128xf32>
    %rsqrt3A = math.rsqrt %max3A_3 : vector<1000x1xf32>
    %mul3A = arith.constant 2.000000e-02 : f32
    %mul3A_7 = vector.broadcast %mul3A : f32 to vector<1000x1xf32>
    %mul3A_8 = arith.mulf %rsqrt3A, %mul3A_7 : vector<1000x1xf32>
    %mul3A_9 = vector.broadcast %mul3A_8 : vector<1000x1xf32> to vector<1000x128xf32>
    %mul3A_10 = arith.mulf %get3A_6, %mul3A_9 : vector<1000x128xf32>
    %swap3A = arith.constant 0 : index
    %swap3A_11 = arith.constant 0 : index
    %swap3A_12 = vector.load %arg3[%swap3A, %swap3A_11] : memref<1000x128xf32, #tpu.memory_space<vmem>>, vector<1000x128xf32>
    tpu.vector_store %arg3[%swap3A, %swap3A_11], %mul3A_10 {strides = array<i32>} : memref<1000x128xf32, #tpu.memory_space<vmem>>, vector<1000x128xf32>,
    return
  }
  func.func @transform_0(%arg0: i32) -> (i32, i32) {
    %c0_i32 = arith.constant 0 : i32
    %c0_i32_0 = arith.constant 0 : i32
    return %arg0, %c0_i32 : i32, i32
  }
  func.func @transform_1(%arg0: i32) -> (i32, i32) {
    %c0_i32 = arith.constant 0 : i32
    %c0_i32_0 = arith.constant 0 : i32
    return %arg0, %c0_i32 : i32, i32
  }
  func.func @transform_2(%arg0: i32) -> (i32, i32) {
    %c0_i32 = arith.constant 0 : i32
    %c0_i32_0 = arith.constant 0 : i32
    return %arg0, %c0_i32 : i32, i32
  }
}

module attributes {stable_mosaic.version = 14 : i64} {
  func.func @_layer_body(%arg0: i32, %arg1: memref<1000x128xf32, #tpu.memory_space<vmem>>, %arg2: memref<1000x128xf32, #tpu.memory_space<vmem>>, %arg3: memref<1000x1xf32, #tpu.memory_space<vmem>>, %arg4: memref<1000x1xf32, #tpu.memory_space<vmem>>, %arg5: memref<128x128xf32, #tpu.memory_space<vmem>>, %arg6: memref<1x128xf32, #tpu.memory_space<vmem>>, %arg7: memref<1000x128xf32, #tpu.memory_space<vmem>>) attributes {dimension_semantics = [#tpu.dimension_semantics<arbitrary>], iteration_bounds = array<i64: 5>, scalar_prefetch = 0 : i64, scratch_operands = 0 : i64, tpu.core_type = #tpu.core_type<tc>, window_params = [{transform_indices = @transform_0, window_bounds = array<i64: 1000, 128>}, {transform_indices = @transform_1, window_bounds = array<i64: 1000, 128>}, {transform_indices = @transform_2, window_bounds = array<i64: 1000, 1>}, {transform_indices = @transform_3, window_bounds = array<i64: 1000, 1>}, {pipeline_mode = #tpu.pipeline_mode<synchronous>, transform_indices = @transform_4, window_bounds = array<i64: 128, 128>}, {pipeline_mode = #tpu.pipeline_mode<synchronous>, transform_indices = @transform_5, window_bounds = array<i64: 1, 128>}, {transform_indices = @transform_6, window_bounds = array<i64: 1000, 128>}]} {
    %get3A = arith.constant 0 : index
    %get3A_0 = arith.constant 0 : index
    %get3A_1 = vector.load %arg3[%get3A, %get3A_0] : memref<1000x1xf32, #tpu.memory_space<vmem>>, vector<1000x1xf32>
    %max3A = arith.constant 1.000000e+00 : f32
    %max3A_2 = vector.broadcast %max3A : f32 to vector<1000x1xf32>
    %max3A_3 = arith.maximumf %get3A_1, %max3A_2 : vector<1000x1xf32>
    %get3A_4 = arith.constant 0 : index
    %get3A_5 = arith.constant 0 : index
    %get3A_6 = vector.load %arg1[%get3A_4, %get3A_5] : memref<1000x128xf32, #tpu.memory_space<vmem>>, vector<1000x128xf32>
    %get3A_7 = arith.constant 0 : index
    %get3A_8 = arith.constant 0 : index
    %get3A_9 = vector.load %arg2[%get3A_7, %get3A_8] : memref<1000x128xf32, #tpu.memory_space<vmem>>, vector<1000x128xf32>
    %add3A = arith.addf %get3A_6, %get3A_9 : vector<1000x128xf32>
    %rsqrt3A = math.rsqrt %max3A_3 : vector<1000x1xf32>
    %mul3A = vector.broadcast %rsqrt3A : vector<1000x1xf32> to vector<1000x128xf32>
    %mul3A_10 = arith.mulf %add3A, %mul3A : vector<1000x128xf32>
    %get3A_11 = arith.constant 0 : index
    %get3A_12 = arith.constant 0 : index
    %get3A_13 = vector.load %arg5[%get3A_11, %get3A_12] : memref<128x128xf32, #tpu.memory_space<vmem>>, vector<128x128xf32>
    %dot_general3A = arith.constant dense<0.000000e+00> : vector<1000x128xf32>
    %dot_general3A_14 = tpu.matmul %mul3A_10, %get3A_13, %dot_general3A {dimension_numbers = #tpu.dot_dimension_numbers<[1], [0], [0], [1], [0, 0, 1, 1], [], []>, transpose_lhs_hint = false} : vector<1000x128xf32>, vector<128x128xf32>, vector<1000x128xf32> -> vector<1000x128xf32>
    %get3A_15 = arith.constant 0 : index
    %get3A_16 = arith.constant 0 : index
    %get3A_17 = vector.load %arg6[%get3A_15, %get3A_16] : memref<1x128xf32, #tpu.memory_space<vmem>>, vector<1x128xf32>
    %add3A_18 = vector.broadcast %get3A_17 : vector<1x128xf32> to vector<1000x128xf32>
    %add3A_19 = arith.addf %dot_general3A_14, %add3A_18 : vector<1000x128xf32>
    %max3A_20 = arith.constant 0.000000e+00 : f32
    %max3A_21 = vector.broadcast %max3A_20 : f32 to vector<1000x128xf32>
    %max3A_22 = arith.maximumf %add3A_19, %max3A_21 : vector<1000x128xf32>
    %get3A_23 = arith.constant 0 : index
    %get3A_24 = arith.constant 0 : index
    %get3A_25 = vector.load %arg4[%get3A_23, %get3A_24] : memref<1000x1xf32, #tpu.memory_space<vmem>>, vector<1000x1xf32>
    %max3A_26 = arith.constant 1.000000e+00 : f32
    %max3A_27 = vector.broadcast %max3A_26 : f32 to vector<1000x1xf32>
    %max3A_28 = arith.maximumf %get3A_25, %max3A_27 : vector<1000x1xf32>
    %rsqrt3A_29 = math.rsqrt %max3A_28 : vector<1000x1xf32>
    %mul3A_30 = vector.broadcast %rsqrt3A_29 : vector<1000x1xf32> to vector<1000x128xf32>
    %mul3A_31 = arith.mulf %max3A_22, %mul3A_30 : vector<1000x128xf32>
    %swap3A = arith.constant 0 : index
    %swap3A_32 = arith.constant 0 : index
    %swap3A_33 = vector.load %arg7[%swap3A, %swap3A_32] : memref<1000x128xf32, #tpu.memory_space<vmem>>, vector<1000x128xf32>
    tpu.vector_store %arg7[%swap3A, %swap3A_32], %mul3A_31 {strides = array<i32>} : memref<1000x128xf32, #tpu.memory_space<vmem>>, vector<1000x128xf32>,
    return
  }
  func.func @transform_0(%arg0: i32) -> (i32, i32) {
    %c0_i32 = arith.constant 0 : i32
    %c0_i32_0 = arith.constant 0 : i32
    return %arg0, %c0_i32 : i32, i32
  }
  func.func @transform_1(%arg0: i32) -> (i32, i32) {
    %c0_i32 = arith.constant 0 : i32
    %c0_i32_0 = arith.constant 0 : i32
    return %arg0, %c0_i32 : i32, i32
  }
  func.func @transform_2(%arg0: i32) -> (i32, i32) {
    %c0_i32 = arith.constant 0 : i32
    %c0_i32_0 = arith.constant 0 : i32
    return %arg0, %c0_i32 : i32, i32
  }
  func.func @transform_3(%arg0: i32) -> (i32, i32) {
    %c0_i32 = arith.constant 0 : i32
    %c0_i32_0 = arith.constant 0 : i32
    return %arg0, %c0_i32 : i32, i32
  }
  func.func @transform_4(%arg0: i32) -> (i32, i32) {
    %c0_i32 = arith.constant 0 : i32
    %c0_i32_0 = arith.constant 0 : i32
    %c0_i32_1 = arith.constant 0 : i32
    return %c0_i32, %c0_i32_0 : i32, i32
  }
  func.func @transform_5(%arg0: i32) -> (i32, i32) {
    %c0_i32 = arith.constant 0 : i32
    %c0_i32_0 = arith.constant 0 : i32
    %c0_i32_1 = arith.constant 0 : i32
    return %c0_i32, %c0_i32_0 : i32, i32
  }
  func.func @transform_6(%arg0: i32) -> (i32, i32) {
    %c0_i32 = arith.constant 0 : i32
    %c0_i32_0 = arith.constant 0 : i32
    return %arg0, %c0_i32 : i32, i32
  }
}

module attributes {stable_mosaic.version = 14 : i64} {
  func.func @_layer_body(%arg0: i32, %arg1: memref<1000x128xf32, #tpu.memory_space<vmem>>, %arg2: memref<1000x128xf32, #tpu.memory_space<vmem>>, %arg3: memref<1000x1xf32, #tpu.memory_space<vmem>>, %arg4: memref<1000x1xf32, #tpu.memory_space<vmem>>, %arg5: memref<128x128xf32, #tpu.memory_space<vmem>>, %arg6: memref<1x128xf32, #tpu.memory_space<vmem>>, %arg7: memref<1000x128xf32, #tpu.memory_space<vmem>>) attributes {dimension_semantics = [#tpu.dimension_semantics<arbitrary>], iteration_bounds = array<i64: 1>, scalar_prefetch = 0 : i64, scratch_operands = 0 : i64, tpu.core_type = #tpu.core_type<tc>, window_params = [{transform_indices = @transform_0, window_bounds = array<i64: 1000, 128>}, {transform_indices = @transform_1, window_bounds = array<i64: 1000, 128>}, {transform_indices = @transform_2, window_bounds = array<i64: 1000, 1>}, {transform_indices = @transform_3, window_bounds = array<i64: 1000, 1>}, {pipeline_mode = #tpu.pipeline_mode<synchronous>, transform_indices = @transform_4, window_bounds = array<i64: 128, 128>}, {pipeline_mode = #tpu.pipeline_mode<synchronous>, transform_indices = @transform_5, window_bounds = array<i64: 1, 128>}, {transform_indices = @transform_6, window_bounds = array<i64: 1000, 128>}]} {
    %get3A = arith.constant 0 : index
    %get3A_0 = arith.constant 0 : index
    %get3A_1 = vector.load %arg3[%get3A, %get3A_0] : memref<1000x1xf32, #tpu.memory_space<vmem>>, vector<1000x1xf32>
    %max3A = arith.constant 1.000000e+00 : f32
    %max3A_2 = vector.broadcast %max3A : f32 to vector<1000x1xf32>
    %max3A_3 = arith.maximumf %get3A_1, %max3A_2 : vector<1000x1xf32>
    %get3A_4 = arith.constant 0 : index
    %get3A_5 = arith.constant 0 : index
    %get3A_6 = vector.load %arg1[%get3A_4, %get3A_5] : memref<1000x128xf32, #tpu.memory_space<vmem>>, vector<1000x128xf32>
    %get3A_7 = arith.constant 0 : index
    %get3A_8 = arith.constant 0 : index
    %get3A_9 = vector.load %arg2[%get3A_7, %get3A_8] : memref<1000x128xf32, #tpu.memory_space<vmem>>, vector<1000x128xf32>
    %add3A = arith.addf %get3A_6, %get3A_9 : vector<1000x128xf32>
    %rsqrt3A = math.rsqrt %max3A_3 : vector<1000x1xf32>
    %mul3A = vector.broadcast %rsqrt3A : vector<1000x1xf32> to vector<1000x128xf32>
    %mul3A_10 = arith.mulf %add3A, %mul3A : vector<1000x128xf32>
    %get3A_11 = arith.constant 0 : index
    %get3A_12 = arith.constant 0 : index
    %get3A_13 = vector.load %arg5[%get3A_11, %get3A_12] : memref<128x128xf32, #tpu.memory_space<vmem>>, vector<128x128xf32>
    %dot_general3A = arith.constant dense<0.000000e+00> : vector<1000x128xf32>
    %dot_general3A_14 = tpu.matmul %mul3A_10, %get3A_13, %dot_general3A {dimension_numbers = #tpu.dot_dimension_numbers<[1], [0], [0], [1], [0, 0, 1, 1], [], []>, transpose_lhs_hint = false} : vector<1000x128xf32>, vector<128x128xf32>, vector<1000x128xf32> -> vector<1000x128xf32>
    %get3A_15 = arith.constant 0 : index
    %get3A_16 = arith.constant 0 : index
    %get3A_17 = vector.load %arg6[%get3A_15, %get3A_16] : memref<1x128xf32, #tpu.memory_space<vmem>>, vector<1x128xf32>
    %add3A_18 = vector.broadcast %get3A_17 : vector<1x128xf32> to vector<1000x128xf32>
    %add3A_19 = arith.addf %dot_general3A_14, %add3A_18 : vector<1000x128xf32>
    %max3A_20 = arith.constant 0.000000e+00 : f32
    %max3A_21 = vector.broadcast %max3A_20 : f32 to vector<1000x128xf32>
    %max3A_22 = arith.maximumf %add3A_19, %max3A_21 : vector<1000x128xf32>
    %swap3A = arith.constant 0 : index
    %swap3A_23 = arith.constant 0 : index
    %swap3A_24 = vector.load %arg7[%swap3A, %swap3A_23] : memref<1000x128xf32, #tpu.memory_space<vmem>>, vector<1000x128xf32>
    tpu.vector_store %arg7[%swap3A, %swap3A_23], %max3A_22 {strides = array<i32>} : memref<1000x128xf32, #tpu.memory_space<vmem>>, vector<1000x128xf32>,
    return
  }
  func.func @transform_0(%arg0: i32) -> (i32, i32) {
    %c0_i32 = arith.constant 0 : i32
    %c0_i32_0 = arith.constant 0 : i32
    return %arg0, %c0_i32 : i32, i32
  }
  func.func @transform_1(%arg0: i32) -> (i32, i32) {
    %c0_i32 = arith.constant 0 : i32
    %c0_i32_0 = arith.constant 0 : i32
    return %arg0, %c0_i32 : i32, i32
  }
  func.func @transform_2(%arg0: i32) -> (i32, i32) {
    %c0_i32 = arith.constant 0 : i32
    %c0_i32_0 = arith.constant 0 : i32
    return %arg0, %c0_i32 : i32, i32
  }
  func.func @transform_3(%arg0: i32) -> (i32, i32) {
    %c0_i32 = arith.constant 0 : i32
    %c0_i32_0 = arith.constant 0 : i32
    return %arg0, %c0_i32 : i32, i32
  }
  func.func @transform_4(%arg0: i32) -> (i32, i32) {
    %c0_i32 = arith.constant 0 : i32
    %c0_i32_0 = arith.constant 0 : i32
    %c0_i32_1 = arith.constant 0 : i32
    return %c0_i32, %c0_i32_0 : i32, i32
  }
  func.func @transform_5(%arg0: i32) -> (i32, i32) {
    %c0_i32 = arith.constant 0 : i32
    %c0_i32_0 = arith.constant 0 : i32
    %c0_i32_1 = arith.constant 0 : i32
    return %c0_i32, %c0_i32_0 : i32, i32
  }
  func.func @transform_6(%arg0: i32) -> (i32, i32) {
    %c0_i32 = arith.constant 0 : i32
    %c0_i32_0 = arith.constant 0 : i32
    return %arg0, %c0_i32 : i32, i32
  }
}

</mosaic_0001>

<sc_bundles>
// kernel: sc_degrees.3.cloned.1.call-start
scs
__scs_entry_jumppad:
0x0: {  	(pc) =	sbr.rel $0x88, $3  }
0x1: {  	(tag) =	ssettag $0x0;
	lr =	simm.s32 $0x1  }
0x2: {  	[smem:$0x3F98] =	sst lr;
	_ =	strace $0xD0000000  }
0x3: {  	_ = 	snop  }
0x4: {  	_ = 	snop  }
0x5: {  	_ = 	snop  }
0x6: {  	_ = 	snop  }
0x7: {  	_ = 	snop  }
__scs_overlays_trampoline_lowered:
0x8: {  	[smem:$0x3FA7] =	sst s0  }
0x9: {  	[smem:$0x3FA8] =	sst s1  }
0xa: {  	[smem:$0x3FA9] =	sst s2  }
0xb: {  	[smem:$0x3FAA] =	sst s3  }
0xc: {  	[smem:$0x3FAB] =	sst s4  }
0xd: {  	[smem:$0x3FAC] =	sst s5  }
0xe: {  	[smem:$0x3FAD] =	sst s6  }
0xf: {  	[smem:$0x3FAE] =	sst s7  }
0x10: {  	[smem:$0x3FAF] =	sst s8  }
0x11: {  	[smem:$0x3FB0] =	sst s9;
	s0 =	simm.s32 @!p0 $0x0  }
0x12: {  	s1 =	sld [smem:$0x3F96];
	s0 =	simm.s32 @p0 $0x1  }
0x13: {  	[smem:$0x3FB1] =	sst s0;
	s0 =	simm.s32 @!p1 $0x0  }
0x14: {  	s2 =	sld [smem:$0x3F95];
	s0 =	simm.s32 @p1 $0x1  }
0x15: {  	[smem:$0x3FB2] =	sst s0;
	s0 =	simm.s32 @!p2 $0x0  }
0x16: {  	s3 =	sld [smem:$0x3FDB];
	s0 =	simm.s32 @p2 $0x1  }
0x17: {  	s4 =	simm.s32 $0x1BF5;
	[smem:$0x3FB4] =	sst s0  }
0x18: {  	s0 =	sld [smem:$0x3F97];
	_ =	swait.ge [sflag:s4], $0x0  }
0x19: {  	s7 =	sld [smem:$0x3F98]  }
0x1a: {  	s8 =	sadd.s32 $0xFFFFE003, lr  }
0x1b: {  	s9 =	sadd.s32 $0xFFFFFEF7, lr;
	s5 =	simm.s32 $0xFFFFFFFF;
	p2 =	slt.u32 s8, $0xFFFFF086  }
0x1c: {  	p1 =	slt.u32 s9, $0xF7A;
	s5 =	simm.s32 @!p2 $0x0  }
0x1d: {  	s5 =	simm.s32 @p1 $0x1;
	p0 =	seq.s32 s7, s2  }
0x1e: {  	s7 =	smul.u32 @!p0 $0xF7A, s2;
	p2 =	seq.s32 @!p0 s5, $0x0  }
0x1f: {  	s9 =	smul.u32 $0xF7A, s1;
	s8 =	simm.s32 @!p0 $0x1BF5;
	p2 =	por !p2, p0  }
0x20: {  	[sflag:s8] =	ssyncset.s32 @!p0 $0xFFFFF086;
	s6 =	sadd.s32 @!p0 s3, s7;
	s7 =	simm.s32 @!p0 $0x108  }
0x21: {  	s3 =	sadd.s32 s3, s9;
	s6 =	sadd.s32 @!p0 $0x88, s6;
	s7 =	simm.s32 @p2 $0x1082  }
0x22: {  	[simem:s7], [sflag:s8] =	dma.local @!p0 [hbm:s6], $0xF7A  }
0x23: {  	s9 =	sor.u32 $0xD0000000, s2;
	s6 =	simm.s32 $0x108;
	_ =	swait.ge @!p0 [sflag:s8], $0x0  }
0x24: {  	s3 =	sadd.s32 $0x88, s3;
	s6 =	simm.s32 @!p1 $0x1082;
	[sflag:s4] =	ssyncset.s32 $0xFFFFF086  }
0x25: {  	[simem:s6], [sflag:s4] =	dma.local [hbm:s3], $0xF7A  }
0x26: {  	[smem:$0x3F98] =	sst s1;
	(tag) =	ssettag s2;
	_ =	strace s9  }
0x27: {  	s1 =	sld [smem:$0x3FA8]  }
0x28: {  	s2 =	sld [smem:$0x3FA9]  }
0x29: {  	s4 =	sld [smem:$0x3FAB]  }
0x2a: {  	p0 =	seq.s32 s5, $0x0;
	s5 =	sld [smem:$0x3FAC]  }
0x2b: {  	s6 =	sld [smem:$0x3FAD]  }
0x2c: {  	s7 =	sld [smem:$0x3FAE]  }
0x2d: {  	s3 =	simm.s32 $0x108;
	s8 =	sld [smem:$0x3FAF]  }
0x2e: {  	s3 =	simm.s32 @!p0 $0x1082;
	s9 =	sld [smem:$0x3FB0]  }
0x2f: {  	lr =	sadd.s32 s0, s3;
	s0 =	sld [smem:$0x3FA7]  }
0x30: {  	s3 =	sld [smem:$0x3FAA]  }
0x31: {  	[smem:$0x3FB3] =	sst s10  }
0x32: {  	s10 =	sld [smem:$0x3FB1];
	_ =	sdelay $0x3  }
0x33: {  	p0 =	seq.s32 s10, $0x1;
	s10 =	sld [smem:$0x3FB3];
	_ =	sdelay $0x3  }
0x34: {  	[smem:$0x3FB3] =	sst s10  }
0x35: {  	s10 =	sld [smem:$0x3FB2];
	_ =	sdelay $0x3  }
0x36: {  	p1 =	seq.s32 s10, $0x1;
	s10 =	sld [smem:$0x3FB3];
	_ =	sdelay $0x3  }
0x37: {  	[smem:$0x3FB3] =	sst s10  }
0x38: {  	s10 =	sld [smem:$0x3FB4]  }
0x39: {  	_ = 	snop;
	(pc) =	sbr.ind lr, $3  }
0x3a: {  	_ = 	snop  }
0x3b: {  	_ = 	snop  }
0x3c: {  	p2 =	seq.s32 s10, $0x1;
	s10 =	sld [smem:$0x3FB3]  }
0x3d: {  	_ =	shalt  }
0x3e: {  	_ =	shalt  }
0x3f: {  	_ =	shalt  }
0x40: {  	_ =	shalt  }
0x41: {  	_ =	shalt  }
0x42: {  	_ =	shalt  }
0x43: {  	_ =	shalt  }
0x44: {  	_ =	shalt  }
0x45: {  	_ =	shalt  }
0x46: {  	_ =	shalt  }
0x47: {  	_ =	shalt  }
0x48: {  	_ =	shalt  }
0x49: {  	_ =	shalt  }
0x4a: {  	_ =	shalt  }
0x4b: {  	_ =	shalt  }
0x4c: {  	_ =	shalt  }
0x4d: {  	_ =	shalt  }
0x4e: {  	_ =	shalt  }
0x4f: {  	_ =	shalt  }
0x50: {  	_ =	shalt  }
0x51: {  	_ =	shalt  }
0x52: {  	_ =	shalt  }
0x53: {  	_ =	shalt  }
0x54: {  	_ =	shalt  }
0x55: {  	_ =	shalt  }
0x56: {  	_ =	shalt  }
0x57: {  	_ =	shalt  }
0x58: {  	_ =	shalt  }
0x59: {  	_ =	shalt  }
0x5a: {  	_ =	shalt  }
0x5b: {  	_ =	shalt  }
0x5c: {  	_ =	shalt  }
0x5d: {  	_ =	shalt  }
0x5e: {  	_ =	shalt  }
0x5f: {  	_ =	shalt  }
0x60: {  	_ =	shalt  }
0x61: {  	_ =	shalt  }
0x62: {  	_ =	shalt  }
0x63: {  	_ =	shalt  }
0x64: {  	_ =	shalt  }
0x65: {  	_ =	shalt  }
0x66: {  	_ =	shalt  }
0x67: {  	_ =	shalt  }
0x68: {  	_ =	shalt  }
0x69: {  	_ =	shalt  }
0x6a: {  	_ =	shalt  }
0x6b: {  	_ =	shalt  }
0x6c: {  	_ =	shalt  }
0x6d: {  	_ =	shalt  }
0x6e: {  	_ =	shalt  }
0x6f: {  	_ =	shalt  }
0x70: {  	_ =	shalt  }
0x71: {  	_ =	shalt  }
0x72: {  	_ =	shalt  }
0x73: {  	_ =	shalt  }
0x74: {  	_ =	shalt  }
0x75: {  	_ =	shalt  }
0x76: {  	_ =	shalt  }
0x77: {  	_ =	shalt  }
0x78: {  	_ =	shalt  }
0x79: {  	_ =	shalt  }
0x7a: {  	_ =	shalt  }
0x7b: {  	_ =	shalt  }
0x7c: {  	_ =	shalt  }
0x7d: {  	_ =	shalt  }
0x7e: {  	_ =	shalt  }
0x7f: {  	_ =	shalt  }
0x80: {  	_ =	shalt  }
0x81: {  	_ =	shalt  }
0x82: {  	_ =	shalt  }
0x83: {  	_ =	shalt  }
0x84: {  	_ =	shalt  }
0x85: {  	_ =	shalt  }
0x86: {  	_ =	shalt  }
0x87: {  	_ =	shalt  }
.Lfunc_end0:
.L_simem_size_0:
called_computation_lowered:
.L_overlay_start_0:
0x88: {  	s2 =	sld [smem:$0x3FD9]  }
0x89: {  	s3 =	sld [smem:$0x3FFE];
	_ =	sdelay $0x1  }
0x8a: {  	s1 =	srdreg.scid  }
0x8b: {  	s0 =	sand.u32 $0x1, s1  }
0x8c: {  	s14 =	sshll.u32 s0, $0xA;
	s2 =	sadd.s32 s3, s2  }
0x8d: {  	s2 =	sadd.s32 s2, s14  }
0x8e: {  	[smem:$0x3FBF] =	sst s2  }
0x8f: {  	_ = 	snop  }
0x90: {  	s2 =	sld [smem:$0x3FD0];
	_ =	sdelay $0x2  }
0x91: {  	s15 =	simm.s32 $0xB;
	s4 =	simm.s32 $0x10  }
0x92: {  	[smem:s4], [sflag:s15] =	dma.local [hbm:s2], $0x1  }
0x93: {  	_ =	swait.eq [sflag:s15], $0x1  }
0x94: {  	[sflag:s15] =	ssyncset.done $0x0  }
0x95: {  	s16 =	sld [smem:$0x10];
	[sflag:s15] =	ssyncadd.s32 $0xFFFFFFFF  }
0x96: {  	s17 =	sld [smem:$0x11];
	(tm) =	ssettm $0x1  }
0x97: {  	s18 =	sld [smem:$0x3FFB];
	_ =	sdelay $0x3  }
0x98: {  	_ =	strace s18  }
0x99: {  	s4 =	sld [smem:$0x3FFC];
	_ =	sdelay $0x3  }
0x9a: {  	_ =	strace s4  }
0x9b: {  	s4 =	sld [smem:$0x3FFD];
	_ =	sdelay $0x3  }
0x9c: {  	_ =	strace s4  }
0x9d: {  	_ =	strace $0x8FFFFFFF  }
0x9e: {  	s19 =	sld [smem:$0x3FDB];
	_ =	sdelay $0x1  }
0x9f: {  	s5 =	simm.s32 $_scs_section_size  }
0xa0: {  	s6 =	simm.s32 $_size__tile_overlayer_lowered;
	s7 =	simm.s32 $_tile_overlayer_lowered  }
0xa1: {  	s22 =	simm.s32 $0x1BFF;
	s21 =	sshll.u32 s7, $0x1;
	s4 =	sadd.s32 s5, s19  }
0xa2: {  	s8 =	simm.s32 $0x0;
	s20 =	sshll.u32 s6, $0x1;
	s6 =	sadd.s32 s21, s4  }
0xa3: {  	[timem:s8], [sflag:s22] =	dma.local [hbm:s6], s20  }
0xa4: {  	_ =	swait.ge [sflag:s22], s20  }
0xa5: {  	s5 =	ssub.s32 $0x0, s20;
	[sflag:s22] =	ssyncset.done $0x0  }
0xa6: {  	[sflag:s22] =	ssyncadd.s32 s5;
	_ =	sdelay $0x1  }
0xa7: {  	s23 =	simm.s32 $0x1B8B  }
0xa8: {  	_ =	swait.ge [sflag:s23], $0x1  }
0xa9: {  	[sflag:s23] =	ssyncset.done $0x0  }
0xaa: {  	s25 =	simm.s32 $0x1B8E;
	s24 =	sld [smem:$0x3FFE];
	[sflag:s23] =	ssyncadd.s32 $0xFFFFFFFF  }
0xab: {  	s26 =	simm.s32 $execute0_lowered;
	[smem:$0x3FD2] =	sst s25  }
0xac: {  	s6 =	sshll.u32 s26, $0x1;
	_ =	strace $0x80000046;
	[dreg:$0x1] =	wrdreg $0xFFFFFFFF  }
0xad: {  	s28 =	simm.s32 $_size_execute0_lowered;
	s4 =	sadd.s32 s4, s6;
	[dreg:$0x0] =	wrdreg $0x0  }
0xae: {  	s6 =	sshll.u32 s28, $0x1;
	[dreg:$0x2] =	wrdreg s4  }
0xaf: {  	[dreg:$0x3] =	wrdreg s6  }
0xb0: {  	[dreg:$0x4] =	wrdreg $0xC0  }
0xb1: {  	_ =	task [dreg:s8], $0x5FFFF  }
0xb2: {  	[dreg:$0x1] =	wrdreg $0xFFFFFFFF  }
0xb3: {  	[dreg:$0x0] =	wrdreg $0x60  }
0xb4: {  	[dreg:$0x2] =	wrdreg s24  }
0xb5: {  	[dreg:$0x3] =	wrdreg s17  }
0xb6: {  	[dreg:$0x4] =	wrdreg s16  }
0xb7: {  	[dreg:$0x5] =	wrdreg $0x0  }
0xb8: {  	[dreg:$0x6] =	wrdreg $0x2800  }
0xb9: {  	[dreg:$0x7] =	wrdreg $0x3C00  }
0xba: {  	[dreg:$0x8] =	wrdreg $0x5000  }
0xbb: {  	[dreg:$0x9] =	wrdreg $0x9  }
0xbc: {  	_ =	task.clear_ibuf [dreg:s8], $0xAFFFF;
	_ =	strace $0x90000046  }
0xbd: {  	s29 =	simm.s32 $0x9;
	_ =	strace $0x80000048  }
0xbe: {  	_ =	swait.ge [sflag:s29], $0x1  }
0xbf: {  	[sflag:s29] =	ssyncadd.s32 $0xFFFFFFFF  }
0xc0: {  	_ =	strace $0x90000048  }
0xc1: {  	_ =	sfence  }
0xc2: {  	s30 =	sld [smem:$0x0];
	_ =	sdelay $0x2  }
0xc3: {  	s31 =	sshll.u32 s1, $0xD;
	s1 =	sshrl.u32 s1, $0x2  }
0xc4: {  	s3 =	sand.u32 $0x4000, s31;
	s1 =	sadd.s32 s1, s30  }
0xc5: {  	s0 =	sor.u32 s3, s0;
	s1 =	sshll.u32 s1, $0x11  }
0xc6: {  	s0 =	sor.u32 s1, s0  }
0xc7: {  	s0 =	sadd.s32 $0x8F2B, s0  }
0xc8: {  	[sflag:s0] =	ssyncadd.remote.s32 $0x1  }
0xc9: {  	_ =	sfence.sel $0xFFFF  }
0xca: {  	[dreg:$0x0] =	wrdreg $0xFFFFFFFF;
	(pc) =	sbr.abs _section_cstart, $3  }
0xcb: {  	[dreg:$0x1] =	wrdreg $0xFFFFFFFF  }
0xcc: {  	_ =	task.clear_ibuf [dreg:s8], $0x2FFFF;
	_ =	strace $0x9FFFFFFF  }
0xcd: {  	(tm) =	ssettm $0x7FFFFFFF  }
tec
execute0_lowered:
.L_overlay_start_1:
0x0: {  	(tag) =	ssettag $0x1  }
0x1: {  	s0 =	rddreg [dreg:$0x0]  }
0x2: {  	s3 =	rddreg [dreg:$0x2]  }
0x3: {  	s1 =	rddreg [dreg:$0x3]  }
0x4: {  	s4 =	srdreg.scid;
	s2 =	rddreg [dreg:$0x4]  }
0x5: {  	s9 =	stileid.u32;
	s5 =	rddreg [dreg:$0x6];
	s19 =	simm.s32 $0x540  }
0x6: {  	s20 =	simm.s32 $0x3;
	s21 =	simm.s32 $0x2D40;
	s22 =	simm.s32 $0x4140  }
0x7: {  	s28 =	simm.s32 $0x5940;
	s29 =	simm.s32 $0x80C0;
	s30 =	simm.s32 $0x1  }
0x8: {  	s31 =	simm.s32 $0x2;
	s8 =	sand.u32 $0x1, s4;
	s4 =	rddreg [dreg:$0x5]  }
0x9: {  	s12 =	sadd.s32 $0x20000, s0;
	s24 =	sadd.s32 $0x20200, s0;
	p0 =	sne.s32 s9, $0x0  }
0xa: {  	p4 =	sgt.s32 s9, $0x1;
	s6 =	sshll.u32 s8, $0x4;
	s23 =	smul.u32 $0x280, s8  }
0xb: {  	s25 =	ssub.s32 $0x2, s8;
	s26 =	sshll.u32 s8, $0x7;
	s8 =	smul.u32 $0x500, s8  }
0xc: {  	p2 =	seq.s32 @p4 s9, $0x2;
	p3 =	seq.s32 @!p4 s9, $0x0;
	s7 =	sor.u32 s9, s6  }
0xd: {  	s6 =	simm.s32 $0x0;
	s14 =	sshrl.u32 s25, $0x1;
	p1 =	por p2, !p4  }
0xe: {  	p5 =	por p3, p4;
	s10 =	smul.u32 $0x4E2, s7;
	[smem:$0x7FF] =	sst s6  }
0xf: {  	s7 =	smul.u32 $0x271, s7;
	s16 =	sadd.s32 s23, s0;
	s18 =	ssub.s32 s25, s14  }
0x10: {  	s17 =	sadd.s32 s3, s8;
	s23 =	simm.s32 $0x5540;
	p6 =	seq.s32 @!p1 s9, $0x3  }
0x11: {  	p5 =	seq.s32 @!p5 s9, $0x1;
	s25 =	simm.s32 $0xA8C0;
	p1 =	por !p2, !p4  }
0x12: {  	s3 =	simm.s32 $0x0;
	_ =	strace $0x80000047;
	[dreg:$0x8] =	wrdreg s12  }
0x13: {  	[dreg:$0x9] =	wrdreg s24;
	s15 =	sadd.s32 $0x21200, s16;
	s16 =	sadd.s32 $0x20C00, s16  }
0x14: {  	s18 =	smax.u32 s18, $0x1;
	s24 =	simm.s32 $0xA840;
	p2 =	por @p4 !p6, p2  }
0x15: {  	p5 =	por @!p4 !p5, p3;
	p3 =	por !p3, p4;
	s11 =	sadd.s32 s10, s0  }
0x16: {  	s13 =	sadd.s32 s7, s0;
	s7 =	sadd.s32 $0x20400, s0;
	s0 =	sadd.s32 s26, s0  }
0x17: {  	p2 =	por p2, !p4;
	p4 =	por p5, p4;
	s26 =	simm.s32 $0xA940  }
0x18: {  	s10 =	sadd.s32 $0xC200, s11;
	s11 =	sadd.s32 $0x2400, s11;
	s12 =	sadd.s32 $0x1B000, s13  }
0x19: {  	v0 =	vimm.f32 $1.000000000e+00;
	s13 =	sadd.s32 $0x16000, s13;
	s14 =	sadd.s32 $0x21800, s0;
	s0 =	simm.s32 $0x28  }
.LBB2_1:
0x1a: {  	[tilespmem:s19], [sflag:$0x3] =	stream.linear.gather [hbm4b:s7+s6], $0x2800, $0x38;
	[tilespmem:$0xA9C0] =	vst v63  }
0x1b: {  	_ =	swait.ge [sflag:s20], $0x2800  }
0x1c: {  	[sflag:s20] =	ssyncset.done $0x0  }
0x1d: {  	[sflag:s20] =	ssyncadd.s32 $0xFFFFD800  }
0x1e: {  	[tilespmem:s21], [sflag:$0x3] =	stream.linear.gather [hbm4b:s7+s6], $0x1400, $0x38;
	[tilespmem:$0xA9C0] =	vst v63  }
0x1f: {  	_ =	swait.ge [sflag:s20], $0x1400  }
0x20: {  	[sflag:s20] =	ssyncset.done $0x0  }
0x21: {  	[sflag:s20] =	ssyncadd.s32 $0xFFFFEC00  }
0x22: {  	[tilespmem:s22], [sflag:$0x3] =	stream.linear.gather [hbm4b:s7+s6], $0x1400, $0x38;
	[tilespmem:$0xA9C0] =	vst v63  }
0x23: {  	_ =	swait.ge [sflag:s20], $0x1400  }
0x24: {  	[sflag:s20] =	ssyncset.done $0x0  }
0x25: {  	[sflag:s20] =	ssyncadd.s32 $0xFFFFEC00  }
0x26: {  	[tilespmem:s23], [sflag:$0x3] =	stream.linear.gather [hbm4b:s7+s6], $0x400, $0x38;
	[tilespmem:$0xA9C0] =	vst v63  }
0x27: {  	_ =	swait.ge [sflag:s20], $0x400  }
0x28: {  	[sflag:s20] =	ssyncset.done $0x0  }
0x29: {  	[sflag:s20] =	ssyncadd.s32 $0xFFFFFC00  }
0x2a: {  	s8 =	rddreg [dreg:$0x1]  }
0x2b: {  	[tilespmem:s24], [sflag:$0x3] =	stream.linear.gather [hbm4b:s8+s6], $0x80, $0x38;
	[tilespmem:$0xA9C0] =	vst v63  }
0x2c: {  	_ =	swait.ge [sflag:s20], $0x80  }
0x2d: {  	[sflag:s20] =	ssyncset.done $0x0  }
0x2e: {  	s9 =	rddreg [dreg:$0x8];
	[sflag:s20] =	ssyncadd.s32 $0xFFFFFF80  }
0x2f: {  	[tilespmem:s25], [sflag:$0x3] =	stream.linear.gather [hbm4b:s9+s6], $0x80, $0x38;
	[tilespmem:$0xA9C0] =	vst v63  }
0x30: {  	_ =	swait.ge [sflag:s20], $0x80  }
0x31: {  	[sflag:s20] =	ssyncset.done $0x0  }
0x32: {  	s9 =	rddreg [dreg:$0x9];
	[sflag:s20] =	ssyncadd.s32 $0xFFFFFF80  }
0x33: {  	[tilespmem:s26], [sflag:$0x3] =	stream.linear.gather [hbm4b:s9+s6], $0x80, $0x38;
	[tilespmem:$0xA9C0] =	vst v63  }
0x34: {  	_ =	swait.ge [sflag:s20], $0x80  }
0x35: {  	[sflag:s20] =	ssyncset.done $0x0  }
0x36: {  	s8 =	simm.s32 @!p0 $0x540;
	[sflag:s20] =	ssyncadd.s32 $0xFFFFFF80  }
0x37: {  	[spmem:s1] =	stream.linear.scatter @!p0 [tilespmem:s8], [sflag:$0x3], $0x2800, $0x38;
	[tilespmem:$0xA9C0] =	vst v63  }
0x38: {  	s8 =	simm.s32 @!p0 $0x3  }
0x39: {  	_ =	swait.ge @!p0 [sflag:s8], $0x2800  }
0x3a: {  	[sflag:s8] =	ssyncset.done @!p0 $0x0  }
0x3b: {  	s9 =	simm.s32 @!p0 $0x2D40;
	[sflag:s8] =	ssyncadd.s32 @!p0 $0xFFFFD800  }
0x3c: {  	[spmem:s2] =	stream.linear.scatter @!p0 [tilespmem:s9], [sflag:$0x3], $0x1400, $0x38;
	[tilespmem:$0xA9C0] =	vst v63  }
0x3d: {  	_ =	swait.ge @!p0 [sflag:s8], $0x1400  }
0x3e: {  	[sflag:s8] =	ssyncset.done @!p0 $0x0  }
0x3f: {  	s9 =	simm.s32 @!p0 $0x4140;
	[sflag:s8] =	ssyncadd.s32 @!p0 $0xFFFFEC00  }
0x40: {  	[spmem:s4] =	stream.linear.scatter @!p0 [tilespmem:s9], [sflag:$0x3], $0x1400, $0x38;
	[tilespmem:$0xA9C0] =	vst v63  }
0x41: {  	_ =	swait.ge @!p0 [sflag:s8], $0x1400  }
0x42: {  	[sflag:s8] =	ssyncset.done @!p0 $0x0  }
0x43: {  	s9 =	simm.s32 @!p0 $0x5540;
	[sflag:s8] =	ssyncadd.s32 @!p0 $0xFFFFEC00  }
0x44: {  	[spmem:s5] =	stream.linear.scatter @!p0 [tilespmem:s9], [sflag:$0x3], $0x400, $0x38;
	[tilespmem:$0xA9C0] =	vst v63  }
0x45: {  	_ =	swait.ge @!p0 [sflag:s8], $0x400  }
0x46: {  	[sflag:s8] =	ssyncset.done @!p0 $0x0  }
0x47: {  	[sflag:s8] =	ssyncadd.s32 @!p0 $0xFFFFFC00  }
0x48: {  	[bflag:$0x0] =	sbarrier.arrive $0xFFFF  }
0x49: {  	[tilespmem:s28], [sflag:$0x1] =	stream.linear.gather [hbm4b:s10+s6], $0x2710, $0x38;
	[tilespmem:$0xA9C0] =	vst v63  }
0x4a: {  	_ = 	snop  }
0x4b: {  	[tilespmem:s29], [sflag:$0x2] =	stream.linear.gather [hbm4b:s11+s6], $0x2710, $0x38;
	[tilespmem:$0xA9C0] =	vst v63  }
0x4c: {  	_ =	swait.ge [sflag:s30], $0x2710  }
0x4d: {  	[sflag:s30] =	ssyncset.done $0x0  }
0x4e: {  	s9 =	simm.s32 $0x0;
	s8 =	simm.s32 $0x40;
	[sflag:s30] =	ssyncadd.s32 $0xFFFFD8F0  }
.LBB2_2:
0x4f: {  	p5 =	sne.s32 s8, $0x9C00;
	v1 =	vld [tilespmem:s9+$0x5940];
	_ =	sdelay $0x3  }
.Ltmp0:
0x50: {  	(pc) =	sbr.rel @p5 .LBB2_2-.Ltmp0, $2  }
0x51: {  	_ =	sdelay $0x2  }
0x52: {  	s9 =	sshra.s32 s8, $0x2;
	s8 =	sadd.s32 $0x40, s8;
	[tilespmem:v1+s19+$0x0] =	vst.idx.add.f32.msk $0xffff, v0  }
0x53: {  	v1 =	vld [tilespmem:s9+$0x5940];
	_ =	sdelay $0x7  }
0x54: {  	s8 =	simm.s32 $0x0;
	[tilespmem:v1+s19+$0x0] =	vst.idx.add.f32.msk $0xffff, v0  }
0x55: {  	[tilespmem:s28], [sflag:$0x1] =	stream.linear.gather [hbm4b:s12+s8], $0x1388, $0x38;
	[tilespmem:$0xA9C0] =	vst v63  }
0x56: {  	_ =	swait.ge [sflag:s31], $0x2710  }
0x57: {  	[sflag:s31] =	ssyncset.done $0x0  }
0x58: {  	s9 =	simm.s32 $0x0;
	s8 =	simm.s32 $0x40;
	[sflag:s31] =	ssyncadd.s32 $0xFFFFD8F0  }
.LBB2_4:
0x59: {  	p5 =	sne.s32 s8, $0x9C00;
	v1 =	vld [tilespmem:s9+$0x80C0];
	_ =	sdelay $0x3  }
.Ltmp1:
0x5a: {  	(pc) =	sbr.rel @p5 .LBB2_4-.Ltmp1, $2  }
0x5b: {  	_ =	sdelay $0x2  }
0x5c: {  	s9 =	sshra.s32 s8, $0x2;
	s8 =	sadd.s32 $0x40, s8;
	[tilespmem:v1+s21+$0x0] =	vst.idx.add.f32.msk $0xffff, v0  }
0x5d: {  	v1 =	vld [tilespmem:s9+$0x80C0];
	_ =	sdelay $0x7  }
0x5e: {  	s8 =	simm.s32 $0x0;
	[tilespmem:v1+s21+$0x0] =	vst.idx.add.f32.msk $0xffff, v0  }
0x5f: {  	[tilespmem:s29], [sflag:$0x2] =	stream.linear.gather [hbm4b:s13+s8], $0x1388, $0x38;
	[tilespmem:$0xA9C0] =	vst v63  }
0x60: {  	_ =	swait.ge [sflag:s30], $0x1388  }
0x61: {  	[sflag:s30] =	ssyncset.done $0x0  }
0x62: {  	s9 =	simm.s32 $0x0;
	s8 =	simm.s32 $0x40;
	[sflag:s30] =	ssyncadd.s32 $0xFFFFEC78  }
.LBB2_6:
0x63: {  	p5 =	sne.s32 s8, $0x4DC0;
	v1 =	vld [tilespmem:s9+$0x5940];
	_ =	sdelay $0x3  }
.Ltmp2:
0x64: {  	(pc) =	sbr.rel @p5 .LBB2_6-.Ltmp2, $2  }
0x65: {  	_ =	sdelay $0x2  }
0x66: {  	s9 =	sshra.s32 s8, $0x2;
	s8 =	sadd.s32 $0x40, s8;
	[tilespmem:v1+s22+$0x0] =	vst.idx.add.f32.msk $0xffff, v0  }
0x67: {  	v1 =	vld [tilespmem:s9+$0x5940];
	_ =	sdelay $0x7  }
0x68: {  	[tilespmem:v1+s22+$0x0] =	vst.idx.add.f32.msk $0xffff, v0  }
0x69: {  	v1 =	vld [tilespmem:$0x6CC0];
	_ =	sdelay $0x7  }
0x6a: {  	[tilespmem:v1+s22+$0x0] =	vst.idx.add.f32.msk $0xff, v0  }
0x6b: {  	_ =	swait.ge [sflag:s31], $0x1388  }
0x6c: {  	[sflag:s31] =	ssyncset.done $0x0  }
0x6d: {  	s9 =	simm.s32 $0x0;
	s8 =	simm.s32 $0x40;
	[sflag:s31] =	ssyncadd.s32 $0xFFFFEC78  }
.LBB2_8:
0x6e: {  	p5 =	sne.s32 s8, $0x4DC0;
	v1 =	vld [tilespmem:s9+$0x80C0];
	_ =	sdelay $0x3  }
.Ltmp3:
0x6f: {  	(pc) =	sbr.rel @p5 .LBB2_8-.Ltmp3, $2  }
0x70: {  	_ =	sdelay $0x2  }
0x71: {  	s9 =	sshra.s32 s8, $0x2;
	s8 =	sadd.s32 $0x40, s8;
	[tilespmem:v1+s23+$0x0] =	vst.idx.add.f32.msk $0xffff, v0  }
0x72: {  	v1 =	vld [tilespmem:s9+$0x80C0];
	_ =	sdelay $0x7  }
0x73: {  	[tilespmem:v1+s23+$0x0] =	vst.idx.add.f32.msk $0xffff, v0  }
0x74: {  	v1 =	vld [tilespmem:$0x9440];
	_ =	sdelay $0x7  }
0x75: {  	s8 =	simm.s32 $0x50;
	[tilespmem:v1+s23+$0x0] =	vst.idx.add.f32.msk $0xff, v0  }
0x76: {  	[spmem:s1] =	stream.indirect.scatter.add.f32 [tilespmem:s19], [sflag:$0x3], $0x80, s24, s8, $0xb8;
	[tilespmem:$0xA9C0] =	vst v63  }
0x77: {  	_ =	swait.ge [sflag:s20], $0x2800  }
0x78: {  	[sflag:s20] =	ssyncset.done $0x0  }
0x79: {  	[sflag:s20] =	ssyncadd.s32 $0xFFFFD800  }
0x7a: {  	[spmem:s2] =	stream.indirect.scatter.add.f32 [tilespmem:s21], [sflag:$0x3], $0x80, s25, s0, $0xb8;
	[tilespmem:$0xA9C0] =	vst v63  }
0x7b: {  	_ =	swait.ge [sflag:s20], $0x1400  }
0x7c: {  	[sflag:s20] =	ssyncset.done $0x0  }
0x7d: {  	[sflag:s20] =	ssyncadd.s32 $0xFFFFEC00  }
0x7e: {  	[spmem:s4] =	stream.indirect.scatter.add.f32 [tilespmem:s22], [sflag:$0x3], $0x80, s25, s0, $0xb8;
	[tilespmem:$0xA9C0] =	vst v63  }
0x7f: {  	_ =	swait.ge [sflag:s20], $0x1400  }
0x80: {  	[sflag:s20] =	ssyncset.done $0x0  }
0x81: {  	s9 =	simm.s32 $0x8;
	[sflag:s20] =	ssyncadd.s32 $0xFFFFEC00  }
0x82: {  	[spmem:s5] =	stream.indirect.scatter.add.f32 [tilespmem:s23], [sflag:$0x3], $0x80, s26, s9, $0xb8;
	[tilespmem:$0xA9C0] =	vst v63  }
0x83: {  	_ =	swait.ge [sflag:s20], $0x400  }
0x84: {  	[sflag:s20] =	ssyncset.done $0x0  }
0x85: {  	[sflag:s20] =	ssyncadd.s32 $0xFFFFFC00  }
0x86: {  	s8 =	sshrl.u32 @!p1 s4, $0x3;
	s9 =	simm.s32 @!p1 $0x1C83;
	[bflag:$0x0] =	sbarrier.arrive $0xFFFF  }
0x87: {  	[hbm:s15], [sflag:s9] =	dma.local @!p1 [spmem:s8], $0x280  }
0x88: {  	s8 =	simm.s32 @!p1 $0x3  }
0x89: {  	_ =	swait.ge @!p1 [sflag:s8], $0x280  }
0x8a: {  	[sflag:s8] =	ssyncset.done @!p1 $0x0  }
0x8b: {  	s9 =	simm.s32 @!p2 $0x1CC3;
	[sflag:s8] =	ssyncadd.s32 @!p1 $0xFFFFFD80;
	s8 =	sshrl.u32 @!p2 s5, $0x3  }
0x8c: {  	[hbm:s14], [sflag:s9] =	dma.local @!p2 [spmem:s8], $0x80  }
0x8d: {  	s8 =	simm.s32 @!p2 $0x3  }
0x8e: {  	_ =	swait.ge @!p2 [sflag:s8], $0x80  }
0x8f: {  	[sflag:s8] =	ssyncset.done @!p2 $0x0  }
0x90: {  	s9 =	simm.s32 @!p3 $0x1C03;
	[sflag:s8] =	ssyncadd.s32 @!p2 $0xFFFFFF80;
	s8 =	sshrl.u32 @!p3 s1, $0x3  }
0x91: {  	[hbm:s17], [sflag:s9] =	dma.local @!p3 [spmem:s8], $0x500  }
0x92: {  	s8 =	simm.s32 @!p3 $0x3  }
0x93: {  	s3 =	sadd.s32 $0x1, s3;
	_ =	swait.ge @!p3 [sflag:s8], $0x500  }
0x94: {  	p5 =	sne.s32 s3, s18;
	[sflag:s8] =	ssyncset.done @!p3 $0x0  }
0x95: {  	s9 =	simm.s32 @!p4 $0x1C43;
	[sflag:s8] =	ssyncadd.s32 @!p3 $0xFFFFFB00;
	s8 =	sshrl.u32 @!p4 s2, $0x3  }
0x96: {  	[hbm:s16], [sflag:s9] =	dma.local @!p4 [spmem:s8], $0x280  }
.Ltmp4:
0x97: {  	_ = 	snop;
	(pc) =	sbr.rel @p5 .LBB2_1-.Ltmp4, $4  }
0x98: {  	s8 =	simm.s32 @!p4 $0x3  }
0x99: {  	_ =	swait.ge @!p4 [sflag:s8], $0x280  }
0x9a: {  	[sflag:s8] =	ssyncset.done @!p4 $0x0  }
0x9b: {  	[sflag:s8] =	ssyncadd.s32 @!p4 $0xFFFFFD80  }
0x9c: {  	_ =	sfence.sel $0x180000  }
0x9d: {  	[bflag:$0x0] =	sbarrier.arrive $0xFFFF  }
0x9e: {  	_ =	strace $0x90000047  }
0x9f: {  	[bflag:$0x2] =	sbarrier.arrive $0xFFFF  }
0xa0: {  	s0 =	rddreg [dreg:$0x7]  }
0xa1: {  	s0 =	sadd.s32 @!p0 $0x100000, s0  }
0xa2: {  	[sflag:s0] =	ssyncadd.tile.s32 @!p0 $0x1;
	_ =	shalt  }
.Lfunc_end2:
_tile_overlayer_lowered:
.L_overlay_start_2:
0xa3: {  	(tag) =	ssettag $0x2  }
0xa4: {  	s0 =	rddreg [dreg:$0x0];
	s2 =	stileid.u32  }
0xa5: {  	s1 =	rddreg [dreg:$0x1];
	p0 =	sne.s32 s2, $0x0  }
0xa6: {  	s3 =	rddreg [dreg:$0x2];
	[bflag:$0x3] =	sbarrier.arrive $0xFFFF;
	s2 =	simm.s32 @!p0 $0x1C03  }
0xa7: {  	[timem:s3], [sflag:s2] =	dma.local @!p0 [hbm:s0], s1  }
0xa8: {  	s0 =	simm.s32 @!p0 $0x3  }
0xa9: {  	_ =	swait.ge @!p0 [sflag:s0], s1  }
0xaa: {  	s1 =	ssub.s32 @!p0 $0x0, s1;
	[sflag:s0] =	ssyncset.done @!p0 $0x0  }
0xab: {  	[sflag:s0] =	ssyncadd.s32 @!p0 s1  }
0xac: {  	[bflag:$0x3] =	sbarrier.arrive $0xFFFF  }
0xad: {  	_ =	shalt  }

// kernel: sc_embed.3.cloned.1.call-start
scs
__scs_entry_jumppad:
0x0: {  	(pc) =	sbr.rel $0x88, $3  }
0x1: {  	(tag) =	ssettag $0x0;
	lr =	simm.s32 $0x1  }
0x2: {  	[smem:$0x3F98] =	sst lr;
	_ =	strace $0xD0000000  }
0x3: {  	_ = 	snop  }
0x4: {  	_ = 	snop  }
0x5: {  	_ = 	snop  }
0x6: {  	_ = 	snop  }
0x7: {  	_ = 	snop  }
__scs_overlays_trampoline_lowered:
0x8: {  	[smem:$0x3FA7] =	sst s0  }
0x9: {  	[smem:$0x3FA8] =	sst s1  }
0xa: {  	[smem:$0x3FA9] =	sst s2  }
0xb: {  	[smem:$0x3FAA] =	sst s3  }
0xc: {  	[smem:$0x3FAB] =	sst s4  }
0xd: {  	[smem:$0x3FAC] =	sst s5  }
0xe: {  	[smem:$0x3FAD] =	sst s6  }
0xf: {  	[smem:$0x3FAE] =	sst s7  }
0x10: {  	[smem:$0x3FAF] =	sst s8  }
0x11: {  	[smem:$0x3FB0] =	sst s9;
	s0 =	simm.s32 @!p0 $0x0  }
0x12: {  	s1 =	sld [smem:$0x3F96];
	s0 =	simm.s32 @p0 $0x1  }
0x13: {  	[smem:$0x3FB1] =	sst s0;
	s0 =	simm.s32 @!p1 $0x0  }
0x14: {  	s2 =	sld [smem:$0x3F95];
	s0 =	simm.s32 @p1 $0x1  }
0x15: {  	[smem:$0x3FB2] =	sst s0;
	s0 =	simm.s32 @!p2 $0x0  }
0x16: {  	s3 =	sld [smem:$0x3FDB];
	s0 =	simm.s32 @p2 $0x1  }
0x17: {  	s4 =	simm.s32 $0x1BF5;
	[smem:$0x3FB4] =	sst s0  }
0x18: {  	s0 =	sld [smem:$0x3F97];
	_ =	swait.ge [sflag:s4], $0x0  }
0x19: {  	s7 =	sld [smem:$0x3F98]  }
0x1a: {  	s8 =	sadd.s32 $0xFFFFE003, lr  }
0x1b: {  	s9 =	sadd.s32 $0xFFFFFEF7, lr;
	s5 =	simm.s32 $0xFFFFFFFF;
	p2 =	slt.u32 s8, $0xFFFFF086  }
0x1c: {  	p1 =	slt.u32 s9, $0xF7A;
	s5 =	simm.s32 @!p2 $0x0  }
0x1d: {  	s5 =	simm.s32 @p1 $0x1;
	p0 =	seq.s32 s7, s2  }
0x1e: {  	s7 =	smul.u32 @!p0 $0xF7A, s2;
	p2 =	seq.s32 @!p0 s5, $0x0  }
0x1f: {  	s9 =	smul.u32 $0xF7A, s1;
	s8 =	simm.s32 @!p0 $0x1BF5;
	p2 =	por !p2, p0  }
0x20: {  	[sflag:s8] =	ssyncset.s32 @!p0 $0xFFFFF086;
	s6 =	sadd.s32 @!p0 s3, s7;
	s7 =	simm.s32 @!p0 $0x108  }
0x21: {  	s3 =	sadd.s32 s3, s9;
	s6 =	sadd.s32 @!p0 $0x88, s6;
	s7 =	simm.s32 @p2 $0x1082  }
0x22: {  	[simem:s7], [sflag:s8] =	dma.local @!p0 [hbm:s6], $0xF7A  }
0x23: {  	s9 =	sor.u32 $0xD0000000, s2;
	s6 =	simm.s32 $0x108;
	_ =	swait.ge @!p0 [sflag:s8], $0x0  }
0x24: {  	s3 =	sadd.s32 $0x88, s3;
	s6 =	simm.s32 @!p1 $0x1082;
	[sflag:s4] =	ssyncset.s32 $0xFFFFF086  }
0x25: {  	[simem:s6], [sflag:s4] =	dma.local [hbm:s3], $0xF7A  }
0x26: {  	[smem:$0x3F98] =	sst s1;
	(tag) =	ssettag s2;
	_ =	strace s9  }
0x27: {  	s1 =	sld [smem:$0x3FA8]  }
0x28: {  	s2 =	sld [smem:$0x3FA9]  }
0x29: {  	s4 =	sld [smem:$0x3FAB]  }
0x2a: {  	p0 =	seq.s32 s5, $0x0;
	s5 =	sld [smem:$0x3FAC]  }
0x2b: {  	s6 =	sld [smem:$0x3FAD]  }
0x2c: {  	s7 =	sld [smem:$0x3FAE]  }
0x2d: {  	s3 =	simm.s32 $0x108;
	s8 =	sld [smem:$0x3FAF]  }
0x2e: {  	s3 =	simm.s32 @!p0 $0x1082;
	s9 =	sld [smem:$0x3FB0]  }
0x2f: {  	lr =	sadd.s32 s0, s3;
	s0 =	sld [smem:$0x3FA7]  }
0x30: {  	s3 =	sld [smem:$0x3FAA]  }
0x31: {  	[smem:$0x3FB3] =	sst s10  }
0x32: {  	s10 =	sld [smem:$0x3FB1];
	_ =	sdelay $0x3  }
0x33: {  	p0 =	seq.s32 s10, $0x1;
	s10 =	sld [smem:$0x3FB3];
	_ =	sdelay $0x3  }
0x34: {  	[smem:$0x3FB3] =	sst s10  }
0x35: {  	s10 =	sld [smem:$0x3FB2];
	_ =	sdelay $0x3  }
0x36: {  	p1 =	seq.s32 s10, $0x1;
	s10 =	sld [smem:$0x3FB3];
	_ =	sdelay $0x3  }
0x37: {  	[smem:$0x3FB3] =	sst s10  }
0x38: {  	s10 =	sld [smem:$0x3FB4]  }
0x39: {  	_ = 	snop;
	(pc) =	sbr.ind lr, $3  }
0x3a: {  	_ = 	snop  }
0x3b: {  	_ = 	snop  }
0x3c: {  	p2 =	seq.s32 s10, $0x1;
	s10 =	sld [smem:$0x3FB3]  }
0x3d: {  	_ =	shalt  }
0x3e: {  	_ =	shalt  }
0x3f: {  	_ =	shalt  }
0x40: {  	_ =	shalt  }
0x41: {  	_ =	shalt  }
0x42: {  	_ =	shalt  }
0x43: {  	_ =	shalt  }
0x44: {  	_ =	shalt  }
0x45: {  	_ =	shalt  }
0x46: {  	_ =	shalt  }
0x47: {  	_ =	shalt  }
0x48: {  	_ =	shalt  }
0x49: {  	_ =	shalt  }
0x4a: {  	_ =	shalt  }
0x4b: {  	_ =	shalt  }
0x4c: {  	_ =	shalt  }
0x4d: {  	_ =	shalt  }
0x4e: {  	_ =	shalt  }
0x4f: {  	_ =	shalt  }
0x50: {  	_ =	shalt  }
0x51: {  	_ =	shalt  }
0x52: {  	_ =	shalt  }
0x53: {  	_ =	shalt  }
0x54: {  	_ =	shalt  }
0x55: {  	_ =	shalt  }
0x56: {  	_ =	shalt  }
0x57: {  	_ =	shalt  }
0x58: {  	_ =	shalt  }
0x59: {  	_ =	shalt  }
0x5a: {  	_ =	shalt  }
0x5b: {  	_ =	shalt  }
0x5c: {  	_ =	shalt  }
0x5d: {  	_ =	shalt  }
0x5e: {  	_ =	shalt  }
0x5f: {  	_ =	shalt  }
0x60: {  	_ =	shalt  }
0x61: {  	_ =	shalt  }
0x62: {  	_ =	shalt  }
0x63: {  	_ =	shalt  }
0x64: {  	_ =	shalt  }
0x65: {  	_ =	shalt  }
0x66: {  	_ =	shalt  }
0x67: {  	_ =	shalt  }
0x68: {  	_ =	shalt  }
0x69: {  	_ =	shalt  }
0x6a: {  	_ =	shalt  }
0x6b: {  	_ =	shalt  }
0x6c: {  	_ =	shalt  }
0x6d: {  	_ =	shalt  }
0x6e: {  	_ =	shalt  }
0x6f: {  	_ =	shalt  }
0x70: {  	_ =	shalt  }
0x71: {  	_ =	shalt  }
0x72: {  	_ =	shalt  }
0x73: {  	_ =	shalt  }
0x74: {  	_ =	shalt  }
0x75: {  	_ =	shalt  }
0x76: {  	_ =	shalt  }
0x77: {  	_ =	shalt  }
0x78: {  	_ =	shalt  }
0x79: {  	_ =	shalt  }
0x7a: {  	_ =	shalt  }
0x7b: {  	_ =	shalt  }
0x7c: {  	_ =	shalt  }
0x7d: {  	_ =	shalt  }
0x7e: {  	_ =	shalt  }
0x7f: {  	_ =	shalt  }
0x80: {  	_ =	shalt  }
0x81: {  	_ =	shalt  }
0x82: {  	_ =	shalt  }
0x83: {  	_ =	shalt  }
0x84: {  	_ =	shalt  }
0x85: {  	_ =	shalt  }
0x86: {  	_ =	shalt  }
0x87: {  	_ =	shalt  }
.Lfunc_end0:
.L_simem_size_0:
called_computation.1_lowered:
.L_overlay_start_0:
0x88: {  	s2 =	sld [smem:$0x3FD9]  }
0x89: {  	s3 =	sld [smem:$0x3FFE];
	_ =	sdelay $0x1  }
0x8a: {  	s1 =	srdreg.scid  }
0x8b: {  	s0 =	sand.u32 $0x1, s1  }
0x8c: {  	s17 =	sshll.u32 s0, $0xA;
	s2 =	sadd.s32 s3, s2  }
0x8d: {  	s2 =	sadd.s32 s2, s17  }
0x8e: {  	[smem:$0x3FBF] =	sst s2  }
0x8f: {  	_ = 	snop  }
0x90: {  	s18 =	sld [smem:$0x3FC5];
	(tm) =	ssettm $0x1  }
0x91: {  	s19 =	sld [smem:$0x3FFB];
	_ =	sdelay $0x3  }
0x92: {  	_ =	strace s19  }
0x93: {  	s2 =	sld [smem:$0x3FFC];
	_ =	sdelay $0x3  }
0x94: {  	_ =	strace s2  }
0x95: {  	s2 =	sld [smem:$0x3FFD];
	_ =	sdelay $0x3  }
0x96: {  	_ =	strace s2  }
0x97: {  	_ =	strace $0x8FFFFFFF  }
0x98: {  	s20 =	sld [smem:$0x3FDB];
	_ =	sdelay $0x1  }
0x99: {  	s4 =	simm.s32 $_scs_section_size  }
0x9a: {  	s5 =	simm.s32 $_size__tile_overlayer_lowered;
	s6 =	simm.s32 $_tile_overlayer_lowered  }
0x9b: {  	s7 =	simm.s32 $0x1BFF;
	s21 =	sshll.u32 s6, $0x1;
	s4 =	sadd.s32 s4, s20  }
0x9c: {  	s22 =	simm.s32 $0x0;
	s5 =	sshll.u32 s5, $0x1;
	s6 =	sadd.s32 s21, s4  }
0x9d: {  	[timem:s22], [sflag:s7] =	dma.local [hbm:s6], s5  }
0x9e: {  	_ =	swait.ge [sflag:s7], s5  }
0x9f: {  	s5 =	ssub.s32 $0x0, s5;
	[sflag:s7] =	ssyncset.done $0x0  }
0xa0: {  	[sflag:s7] =	ssyncadd.s32 s5;
	_ =	sdelay $0x1  }
0xa1: {  	s23 =	simm.s32 $0x1B8B  }
0xa2: {  	_ =	swait.ge [sflag:s23], $0x1  }
0xa3: {  	[sflag:s23] =	ssyncset.done $0x0  }
0xa4: {  	[sflag:s23] =	ssyncadd.s32 $0xFFFFFFFF  }
0xa5: {  	s5 =	sld [smem:$0x0]  }
0xa6: {  	s6 =	sand.u32 $0xFFFFFFFE, s1  }
0xa7: {  	p0 =	sne.s32 s1, s6  }
0xa8: {  	s6 =	sshll.u32 @p0 s6, $0xE  }
0xa9: {  	s6 =	sadd.s32 @p0 $0x11B8D, s6;
	s7 =	sshll.u32 @p0 s5, $0x11  }
0xaa: {  	s6 =	sor.u32 @p0 s7, s6  }
0xab: {  	[sflag:s6] =	ssyncadd.remote.s32 @p0 $0x1;
	_ =	sdelay $0x1  }
0xac: {  	s6 =	simm.s32 @p0 $0x1B8D  }
0xad: {  	_ =	swait.eq @p0 [sflag:s6], $0x1  }
0xae: {  	[sflag:s6] =	ssyncadd.s32 @p0 $0xFFFFFFFF  }
0xaf: {  	s7 =	sshll.u32 @!p0 s1, $0xE  }
0xb0: {  	s7 =	sor.u32 @!p0 $0x4000, s7;
	s6 =	simm.s32 @!p0 $0x1B8D  }
0xb1: {  	s5 =	sshll.u32 @!p0 s5, $0x11;
	s7 =	sadd.s32 @!p0 $0x11B8D, s7;
	_ =	swait.eq @!p0 [sflag:s6], $0x1  }
0xb2: {  	s5 =	sor.u32 @!p0 s5, s7;
	[sflag:s6] =	ssyncadd.s32 @!p0 $0xFFFFFFFF  }
0xb3: {  	s25 =	simm.s32 $0x1B8E;
	s24 =	sld [smem:$0x3FFE];
	[sflag:s5] =	ssyncadd.remote.s32 @!p0 $0x1  }
0xb4: {  	s26 =	simm.s32 $execute0_lowered;
	[smem:$0x3FD2] =	sst s25  }
0xb5: {  	s6 =	sshll.u32 s26, $0x1;
	_ =	strace $0x80000049;
	[dreg:$0x1] =	wrdreg $0xFFFFFFFF  }
0xb6: {  	s28 =	simm.s32 $_size_execute0_lowered;
	s4 =	sadd.s32 s4, s6;
	[dreg:$0x0] =	wrdreg $0x0  }
0xb7: {  	s6 =	sshll.u32 s28, $0x1;
	[dreg:$0x2] =	wrdreg s4  }
0xb8: {  	[dreg:$0x3] =	wrdreg s6  }
0xb9: {  	[dreg:$0x4] =	wrdreg $0xC0  }
0xba: {  	_ =	task [dreg:s22], $0x5FFFF  }
0xbb: {  	[dreg:$0x1] =	wrdreg $0xFFFFFFFF  }
0xbc: {  	[dreg:$0x0] =	wrdreg $0x60  }
0xbd: {  	[dreg:$0x2] =	wrdreg s18  }
0xbe: {  	[dreg:$0x3] =	wrdreg s24  }
0xbf: {  	[dreg:$0x4] =	wrdreg $0x0  }
0xc0: {  	[dreg:$0x5] =	wrdreg $0xA  }
0xc1: {  	_ =	task.clear_ibuf [dreg:s22], $0x6FFFF;
	_ =	strace $0x90000049  }
0xc2: {  	s29 =	simm.s32 $0xA;
	_ =	strace $0x8000004B  }
0xc3: {  	_ =	swait.ge [sflag:s29], $0x1  }
0xc4: {  	[sflag:s29] =	ssyncadd.s32 $0xFFFFFFFF  }
0xc5: {  	_ =	strace $0x9000004B  }
0xc6: {  	_ =	sfence  }
0xc7: {  	s30 =	sld [smem:$0x0];
	_ =	sdelay $0x2  }
0xc8: {  	s31 =	sshll.u32 s1, $0xD;
	s1 =	sshrl.u32 s1, $0x2  }
0xc9: {  	s4 =	sand.u32 $0x4000, s31;
	s1 =	sadd.s32 s1, s30  }
0xca: {  	s0 =	sor.u32 s4, s0;
	s1 =	sshll.u32 s1, $0x11  }
0xcb: {  	s0 =	sor.u32 s1, s0  }
0xcc: {  	s0 =	sadd.s32 $0x8F2B, s0  }
0xcd: {  	[sflag:s0] =	ssyncadd.remote.s32 $0x1  }
0xce: {  	_ =	sfence.sel $0xFFFF  }
0xcf: {  	[dreg:$0x0] =	wrdreg $0xFFFFFFFF;
	(pc) =	sbr.abs _section_cstart, $3  }
0xd0: {  	[dreg:$0x1] =	wrdreg $0xFFFFFFFF  }
0xd1: {  	_ =	task.clear_ibuf [dreg:s22], $0x2FFFF;
	_ =	strace $0x9FFFFFFF  }
0xd2: {  	(tm) =	ssettm $0x7FFFFFFF  }
0xd3: {  	_ =	shalt  }
tec
execute0_lowered:
.L_overlay_start_1:
0x0: {  	(tag) =	ssettag $0x1  }
0x1: {  	s1 =	rddreg [dreg:$0x0]  }
0x2: {  	s0 =	rddreg [dreg:$0x1]  }
0x3: {  	s2 =	rddreg [dreg:$0x2];
	s3 =	simm.s32 $0x0  }
0x4: {  	s4 =	srdreg.scid;
	s5 =	stileid.u32;
	s31 =	simm.s32 $0xB500  }
0x5: {  	[smem:$0x7FF] =	sst s3;
	s6 =	sadd.s32 $0x15A200, s0;
	s4 =	sand.u32 $0x1, s4  }
0x6: {  	s15 =	sadd.s32 $0x21A00, s0;
	s9 =	smul.u32 $0x28000, s5;
	s10 =	sadd.s32 $0x20400, s0  }
0x7: {  	s12 =	sadd.s32 $0x31400, s0;
	s30 =	smul.u32 $0x3E80, s5;
	s0 =	sadd.s32 $0x58000, s0  }
0x8: {  	_ =	strace $0x8000004A;
	s7 =	sshll.u32 s4, $0x4;
	s8 =	ssub.s32 $0x2, s4  }
0x9: {  	[dreg:$0x4] =	wrdreg s10;
	s4 =	smul.u32 $0x3E800, s4;
	s7 =	sor.u32 s5, s7  }
0xa: {  	s28 =	simm.s32 $0xB880;
	[dreg:$0xb] =	wrdreg s0;
	s11 =	smul.u32 $0x3E80, s7  }
0xb: {  	s24 =	sshrl.u32 s8, $0x1;
	s9 =	sshrl.u32 s9, $0x2;
	s25 =	smul.u32 $0x1400, s7  }
0xc: {  	s8 =	ssub.s32 s8, s24;
	s14 =	smul.u32 $0xA000, s7;
	s20 =	sadd.s32 s9, s2  }
0xd: {  	s4 =	sadd.s32 s30, s4;
	p0 =	seq.s32 s7, $0x1F;
	s7 =	simm.s32 $0x1B900  }
0xe: {  	s17 =	smin.u32 s4, $0x762A0;
	s18 =	smax.u32 s8, $0x1;
	s21 =	sadd.s32 $0x280, s4  }
0xf: {  	s22 =	sadd.s32 $0x300, s4;
	s24 =	sadd.s32 $0x380, s4;
	[dreg:$0x5] =	wrdreg s20  }
0x10: {  	s13 =	smin.u32 s11, $0x762A0;
	s29 =	sshrl.u32 s11, $0x3;
	s10 =	sadd.s32 s12, s25  }
0x11: {  	s14 =	sshrl.u32 s14, $0x3;
	[dreg:$0xc] =	wrdreg s18;
	s19 =	sshrl.u32 s17, $0x3  }
0x12: {  	[dreg:$0xd] =	wrdreg s21;
	s25 =	sshrl.u32 s24, $0x3;
	s11 =	sadd.s32 $0x3C00, s20  }
0x13: {  	s26 =	sshrl.u32 s13, $0x3;
	s5 =	sadd.s32 s15, s29;
	[dreg:$0x8] =	wrdreg s10  }
0x14: {  	s10 =	sadd.s32 $0x4000, s20;
	s9 =	sadd.s32 s12, s14;
	s0 =	sadd.s32 s6, s19  }
0x15: {  	[dreg:$0x15] =	wrdreg s11;
	s12 =	sadd.s32 $0x5000, s20;
	s14 =	sadd.s32 $0x6400, s20  }
0x16: {  	s19 =	sadd.s32 $0x8C00, s20;
	s13 =	sadd.s32 s6, s26;
	[dreg:$0x16] =	wrdreg s12  }
0x17: {  	s16 =	sadd.s32 $0x800, s9;
	s9 =	sadd.s32 $0x1000, s9;
	[dreg:$0x17] =	wrdreg s14  }
0x18: {  	s23 =	sadd.s32 $0x50, s0;
	s6 =	sshrl.u32 s22, $0x3;
	[dreg:$0x19] =	wrdreg s19  }
0x19: {  	s26 =	sadd.s32 $0x200, s4;
	s18 =	sadd.s32 $0x60, s0;
	[dreg:$0x7] =	wrdreg s5  }
0x1a: {  	s30 =	sadd.s32 $0x70, s0;
	s4 =	sadd.s32 $0x180, s4;
	[dreg:$0x9] =	wrdreg s16  }
0x1b: {  	s22 =	sadd.s32 $0x40, s0;
	s24 =	sadd.s32 $0x30, s0;
	[dreg:$0xa] =	wrdreg s9  }
0x1c: {  	s0 =	sadd.s32 $0x8000, s20;
	s12 =	simm.s32 $0x2;
	[dreg:$0xe] =	wrdreg s23  }
0x1d: {  	s14 =	simm.s32 $0x3;
	s19 =	simm.s32 $0x0;
	[dreg:$0x10] =	wrdreg s30  }
0x1e: {  	s17 =	sadd.s32 s6, s15;
	s6 =	sadd.s32 s25, s15;
	[dreg:$0x6] =	wrdreg s13  }
0x1f: {  	s29 =	sshrl.u32 s26, $0x3;
	s0 =	sshrl.u32 @!p0 s0, $0x3;
	[dreg:$0xf] =	wrdreg s6  }
0x20: {  	s4 =	sshrl.u32 s4, $0x3;
	s9 =	sadd.s32 $0x1400, s20;
	[dreg:$0x12] =	wrdreg s0  }
0x21: {  	s16 =	smov.u32 s15;
	s25 =	sadd.s32 $0x10, s13;
	[dreg:$0x13] =	wrdreg s9  }
0x22: {  	s26 =	sadd.s32 $0x10, s5;
	s30 =	sadd.s32 $0x20, s5;
	[dreg:$0x1a] =	wrdreg s25  }
0x23: {  	s21 =	sadd.s32 s29, s15;
	s23 =	sadd.s32 s4, s15;
	[dreg:$0x1b] =	wrdreg s26  }
0x24: {  	s4 =	sshrl.u32 @!p0 s10, $0x3;
	s10 =	sadd.s32 $0x2800, s20;
	[dreg:$0x1d] =	wrdreg s30  }
.Ltmp0:
0x25: {  	s15 =	sadd.s32 $0x7800, s20;
	[dreg:$0x11] =	wrdreg s4;
	(pc) =	sbr.rel .LBB2_1-.Ltmp0, $4  }
0x26: {  	s29 =	sadd.s32 $0x20, s13;
	s25 =	simm.s32 $0x80;
	[dreg:$0x14] =	wrdreg s10  }
0x27: {  	s0 =	simm.s32 $0xB780;
	s6 =	simm.s32 $0x13900;
	[dreg:$0x18] =	wrdreg s15  }
0x28: {  	s13 =	simm.s32 $0xB600;
	s9 =	simm.s32 $0x5;
	[dreg:$0x1c] =	wrdreg s29  }
0x29: {  	s15 =	simm.s32 $0x6;
	s4 =	simm.s32 $0x1;
	s10 =	simm.s32 $0xB580  }
.LBB2_4:
0x2a: {  	s19 =	stileid.u32  }
0x2b: {  	s20 =	rddreg [dreg:$0x5];
	s5 =	sshll.u32 @p0 s19, $0x6  }
0x2c: {  	s11 =	rddreg [dreg:$0xb];
	s8 =	sshrl.u32 @p0 s20, $0x3;
	s5 =	sor.u32 @p0 $0x1C06, s5  }
0x2d: {  	[hbm:s11], [sflag:s5] =	dma.local @p0 [spmem:s8], $0x500  }
0x2e: {  	s5 =	simm.s32 @p0 $0x6  }
0x2f: {  	_ =	swait.ge @p0 [sflag:s5], $0x500  }
0x30: {  	s8 =	sshll.u32 @!p0 s19, $0x6;
	[sflag:s5] =	ssyncset.done @p0 $0x0;
	s19 =	rddreg [dreg:$0x8]  }
0x31: {  	[sflag:s5] =	ssyncadd.s32 @p0 $0xFFFFFB00;
	s5 =	sor.u32 @!p0 $0x1C06, s8;
	s8 =	sshrl.u32 @!p0 s20, $0x3  }
0x32: {  	[hbm:s19], [sflag:s5] =	dma.local @!p0 [spmem:s8], $0x800  }
0x33: {  	s8 =	simm.s32 @!p0 $0x6  }
0x34: {  	_ =	swait.ge @!p0 [sflag:s8], $0x800  }
0x35: {  	[sflag:s8] =	ssyncset.done @!p0 $0x0;
	s19 =	rddreg [dreg:$0x9]  }
0x36: {  	s26 =	rddreg [dreg:$0x11];
	[sflag:s8] =	ssyncadd.s32 @!p0 $0xFFFFF800  }
0x37: {  	[hbm:s19], [sflag:s5] =	dma.local @!p0 [spmem:s26], $0x800  }
0x38: {  	_ =	swait.ge @!p0 [sflag:s8], $0x800  }
0x39: {  	[sflag:s8] =	ssyncset.done @!p0 $0x0;
	s19 =	rddreg [dreg:$0xa]  }
0x3a: {  	s26 =	rddreg [dreg:$0x12];
	[sflag:s8] =	ssyncadd.s32 @!p0 $0xFFFFF800  }
0x3b: {  	[hbm:s19], [sflag:s5] =	dma.local @!p0 [spmem:s26], $0x400  }
0x3c: {  	_ =	swait.ge @!p0 [sflag:s8], $0x400  }
0x3d: {  	s29 =	rddreg [dreg:$0x1e]  }
0x3e: {  	s30 =	rddreg [dreg:$0xc];
	s19 =	sadd.s32 $0x1, s29  }
0x3f: {  	p1 =	sne.s32 s19, s30  }
.Ltmp1:
0x40: {  	_ = 	snop;
	(pc) =	sbr.rel @!p1 .LBB2_5-.Ltmp1, $3  }
0x41: {  	_ =	sdelay $0x1  }
0x42: {  	[sflag:s8] =	ssyncset.done @!p0 $0x0  }
0x43: {  	s11 =	stileid.u32;
	[sflag:s8] =	ssyncadd.s32 @!p0 $0xFFFFFC00  }
.LBB2_1:
0x44: {  	[dreg:$0x1e] =	wrdreg s19  }
0x45: {  	s5 =	rddreg [dreg:$0x4];
	s8 =	simm.s32 $0xA000  }
0x46: {  	[tilespmem:s8], [sflag:$0x6] =	stream.linear.gather [hbm4b:s5+s3], $0x1400, $0x38;
	[tilespmem:$0x1F900] =	vst v63  }
0x47: {  	_ =	swait.ge [sflag:s15], $0x1400  }
0x48: {  	[sflag:s15] =	ssyncset.done $0x0  }
0x49: {  	[sflag:s15] =	ssyncadd.s32 $0xFFFFEC00  }
0x4a: {  	[spmem:s20] =	stream.linear.scatter [tilespmem:s8], [sflag:$0x6], $0x1400, $0x38;
	[tilespmem:$0x1F900] =	vst v63  }
0x4b: {  	_ =	swait.ge [sflag:s15], $0x1400  }
0x4c: {  	[sflag:s15] =	ssyncset.done $0x0  }
0x4d: {  	s30 =	rddreg [dreg:$0x13];
	[sflag:s15] =	ssyncadd.s32 $0xFFFFEC00  }
0x4e: {  	[spmem:s30] =	stream.linear.scatter [tilespmem:s8], [sflag:$0x6], $0x1400, $0x38;
	[tilespmem:$0x1F900] =	vst v63  }
0x4f: {  	_ =	swait.ge [sflag:s15], $0x1400  }
0x50: {  	[sflag:s15] =	ssyncset.done $0x0  }
0x51: {  	s11 =	rddreg [dreg:$0x14];
	[sflag:s15] =	ssyncadd.s32 $0xFFFFEC00  }
0x52: {  	[spmem:s11] =	stream.linear.scatter [tilespmem:s8], [sflag:$0x6], $0x1400, $0x38;
	[tilespmem:$0x1F900] =	vst v63  }
0x53: {  	_ =	swait.ge [sflag:s15], $0x1400  }
0x54: {  	[sflag:s15] =	ssyncset.done $0x0  }
0x55: {  	s19 =	rddreg [dreg:$0x15];
	[sflag:s15] =	ssyncadd.s32 $0xFFFFEC00  }
0x56: {  	[spmem:s19] =	stream.linear.scatter [tilespmem:s8], [sflag:$0x6], $0x1400, $0x38;
	[tilespmem:$0x1F900] =	vst v63  }
0x57: {  	_ =	swait.ge [sflag:s15], $0x1400  }
0x58: {  	[sflag:s15] =	ssyncset.done $0x0  }
0x59: {  	s20 =	rddreg [dreg:$0x16];
	[sflag:s15] =	ssyncadd.s32 $0xFFFFEC00  }
0x5a: {  	[spmem:s20] =	stream.linear.scatter [tilespmem:s8], [sflag:$0x6], $0x1400, $0x38;
	[tilespmem:$0x1F900] =	vst v63  }
0x5b: {  	_ =	swait.ge [sflag:s15], $0x1400  }
0x5c: {  	[sflag:s15] =	ssyncset.done $0x0  }
0x5d: {  	s26 =	rddreg [dreg:$0x17];
	[sflag:s15] =	ssyncadd.s32 $0xFFFFEC00  }
0x5e: {  	[spmem:s26] =	stream.linear.scatter [tilespmem:s8], [sflag:$0x6], $0x1400, $0x38;
	[tilespmem:$0x1F900] =	vst v63  }
0x5f: {  	_ =	swait.ge [sflag:s15], $0x1400  }
0x60: {  	[sflag:s15] =	ssyncset.done $0x0  }
0x61: {  	s29 =	rddreg [dreg:$0x18];
	[sflag:s15] =	ssyncadd.s32 $0xFFFFEC00  }
0x62: {  	[spmem:s29] =	stream.linear.scatter [tilespmem:s8], [sflag:$0x6], $0x1400, $0x38;
	[tilespmem:$0x1F900] =	vst v63  }
0x63: {  	_ =	swait.ge [sflag:s15], $0x1400  }
0x64: {  	[sflag:s15] =	ssyncset.done $0x0  }
0x65: {  	s30 =	rddreg [dreg:$0x19];
	[sflag:s15] =	ssyncadd.s32 $0xFFFFEC00  }
0x66: {  	[spmem:s30] =	stream.linear.scatter [tilespmem:s8], [sflag:$0x6], $0x1400, $0x38;
	[tilespmem:$0x1F900] =	vst v63  }
0x67: {  	_ =	swait.ge [sflag:s15], $0x1400  }
0x68: {  	[sflag:s15] =	ssyncset.done $0x0  }
0x69: {  	s19 =	simm.s32 $0xB400;
	s11 =	rddreg [dreg:$0x6];
	[sflag:s15] =	ssyncadd.s32 $0xFFFFEC00  }
0x6a: {  	[tilespmem:s19], [sflag:$0x6] =	stream.linear.gather [hbm4b:s11+s3], $0x80, $0x38;
	[tilespmem:$0x1F900] =	vst v63  }
0x6b: {  	_ =	swait.ge [sflag:s15], $0x80  }
0x6c: {  	[sflag:s15] =	ssyncset.done $0x0  }
0x6d: {  	s11 =	simm.s32 $0xB680;
	s20 =	rddreg [dreg:$0x7];
	[sflag:s15] =	ssyncadd.s32 $0xFFFFFF80  }
0x6e: {  	[tilespmem:s11], [sflag:$0x6] =	stream.linear.gather [hbm4b:s20+s3], $0x80, $0x38;
	[tilespmem:$0x1F900] =	vst v63  }
0x6f: {  	_ =	swait.ge [sflag:s15], $0x80  }
0x70: {  	[sflag:s15] =	ssyncset.done $0x0  }
0x71: {  	s26 =	simm.s32 $0xB900;
	[sflag:s15] =	ssyncadd.s32 $0xFFFFFF80  }
0x72: {  	[tilespmem:s26], [sflag:$0x1] =	stream.indirect.gather [hbm4b:s1+s25], $0x80, s19, s25, $0xb8;
	[tilespmem:$0x1F900] =	vst v63  }
0x73: {  	s30 =	simm.s32 $0xB480;
	s29 =	rddreg [dreg:$0x1a]  }
0x74: {  	[tilespmem:s30], [sflag:$0x6] =	stream.linear.gather [hbm4b:s29+s3], $0x80, $0x38;
	[tilespmem:$0x1F900] =	vst v63  }
0x75: {  	_ =	swait.ge [sflag:s15], $0x80  }
0x76: {  	[sflag:s15] =	ssyncset.done $0x0  }
0x77: {  	s20 =	simm.s32 $0xB700;
	s19 =	rddreg [dreg:$0x1b];
	[sflag:s15] =	ssyncadd.s32 $0xFFFFFF80  }
0x78: {  	[tilespmem:s20], [sflag:$0x6] =	stream.linear.gather [hbm4b:s19+s3], $0x80, $0x38;
	[tilespmem:$0x1F900] =	vst v63  }
0x79: {  	_ =	swait.ge [sflag:s15], $0x80  }
0x7a: {  	[sflag:s15] =	ssyncset.done $0x0  }
0x7b: {  	s26 =	simm.s32 $0xF900;
	[sflag:s15] =	ssyncadd.s32 $0xFFFFFF80  }
0x7c: {  	[tilespmem:s26], [sflag:$0x2] =	stream.indirect.gather [hbm4b:s1+s25], $0x80, s30, s25, $0xb8;
	[tilespmem:$0x1F900] =	vst v63  }
0x7d: {  	s29 =	rddreg [dreg:$0x1c]  }
0x7e: {  	[tilespmem:s31], [sflag:$0x6] =	stream.linear.gather [hbm4b:s29+s3], $0x80, $0x38;
	[tilespmem:$0x1F900] =	vst v63  }
0x7f: {  	_ =	swait.ge [sflag:s15], $0x80  }
0x80: {  	[sflag:s15] =	ssyncset.done $0x0  }
0x81: {  	s30 =	rddreg [dreg:$0x1d];
	[sflag:s15] =	ssyncadd.s32 $0xFFFFFF80  }
0x82: {  	[tilespmem:s0], [sflag:$0x6] =	stream.linear.gather [hbm4b:s30+s3], $0x80, $0x38;
	[tilespmem:$0x1F900] =	vst v63  }
0x83: {  	_ =	swait.ge [sflag:s15], $0x80  }
0x84: {  	[sflag:s15] =	ssyncset.done $0x0  }
0x85: {  	s26 =	simm.s32 $0x0;
	s11 =	rddreg [dreg:$0xd];
	[sflag:s15] =	ssyncadd.s32 $0xFFFFFF80  }
0x86: {  	[tilespmem:s6], [sflag:$0x3] =	stream.indirect.gather [hbm4b:s1+s25], $0x80, s31, s25, $0xb8;
	[tilespmem:$0x1F900] =	vst v63  }
.LBB2_2:
0x87: {  	_ =	swait.ge [sflag:s4], $0x4000  }
0x88: {  	[sflag:s4] =	ssyncset.done $0x0  }
0x89: {  	s5 =	simm.s32 $0xB680;
	s8 =	simm.s32 $0xB900;
	[sflag:s4] =	ssyncadd.s32 $0xFFFFC000  }
0x8a: {  	[spmem:s2] =	stream.indirect.scatter.add.f32 [tilespmem:s8], [sflag:$0x6], $0x80, s5, s25, $0xb8;
	[tilespmem:$0x1F900] =	vst v63  }
0x8b: {  	_ =	swait.ge [sflag:s15], $0x4000  }
0x8c: {  	[sflag:s15] =	ssyncset.done $0x0  }
0x8d: {  	s29 =	sadd.s32 s26, s24;
	[sflag:s15] =	ssyncadd.s32 $0xFFFFC000  }
0x8e: {  	[tilespmem:s10], [sflag:$0x6] =	stream.linear.gather [hbm4b:s29+s3], $0x80, $0x38;
	[tilespmem:$0x1F900] =	vst v63  }
0x8f: {  	_ =	swait.ge [sflag:s15], $0x80  }
0x90: {  	[sflag:s15] =	ssyncset.done $0x0  }
0x91: {  	s19 =	sadd.s32 s26, s23;
	s20 =	simm.s32 $0xB800;
	[sflag:s15] =	ssyncadd.s32 $0xFFFFFF80  }
0x92: {  	[tilespmem:s20], [sflag:$0x6] =	stream.linear.gather [hbm4b:s19+s3], $0x80, $0x38;
	[tilespmem:$0x1F900] =	vst v63  }
0x93: {  	_ =	swait.ge [sflag:s15], $0x80  }
0x94: {  	[sflag:s15] =	ssyncset.done $0x0  }
0x95: {  	s30 =	simm.s32 $0x17900;
	[sflag:s15] =	ssyncadd.s32 $0xFFFFFF80  }
0x96: {  	[tilespmem:s30], [sflag:$0x4] =	stream.indirect.gather [hbm4b:s1+s25], $0x80, s10, s25, $0xb8;
	[tilespmem:$0x1F900] =	vst v63  }
0x97: {  	_ =	swait.ge [sflag:s12], $0x4000  }
0x98: {  	[sflag:s12] =	ssyncset.done $0x0  }
0x99: {  	s8 =	simm.s32 $0xB700;
	s19 =	simm.s32 $0xF900;
	[sflag:s12] =	ssyncadd.s32 $0xFFFFC000  }
0x9a: {  	[spmem:s2] =	stream.indirect.scatter.add.f32 [tilespmem:s19], [sflag:$0x6], $0x80, s8, s25, $0xb8;
	[tilespmem:$0x1F900] =	vst v63  }
0x9b: {  	_ =	swait.ge [sflag:s15], $0x4000  }
0x9c: {  	[sflag:s15] =	ssyncset.done $0x0  }
0x9d: {  	s20 =	sadd.s32 s26, s22;
	[sflag:s15] =	ssyncadd.s32 $0xFFFFC000  }
0x9e: {  	[tilespmem:s13], [sflag:$0x6] =	stream.linear.gather [hbm4b:s20+s3], $0x80, $0x38;
	[tilespmem:$0x1F900] =	vst v63  }
0x9f: {  	_ =	swait.ge [sflag:s15], $0x80  }
0xa0: {  	[sflag:s15] =	ssyncset.done $0x0  }
0xa1: {  	s30 =	sadd.s32 s26, s21;
	[sflag:s15] =	ssyncadd.s32 $0xFFFFFF80  }
0xa2: {  	[tilespmem:s28], [sflag:$0x6] =	stream.linear.gather [hbm4b:s30+s3], $0x80, $0x38;
	[tilespmem:$0x1F900] =	vst v63  }
0xa3: {  	_ =	swait.ge [sflag:s15], $0x80  }
0xa4: {  	[sflag:s15] =	ssyncset.done $0x0  }
0xa5: {  	[sflag:s15] =	ssyncadd.s32 $0xFFFFFF80  }
0xa6: {  	[tilespmem:s7], [sflag:$0x5] =	stream.indirect.gather [hbm4b:s1+s25], $0x80, s13, s25, $0xb8;
	[tilespmem:$0x1F900] =	vst v63  }
0xa7: {  	_ =	swait.ge [sflag:s14], $0x4000  }
0xa8: {  	[sflag:s14] =	ssyncset.done $0x0  }
0xa9: {  	[sflag:s14] =	ssyncadd.s32 $0xFFFFC000  }
0xaa: {  	[spmem:s2] =	stream.indirect.scatter.add.f32 [tilespmem:s6], [sflag:$0x6], $0x80, s0, s25, $0xb8;
	[tilespmem:$0x1F900] =	vst v63  }
0xab: {  	_ =	swait.ge [sflag:s15], $0x4000  }
0xac: {  	p1 =	seq.s32 s26, $0x780;
	[sflag:s15] =	ssyncset.done $0x0  }
0xad: {  	s29 =	simm.s32 @p1 $0x4;
	[sflag:s15] =	ssyncadd.s32 $0xFFFFC000  }
0xae: {  	_ =	swait.ge @p1 [sflag:s29], $0x4000  }
0xaf: {  	s8 =	simm.s32 @p1 $0xB800;
	[sflag:s29] =	ssyncset.done @p1 $0x0  }
0xb0: {  	s30 =	simm.s32 @p1 $0x17900;
	[sflag:s29] =	ssyncadd.s32 @p1 $0xFFFFC000;
	s29 =	simm.s32 @p1 $0x80  }
0xb1: {  	[spmem:s2] =	stream.indirect.scatter.add.f32 @p1 [tilespmem:s30], [sflag:$0x6], $0x80, s8, s29, $0xb8;
	[tilespmem:$0x1F900] =	vst v63  }
0xb2: {  	s8 =	simm.s32 @p1 $0x6  }
0xb3: {  	_ =	swait.ge @p1 [sflag:s8], $0x4000  }
0xb4: {  	s29 =	simm.s32 @!p1 $0x0;
	[sflag:s8] =	ssyncset.done @p1 $0x0;
	s5 =	rddreg [dreg:$0xe]  }
0xb5: {  	s30 =	simm.s32 @!p1 $0xB400;
	[sflag:s8] =	ssyncadd.s32 @p1 $0xFFFFC000;
	s8 =	sadd.s32 @!p1 s26, s5  }
0xb6: {  	[tilespmem:s30], [sflag:$0x6] =	stream.linear.gather @!p1 [hbm4b:s8+s29], $0x80, $0x38;
	[tilespmem:$0x1F900] =	vst v63  }
0xb7: {  	s8 =	simm.s32 @!p1 $0x6  }
0xb8: {  	_ =	swait.ge @!p1 [sflag:s8], $0x80  }
0xb9: {  	s5 =	sshrl.u32 @!p1 s11, $0x3;
	[sflag:s8] =	ssyncset.done @!p1 $0x0  }
0xba: {  	s19 =	simm.s32 @!p1 $0xB680;
	s5 =	sadd.s32 @!p1 s16, s5;
	[sflag:s8] =	ssyncadd.s32 @!p1 $0xFFFFFF80  }
0xbb: {  	[tilespmem:s19], [sflag:$0x6] =	stream.linear.gather @!p1 [hbm4b:s5+s29], $0x80, $0x38;
	[tilespmem:$0x1F900] =	vst v63  }
0xbc: {  	_ =	swait.ge @!p1 [sflag:s8], $0x80  }
0xbd: {  	[sflag:s8] =	ssyncset.done @!p1 $0x0  }
0xbe: {  	s5 =	simm.s32 @!p1 $0x80;
	s19 =	simm.s32 @!p1 $0xB900;
	[sflag:s8] =	ssyncadd.s32 @!p1 $0xFFFFFF80  }
0xbf: {  	[tilespmem:s19], [sflag:$0x1] =	stream.indirect.gather @!p1 [hbm4b:s1+s5], $0x80, s30, s5, $0xb8;
	[tilespmem:$0x1F900] =	vst v63  }
0xc0: {  	s19 =	simm.s32 @!p1 $0x4  }
0xc1: {  	_ =	swait.ge @!p1 [sflag:s19], $0x4000  }
0xc2: {  	[sflag:s19] =	ssyncset.done @!p1 $0x0  }
0xc3: {  	s30 =	simm.s32 @!p1 $0x17900;
	[sflag:s19] =	ssyncadd.s32 @!p1 $0xFFFFC000;
	s19 =	simm.s32 @!p1 $0xB800  }
0xc4: {  	[spmem:s2] =	stream.indirect.scatter.add.f32 @!p1 [tilespmem:s30], [sflag:$0x6], $0x80, s19, s5, $0xb8;
	[tilespmem:$0x1F900] =	vst v63  }
0xc5: {  	_ =	swait.ge @!p1 [sflag:s8], $0x4000  }
0xc6: {  	[sflag:s8] =	ssyncset.done @!p1 $0x0  }
0xc7: {  	s19 =	sadd.s32 @!p1 s26, s18;
	s30 =	simm.s32 @!p1 $0xB480;
	[sflag:s8] =	ssyncadd.s32 @!p1 $0xFFFFC000  }
0xc8: {  	[tilespmem:s30], [sflag:$0x6] =	stream.linear.gather @!p1 [hbm4b:s19+s29], $0x80, $0x38;
	[tilespmem:$0x1F900] =	vst v63  }
0xc9: {  	_ =	swait.ge @!p1 [sflag:s8], $0x80  }
0xca: {  	[sflag:s8] =	ssyncset.done @!p1 $0x0  }
0xcb: {  	s20 =	simm.s32 @!p1 $0xB700;
	s19 =	sadd.s32 @!p1 s26, s17;
	[sflag:s8] =	ssyncadd.s32 @!p1 $0xFFFFFF80  }
0xcc: {  	[tilespmem:s20], [sflag:$0x6] =	stream.linear.gather @!p1 [hbm4b:s19+s29], $0x80, $0x38;
	[tilespmem:$0x1F900] =	vst v63  }
0xcd: {  	_ =	swait.ge @!p1 [sflag:s8], $0x80  }
0xce: {  	[sflag:s8] =	ssyncset.done @!p1 $0x0  }
0xcf: {  	[sflag:s8] =	ssyncadd.s32 @!p1 $0xFFFFFF80;
	s8 =	simm.s32 @!p1 $0xF900  }
0xd0: {  	[tilespmem:s8], [sflag:$0x2] =	stream.indirect.gather @!p1 [hbm4b:s1+s5], $0x80, s30, s5, $0xb8;
	[tilespmem:$0x1F900] =	vst v63  }
0xd1: {  	_ =	swait.ge [sflag:s9], $0x4000  }
0xd2: {  	[sflag:s9] =	ssyncset.done $0x0  }
.Ltmp2:
0xd3: {  	[sflag:s9] =	ssyncadd.s32 $0xFFFFC000;
	(pc) =	sbr.rel @p1 .LBB2_4-.Ltmp2, $4  }
0xd4: {  	[spmem:s2] =	stream.indirect.scatter.add.f32 [tilespmem:s7], [sflag:$0x6], $0x80, s28, s25, $0xb8;
	[tilespmem:$0x1F900] =	vst v63  }
0xd5: {  	_ =	swait.ge [sflag:s15], $0x4000  }
0xd6: {  	[sflag:s15] =	ssyncset.done $0x0  }
0xd7: {  	[sflag:s15] =	ssyncadd.s32 $0xFFFFC000  }
0xd8: {  	s5 =	rddreg [dreg:$0x10]  }
0xd9: {  	s5 =	sadd.s32 s26, s5  }
0xda: {  	[tilespmem:s31], [sflag:$0x6] =	stream.linear.gather [hbm4b:s5+s3], $0x80, $0x38;
	[tilespmem:$0x1F900] =	vst v63  }
0xdb: {  	_ =	swait.ge [sflag:s15], $0x80  }
0xdc: {  	[sflag:s15] =	ssyncset.done $0x0;
	s30 =	rddreg [dreg:$0xf]  }
0xdd: {  	[sflag:s15] =	ssyncadd.s32 $0xFFFFFF80;
	s5 =	sadd.s32 s26, s30  }
0xde: {  	[tilespmem:s0], [sflag:$0x6] =	stream.linear.gather [hbm4b:s5+s3], $0x80, $0x38;
	[tilespmem:$0x1F900] =	vst v63  }
.Ltmp3:
0xdf: {  	_ = 	snop;
	(pc) =	sbr.rel .LBB2_2-.Ltmp3, $4  }
0xe0: {  	_ =	swait.ge [sflag:s15], $0x80  }
0xe1: {  	[sflag:s15] =	ssyncset.done $0x0  }
0xe2: {  	s11 =	sadd.s32 $0x280, s11;
	s26 =	sadd.s32 $0x50, s26;
	[sflag:s15] =	ssyncadd.s32 $0xFFFFFF80  }
0xe3: {  	[tilespmem:s6], [sflag:$0x3] =	stream.indirect.gather [hbm4b:s1+s25], $0x80, s31, s25, $0xb8;
	[tilespmem:$0x1F900] =	vst v63  }
.LBB2_5:
0xe4: {  	_ =	sfence.sel $0x180000  }
0xe5: {  	[bflag:$0x0] =	sbarrier.arrive $0xFFFF  }
0xe6: {  	_ =	strace $0x9000004A  }
0xe7: {  	[bflag:$0x2] =	sbarrier.arrive $0xFFFF  }
0xe8: {  	p0 =	sne.s32 s11, $0x0;
	s0 =	rddreg [dreg:$0x3]  }
0xe9: {  	s0 =	sadd.s32 @!p0 $0x100000, s0  }
0xea: {  	[sflag:s0] =	ssyncadd.tile.s32 @!p0 $0x1;
	_ =	shalt  }
.Lfunc_end2:
_tile_overlayer_lowered:
.L_overlay_start_2:
0xeb: {  	(tag) =	ssettag $0x2  }
0xec: {  	s0 =	rddreg [dreg:$0x0];
	s2 =	stileid.u32  }
0xed: {  	s1 =	rddreg [dreg:$0x1];
	p0 =	sne.s32 s2, $0x0  }
0xee: {  	s3 =	rddreg [dreg:$0x2];
	[bflag:$0x3] =	sbarrier.arrive $0xFFFF;
	s2 =	simm.s32 @!p0 $0x1C06  }
0xef: {  	[timem:s3], [sflag:s2] =	dma.local @!p0 [hbm:s0], s1  }
0xf0: {  	s0 =	simm.s32 @!p0 $0x6  }
0xf1: {  	_ =	swait.ge @!p0 [sflag:s0], s1  }
0xf2: {  	s1 =	ssub.s32 @!p0 $0x0, s1;
	[sflag:s0] =	ssyncset.done @!p0 $0x0  }
0xf3: {  	[sflag:s0] =	ssyncadd.s32 @!p0 s1  }
0xf4: {  	[bflag:$0x3] =	sbarrier.arrive $0xFFFF  }
0xf5: {  	_ =	shalt  }

// kernel: sc_msg_1000.3.cloned.1.call-start
scs
__scs_entry_jumppad:
0x0: {  	(pc) =	sbr.rel $0x88, $3  }
0x1: {  	(tag) =	ssettag $0x0;
	lr =	simm.s32 $0x1  }
0x2: {  	[smem:$0x3F98] =	sst lr;
	_ =	strace $0xD0000000  }
0x3: {  	_ = 	snop  }
0x4: {  	_ = 	snop  }
0x5: {  	_ = 	snop  }
0x6: {  	_ = 	snop  }
0x7: {  	_ = 	snop  }
__scs_overlays_trampoline_lowered:
0x8: {  	[smem:$0x3FA7] =	sst s0  }
0x9: {  	[smem:$0x3FA8] =	sst s1  }
0xa: {  	[smem:$0x3FA9] =	sst s2  }
0xb: {  	[smem:$0x3FAA] =	sst s3  }
0xc: {  	[smem:$0x3FAB] =	sst s4  }
0xd: {  	[smem:$0x3FAC] =	sst s5  }
0xe: {  	[smem:$0x3FAD] =	sst s6  }
0xf: {  	[smem:$0x3FAE] =	sst s7  }
0x10: {  	[smem:$0x3FAF] =	sst s8  }
0x11: {  	[smem:$0x3FB0] =	sst s9;
	s0 =	simm.s32 @!p0 $0x0  }
0x12: {  	s1 =	sld [smem:$0x3F96];
	s0 =	simm.s32 @p0 $0x1  }
0x13: {  	[smem:$0x3FB1] =	sst s0;
	s0 =	simm.s32 @!p1 $0x0  }
0x14: {  	s2 =	sld [smem:$0x3F95];
	s0 =	simm.s32 @p1 $0x1  }
0x15: {  	[smem:$0x3FB2] =	sst s0;
	s0 =	simm.s32 @!p2 $0x0  }
0x16: {  	s3 =	sld [smem:$0x3FDB];
	s0 =	simm.s32 @p2 $0x1  }
0x17: {  	s4 =	simm.s32 $0x1BF5;
	[smem:$0x3FB4] =	sst s0  }
0x18: {  	s0 =	sld [smem:$0x3F97];
	_ =	swait.ge [sflag:s4], $0x0  }
0x19: {  	s7 =	sld [smem:$0x3F98]  }
0x1a: {  	s8 =	sadd.s32 $0xFFFFE003, lr  }
0x1b: {  	s9 =	sadd.s32 $0xFFFFFEF7, lr;
	s5 =	simm.s32 $0xFFFFFFFF;
	p2 =	slt.u32 s8, $0xFFFFF086  }
0x1c: {  	p1 =	slt.u32 s9, $0xF7A;
	s5 =	simm.s32 @!p2 $0x0  }
0x1d: {  	s5 =	simm.s32 @p1 $0x1;
	p0 =	seq.s32 s7, s2  }
0x1e: {  	s7 =	smul.u32 @!p0 $0xF7A, s2;
	p2 =	seq.s32 @!p0 s5, $0x0  }
0x1f: {  	s9 =	smul.u32 $0xF7A, s1;
	s8 =	simm.s32 @!p0 $0x1BF5;
	p2 =	por !p2, p0  }
0x20: {  	[sflag:s8] =	ssyncset.s32 @!p0 $0xFFFFF086;
	s6 =	sadd.s32 @!p0 s3, s7;
	s7 =	simm.s32 @!p0 $0x108  }
0x21: {  	s3 =	sadd.s32 s3, s9;
	s6 =	sadd.s32 @!p0 $0x88, s6;
	s7 =	simm.s32 @p2 $0x1082  }
0x22: {  	[simem:s7], [sflag:s8] =	dma.local @!p0 [hbm:s6], $0xF7A  }
0x23: {  	s9 =	sor.u32 $0xD0000000, s2;
	s6 =	simm.s32 $0x108;
	_ =	swait.ge @!p0 [sflag:s8], $0x0  }
0x24: {  	s3 =	sadd.s32 $0x88, s3;
	s6 =	simm.s32 @!p1 $0x1082;
	[sflag:s4] =	ssyncset.s32 $0xFFFFF086  }
0x25: {  	[simem:s6], [sflag:s4] =	dma.local [hbm:s3], $0xF7A  }
0x26: {  	[smem:$0x3F98] =	sst s1;
	(tag) =	ssettag s2;
	_ =	strace s9  }
0x27: {  	s1 =	sld [smem:$0x3FA8]  }
0x28: {  	s2 =	sld [smem:$0x3FA9]  }
0x29: {  	s4 =	sld [smem:$0x3FAB]  }
0x2a: {  	p0 =	seq.s32 s5, $0x0;
	s5 =	sld [smem:$0x3FAC]  }
0x2b: {  	s6 =	sld [smem:$0x3FAD]  }
0x2c: {  	s7 =	sld [smem:$0x3FAE]  }
0x2d: {  	s3 =	simm.s32 $0x108;
	s8 =	sld [smem:$0x3FAF]  }
0x2e: {  	s3 =	simm.s32 @!p0 $0x1082;
	s9 =	sld [smem:$0x3FB0]  }
0x2f: {  	lr =	sadd.s32 s0, s3;
	s0 =	sld [smem:$0x3FA7]  }
0x30: {  	s3 =	sld [smem:$0x3FAA]  }
0x31: {  	[smem:$0x3FB3] =	sst s10  }
0x32: {  	s10 =	sld [smem:$0x3FB1];
	_ =	sdelay $0x3  }
0x33: {  	p0 =	seq.s32 s10, $0x1;
	s10 =	sld [smem:$0x3FB3];
	_ =	sdelay $0x3  }
0x34: {  	[smem:$0x3FB3] =	sst s10  }
0x35: {  	s10 =	sld [smem:$0x3FB2];
	_ =	sdelay $0x3  }
0x36: {  	p1 =	seq.s32 s10, $0x1;
	s10 =	sld [smem:$0x3FB3];
	_ =	sdelay $0x3  }
0x37: {  	[smem:$0x3FB3] =	sst s10  }
0x38: {  	s10 =	sld [smem:$0x3FB4]  }
0x39: {  	_ = 	snop;
	(pc) =	sbr.ind lr, $3  }
0x3a: {  	_ = 	snop  }
0x3b: {  	_ = 	snop  }
0x3c: {  	p2 =	seq.s32 s10, $0x1;
	s10 =	sld [smem:$0x3FB3]  }
0x3d: {  	_ =	shalt  }
0x3e: {  	_ =	shalt  }
0x3f: {  	_ =	shalt  }
0x40: {  	_ =	shalt  }
0x41: {  	_ =	shalt  }
0x42: {  	_ =	shalt  }
0x43: {  	_ =	shalt  }
0x44: {  	_ =	shalt  }
0x45: {  	_ =	shalt  }
0x46: {  	_ =	shalt  }
0x47: {  	_ =	shalt  }
0x48: {  	_ =	shalt  }
0x49: {  	_ =	shalt  }
0x4a: {  	_ =	shalt  }
0x4b: {  	_ =	shalt  }
0x4c: {  	_ =	shalt  }
0x4d: {  	_ =	shalt  }
0x4e: {  	_ =	shalt  }
0x4f: {  	_ =	shalt  }
0x50: {  	_ =	shalt  }
0x51: {  	_ =	shalt  }
0x52: {  	_ =	shalt  }
0x53: {  	_ =	shalt  }
0x54: {  	_ =	shalt  }
0x55: {  	_ =	shalt  }
0x56: {  	_ =	shalt  }
0x57: {  	_ =	shalt  }
0x58: {  	_ =	shalt  }
0x59: {  	_ =	shalt  }
0x5a: {  	_ =	shalt  }
0x5b: {  	_ =	shalt  }
0x5c: {  	_ =	shalt  }
0x5d: {  	_ =	shalt  }
0x5e: {  	_ =	shalt  }
0x5f: {  	_ =	shalt  }
0x60: {  	_ =	shalt  }
0x61: {  	_ =	shalt  }
0x62: {  	_ =	shalt  }
0x63: {  	_ =	shalt  }
0x64: {  	_ =	shalt  }
0x65: {  	_ =	shalt  }
0x66: {  	_ =	shalt  }
0x67: {  	_ =	shalt  }
0x68: {  	_ =	shalt  }
0x69: {  	_ =	shalt  }
0x6a: {  	_ =	shalt  }
0x6b: {  	_ =	shalt  }
0x6c: {  	_ =	shalt  }
0x6d: {  	_ =	shalt  }
0x6e: {  	_ =	shalt  }
0x6f: {  	_ =	shalt  }
0x70: {  	_ =	shalt  }
0x71: {  	_ =	shalt  }
0x72: {  	_ =	shalt  }
0x73: {  	_ =	shalt  }
0x74: {  	_ =	shalt  }
0x75: {  	_ =	shalt  }
0x76: {  	_ =	shalt  }
0x77: {  	_ =	shalt  }
0x78: {  	_ =	shalt  }
0x79: {  	_ =	shalt  }
0x7a: {  	_ =	shalt  }
0x7b: {  	_ =	shalt  }
0x7c: {  	_ =	shalt  }
0x7d: {  	_ =	shalt  }
0x7e: {  	_ =	shalt  }
0x7f: {  	_ =	shalt  }
0x80: {  	_ =	shalt  }
0x81: {  	_ =	shalt  }
0x82: {  	_ =	shalt  }
0x83: {  	_ =	shalt  }
0x84: {  	_ =	shalt  }
0x85: {  	_ =	shalt  }
0x86: {  	_ =	shalt  }
0x87: {  	_ =	shalt  }
.Lfunc_end0:
.L_simem_size_0:
called_computation.3_lowered:
.L_overlay_start_0:
0x88: {  	s2 =	sld [smem:$0x3FD9]  }
0x89: {  	s3 =	sld [smem:$0x3FFE];
	_ =	sdelay $0x1  }
0x8a: {  	s1 =	srdreg.scid  }
0x8b: {  	s0 =	sand.u32 $0x1, s1  }
0x8c: {  	s16 =	sshll.u32 s0, $0xA;
	s2 =	sadd.s32 s3, s2  }
0x8d: {  	s2 =	sadd.s32 s2, s16  }
0x8e: {  	[smem:$0x3FBF] =	sst s2  }
0x8f: {  	_ = 	snop  }
0x90: {  	(tm) =	ssettm $0x1  }
0x91: {  	s17 =	sld [smem:$0x3FFB];
	_ =	sdelay $0x3  }
0x92: {  	_ =	strace s17  }
0x93: {  	s2 =	sld [smem:$0x3FFC];
	_ =	sdelay $0x3  }
0x94: {  	_ =	strace s2  }
0x95: {  	s2 =	sld [smem:$0x3FFD];
	_ =	sdelay $0x3  }
0x96: {  	_ =	strace s2  }
0x97: {  	_ =	strace $0x8FFFFFFF  }
0x98: {  	s18 =	sld [smem:$0x3FDB];
	_ =	sdelay $0x1  }
0x99: {  	s19 =	simm.s32 $_scs_section_size  }
0x9a: {  	s4 =	simm.s32 $_size__tile_overlayer_lowered;
	s5 =	simm.s32 $_tile_overlayer_lowered  }
0x9b: {  	s22 =	simm.s32 $0x1BFF;
	s21 =	sshll.u32 s5, $0x1;
	s2 =	sadd.s32 s19, s18  }
0x9c: {  	s6 =	simm.s32 $0x0;
	s20 =	sshll.u32 s4, $0x1;
	s4 =	sadd.s32 s21, s2  }
0x9d: {  	[timem:s6], [sflag:s22] =	dma.local [hbm:s4], s20  }
0x9e: {  	_ =	swait.ge [sflag:s22], s20  }
0x9f: {  	s3 =	ssub.s32 $0x0, s20;
	[sflag:s22] =	ssyncset.done $0x0  }
0xa0: {  	[sflag:s22] =	ssyncadd.s32 s3;
	_ =	sdelay $0x1  }
0xa1: {  	s23 =	simm.s32 $0x1B8B  }
0xa2: {  	_ =	swait.ge [sflag:s23], $0x1  }
0xa3: {  	[sflag:s23] =	ssyncset.done $0x0  }
0xa4: {  	s25 =	simm.s32 $0x1B8E;
	s24 =	sld [smem:$0x3FFE];
	[sflag:s23] =	ssyncadd.s32 $0xFFFFFFFF  }
0xa5: {  	s26 =	simm.s32 $execute0_lowered;
	[smem:$0x3FD2] =	sst s25  }
0xa6: {  	s4 =	sshll.u32 s26, $0x1;
	_ =	strace $0x8000004F;
	[dreg:$0x1] =	wrdreg $0xFFFFFFFF  }
0xa7: {  	s28 =	simm.s32 $_size_execute0_lowered;
	s2 =	sadd.s32 s2, s4;
	[dreg:$0x0] =	wrdreg $0x0  }
0xa8: {  	s4 =	sshll.u32 s28, $0x1;
	[dreg:$0x2] =	wrdreg s2  }
0xa9: {  	[dreg:$0x3] =	wrdreg s4  }
0xaa: {  	[dreg:$0x4] =	wrdreg $0xC0  }
0xab: {  	_ =	task [dreg:s6], $0x5FFFF  }
0xac: {  	[dreg:$0x1] =	wrdreg $0xFFFFFFFF  }
0xad: {  	[dreg:$0x0] =	wrdreg $0x60  }
0xae: {  	[dreg:$0x2] =	wrdreg s24  }
0xaf: {  	[dreg:$0x3] =	wrdreg $0x0  }
0xb0: {  	[dreg:$0x4] =	wrdreg $0x9  }
0xb1: {  	_ =	task.clear_ibuf [dreg:s6], $0x5FFFF;
	_ =	strace $0x9000004F  }
0xb2: {  	s29 =	simm.s32 $0x9;
	_ =	strace $0x80000051  }
0xb3: {  	_ =	swait.ge [sflag:s29], $0x1  }
0xb4: {  	[sflag:s29] =	ssyncadd.s32 $0xFFFFFFFF  }
0xb5: {  	_ =	strace $0x90000051  }
0xb6: {  	_ =	sfence  }
0xb7: {  	s30 =	sld [smem:$0x0];
	_ =	sdelay $0x2  }
0xb8: {  	s31 =	sshll.u32 s1, $0xD;
	s1 =	sshrl.u32 s1, $0x2  }
0xb9: {  	s3 =	sand.u32 $0x4000, s31;
	s1 =	sadd.s32 s1, s30  }
0xba: {  	s0 =	sor.u32 s3, s0;
	s1 =	sshll.u32 s1, $0x11  }
0xbb: {  	s0 =	sor.u32 s1, s0  }
0xbc: {  	s0 =	sadd.s32 $0x8F2B, s0  }
0xbd: {  	[sflag:s0] =	ssyncadd.remote.s32 $0x1  }
0xbe: {  	_ =	sfence.sel $0xFFFF  }
0xbf: {  	[dreg:$0x0] =	wrdreg $0xFFFFFFFF;
	(pc) =	sbr.abs _section_cstart, $3  }
0xc0: {  	[dreg:$0x1] =	wrdreg $0xFFFFFFFF  }
0xc1: {  	_ =	task.clear_ibuf [dreg:s6], $0x2FFFF;
	_ =	strace $0x9FFFFFFF  }
0xc2: {  	(tm) =	ssettm $0x7FFFFFFF  }
0xc3: {  	_ =	shalt  }
tec
execute0_lowered:
.L_overlay_start_1:
0x0: {  	(tag) =	ssettag $0x1  }
0x1: {  	s0 =	rddreg [dreg:$0x0]  }
0x2: {  	s1 =	rddreg [dreg:$0x1];
	s2 =	simm.s32 $0x0  }
0x3: {  	s4 =	srdreg.scid;
	s5 =	stileid.u32;
	s31 =	simm.s32 $0x6  }
0x4: {  	s28 =	simm.s32 $0x5;
	s30 =	simm.s32 $0x3340;
	[smem:$0x7FF] =	sst s2  }
0x5: {  	s3 =	sadd.s32 $0x2400, s0;
	s6 =	sadd.s32 $0x1B000, s0;
	s29 =	sadd.s32 $0x16000, s0  }
0x6: {  	s4 =	sand.u32 $0x1, s4;
	s9 =	sadd.s32 $0x20400, s0;
	s0 =	sadd.s32 $0x21A00, s0  }
0x7: {  	s25 =	sadd.s32 $0x1C000, s1;
	s21 =	sadd.s32 $0x1D400, s1;
	s22 =	sadd.s32 $0x1E800, s1  }
0x8: {  	s23 =	sshll.u32 s5, $0xE;
	s12 =	smul.u32 $0x1388, s5;
	p0 =	sgt.u32 s5, $0x6  }
0x9: {  	_ =	strace $0x80000050;
	s7 =	ssub.s32 $0x2, s4;
	[dreg:$0xb] =	wrdreg s9  }
0xa: {  	s8 =	sshll.u32 s4, $0x4;
	[dreg:$0xd] =	wrdreg s21;
	s10 =	smul.u32 $0x1F400, s4  }
0xb: {  	[dreg:$0xe] =	wrdreg s22;
	s13 =	sadd.s32 s23, s1;
	s4 =	smul.u32 $0x13880, s4  }
0xc: {  	p2 =	sne.s32 @p0 s5, $0x7;
	[dreg:$0xc] =	wrdreg s25;
	s20 =	sshrl.u32 s7, $0x1  }
0xd: {  	s8 =	sor.u32 s5, s8;
	p1 =	por p2, !p0;
	p2 =	por !p2, !p0  }
0xe: {  	s7 =	ssub.s32 s7, s20;
	s8 =	smul.u32 $0x1388, s8;
	s9 =	sadd.s32 s10, s23  }
0xf: {  	s4 =	sadd.s32 s12, s4;
	s18 =	sshrl.u32 s10, $0x3;
	s9 =	sshrl.u32 s9, $0x3  }
0x10: {  	s17 =	sadd.s32 $0x380, s4;
	s21 =	sadd.s32 $0x300, s4;
	s7 =	smax.u32 s7, $0x1  }
0x11: {  	s8 =	sshrl.u32 s8, $0x3;
	s9 =	sadd.s32 s0, s9;
	[dreg:$0x1c] =	wrdreg s7  }
0x12: {  	s19 =	sshrl.u32 s17, $0x3;
	s11 =	sadd.s32 s6, s8;
	[dreg:$0x16] =	wrdreg s9  }
0x13: {  	s0 =	sadd.s32 s0, s18;
	s24 =	sadd.s32 s29, s8;
	[dreg:$0x10] =	wrdreg s11  }
0x14: {  	s23 =	sshrl.u32 s21, $0x3;
	s20 =	sadd.s32 s19, s29;
	[dreg:$0x11] =	wrdreg s24  }
0x15: {  	s7 =	simm.s32 $0x80;
	s22 =	sadd.s32 s19, s6;
	[dreg:$0x3] =	wrdreg s20  }
0x16: {  	s26 =	sadd.s32 $0x10, s8;
	s10 =	sadd.s32 s23, s6;
	[dreg:$0x4] =	wrdreg s22  }
0x17: {  	s15 =	sadd.s32 $0x20, s8;
	s0 =	sadd.s32 $0x3800, s0;
	[dreg:$0x6] =	wrdreg s10  }
0x18: {  	s17 =	sadd.s32 $0x260, s8;
	s14 =	sadd.s32 s6, s26;
	[dreg:$0x1b] =	wrdreg s0  }
0x19: {  	s8 =	sadd.s32 $0x270, s8;
	s11 =	sadd.s32 s29, s26;
	[dreg:$0x12] =	wrdreg s14  }
0x1a: {  	s9 =	simm.s32 $0x0;
	s16 =	sadd.s32 s6, s15;
	[dreg:$0x13] =	wrdreg s11  }
0x1b: {  	s24 =	sadd.s32 s23, s29;
	s26 =	sadd.s32 $0x200, s4;
	[dreg:$0x14] =	wrdreg s16  }
0x1c: {  	s19 =	sadd.s32 s6, s17;
	s21 =	sadd.s32 s29, s17;
	[dreg:$0x5] =	wrdreg s24  }
0x1d: {  	s22 =	sadd.s32 s6, s8;
	s8 =	sadd.s32 s29, s8;
	[dreg:$0x17] =	wrdreg s19  }
0x1e: {  	s0 =	smov.u32 s13;
	s23 =	sadd.s32 $0x1400, s13;
	[dreg:$0x18] =	wrdreg s21  }
0x1f: {  	s10 =	simm.s32 $0x33C0;
	s17 =	simm.s32 $0x1;
	[dreg:$0x19] =	wrdreg s22  }
0x20: {  	s11 =	sadd.s32 s29, s15;
	s14 =	sadd.s32 $0x180, s4;
	[dreg:$0x1a] =	wrdreg s8  }
0x21: {  	s4 =	sadd.s32 $0x280, s4;
	[dreg:$0x1e] =	wrdreg s23;
	s24 =	sadd.s32 $0x2800, s13  }
0x22: {  	s19 =	simm.s32 $0xF940;
	s21 =	simm.s32 $0x3540;
	[dreg:$0xf] =	wrdreg s0  }
0x23: {  	s22 =	simm.s32 $0x37C0;
	s23 =	simm.s32 $0x13940;
	[dreg:$0x15] =	wrdreg s11  }
0x24: {  	s11 =	sshrl.u32 s26, $0x3;
	s16 =	sshrl.u32 s14, $0x3;
	[dreg:$0x1d] =	wrdreg s4  }
0x25: {  	[dreg:$0x1f] =	wrdreg s24;
	s26 =	sadd.s32 $0x3C00, s13;
	s13 =	simm.s32 $0x7940  }
0x26: {  	s14 =	simm.s32 $0x3440;
	s12 =	sadd.s32 s11, s29;
	[smem:$0x7FD] =	sst s26  }
0x27: {  	s4 =	simm.s32 $0x3740;
	s15 =	sadd.s32 s11, s6;
	[dreg:$0x7] =	wrdreg s12  }
0x28: {  	s24 =	simm.s32 $0x3;
	s18 =	sadd.s32 s16, s29;
	[dreg:$0x8] =	wrdreg s15  }
0x29: {  	s20 =	sadd.s32 s16, s6;
	s16 =	simm.s32 $0xB940;
	[dreg:$0x9] =	wrdreg s18  }
0x2a: {  	s26 =	simm.s32 $0x4;
	[dreg:$0xa] =	wrdreg s20;
	s12 =	simm.s32 $0x3640  }
0x2b: {  	s15 =	simm.s32 $0x36C0;
	s18 =	simm.s32 $0x34C0;
	s20 =	simm.s32 $0x2  }
.LBB2_1:
0x2c: {  	[smem:$0x7FC] =	sst s9  }
0x2d: {  	s9 =	rddreg [dreg:$0xb];
	s8 =	simm.s32 $0x1F40  }
0x2e: {  	[tilespmem:s8], [sflag:$0x6] =	stream.linear.gather [hbm4b:s9+s2], $0x1400, $0x38;
	[tilespmem:$0x17940] =	vst v63  }
0x2f: {  	_ =	swait.ge [sflag:s31], $0x1400  }
0x30: {  	[sflag:s31] =	ssyncset.done $0x0  }
0x31: {  	s11 =	simm.s32 @!p1 $0x6;
	s8 =	simm.s32 @!p1 $0x1F40;
	[sflag:s31] =	ssyncadd.s32 $0xFFFFEC00  }
0x32: {  	[spmem:s25] =	stream.linear.scatter @!p1 [tilespmem:s8], [sflag:$0x6], $0x1400, $0x38;
	[tilespmem:$0x17940] =	vst v63  }
0x33: {  	_ =	swait.ge @!p1 [sflag:s11], $0x1400  }
0x34: {  	[sflag:s11] =	ssyncset.done @!p1 $0x0  }
0x35: {  	s5 =	smov.u32 s0;
	s0 =	rddreg [dreg:$0xd];
	[sflag:s11] =	ssyncadd.s32 @!p1 $0xFFFFEC00  }
0x36: {  	[spmem:s0] =	stream.linear.scatter @!p1 [tilespmem:s8], [sflag:$0x6], $0x1400, $0x38;
	[tilespmem:$0x17940] =	vst v63  }
0x37: {  	_ =	swait.ge @!p1 [sflag:s11], $0x1400  }
0x38: {  	[sflag:s11] =	ssyncset.done @!p1 $0x0  }
0x39: {  	s0 =	rddreg [dreg:$0xe];
	[sflag:s11] =	ssyncadd.s32 @!p1 $0xFFFFEC00  }
0x3a: {  	[spmem:s0] =	stream.linear.scatter @!p1 [tilespmem:s8], [sflag:$0x6], $0xC00, $0x38;
	[tilespmem:$0x17940] =	vst v63  }
0x3b: {  	_ =	swait.ge @!p1 [sflag:s11], $0xC00  }
0x3c: {  	[sflag:s11] =	ssyncset.done @!p1 $0x0  }
0x3d: {  	s8 =	simm.s32 @!p0 $0x1F40;
	[sflag:s11] =	ssyncadd.s32 @!p1 $0xFFFFF400;
	s11 =	simm.s32 @!p0 $0x6  }
0x3e: {  	[spmem:s5] =	stream.linear.scatter @!p0 [tilespmem:s8], [sflag:$0x6], $0x1400, $0x38;
	[tilespmem:$0x17940] =	vst v63  }
0x3f: {  	_ =	swait.ge @!p0 [sflag:s11], $0x1400  }
0x40: {  	[sflag:s11] =	ssyncset.done @!p0 $0x0  }
0x41: {  	s0 =	rddreg [dreg:$0x1e];
	[sflag:s11] =	ssyncadd.s32 @!p0 $0xFFFFEC00  }
0x42: {  	[spmem:s0] =	stream.linear.scatter @!p0 [tilespmem:s8], [sflag:$0x6], $0x1400, $0x38;
	[tilespmem:$0x17940] =	vst v63  }
0x43: {  	_ =	swait.ge @!p0 [sflag:s11], $0x1400  }
0x44: {  	[sflag:s11] =	ssyncset.done @!p0 $0x0  }
0x45: {  	s0 =	rddreg [dreg:$0x1f];
	[sflag:s11] =	ssyncadd.s32 @!p0 $0xFFFFEC00  }
0x46: {  	[spmem:s0] =	stream.linear.scatter @!p0 [tilespmem:s8], [sflag:$0x6], $0x1400, $0x38;
	[tilespmem:$0x17940] =	vst v63  }
0x47: {  	_ =	swait.ge @!p0 [sflag:s11], $0x1400  }
0x48: {  	s0 =	sld [smem:$0x7FD]  }
0x49: {  	[sflag:s11] =	ssyncset.done @!p0 $0x0  }
0x4a: {  	[sflag:s11] =	ssyncadd.s32 @!p0 $0xFFFFEC00  }
0x4b: {  	[spmem:s0] =	stream.linear.scatter @!p0 [tilespmem:s8], [sflag:$0x6], $0x400, $0x38;
	[tilespmem:$0x17940] =	vst v63  }
0x4c: {  	_ =	swait.ge @!p0 [sflag:s11], $0x400  }
0x4d: {  	[sflag:s11] =	ssyncset.done @!p0 $0x0  }
0x4e: {  	[sflag:s11] =	ssyncadd.s32 @!p0 $0xFFFFFC00  }
0x4f: {  	[bflag:$0x0] =	sbarrier.arrive $0xFFFF  }
0x50: {  	s11 =	rddreg [dreg:$0x10]  }
0x51: {  	[tilespmem:s30], [sflag:$0x6] =	stream.linear.gather [hbm4b:s11+s2], $0x80, $0x38;
	[tilespmem:$0x17940] =	vst v63  }
0x52: {  	_ =	swait.ge [sflag:s31], $0x80  }
0x53: {  	[sflag:s31] =	ssyncset.done $0x0  }
0x54: {  	s5 =	simm.s32 $0x35C0;
	s25 =	rddreg [dreg:$0x11];
	[sflag:s31] =	ssyncadd.s32 $0xFFFFFF80  }
0x55: {  	[tilespmem:s5], [sflag:$0x6] =	stream.linear.gather [hbm4b:s25+s2], $0x80, $0x38;
	[tilespmem:$0x17940] =	vst v63  }
0x56: {  	_ =	swait.ge [sflag:s31], $0x80  }
0x57: {  	[sflag:s31] =	ssyncset.done $0x0  }
0x58: {  	s9 =	simm.s32 $0x3940;
	[sflag:s31] =	ssyncadd.s32 $0xFFFFFF80  }
0x59: {  	[tilespmem:s9], [sflag:$0x1] =	stream.indirect.gather [hbm4b:s3+s7], $0x80, s30, s7, $0xb8;
	[tilespmem:$0x17940] =	vst v63  }
0x5a: {  	s8 =	rddreg [dreg:$0x12]  }
0x5b: {  	[tilespmem:s10], [sflag:$0x6] =	stream.linear.gather [hbm4b:s8+s2], $0x80, $0x38;
	[tilespmem:$0x17940] =	vst v63  }
0x5c: {  	_ =	swait.ge [sflag:s31], $0x80  }
0x5d: {  	[sflag:s31] =	ssyncset.done $0x0  }
0x5e: {  	s11 =	rddreg [dreg:$0x13];
	[sflag:s31] =	ssyncadd.s32 $0xFFFFFF80  }
0x5f: {  	[tilespmem:s12], [sflag:$0x6] =	stream.linear.gather [hbm4b:s11+s2], $0x80, $0x38;
	[tilespmem:$0x17940] =	vst v63  }
0x60: {  	_ =	swait.ge [sflag:s31], $0x80  }
0x61: {  	[sflag:s31] =	ssyncset.done $0x0  }
0x62: {  	[sflag:s31] =	ssyncadd.s32 $0xFFFFFF80  }
0x63: {  	[tilespmem:s13], [sflag:$0x2] =	stream.indirect.gather [hbm4b:s3+s7], $0x80, s10, s7, $0xb8;
	[tilespmem:$0x17940] =	vst v63  }
0x64: {  	s25 =	rddreg [dreg:$0x14]  }
0x65: {  	[tilespmem:s14], [sflag:$0x6] =	stream.linear.gather [hbm4b:s25+s2], $0x80, $0x38;
	[tilespmem:$0x17940] =	vst v63  }
0x66: {  	_ =	swait.ge [sflag:s31], $0x80  }
0x67: {  	[sflag:s31] =	ssyncset.done $0x0  }
0x68: {  	s8 =	rddreg [dreg:$0x15];
	[sflag:s31] =	ssyncadd.s32 $0xFFFFFF80  }
0x69: {  	[tilespmem:s15], [sflag:$0x6] =	stream.linear.gather [hbm4b:s8+s2], $0x80, $0x38;
	[tilespmem:$0x17940] =	vst v63  }
0x6a: {  	_ =	swait.ge [sflag:s31], $0x80  }
0x6b: {  	[sflag:s31] =	ssyncset.done $0x0  }
0x6c: {  	[sflag:s31] =	ssyncadd.s32 $0xFFFFFF80  }
0x6d: {  	[tilespmem:s16], [sflag:$0x3] =	stream.indirect.gather [hbm4b:s3+s7], $0x80, s14, s7, $0xb8;
	[tilespmem:$0x17940] =	vst v63  }
0x6e: {  	_ =	swait.ge [sflag:s17], $0x4000  }
0x6f: {  	[sflag:s17] =	ssyncset.done $0x0  }
0x70: {  	[sflag:s17] =	ssyncadd.s32 $0xFFFFC000  }
0x71: {  	[spmem:s1] =	stream.indirect.scatter.add.f32 [tilespmem:s9], [sflag:$0x6], $0x80, s5, s7, $0xb8;
	[tilespmem:$0x17940] =	vst v63  }
0x72: {  	_ =	swait.ge [sflag:s31], $0x4000  }
0x73: {  	s11 =	rddreg [dreg:$0xa];
	[sflag:s31] =	ssyncset.done $0x0  }
0x74: {  	[sflag:s31] =	ssyncadd.s32 $0xFFFFC000;
	s8 =	sadd.s32 $0x0, s11  }
0x75: {  	[tilespmem:s18], [sflag:$0x6] =	stream.linear.gather [hbm4b:s8+s2], $0x80, $0x38;
	[tilespmem:$0x17940] =	vst v63  }
0x76: {  	_ =	swait.ge [sflag:s31], $0x80  }
0x77: {  	s25 =	rddreg [dreg:$0x9];
	[sflag:s31] =	ssyncset.done $0x0  }
0x78: {  	[sflag:s31] =	ssyncadd.s32 $0xFFFFFF80;
	s8 =	sadd.s32 $0x0, s25  }
0x79: {  	[tilespmem:s4], [sflag:$0x6] =	stream.linear.gather [hbm4b:s8+s2], $0x80, $0x38;
	[tilespmem:$0x17940] =	vst v63  }
0x7a: {  	_ =	swait.ge [sflag:s31], $0x80  }
0x7b: {  	[sflag:s31] =	ssyncset.done $0x0  }
0x7c: {  	[sflag:s31] =	ssyncadd.s32 $0xFFFFFF80  }
0x7d: {  	[tilespmem:s19], [sflag:$0x4] =	stream.indirect.gather [hbm4b:s3+s7], $0x80, s18, s7, $0xb8;
	[tilespmem:$0x17940] =	vst v63  }
0x7e: {  	_ =	swait.ge [sflag:s20], $0x4000  }
0x7f: {  	[sflag:s20] =	ssyncset.done $0x0  }
0x80: {  	[sflag:s20] =	ssyncadd.s32 $0xFFFFC000  }
0x81: {  	[spmem:s1] =	stream.indirect.scatter.add.f32 [tilespmem:s13], [sflag:$0x6], $0x80, s12, s7, $0xb8;
	[tilespmem:$0x17940] =	vst v63  }
0x82: {  	_ =	swait.ge [sflag:s31], $0x4000  }
0x83: {  	s0 =	rddreg [dreg:$0x8];
	[sflag:s31] =	ssyncset.done $0x0  }
0x84: {  	[sflag:s31] =	ssyncadd.s32 $0xFFFFC000;
	s8 =	sadd.s32 $0x0, s0  }
0x85: {  	[tilespmem:s21], [sflag:$0x6] =	stream.linear.gather [hbm4b:s8+s2], $0x80, $0x38;
	[tilespmem:$0x17940] =	vst v63  }
0x86: {  	_ =	swait.ge [sflag:s31], $0x80  }
0x87: {  	s11 =	rddreg [dreg:$0x7];
	[sflag:s31] =	ssyncset.done $0x0  }
0x88: {  	[sflag:s31] =	ssyncadd.s32 $0xFFFFFF80;
	s8 =	sadd.s32 $0x0, s11  }
0x89: {  	[tilespmem:s22], [sflag:$0x6] =	stream.linear.gather [hbm4b:s8+s2], $0x80, $0x38;
	[tilespmem:$0x17940] =	vst v63  }
0x8a: {  	_ =	swait.ge [sflag:s31], $0x80  }
0x8b: {  	[sflag:s31] =	ssyncset.done $0x0  }
0x8c: {  	[sflag:s31] =	ssyncadd.s32 $0xFFFFFF80  }
0x8d: {  	[tilespmem:s23], [sflag:$0x5] =	stream.indirect.gather [hbm4b:s3+s7], $0x80, s21, s7, $0xb8;
	[tilespmem:$0x17940] =	vst v63  }
0x8e: {  	_ =	swait.ge [sflag:s24], $0x4000  }
0x8f: {  	[sflag:s24] =	ssyncset.done $0x0  }
0x90: {  	[sflag:s24] =	ssyncadd.s32 $0xFFFFC000  }
0x91: {  	[spmem:s1] =	stream.indirect.scatter.add.f32 [tilespmem:s16], [sflag:$0x6], $0x80, s15, s7, $0xb8;
	[tilespmem:$0x17940] =	vst v63  }
0x92: {  	_ =	swait.ge [sflag:s31], $0x4000  }
0x93: {  	s0 =	rddreg [dreg:$0x1d]  }
0x94: {  	[sflag:s31] =	ssyncset.done $0x0;
	s8 =	sshrl.u32 s0, $0x3  }
0x95: {  	[sflag:s31] =	ssyncadd.s32 $0xFFFFC000;
	s25 =	sadd.s32 s6, s8  }
0x96: {  	[tilespmem:s30], [sflag:$0x6] =	stream.linear.gather [hbm4b:s25+s2], $0x80, $0x38;
	[tilespmem:$0x17940] =	vst v63  }
0x97: {  	_ =	swait.ge [sflag:s31], $0x80  }
0x98: {  	[sflag:s31] =	ssyncset.done $0x0  }
0x99: {  	s8 =	sadd.s32 s29, s8;
	[sflag:s31] =	ssyncadd.s32 $0xFFFFFF80  }
0x9a: {  	[tilespmem:s5], [sflag:$0x6] =	stream.linear.gather [hbm4b:s8+s2], $0x80, $0x38;
	[tilespmem:$0x17940] =	vst v63  }
0x9b: {  	_ =	swait.ge [sflag:s31], $0x80  }
0x9c: {  	[sflag:s31] =	ssyncset.done $0x0  }
0x9d: {  	[sflag:s31] =	ssyncadd.s32 $0xFFFFFF80  }
0x9e: {  	[tilespmem:s9], [sflag:$0x1] =	stream.indirect.gather [hbm4b:s3+s7], $0x80, s30, s7, $0xb8;
	[tilespmem:$0x17940] =	vst v63  }
0x9f: {  	_ =	swait.ge [sflag:s26], $0x4000  }
0xa0: {  	[sflag:s26] =	ssyncset.done $0x0  }
0xa1: {  	[sflag:s26] =	ssyncadd.s32 $0xFFFFC000  }
0xa2: {  	[spmem:s1] =	stream.indirect.scatter.add.f32 [tilespmem:s19], [sflag:$0x6], $0x80, s4, s7, $0xb8;
	[tilespmem:$0x17940] =	vst v63  }
0xa3: {  	_ =	swait.ge [sflag:s31], $0x4000  }
0xa4: {  	s5 =	rddreg [dreg:$0x6];
	[sflag:s31] =	ssyncset.done $0x0  }
0xa5: {  	[sflag:s31] =	ssyncadd.s32 $0xFFFFC000;
	s8 =	sadd.s32 $0x0, s5  }
0xa6: {  	[tilespmem:s10], [sflag:$0x6] =	stream.linear.gather [hbm4b:s8+s2], $0x80, $0x38;
	[tilespmem:$0x17940] =	vst v63  }
0xa7: {  	_ =	swait.ge [sflag:s31], $0x80  }
0xa8: {  	s9 =	rddreg [dreg:$0x5];
	[sflag:s31] =	ssyncset.done $0x0  }
0xa9: {  	[sflag:s31] =	ssyncadd.s32 $0xFFFFFF80;
	s8 =	sadd.s32 $0x0, s9  }
0xaa: {  	[tilespmem:s12], [sflag:$0x6] =	stream.linear.gather [hbm4b:s8+s2], $0x80, $0x38;
	[tilespmem:$0x17940] =	vst v63  }
0xab: {  	_ =	swait.ge [sflag:s31], $0x80  }
0xac: {  	[sflag:s31] =	ssyncset.done $0x0  }
0xad: {  	[sflag:s31] =	ssyncadd.s32 $0xFFFFFF80  }
0xae: {  	[tilespmem:s13], [sflag:$0x2] =	stream.indirect.gather [hbm4b:s3+s7], $0x80, s10, s7, $0xb8;
	[tilespmem:$0x17940] =	vst v63  }
0xaf: {  	_ =	swait.ge [sflag:s28], $0x4000  }
0xb0: {  	[sflag:s28] =	ssyncset.done $0x0  }
0xb1: {  	[sflag:s28] =	ssyncadd.s32 $0xFFFFC000  }
0xb2: {  	[spmem:s1] =	stream.indirect.scatter.add.f32 [tilespmem:s23], [sflag:$0x6], $0x80, s22, s7, $0xb8;
	[tilespmem:$0x17940] =	vst v63  }
0xb3: {  	_ =	swait.ge [sflag:s31], $0x4000  }
0xb4: {  	s11 =	rddreg [dreg:$0x4];
	[sflag:s31] =	ssyncset.done $0x0  }
0xb5: {  	[sflag:s31] =	ssyncadd.s32 $0xFFFFC000;
	s8 =	sadd.s32 $0x0, s11  }
0xb6: {  	[tilespmem:s14], [sflag:$0x6] =	stream.linear.gather [hbm4b:s8+s2], $0x80, $0x38;
	[tilespmem:$0x17940] =	vst v63  }
0xb7: {  	_ =	swait.ge [sflag:s31], $0x80  }
0xb8: {  	p4 =	por @p0 $0x0, $0x0;
	s25 =	rddreg [dreg:$0x3];
	[sflag:s31] =	ssyncset.done $0x0  }
0xb9: {  	p3 =	por @!p1 $0x1, $0x1;
	[sflag:s31] =	ssyncadd.s32 $0xFFFFFF80;
	s8 =	sadd.s32 $0x0, s25  }
0xba: {  	[tilespmem:s15], [sflag:$0x6] =	stream.linear.gather [hbm4b:s8+s2], $0x80, $0x38;
	[tilespmem:$0x17940] =	vst v63  }
0xbb: {  	p3 =	por @!p2 p4, p4;
	p4 =	por @!p0 $0x0, $0x0;
	_ =	swait.ge [sflag:s31], $0x80  }
0xbc: {  	p3 =	por @!p0 p4, p4;
	[sflag:s31] =	ssyncset.done $0x0  }
0xbd: {  	s11 =	sadd.s32 $0x280, s0;
	s8 =	simm.s32 $0x50;
	[sflag:s31] =	ssyncadd.s32 $0xFFFFFF80  }
.LBB2_2:
0xbe: {  	[tilespmem:s16], [sflag:$0x3] =	stream.indirect.gather [hbm4b:s3+s7], $0x80, s14, s7, $0xb8;
	[tilespmem:$0x17940] =	vst v63  }
0xbf: {  	_ =	swait.ge [sflag:s17], $0x4000  }
0xc0: {  	[sflag:s17] =	ssyncset.done $0x0  }
0xc1: {  	s9 =	simm.s32 $0x35C0;
	s10 =	simm.s32 $0x3940;
	[sflag:s17] =	ssyncadd.s32 $0xFFFFC000  }
0xc2: {  	[spmem:s1] =	stream.indirect.scatter.add.f32 [tilespmem:s10], [sflag:$0x6], $0x80, s9, s7, $0xb8;
	[tilespmem:$0x17940] =	vst v63  }
0xc3: {  	s25 =	smov.u32 s8;
	_ =	swait.ge [sflag:s31], $0x4000  }
0xc4: {  	s0 =	smov.u32 s29;
	s29 =	rddreg [dreg:$0xa];
	[sflag:s31] =	ssyncset.done $0x0  }
0xc5: {  	[sflag:s31] =	ssyncadd.s32 $0xFFFFC000;
	s29 =	sadd.s32 s25, s29  }
0xc6: {  	[tilespmem:s18], [sflag:$0x6] =	stream.linear.gather [hbm4b:s29+s2], $0x80, $0x38;
	[tilespmem:$0x17940] =	vst v63  }
0xc7: {  	_ =	swait.ge [sflag:s31], $0x80  }
0xc8: {  	s29 =	rddreg [dreg:$0x9];
	[sflag:s31] =	ssyncset.done $0x0  }
0xc9: {  	[sflag:s31] =	ssyncadd.s32 $0xFFFFFF80;
	s29 =	sadd.s32 s25, s29  }
0xca: {  	[tilespmem:s4], [sflag:$0x6] =	stream.linear.gather [hbm4b:s29+s2], $0x80, $0x38;
	[tilespmem:$0x17940] =	vst v63  }
0xcb: {  	_ =	swait.ge [sflag:s31], $0x80  }
0xcc: {  	[sflag:s31] =	ssyncset.done $0x0  }
0xcd: {  	[sflag:s31] =	ssyncadd.s32 $0xFFFFFF80  }
0xce: {  	[tilespmem:s19], [sflag:$0x4] =	stream.indirect.gather [hbm4b:s3+s7], $0x80, s18, s7, $0xb8;
	[tilespmem:$0x17940] =	vst v63  }
0xcf: {  	_ =	swait.ge [sflag:s20], $0x4000  }
0xd0: {  	[sflag:s20] =	ssyncset.done $0x0  }
0xd1: {  	[sflag:s20] =	ssyncadd.s32 $0xFFFFC000  }
0xd2: {  	[spmem:s1] =	stream.indirect.scatter.add.f32 [tilespmem:s13], [sflag:$0x6], $0x80, s12, s7, $0xb8;
	[tilespmem:$0x17940] =	vst v63  }
0xd3: {  	_ =	swait.ge [sflag:s31], $0x4000  }
0xd4: {  	s29 =	rddreg [dreg:$0x8];
	[sflag:s31] =	ssyncset.done $0x0  }
0xd5: {  	[sflag:s31] =	ssyncadd.s32 $0xFFFFC000;
	s29 =	sadd.s32 s25, s29  }
0xd6: {  	[tilespmem:s21], [sflag:$0x6] =	stream.linear.gather [hbm4b:s29+s2], $0x80, $0x38;
	[tilespmem:$0x17940] =	vst v63  }
0xd7: {  	_ =	swait.ge [sflag:s31], $0x80  }
0xd8: {  	s29 =	rddreg [dreg:$0x7];
	[sflag:s31] =	ssyncset.done $0x0  }
0xd9: {  	[sflag:s31] =	ssyncadd.s32 $0xFFFFFF80;
	s29 =	sadd.s32 s25, s29  }
0xda: {  	[tilespmem:s22], [sflag:$0x6] =	stream.linear.gather [hbm4b:s29+s2], $0x80, $0x38;
	[tilespmem:$0x17940] =	vst v63  }
0xdb: {  	_ =	swait.ge [sflag:s31], $0x80  }
0xdc: {  	[sflag:s31] =	ssyncset.done $0x0  }
0xdd: {  	[sflag:s31] =	ssyncadd.s32 $0xFFFFFF80  }
0xde: {  	[tilespmem:s23], [sflag:$0x5] =	stream.indirect.gather [hbm4b:s3+s7], $0x80, s21, s7, $0xb8;
	[tilespmem:$0x17940] =	vst v63  }
0xdf: {  	_ =	swait.ge [sflag:s24], $0x4000  }
0xe0: {  	[sflag:s24] =	ssyncset.done $0x0  }
0xe1: {  	[sflag:s24] =	ssyncadd.s32 $0xFFFFC000  }
0xe2: {  	[spmem:s1] =	stream.indirect.scatter.add.f32 [tilespmem:s16], [sflag:$0x6], $0x80, s15, s7, $0xb8;
	[tilespmem:$0x17940] =	vst v63  }
0xe3: {  	_ =	swait.ge [sflag:s31], $0x4000  }
0xe4: {  	s29 =	sshrl.u32 s11, $0x3;
	[sflag:s31] =	ssyncset.done $0x0  }
0xe5: {  	s5 =	sadd.s32 s6, s29;
	[sflag:s31] =	ssyncadd.s32 $0xFFFFC000  }
0xe6: {  	[tilespmem:s30], [sflag:$0x6] =	stream.linear.gather [hbm4b:s5+s2], $0x80, $0x38;
	[tilespmem:$0x17940] =	vst v63  }
0xe7: {  	_ =	swait.ge [sflag:s31], $0x80  }
0xe8: {  	[sflag:s31] =	ssyncset.done $0x0  }
0xe9: {  	s5 =	sadd.s32 s0, s29;
	[sflag:s31] =	ssyncadd.s32 $0xFFFFFF80  }
0xea: {  	[tilespmem:s9], [sflag:$0x6] =	stream.linear.gather [hbm4b:s5+s2], $0x80, $0x38;
	[tilespmem:$0x17940] =	vst v63  }
0xeb: {  	_ =	swait.ge [sflag:s31], $0x80  }
0xec: {  	[sflag:s31] =	ssyncset.done $0x0  }
0xed: {  	[sflag:s31] =	ssyncadd.s32 $0xFFFFFF80  }
0xee: {  	[tilespmem:s10], [sflag:$0x1] =	stream.indirect.gather [hbm4b:s3+s7], $0x80, s30, s7, $0xb8;
	[tilespmem:$0x17940] =	vst v63  }
0xef: {  	_ =	swait.ge [sflag:s26], $0x4000  }
0xf0: {  	[sflag:s26] =	ssyncset.done $0x0  }
0xf1: {  	[sflag:s26] =	ssyncadd.s32 $0xFFFFC000  }
0xf2: {  	[spmem:s1] =	stream.indirect.scatter.add.f32 [tilespmem:s19], [sflag:$0x6], $0x80, s4, s7, $0xb8;
	[tilespmem:$0x17940] =	vst v63  }
0xf3: {  	_ =	swait.ge [sflag:s31], $0x4000  }
0xf4: {  	s9 =	rddreg [dreg:$0x6];
	[sflag:s31] =	ssyncset.done $0x0  }
0xf5: {  	s10 =	simm.s32 $0x33C0;
	[sflag:s31] =	ssyncadd.s32 $0xFFFFC000;
	s5 =	sadd.s32 s25, s9  }
0xf6: {  	[tilespmem:s10], [sflag:$0x6] =	stream.linear.gather [hbm4b:s5+s2], $0x80, $0x38;
	[tilespmem:$0x17940] =	vst v63  }
0xf7: {  	_ =	swait.ge [sflag:s31], $0x80  }
0xf8: {  	s9 =	rddreg [dreg:$0x5];
	[sflag:s31] =	ssyncset.done $0x0  }
0xf9: {  	[sflag:s31] =	ssyncadd.s32 $0xFFFFFF80;
	s5 =	sadd.s32 s25, s9  }
0xfa: {  	[tilespmem:s12], [sflag:$0x6] =	stream.linear.gather [hbm4b:s5+s2], $0x80, $0x38;
	[tilespmem:$0x17940] =	vst v63  }
0xfb: {  	_ =	swait.ge [sflag:s31], $0x80  }
0xfc: {  	[sflag:s31] =	ssyncset.done $0x0  }
0xfd: {  	[sflag:s31] =	ssyncadd.s32 $0xFFFFFF80  }
0xfe: {  	[tilespmem:s13], [sflag:$0x2] =	stream.indirect.gather [hbm4b:s3+s7], $0x80, s10, s7, $0xb8;
	[tilespmem:$0x17940] =	vst v63  }
0xff: {  	_ =	swait.ge [sflag:s28], $0x4000  }
0x100: {  	[sflag:s28] =	ssyncset.done $0x0  }
0x101: {  	[sflag:s28] =	ssyncadd.s32 $0xFFFFC000  }
0x102: {  	[spmem:s1] =	stream.indirect.scatter.add.f32 [tilespmem:s23], [sflag:$0x6], $0x80, s22, s7, $0xb8;
	[tilespmem:$0x17940] =	vst v63  }
0x103: {  	_ =	swait.ge [sflag:s31], $0x4000  }
0x104: {  	s9 =	rddreg [dreg:$0x4];
	[sflag:s31] =	ssyncset.done $0x0  }
0x105: {  	[sflag:s31] =	ssyncadd.s32 $0xFFFFC000;
	s5 =	sadd.s32 s25, s9  }
0x106: {  	[tilespmem:s14], [sflag:$0x6] =	stream.linear.gather [hbm4b:s5+s2], $0x80, $0x38;
	[tilespmem:$0x17940] =	vst v63  }
0x107: {  	_ =	swait.ge [sflag:s31], $0x80  }
0x108: {  	p4 =	sne.s32 s8, $0x1E0;
	s9 =	rddreg [dreg:$0x3];
	[sflag:s31] =	ssyncset.done $0x0  }
.Ltmp0:
0x109: {  	[sflag:s31] =	ssyncadd.s32 $0xFFFFFF80;
	s5 =	sadd.s32 s25, s9;
	(pc) =	sbr.rel @p4 .LBB2_2-.Ltmp0, $4  }
0x10a: {  	[tilespmem:s15], [sflag:$0x6] =	stream.linear.gather [hbm4b:s5+s2], $0x80, $0x38;
	[tilespmem:$0x17940] =	vst v63  }
0x10b: {  	_ =	swait.ge [sflag:s31], $0x80  }
0x10c: {  	s8 =	sadd.s32 $0x50, s8;
	s11 =	sadd.s32 $0x280, s11;
	[sflag:s31] =	ssyncset.done $0x0  }
0x10d: {  	s29 =	smov.u32 s0;
	s0 =	simm.s32 $0x35C0;
	[sflag:s31] =	ssyncadd.s32 $0xFFFFFF80  }
0x10e: {  	[tilespmem:s16], [sflag:$0x3] =	stream.indirect.gather [hbm4b:s3+s7], $0x80, s14, s7, $0xb8;
	[tilespmem:$0x17940] =	vst v63  }
0x10f: {  	_ =	swait.ge [sflag:s17], $0x4000  }
0x110: {  	[sflag:s17] =	ssyncset.done $0x0  }
0x111: {  	s5 =	simm.s32 $0x3940;
	[sflag:s17] =	ssyncadd.s32 $0xFFFFC000  }
0x112: {  	[spmem:s1] =	stream.indirect.scatter.add.f32 [tilespmem:s5], [sflag:$0x6], $0x80, s0, s7, $0xb8;
	[tilespmem:$0x17940] =	vst v63  }
0x113: {  	_ =	swait.ge [sflag:s31], $0x4000  }
0x114: {  	[sflag:s31] =	ssyncset.done $0x0  }
0x115: {  	s25 =	rddreg [dreg:$0x17];
	[sflag:s31] =	ssyncadd.s32 $0xFFFFC000  }
0x116: {  	[tilespmem:s18], [sflag:$0x6] =	stream.linear.gather [hbm4b:s25+s2], $0x80, $0x38;
	[tilespmem:$0x17940] =	vst v63  }
0x117: {  	_ =	swait.ge [sflag:s31], $0x80  }
0x118: {  	[sflag:s31] =	ssyncset.done $0x0  }
0x119: {  	s8 =	rddreg [dreg:$0x18];
	[sflag:s31] =	ssyncadd.s32 $0xFFFFFF80  }
0x11a: {  	[tilespmem:s4], [sflag:$0x6] =	stream.linear.gather [hbm4b:s8+s2], $0x80, $0x38;
	[tilespmem:$0x17940] =	vst v63  }
0x11b: {  	_ =	swait.ge [sflag:s31], $0x80  }
0x11c: {  	[sflag:s31] =	ssyncset.done $0x0  }
0x11d: {  	[sflag:s31] =	ssyncadd.s32 $0xFFFFFF80  }
0x11e: {  	[tilespmem:s19], [sflag:$0x4] =	stream.indirect.gather [hbm4b:s3+s7], $0x80, s18, s7, $0xb8;
	[tilespmem:$0x17940] =	vst v63  }
0x11f: {  	_ =	swait.ge [sflag:s20], $0x4000  }
0x120: {  	[sflag:s20] =	ssyncset.done $0x0  }
0x121: {  	[sflag:s20] =	ssyncadd.s32 $0xFFFFC000  }
0x122: {  	[spmem:s1] =	stream.indirect.scatter.add.f32 [tilespmem:s13], [sflag:$0x6], $0x80, s12, s7, $0xb8;
	[tilespmem:$0x17940] =	vst v63  }
0x123: {  	_ =	swait.ge [sflag:s31], $0x4000  }
0x124: {  	[sflag:s31] =	ssyncset.done $0x0  }
0x125: {  	[sflag:s31] =	ssyncadd.s32 $0xFFFFC000  }
0x126: {  	_ =	swait.ge [sflag:s24], $0x4000  }
0x127: {  	[sflag:s24] =	ssyncset.done $0x0  }
0x128: {  	[sflag:s24] =	ssyncadd.s32 $0xFFFFC000  }
0x129: {  	[spmem:s1] =	stream.indirect.scatter.add.f32 [tilespmem:s16], [sflag:$0x6], $0x80, s15, s7, $0xb8;
	[tilespmem:$0x17940] =	vst v63  }
0x12a: {  	_ =	swait.ge [sflag:s31], $0x4000  }
0x12b: {  	[sflag:s31] =	ssyncset.done $0x0  }
0x12c: {  	[sflag:s31] =	ssyncadd.s32 $0xFFFFC000  }
0x12d: {  	_ =	swait.ge [sflag:s26], $0x4000  }
0x12e: {  	[sflag:s26] =	ssyncset.done $0x0  }
0x12f: {  	[sflag:s26] =	ssyncadd.s32 $0xFFFFC000  }
0x130: {  	[spmem:s1] =	stream.indirect.scatter.add.f32 [tilespmem:s19], [sflag:$0x6], $0x80, s4, s7, $0xb8;
	[tilespmem:$0x17940] =	vst v63  }
0x131: {  	_ =	swait.ge [sflag:s31], $0x4000  }
0x132: {  	[sflag:s31] =	ssyncset.done $0x0  }
0x133: {  	s8 =	simm.s32 $0x3840;
	s9 =	rddreg [dreg:$0x19];
	[sflag:s31] =	ssyncadd.s32 $0xFFFFC000  }
0x134: {  	[tilespmem:s8], [sflag:$0x6] =	stream.linear.gather [hbm4b:s9+s2], $0x8, $0x38;
	[tilespmem:$0x17940] =	vst v63  }
0x135: {  	_ =	swait.ge [sflag:s31], $0x8  }
0x136: {  	[sflag:s31] =	ssyncset.done $0x0  }
0x137: {  	s9 =	simm.s32 $0x38C0;
	s11 =	rddreg [dreg:$0x1a];
	[sflag:s31] =	ssyncadd.s32 $0xFFFFFFF8  }
0x138: {  	[tilespmem:s9], [sflag:$0x6] =	stream.linear.gather [hbm4b:s11+s2], $0x8, $0x38;
	[tilespmem:$0x17940] =	vst v63  }
0x139: {  	_ =	swait.ge [sflag:s31], $0x8  }
0x13a: {  	[sflag:s31] =	ssyncset.done $0x0  }
0x13b: {  	s25 =	simm.s32 $0x8;
	[sflag:s31] =	ssyncadd.s32 $0xFFFFFFF8  }
0x13c: {  	[tilespmem:s5], [sflag:$0x1] =	stream.indirect.gather [hbm4b:s3+s25], $0x80, s8, s25, $0xb8;
	[tilespmem:$0x17940] =	vst v63  }
0x13d: {  	_ =	swait.ge [sflag:s17], $0x400  }
0x13e: {  	[sflag:s17] =	ssyncset.done $0x0  }
0x13f: {  	[sflag:s17] =	ssyncadd.s32 $0xFFFFFC00  }
0x140: {  	[spmem:s1] =	stream.indirect.scatter.add.f32 [tilespmem:s5], [sflag:$0x6], $0x80, s9, s25, $0xb8;
	[tilespmem:$0x17940] =	vst v63  }
0x141: {  	_ =	swait.ge [sflag:s31], $0x400  }
0x142: {  	[sflag:s31] =	ssyncset.done $0x0  }
0x143: {  	[sflag:s31] =	ssyncadd.s32 $0xFFFFFC00  }
0x144: {  	s25 =	stileid.u32;
	[bflag:$0x0] =	sbarrier.arrive $0xFFFF  }
0x145: {  	s5 =	sshll.u32 @!p0 s25, $0x6;
	s0 =	rddreg [dreg:$0xf]  }
0x146: {  	s5 =	sor.u32 @!p0 $0x1C06, s5;
	s11 =	rddreg [dreg:$0x16];
	s8 =	sshrl.u32 @!p0 s0, $0x3  }
0x147: {  	[hbm:s11], [sflag:s5] =	dma.local @!p0 [spmem:s8], $0x800  }
0x148: {  	s5 =	simm.s32 @!p0 $0x6  }
0x149: {  	_ =	swait.ge @!p0 [sflag:s5], $0x800  }
0x14a: {  	s8 =	sshll.u32 @p3 s25, $0x6;
	s25 =	rddreg [dreg:$0xc]  }
0x14b: {  	[sflag:s5] =	ssyncset.done @!p0 $0x0;
	s11 =	rddreg [dreg:$0x1b]  }
0x14c: {  	[sflag:s5] =	ssyncadd.s32 @!p0 $0xFFFFF800;
	s5 =	sor.u32 @p3 $0x1C06, s8;
	s8 =	sshrl.u32 @p3 s25, $0x3  }
0x14d: {  	[hbm:s11], [sflag:s5] =	dma.local @p3 [spmem:s8], $0x680  }
0x14e: {  	s5 =	simm.s32 @p3 $0x6  }
0x14f: {  	_ =	swait.ge @p3 [sflag:s5], $0x680  }
0x150: {  	s8 =	sld [smem:$0x7FC];
	_ =	sdelay $0x2  }
0x151: {  	s11 =	rddreg [dreg:$0x1c];
	s9 =	sadd.s32 $0x1, s8  }
0x152: {  	p4 =	sne.s32 s9, s11  }
.Ltmp1:
0x153: {  	_ = 	snop;
	(pc) =	sbr.rel @p4 .LBB2_1-.Ltmp1, $3  }
0x154: {  	_ =	sdelay $0x1  }
0x155: {  	[sflag:s5] =	ssyncset.done @p3 $0x0  }
0x156: {  	[sflag:s5] =	ssyncadd.s32 @p3 $0xFFFFF980  }
0x157: {  	_ =	sfence.sel $0x180000  }
0x158: {  	[bflag:$0x0] =	sbarrier.arrive $0xFFFF  }
0x159: {  	_ =	strace $0x90000050  }
0x15a: {  	s0 =	stileid.u32;
	[bflag:$0x2] =	sbarrier.arrive $0xFFFF  }
0x15b: {  	p0 =	sne.s32 s0, $0x0;
	s0 =	rddreg [dreg:$0x2]  }
0x15c: {  	s0 =	sadd.s32 @!p0 $0x100000, s0  }
0x15d: {  	[sflag:s0] =	ssyncadd.tile.s32 @!p0 $0x1;
	_ =	shalt  }
.Lfunc_end2:
_tile_overlayer_lowered:
.L_overlay_start_2:
0x15e: {  	(tag) =	ssettag $0x2  }
0x15f: {  	s0 =	rddreg [dreg:$0x0];
	s2 =	stileid.u32  }
0x160: {  	s1 =	rddreg [dreg:$0x1];
	p0 =	sne.s32 s2, $0x0  }
0x161: {  	s3 =	rddreg [dreg:$0x2];
	[bflag:$0x3] =	sbarrier.arrive $0xFFFF;
	s2 =	simm.s32 @!p0 $0x1C06  }
0x162: {  	[timem:s3], [sflag:s2] =	dma.local @!p0 [hbm:s0], s1  }
0x163: {  	s0 =	simm.s32 @!p0 $0x6  }
0x164: {  	_ =	swait.ge @!p0 [sflag:s0], s1  }
0x165: {  	s1 =	ssub.s32 @!p0 $0x0, s1;
	[sflag:s0] =	ssyncset.done @!p0 $0x0  }
0x166: {  	[sflag:s0] =	ssyncadd.s32 @!p0 s1  }
0x167: {  	[bflag:$0x3] =	sbarrier.arrive $0xFFFF  }
0x168: {  	_ =	shalt  }

// kernel: sc_msg_5000.3.cloned.1.call-start
scs
__scs_entry_jumppad:
0x0: {  	(pc) =	sbr.rel $0x88, $3  }
0x1: {  	(tag) =	ssettag $0x0;
	lr =	simm.s32 $0x1  }
0x2: {  	[smem:$0x3F98] =	sst lr;
	_ =	strace $0xD0000000  }
0x3: {  	_ = 	snop  }
0x4: {  	_ = 	snop  }
0x5: {  	_ = 	snop  }
0x6: {  	_ = 	snop  }
0x7: {  	_ = 	snop  }
__scs_overlays_trampoline_lowered:
0x8: {  	[smem:$0x3FA7] =	sst s0  }
0x9: {  	[smem:$0x3FA8] =	sst s1  }
0xa: {  	[smem:$0x3FA9] =	sst s2  }
0xb: {  	[smem:$0x3FAA] =	sst s3  }
0xc: {  	[smem:$0x3FAB] =	sst s4  }
0xd: {  	[smem:$0x3FAC] =	sst s5  }
0xe: {  	[smem:$0x3FAD] =	sst s6  }
0xf: {  	[smem:$0x3FAE] =	sst s7  }
0x10: {  	[smem:$0x3FAF] =	sst s8  }
0x11: {  	[smem:$0x3FB0] =	sst s9;
	s0 =	simm.s32 @!p0 $0x0  }
0x12: {  	s1 =	sld [smem:$0x3F96];
	s0 =	simm.s32 @p0 $0x1  }
0x13: {  	[smem:$0x3FB1] =	sst s0;
	s0 =	simm.s32 @!p1 $0x0  }
0x14: {  	s2 =	sld [smem:$0x3F95];
	s0 =	simm.s32 @p1 $0x1  }
0x15: {  	[smem:$0x3FB2] =	sst s0;
	s0 =	simm.s32 @!p2 $0x0  }
0x16: {  	s3 =	sld [smem:$0x3FDB];
	s0 =	simm.s32 @p2 $0x1  }
0x17: {  	s4 =	simm.s32 $0x1BF5;
	[smem:$0x3FB4] =	sst s0  }
0x18: {  	s0 =	sld [smem:$0x3F97];
	_ =	swait.ge [sflag:s4], $0x0  }
0x19: {  	s7 =	sld [smem:$0x3F98]  }
0x1a: {  	s8 =	sadd.s32 $0xFFFFE003, lr  }
0x1b: {  	s9 =	sadd.s32 $0xFFFFFEF7, lr;
	s5 =	simm.s32 $0xFFFFFFFF;
	p2 =	slt.u32 s8, $0xFFFFF086  }
0x1c: {  	p1 =	slt.u32 s9, $0xF7A;
	s5 =	simm.s32 @!p2 $0x0  }
0x1d: {  	s5 =	simm.s32 @p1 $0x1;
	p0 =	seq.s32 s7, s2  }
0x1e: {  	s7 =	smul.u32 @!p0 $0xF7A, s2;
	p2 =	seq.s32 @!p0 s5, $0x0  }
0x1f: {  	s9 =	smul.u32 $0xF7A, s1;
	s8 =	simm.s32 @!p0 $0x1BF5;
	p2 =	por !p2, p0  }
0x20: {  	[sflag:s8] =	ssyncset.s32 @!p0 $0xFFFFF086;
	s6 =	sadd.s32 @!p0 s3, s7;
	s7 =	simm.s32 @!p0 $0x108  }
0x21: {  	s3 =	sadd.s32 s3, s9;
	s6 =	sadd.s32 @!p0 $0x88, s6;
	s7 =	simm.s32 @p2 $0x1082  }
0x22: {  	[simem:s7], [sflag:s8] =	dma.local @!p0 [hbm:s6], $0xF7A  }
0x23: {  	s9 =	sor.u32 $0xD0000000, s2;
	s6 =	simm.s32 $0x108;
	_ =	swait.ge @!p0 [sflag:s8], $0x0  }
0x24: {  	s3 =	sadd.s32 $0x88, s3;
	s6 =	simm.s32 @!p1 $0x1082;
	[sflag:s4] =	ssyncset.s32 $0xFFFFF086  }
0x25: {  	[simem:s6], [sflag:s4] =	dma.local [hbm:s3], $0xF7A  }
0x26: {  	[smem:$0x3F98] =	sst s1;
	(tag) =	ssettag s2;
	_ =	strace s9  }
0x27: {  	s1 =	sld [smem:$0x3FA8]  }
0x28: {  	s2 =	sld [smem:$0x3FA9]  }
0x29: {  	s4 =	sld [smem:$0x3FAB]  }
0x2a: {  	p0 =	seq.s32 s5, $0x0;
	s5 =	sld [smem:$0x3FAC]  }
0x2b: {  	s6 =	sld [smem:$0x3FAD]  }
0x2c: {  	s7 =	sld [smem:$0x3FAE]  }
0x2d: {  	s3 =	simm.s32 $0x108;
	s8 =	sld [smem:$0x3FAF]  }
0x2e: {  	s3 =	simm.s32 @!p0 $0x1082;
	s9 =	sld [smem:$0x3FB0]  }
0x2f: {  	lr =	sadd.s32 s0, s3;
	s0 =	sld [smem:$0x3FA7]  }
0x30: {  	s3 =	sld [smem:$0x3FAA]  }
0x31: {  	[smem:$0x3FB3] =	sst s10  }
0x32: {  	s10 =	sld [smem:$0x3FB1];
	_ =	sdelay $0x3  }
0x33: {  	p0 =	seq.s32 s10, $0x1;
	s10 =	sld [smem:$0x3FB3];
	_ =	sdelay $0x3  }
0x34: {  	[smem:$0x3FB3] =	sst s10  }
0x35: {  	s10 =	sld [smem:$0x3FB2];
	_ =	sdelay $0x3  }
0x36: {  	p1 =	seq.s32 s10, $0x1;
	s10 =	sld [smem:$0x3FB3];
	_ =	sdelay $0x3  }
0x37: {  	[smem:$0x3FB3] =	sst s10  }
0x38: {  	s10 =	sld [smem:$0x3FB4]  }
0x39: {  	_ = 	snop;
	(pc) =	sbr.ind lr, $3  }
0x3a: {  	_ = 	snop  }
0x3b: {  	_ = 	snop  }
0x3c: {  	p2 =	seq.s32 s10, $0x1;
	s10 =	sld [smem:$0x3FB3]  }
0x3d: {  	_ =	shalt  }
0x3e: {  	_ =	shalt  }
0x3f: {  	_ =	shalt  }
0x40: {  	_ =	shalt  }
0x41: {  	_ =	shalt  }
0x42: {  	_ =	shalt  }
0x43: {  	_ =	shalt  }
0x44: {  	_ =	shalt  }
0x45: {  	_ =	shalt  }
0x46: {  	_ =	shalt  }
0x47: {  	_ =	shalt  }
0x48: {  	_ =	shalt  }
0x49: {  	_ =	shalt  }
0x4a: {  	_ =	shalt  }
0x4b: {  	_ =	shalt  }
0x4c: {  	_ =	shalt  }
0x4d: {  	_ =	shalt  }
0x4e: {  	_ =	shalt  }
0x4f: {  	_ =	shalt  }
0x50: {  	_ =	shalt  }
0x51: {  	_ =	shalt  }
0x52: {  	_ =	shalt  }
0x53: {  	_ =	shalt  }
0x54: {  	_ =	shalt  }
0x55: {  	_ =	shalt  }
0x56: {  	_ =	shalt  }
0x57: {  	_ =	shalt  }
0x58: {  	_ =	shalt  }
0x59: {  	_ =	shalt  }
0x5a: {  	_ =	shalt  }
0x5b: {  	_ =	shalt  }
0x5c: {  	_ =	shalt  }
0x5d: {  	_ =	shalt  }
0x5e: {  	_ =	shalt  }
0x5f: {  	_ =	shalt  }
0x60: {  	_ =	shalt  }
0x61: {  	_ =	shalt  }
0x62: {  	_ =	shalt  }
0x63: {  	_ =	shalt  }
0x64: {  	_ =	shalt  }
0x65: {  	_ =	shalt  }
0x66: {  	_ =	shalt  }
0x67: {  	_ =	shalt  }
0x68: {  	_ =	shalt  }
0x69: {  	_ =	shalt  }
0x6a: {  	_ =	shalt  }
0x6b: {  	_ =	shalt  }
0x6c: {  	_ =	shalt  }
0x6d: {  	_ =	shalt  }
0x6e: {  	_ =	shalt  }
0x6f: {  	_ =	shalt  }
0x70: {  	_ =	shalt  }
0x71: {  	_ =	shalt  }
0x72: {  	_ =	shalt  }
0x73: {  	_ =	shalt  }
0x74: {  	_ =	shalt  }
0x75: {  	_ =	shalt  }
0x76: {  	_ =	shalt  }
0x77: {  	_ =	shalt  }
0x78: {  	_ =	shalt  }
0x79: {  	_ =	shalt  }
0x7a: {  	_ =	shalt  }
0x7b: {  	_ =	shalt  }
0x7c: {  	_ =	shalt  }
0x7d: {  	_ =	shalt  }
0x7e: {  	_ =	shalt  }
0x7f: {  	_ =	shalt  }
0x80: {  	_ =	shalt  }
0x81: {  	_ =	shalt  }
0x82: {  	_ =	shalt  }
0x83: {  	_ =	shalt  }
0x84: {  	_ =	shalt  }
0x85: {  	_ =	shalt  }
0x86: {  	_ =	shalt  }
0x87: {  	_ =	shalt  }
.Lfunc_end0:
.L_simem_size_0:
called_computation.2_lowered:
.L_overlay_start_0:
0x88: {  	s2 =	sld [smem:$0x3FD9]  }
0x89: {  	s3 =	sld [smem:$0x3FFE];
	_ =	sdelay $0x1  }
0x8a: {  	s1 =	srdreg.scid  }
0x8b: {  	s0 =	sand.u32 $0x1, s1  }
0x8c: {  	s16 =	sshll.u32 s0, $0xA;
	s2 =	sadd.s32 s3, s2  }
0x8d: {  	s2 =	sadd.s32 s2, s16  }
0x8e: {  	[smem:$0x3FBF] =	sst s2  }
0x8f: {  	_ = 	snop  }
0x90: {  	(tm) =	ssettm $0x1  }
0x91: {  	s17 =	sld [smem:$0x3FFB];
	_ =	sdelay $0x3  }
0x92: {  	_ =	strace s17  }
0x93: {  	s2 =	sld [smem:$0x3FFC];
	_ =	sdelay $0x3  }
0x94: {  	_ =	strace s2  }
0x95: {  	s2 =	sld [smem:$0x3FFD];
	_ =	sdelay $0x3  }
0x96: {  	_ =	strace s2  }
0x97: {  	_ =	strace $0x8FFFFFFF  }
0x98: {  	s18 =	sld [smem:$0x3FDB];
	_ =	sdelay $0x1  }
0x99: {  	s19 =	simm.s32 $_scs_section_size  }
0x9a: {  	s4 =	simm.s32 $_size__tile_overlayer_lowered;
	s5 =	simm.s32 $_tile_overlayer_lowered  }
0x9b: {  	s22 =	simm.s32 $0x1BFF;
	s21 =	sshll.u32 s5, $0x1;
	s2 =	sadd.s32 s19, s18  }
0x9c: {  	s6 =	simm.s32 $0x0;
	s20 =	sshll.u32 s4, $0x1;
	s4 =	sadd.s32 s21, s2  }
0x9d: {  	[timem:s6], [sflag:s22] =	dma.local [hbm:s4], s20  }
0x9e: {  	_ =	swait.ge [sflag:s22], s20  }
0x9f: {  	s3 =	ssub.s32 $0x0, s20;
	[sflag:s22] =	ssyncset.done $0x0  }
0xa0: {  	[sflag:s22] =	ssyncadd.s32 s3;
	_ =	sdelay $0x1  }
0xa1: {  	s23 =	simm.s32 $0x1B8B  }
0xa2: {  	_ =	swait.ge [sflag:s23], $0x1  }
0xa3: {  	[sflag:s23] =	ssyncset.done $0x0  }
0xa4: {  	s25 =	simm.s32 $0x1B8E;
	s24 =	sld [smem:$0x3FFE];
	[sflag:s23] =	ssyncadd.s32 $0xFFFFFFFF  }
0xa5: {  	s26 =	simm.s32 $execute0_lowered;
	[smem:$0x3FD2] =	sst s25  }
0xa6: {  	s4 =	sshll.u32 s26, $0x1;
	_ =	strace $0x8000004C;
	[dreg:$0x1] =	wrdreg $0xFFFFFFFF  }
0xa7: {  	s28 =	simm.s32 $_size_execute0_lowered;
	s2 =	sadd.s32 s2, s4;
	[dreg:$0x0] =	wrdreg $0x0  }
0xa8: {  	s4 =	sshll.u32 s28, $0x1;
	[dreg:$0x2] =	wrdreg s2  }
0xa9: {  	[dreg:$0x3] =	wrdreg s4  }
0xaa: {  	[dreg:$0x4] =	wrdreg $0xC0  }
0xab: {  	_ =	task [dreg:s6], $0x5FFFF  }
0xac: {  	[dreg:$0x1] =	wrdreg $0xFFFFFFFF  }
0xad: {  	[dreg:$0x0] =	wrdreg $0x60  }
0xae: {  	[dreg:$0x2] =	wrdreg s24  }
0xaf: {  	[dreg:$0x3] =	wrdreg $0x0  }
0xb0: {  	[dreg:$0x4] =	wrdreg $0x9  }
0xb1: {  	_ =	task.clear_ibuf [dreg:s6], $0x5FFFF;
	_ =	strace $0x9000004C  }
0xb2: {  	s29 =	simm.s32 $0x9;
	_ =	strace $0x8000004E  }
0xb3: {  	_ =	swait.ge [sflag:s29], $0x1  }
0xb4: {  	[sflag:s29] =	ssyncadd.s32 $0xFFFFFFFF  }
0xb5: {  	_ =	strace $0x9000004E  }
0xb6: {  	_ =	sfence  }
0xb7: {  	s30 =	sld [smem:$0x0];
	_ =	sdelay $0x2  }
0xb8: {  	s31 =	sshll.u32 s1, $0xD;
	s1 =	sshrl.u32 s1, $0x2  }
0xb9: {  	s3 =	sand.u32 $0x4000, s31;
	s1 =	sadd.s32 s1, s30  }
0xba: {  	s0 =	sor.u32 s3, s0;
	s1 =	sshll.u32 s1, $0x11  }
0xbb: {  	s0 =	sor.u32 s1, s0  }
0xbc: {  	s0 =	sadd.s32 $0x8F2B, s0  }
0xbd: {  	[sflag:s0] =	ssyncadd.remote.s32 $0x1  }
0xbe: {  	_ =	sfence.sel $0xFFFF  }
0xbf: {  	[dreg:$0x0] =	wrdreg $0xFFFFFFFF;
	(pc) =	sbr.abs _section_cstart, $3  }
0xc0: {  	[dreg:$0x1] =	wrdreg $0xFFFFFFFF  }
0xc1: {  	_ =	task.clear_ibuf [dreg:s6], $0x2FFFF;
	_ =	strace $0x9FFFFFFF  }
0xc2: {  	(tm) =	ssettm $0x7FFFFFFF  }
0xc3: {  	_ =	shalt  }
tec
execute0_lowered:
.L_overlay_start_1:
0x0: {  	(tag) =	ssettag $0x1  }
0x1: {  	s0 =	rddreg [dreg:$0x0]  }
0x2: {  	s1 =	rddreg [dreg:$0x1];
	s2 =	simm.s32 $0x0;
	s3 =	srdreg.scid  }
0x3: {  	s5 =	stileid.u32;
	[smem:$0x7FF] =	sst s2;
	s4 =	sadd.s32 $0x21A00, s0  }
0x4: {  	s3 =	sand.u32 $0x1, s3;
	s29 =	sadd.s32 $0xC200, s0;
	s8 =	smul.u32 $0x4F000, s5  }
0x5: {  	s6 =	sadd.s32 $0x2400, s0;
	s9 =	sadd.s32 $0x20400, s0;
	s11 =	smul.u32 $0x278, s5  }
0x6: {  	s10 =	sadd.s32 $0x48C00, s0;
	s15 =	smul.u32 $0x2710, s5;
	p0 =	sgt.u32 s5, $0x6  }
0x7: {  	p1 =	sne.s32 s5, $0x7;
	_ =	strace $0x8000004D;
	s7 =	sshll.u32 s3, $0x4  }
0x8: {  	[dreg:$0xb] =	wrdreg s9;
	s24 =	ssub.s32 $0x2, s3;
	s26 =	smul.u32 $0x1388, s3  }
0x9: {  	s14 =	smul.u32 $0x27100, s3;
	s7 =	sor.u32 s5, s7;
	s25 =	sshrl.u32 s24, $0x1  }
0xa: {  	s8 =	sshrl.u32 s8, $0x2;
	s5 =	sadd.s32 $0x9BC00, s1;
	s7 =	smul.u32 $0x2710, s7  }
0xb: {  	s0 =	ssub.s32 s24, s25;
	s19 =	sadd.s32 s8, s1;
	s8 =	sadd.s32 $0x80, s11  }
0xc: {  	s12 =	sadd.s32 s11, s26;
	s14 =	sadd.s32 s15, s14;
	[smem:$0x7EA] =	sst s5  }
0xd: {  	s12 =	sshll.u32 s12, $0x4;
	s0 =	smax.u32 s0, $0x1;
	[dreg:$0xc] =	wrdreg s19  }
0xe: {  	s13 =	sadd.s32 s26, s8;
	s12 =	sadd.s32 s10, s12;
	[dreg:$0x1f] =	wrdreg s0  }
0xf: {  	s7 =	sshrl.u32 s7, $0x3;
	s13 =	sshll.u32 s13, $0x4;
	[dreg:$0xd] =	wrdreg s12  }
0x10: {  	s18 =	sadd.s32 s10, s13;
	s12 =	sadd.s32 $0x100, s11;
	s13 =	sadd.s32 $0x180, s11  }
0x11: {  	s11 =	sadd.s32 $0x200, s11;
	[dreg:$0xe] =	wrdreg s18;
	s20 =	sadd.s32 s26, s12  }
0x12: {  	s17 =	sadd.s32 s26, s13;
	s18 =	sadd.s32 $0x380, s14;
	s15 =	sshll.u32 s20, $0x4  }
0x13: {  	s9 =	sadd.s32 s26, s11;
	s17 =	sshll.u32 s17, $0x4;
	s15 =	sadd.s32 s10, s15  }
0x14: {  	s18 =	sshrl.u32 s18, $0x3;
	s21 =	sadd.s32 s10, s17;
	[dreg:$0xf] =	wrdreg s15  }
0x15: {  	s26 =	sadd.s32 $0x200, s14;
	s22 =	sadd.s32 s18, s6;
	[dreg:$0x10] =	wrdreg s21  }
0x16: {  	s9 =	sshll.u32 s9, $0x4;
	s24 =	sadd.s32 s18, s29;
	[dreg:$0x3] =	wrdreg s22  }
0x17: {  	s9 =	sadd.s32 s10, s9;
	s17 =	sshrl.u32 s26, $0x3;
	[dreg:$0x4] =	wrdreg s24  }
0x18: {  	s16 =	sadd.s32 $0x10, s7;
	[dreg:$0x11] =	wrdreg s9;
	s18 =	sadd.s32 s17, s6  }
0x19: {  	s23 =	sadd.s32 $0x300, s14;
	s21 =	sadd.s32 s29, s16;
	[dreg:$0x7] =	wrdreg s18  }
0x1a: {  	s15 =	sshrl.u32 s23, $0x3;
	s23 =	sadd.s32 s6, s16;
	[dreg:$0x12] =	wrdreg s21  }
0x1b: {  	s20 =	sadd.s32 $0x180, s14;
	s22 =	sadd.s32 s17, s29;
	[dreg:$0x13] =	wrdreg s23  }
0x1c: {  	s9 =	sshrl.u32 s20, $0x3;
	s16 =	sadd.s32 s6, s7;
	[dreg:$0x8] =	wrdreg s22  }
0x1d: {  	s20 =	sshll.u32 s12, $0x7;
	s12 =	sadd.s32 $0x280, s14;
	[dreg:$0x17] =	wrdreg s16  }
0x1e: {  	s14 =	sadd.s32 $0x8B800, s1;
	[smem:$0x7D7] =	sst s12  }
0x1f: {  	s3 =	smul.u32 $0x9C400, s3;
	s25 =	sadd.s32 s15, s6;
	[smem:$0x7DD] =	sst s14  }
0x20: {  	s15 =	sadd.s32 s15, s29;
	[dreg:$0x5] =	wrdreg s25  }
0x21: {  	s3 =	sshrl.u32 s3, $0x3;
	s24 =	sadd.s32 s9, s6;
	[dreg:$0x6] =	wrdreg s15  }
0x22: {  	s3 =	sadd.s32 s10, s3;
	s9 =	sadd.s32 s9, s29;
	[dreg:$0x9] =	wrdreg s24  }
0x23: {  	s23 =	sadd.s32 $0x11480, s3;
	[dreg:$0xa] =	wrdreg s9  }
0x24: {  	s21 =	sshll.u32 s13, $0x7;
	s13 =	sadd.s32 $0x8A400, s1;
	[dreg:$0x1a] =	wrdreg s23  }
0x25: {  	s18 =	sshll.u32 s8, $0x7;
	s16 =	sadd.s32 $0x8E000, s1;
	[smem:$0x7DC] =	sst s13  }
0x26: {  	s8 =	sadd.s32 s20, s1;
	s20 =	sadd.s32 $0x91C00, s1;
	[smem:$0x7DF] =	sst s16  }
0x27: {  	s22 =	sshll.u32 s11, $0x7;
	s11 =	sadd.s32 $0x6400, s19;
	[smem:$0x7E2] =	sst s20  }
0x28: {  	s12 =	sadd.s32 $0x7800, s19;
	[smem:$0x7EF] =	sst s11  }
0x29: {  	s14 =	sadd.s32 $0xA000, s19;
	[smem:$0x7F0] =	sst s12  }
0x2a: {  	s15 =	sadd.s32 s29, s7;
	[smem:$0x7F2] =	sst s14  }
0x2b: {  	s24 =	sadd.s32 $0x11C80, s3;
	[dreg:$0x16] =	wrdreg s15  }
0x2c: {  	s9 =	sadd.s32 s21, s1;
	s21 =	sadd.s32 $0x93000, s1;
	[dreg:$0x1b] =	wrdreg s24  }
0x2d: {  	s23 =	sadd.s32 $0x95800, s1;
	[smem:$0x7E3] =	sst s21  }
0x2e: {  	s13 =	sadd.s32 $0x8C00, s19;
	[smem:$0x7E5] =	sst s23  }
0x2f: {  	s16 =	sadd.s32 $0xC800, s19;
	[smem:$0x7F1] =	sst s13  }
0x30: {  	s25 =	sadd.s32 $0x20, s7;
	s20 =	sadd.s32 $0x10400, s19;
	[smem:$0x7F4] =	sst s16  }
0x31: {  	s26 =	sadd.s32 s29, s25;
	[smem:$0x7F7] =	sst s20  }
0x32: {  	s7 =	sadd.s32 $0x4E0, s7;
	s10 =	sadd.s32 s6, s25;
	[dreg:$0x14] =	wrdreg s26  }
0x33: {  	s17 =	sadd.s32 s29, s7;
	[dreg:$0x15] =	wrdreg s10  }
0x34: {  	s7 =	sadd.s32 s6, s7;
	[dreg:$0x18] =	wrdreg s17  }
0x35: {  	s25 =	sadd.s32 $0x12480, s3;
	[dreg:$0x19] =	wrdreg s7  }
0x36: {  	s15 =	sadd.s32 $0x8CC00, s1;
	[dreg:$0x1c] =	wrdreg s25  }
0x37: {  	s24 =	sadd.s32 $0x96C00, s1;
	[smem:$0x7DE] =	sst s15  }
0x38: {  	s21 =	sadd.s32 $0x11800, s19;
	[smem:$0x7E6] =	sst s24  }
0x39: {  	s28 =	simm.s32 $0xB440;
	s23 =	sadd.s32 $0x8E400, s1;
	[smem:$0x7F8] =	sst s21  }
0x3a: {  	s30 =	simm.s32 $0x17640;
	s26 =	sadd.s32 $0x12C80, s3;
	[smem:$0x7FA] =	sst s23  }
0x3b: {  	s31 =	simm.s32 $0x2;
	s3 =	sadd.s32 $0x13480, s3;
	[dreg:$0x1d] =	wrdreg s26  }
0x3c: {  	s5 =	simm.s32 $0x9C40;
	s17 =	sadd.s32 $0x8F400, s1;
	[dreg:$0x1e] =	wrdreg s3  }
0x3d: {  	s7 =	sadd.s32 s18, s1;
	s18 =	sadd.s32 $0x90800, s1;
	[smem:$0x7E0] =	sst s17  }
0x3e: {  	s10 =	sadd.s32 s22, s1;
	s22 =	sadd.s32 $0x94400, s1;
	[smem:$0x7E1] =	sst s18  }
0x3f: {  	s14 =	simm.s32 $0x6;
	s25 =	sadd.s32 $0x98000, s1;
	[smem:$0x7E4] =	sst s22  }
0x40: {  	s11 =	simm.s32 $0x3;
	s15 =	sadd.s32 $0xB400, s19;
	[smem:$0x7E7] =	sst s25  }
0x41: {  	s12 =	simm.s32 $0x4;
	s24 =	sadd.s32 $0x92400, s1;
	[smem:$0x7F3] =	sst s15  }
0x42: {  	s16 =	simm.s32 $0xB2C0;
	s0 =	sshrl.u32 @!p0 s7, $0x3;
	[smem:$0x7FB] =	sst s24  }
0x43: {  	s20 =	simm.s32 $0xB340;
	s26 =	sadd.s32 $0x99400, s1;
	[smem:$0x7D8] =	sst s0  }
0x44: {  	s13 =	simm.s32 $0x5;
	s3 =	sadd.s32 $0x9A800, s1;
	[smem:$0x7E8] =	sst s26  }
0x45: {  	s21 =	simm.s32 $0xF640;
	s7 =	sadd.s32 $0x1400, s19;
	[smem:$0x7E9] =	sst s3  }
0x46: {  	s23 =	simm.s32 $0xB3C0;
	s17 =	sadd.s32 $0xDC00, s19;
	[smem:$0x7EB] =	sst s7  }
0x47: {  	s18 =	sadd.s32 $0xF000, s19;
	s22 =	sadd.s32 $0x12C00, s19;
	[smem:$0x7F5] =	sst s17  }
0x48: {  	s25 =	sadd.s32 $0x96400, s1;
	s15 =	simm.s32 $0xB040;
	[smem:$0x7F6] =	sst s18  }
0x49: {  	s24 =	simm.s32 $0x13640;
	s0 =	sshrl.u32 @!p0 s8, $0x3;
	[smem:$0x7F9] =	sst s22  }
0x4a: {  	s8 =	sadd.s32 $0x2800, s19;
	[smem:$0x7FC] =	sst s25;
	s26 =	sadd.s32 $0x9A400, s1  }
0x4b: {  	s17 =	simm.s32 $0x80;
	s18 =	simm.s32 $0xB640;
	[smem:$0x7D9] =	sst s0  }
0x4c: {  	s25 =	simm.s32 $0x1;
	s7 =	simm.s32 $0xB4C0;
	[smem:$0x7EC] =	sst s8  }
0x4d: {  	s22 =	simm.s32 $0xF640;
	s0 =	sshrl.u32 @!p0 s9, $0x3;
	[smem:$0x7FD] =	sst s26  }
0x4e: {  	s9 =	sadd.s32 $0x3C00, s19;
	s26 =	simm.s32 $0xB1C0;
	[smem:$0x7DA] =	sst s0  }
0x4f: {  	s8 =	simm.s32 $0x0;
	s0 =	sshrl.u32 @!p0 s10, $0x3;
	[smem:$0x7ED] =	sst s9  }
0x50: {  	s10 =	sadd.s32 $0x5000, s19;
	s19 =	simm.s32 $0xB0C0;
	[smem:$0x7DB] =	sst s0  }
0x51: {  	[smem:$0x7EE] =	sst s10;
	s0 =	simm.s32 $0xB240;
	s10 =	simm.s32 $0x1B640  }
.LBB2_1:
.Ltmp0:
0x52: {  	s3 =	rddreg [dreg:$0xb];
	(pc) =	sbr.rel @p0 .LBB2_3-.Ltmp0, $4  }
0x53: {  	[tilespmem:s5], [sflag:$0x6] =	stream.linear.gather [hbm4b:s3+s2], $0x1400, $0x38;
	[tilespmem:$0x1F640] =	vst v63  }
0x54: {  	_ =	swait.ge [sflag:s14], $0x1400  }
0x55: {  	[sflag:s14] =	ssyncset.done $0x0  }
0x56: {  	[smem:$0x7D6] =	sst s8;
	[sflag:s14] =	ssyncadd.s32 $0xFFFFEC00  }
0x57: {  	s3 =	rddreg [dreg:$0xc]  }
0x58: {  	[spmem:s3] =	stream.linear.scatter [tilespmem:s5], [sflag:$0x6], $0x1400, $0x38;
	[tilespmem:$0x1F640] =	vst v63  }
0x59: {  	_ =	swait.ge [sflag:s14], $0x1400  }
0x5a: {  	s9 =	sld [smem:$0x7EB]  }
0x5b: {  	[sflag:s14] =	ssyncset.done $0x0  }
0x5c: {  	[sflag:s14] =	ssyncadd.s32 $0xFFFFEC00  }
0x5d: {  	[spmem:s9] =	stream.linear.scatter [tilespmem:s5], [sflag:$0x6], $0x1400, $0x38;
	[tilespmem:$0x1F640] =	vst v63  }
0x5e: {  	_ =	swait.ge [sflag:s14], $0x1400  }
0x5f: {  	s8 =	sld [smem:$0x7EC]  }
0x60: {  	[sflag:s14] =	ssyncset.done $0x0  }
0x61: {  	[sflag:s14] =	ssyncadd.s32 $0xFFFFEC00  }
0x62: {  	[spmem:s8] =	stream.linear.scatter [tilespmem:s5], [sflag:$0x6], $0x1400, $0x38;
	[tilespmem:$0x1F640] =	vst v63  }
0x63: {  	_ =	swait.ge [sflag:s14], $0x1400  }
0x64: {  	s9 =	sld [smem:$0x7ED]  }
0x65: {  	[sflag:s14] =	ssyncset.done $0x0  }
0x66: {  	[sflag:s14] =	ssyncadd.s32 $0xFFFFEC00  }
0x67: {  	[spmem:s9] =	stream.linear.scatter [tilespmem:s5], [sflag:$0x6], $0x1400, $0x38;
	[tilespmem:$0x1F640] =	vst v63  }
0x68: {  	_ =	swait.ge [sflag:s14], $0x1400  }
0x69: {  	s8 =	sld [smem:$0x7EE]  }
0x6a: {  	[sflag:s14] =	ssyncset.done $0x0  }
0x6b: {  	[sflag:s14] =	ssyncadd.s32 $0xFFFFEC00  }
0x6c: {  	[spmem:s8] =	stream.linear.scatter [tilespmem:s5], [sflag:$0x6], $0x1400, $0x38;
	[tilespmem:$0x1F640] =	vst v63  }
0x6d: {  	_ =	swait.ge [sflag:s14], $0x1400  }
0x6e: {  	s9 =	sld [smem:$0x7EF]  }
0x6f: {  	[sflag:s14] =	ssyncset.done $0x0  }
0x70: {  	[sflag:s14] =	ssyncadd.s32 $0xFFFFEC00  }
0x71: {  	[spmem:s9] =	stream.linear.scatter [tilespmem:s5], [sflag:$0x6], $0x1400, $0x38;
	[tilespmem:$0x1F640] =	vst v63  }
0x72: {  	_ =	swait.ge [sflag:s14], $0x1400  }
0x73: {  	s8 =	sld [smem:$0x7F0]  }
0x74: {  	[sflag:s14] =	ssyncset.done $0x0  }
0x75: {  	[sflag:s14] =	ssyncadd.s32 $0xFFFFEC00  }
0x76: {  	[spmem:s8] =	stream.linear.scatter [tilespmem:s5], [sflag:$0x6], $0x1400, $0x38;
	[tilespmem:$0x1F640] =	vst v63  }
0x77: {  	_ =	swait.ge [sflag:s14], $0x1400  }
0x78: {  	s9 =	sld [smem:$0x7F1]  }
0x79: {  	[sflag:s14] =	ssyncset.done $0x0  }
0x7a: {  	[sflag:s14] =	ssyncadd.s32 $0xFFFFEC00  }
0x7b: {  	[spmem:s9] =	stream.linear.scatter [tilespmem:s5], [sflag:$0x6], $0x1400, $0x38;
	[tilespmem:$0x1F640] =	vst v63  }
0x7c: {  	_ =	swait.ge [sflag:s14], $0x1400  }
0x7d: {  	s8 =	sld [smem:$0x7F2]  }
0x7e: {  	[sflag:s14] =	ssyncset.done $0x0  }
0x7f: {  	[sflag:s14] =	ssyncadd.s32 $0xFFFFEC00  }
0x80: {  	[spmem:s8] =	stream.linear.scatter [tilespmem:s5], [sflag:$0x6], $0x1400, $0x38;
	[tilespmem:$0x1F640] =	vst v63  }
0x81: {  	_ =	swait.ge [sflag:s14], $0x1400  }
0x82: {  	s9 =	sld [smem:$0x7F3]  }
0x83: {  	[sflag:s14] =	ssyncset.done $0x0  }
0x84: {  	[sflag:s14] =	ssyncadd.s32 $0xFFFFEC00  }
0x85: {  	[spmem:s9] =	stream.linear.scatter [tilespmem:s5], [sflag:$0x6], $0x1400, $0x38;
	[tilespmem:$0x1F640] =	vst v63  }
0x86: {  	_ =	swait.ge [sflag:s14], $0x1400  }
0x87: {  	s8 =	sld [smem:$0x7F4]  }
0x88: {  	[sflag:s14] =	ssyncset.done $0x0  }
0x89: {  	[sflag:s14] =	ssyncadd.s32 $0xFFFFEC00  }
0x8a: {  	[spmem:s8] =	stream.linear.scatter [tilespmem:s5], [sflag:$0x6], $0x1400, $0x38;
	[tilespmem:$0x1F640] =	vst v63  }
0x8b: {  	_ =	swait.ge [sflag:s14], $0x1400  }
0x8c: {  	s9 =	sld [smem:$0x7F5]  }
0x8d: {  	[sflag:s14] =	ssyncset.done $0x0  }
0x8e: {  	[sflag:s14] =	ssyncadd.s32 $0xFFFFEC00  }
0x8f: {  	[spmem:s9] =	stream.linear.scatter [tilespmem:s5], [sflag:$0x6], $0x1400, $0x38;
	[tilespmem:$0x1F640] =	vst v63  }
0x90: {  	_ =	swait.ge [sflag:s14], $0x1400  }
0x91: {  	s8 =	sld [smem:$0x7F6]  }
0x92: {  	[sflag:s14] =	ssyncset.done $0x0  }
0x93: {  	[sflag:s14] =	ssyncadd.s32 $0xFFFFEC00  }
0x94: {  	[spmem:s8] =	stream.linear.scatter [tilespmem:s5], [sflag:$0x6], $0x1400, $0x38;
	[tilespmem:$0x1F640] =	vst v63  }
0x95: {  	_ =	swait.ge [sflag:s14], $0x1400  }
0x96: {  	s9 =	sld [smem:$0x7F7]  }
0x97: {  	[sflag:s14] =	ssyncset.done $0x0  }
0x98: {  	[sflag:s14] =	ssyncadd.s32 $0xFFFFEC00  }
0x99: {  	[spmem:s9] =	stream.linear.scatter [tilespmem:s5], [sflag:$0x6], $0x1400, $0x38;
	[tilespmem:$0x1F640] =	vst v63  }
0x9a: {  	_ =	swait.ge [sflag:s14], $0x1400  }
0x9b: {  	s8 =	sld [smem:$0x7F8]  }
0x9c: {  	[sflag:s14] =	ssyncset.done $0x0  }
0x9d: {  	[sflag:s14] =	ssyncadd.s32 $0xFFFFEC00  }
0x9e: {  	[spmem:s8] =	stream.linear.scatter [tilespmem:s5], [sflag:$0x6], $0x1400, $0x38;
	[tilespmem:$0x1F640] =	vst v63  }
0x9f: {  	_ =	swait.ge [sflag:s14], $0x1400  }
0xa0: {  	s9 =	sld [smem:$0x7F9]  }
0xa1: {  	[sflag:s14] =	ssyncset.done $0x0  }
.Ltmp1:
0xa2: {  	[sflag:s14] =	ssyncadd.s32 $0xFFFFEC00;
	(pc) =	sbr.rel .LBB2_4-.Ltmp1, $4  }
0xa3: {  	[spmem:s9] =	stream.linear.scatter [tilespmem:s5], [sflag:$0x6], $0x1000, $0x38;
	[tilespmem:$0x1F640] =	vst v63  }
0xa4: {  	_ =	swait.ge [sflag:s14], $0x1000  }
0xa5: {  	[sflag:s14] =	ssyncset.done $0x0  }
0xa6: {  	p2 =	por $0x0, $0x0;
	s9 =	simm.s32 $0xB140;
	[sflag:s14] =	ssyncadd.s32 $0xFFFFF000  }
.LBB2_3:
0xa7: {  	s5 =	sld [smem:$0x7DC];
	_ =	sdelay $0x1  }
0xa8: {  	s3 =	simm.s32 @!p1 $0x9C40;
	s8 =	simm.s32 @!p1 $0x6  }
0xa9: {  	[spmem:s5] =	stream.linear.scatter @!p1 [tilespmem:s3], [sflag:$0x6], $0x1400, $0x38;
	[tilespmem:$0x1F640] =	vst v63  }
0xaa: {  	_ =	swait.ge @!p1 [sflag:s8], $0x1400  }
0xab: {  	s5 =	sld [smem:$0x7DD]  }
0xac: {  	[sflag:s8] =	ssyncset.done @!p1 $0x0  }
0xad: {  	[sflag:s8] =	ssyncadd.s32 @!p1 $0xFFFFEC00  }
0xae: {  	[spmem:s5] =	stream.linear.scatter @!p1 [tilespmem:s3], [sflag:$0x6], $0x1400, $0x38;
	[tilespmem:$0x1F640] =	vst v63  }
0xaf: {  	_ =	swait.ge @!p1 [sflag:s8], $0x1400  }
0xb0: {  	s5 =	sld [smem:$0x7DE]  }
0xb1: {  	[sflag:s8] =	ssyncset.done @!p1 $0x0  }
0xb2: {  	[sflag:s8] =	ssyncadd.s32 @!p1 $0xFFFFEC00  }
0xb3: {  	[spmem:s5] =	stream.linear.scatter @!p1 [tilespmem:s3], [sflag:$0x6], $0x1400, $0x38;
	[tilespmem:$0x1F640] =	vst v63  }
0xb4: {  	_ =	swait.ge @!p1 [sflag:s8], $0x1400  }
0xb5: {  	s5 =	sld [smem:$0x7DF]  }
0xb6: {  	[sflag:s8] =	ssyncset.done @!p1 $0x0  }
0xb7: {  	[sflag:s8] =	ssyncadd.s32 @!p1 $0xFFFFEC00  }
0xb8: {  	[spmem:s5] =	stream.linear.scatter @!p1 [tilespmem:s3], [sflag:$0x6], $0x1400, $0x38;
	[tilespmem:$0x1F640] =	vst v63  }
0xb9: {  	_ =	swait.ge @!p1 [sflag:s8], $0x1400  }
0xba: {  	s5 =	sld [smem:$0x7E0]  }
0xbb: {  	[sflag:s8] =	ssyncset.done @!p1 $0x0  }
0xbc: {  	[sflag:s8] =	ssyncadd.s32 @!p1 $0xFFFFEC00  }
0xbd: {  	[spmem:s5] =	stream.linear.scatter @!p1 [tilespmem:s3], [sflag:$0x6], $0x1400, $0x38;
	[tilespmem:$0x1F640] =	vst v63  }
0xbe: {  	_ =	swait.ge @!p1 [sflag:s8], $0x1400  }
0xbf: {  	s5 =	sld [smem:$0x7E1]  }
0xc0: {  	[sflag:s8] =	ssyncset.done @!p1 $0x0  }
0xc1: {  	[sflag:s8] =	ssyncadd.s32 @!p1 $0xFFFFEC00  }
0xc2: {  	[spmem:s5] =	stream.linear.scatter @!p1 [tilespmem:s3], [sflag:$0x6], $0x1400, $0x38;
	[tilespmem:$0x1F640] =	vst v63  }
0xc3: {  	_ =	swait.ge @!p1 [sflag:s8], $0x1400  }
0xc4: {  	s5 =	sld [smem:$0x7E2]  }
0xc5: {  	[sflag:s8] =	ssyncset.done @!p1 $0x0  }
0xc6: {  	[sflag:s8] =	ssyncadd.s32 @!p1 $0xFFFFEC00  }
0xc7: {  	[spmem:s5] =	stream.linear.scatter @!p1 [tilespmem:s3], [sflag:$0x6], $0x1400, $0x38;
	[tilespmem:$0x1F640] =	vst v63  }
0xc8: {  	_ =	swait.ge @!p1 [sflag:s8], $0x1400  }
0xc9: {  	s5 =	sld [smem:$0x7E3]  }
0xca: {  	[sflag:s8] =	ssyncset.done @!p1 $0x0  }
0xcb: {  	[sflag:s8] =	ssyncadd.s32 @!p1 $0xFFFFEC00  }
0xcc: {  	[spmem:s5] =	stream.linear.scatter @!p1 [tilespmem:s3], [sflag:$0x6], $0x1400, $0x38;
	[tilespmem:$0x1F640] =	vst v63  }
0xcd: {  	_ =	swait.ge @!p1 [sflag:s8], $0x1400  }
0xce: {  	s5 =	sld [smem:$0x7E4]  }
0xcf: {  	[sflag:s8] =	ssyncset.done @!p1 $0x0  }
0xd0: {  	[sflag:s8] =	ssyncadd.s32 @!p1 $0xFFFFEC00  }
0xd1: {  	[spmem:s5] =	stream.linear.scatter @!p1 [tilespmem:s3], [sflag:$0x6], $0x1400, $0x38;
	[tilespmem:$0x1F640] =	vst v63  }
0xd2: {  	_ =	swait.ge @!p1 [sflag:s8], $0x1400  }
0xd3: {  	s5 =	sld [smem:$0x7E5]  }
0xd4: {  	[sflag:s8] =	ssyncset.done @!p1 $0x0  }
0xd5: {  	[sflag:s8] =	ssyncadd.s32 @!p1 $0xFFFFEC00  }
0xd6: {  	[spmem:s5] =	stream.linear.scatter @!p1 [tilespmem:s3], [sflag:$0x6], $0x1400, $0x38;
	[tilespmem:$0x1F640] =	vst v63  }
0xd7: {  	_ =	swait.ge @!p1 [sflag:s8], $0x1400  }
0xd8: {  	s5 =	sld [smem:$0x7E6]  }
0xd9: {  	[sflag:s8] =	ssyncset.done @!p1 $0x0  }
0xda: {  	[sflag:s8] =	ssyncadd.s32 @!p1 $0xFFFFEC00  }
0xdb: {  	[spmem:s5] =	stream.linear.scatter @!p1 [tilespmem:s3], [sflag:$0x6], $0x1400, $0x38;
	[tilespmem:$0x1F640] =	vst v63  }
0xdc: {  	_ =	swait.ge @!p1 [sflag:s8], $0x1400  }
0xdd: {  	s5 =	sld [smem:$0x7E7]  }
0xde: {  	[sflag:s8] =	ssyncset.done @!p1 $0x0  }
0xdf: {  	[sflag:s8] =	ssyncadd.s32 @!p1 $0xFFFFEC00  }
0xe0: {  	[spmem:s5] =	stream.linear.scatter @!p1 [tilespmem:s3], [sflag:$0x6], $0x1400, $0x38;
	[tilespmem:$0x1F640] =	vst v63  }
0xe1: {  	_ =	swait.ge @!p1 [sflag:s8], $0x1400  }
0xe2: {  	s5 =	sld [smem:$0x7E8]  }
0xe3: {  	[sflag:s8] =	ssyncset.done @!p1 $0x0  }
0xe4: {  	[sflag:s8] =	ssyncadd.s32 @!p1 $0xFFFFEC00  }
0xe5: {  	[spmem:s5] =	stream.linear.scatter @!p1 [tilespmem:s3], [sflag:$0x6], $0x1400, $0x38;
	[tilespmem:$0x1F640] =	vst v63  }
0xe6: {  	_ =	swait.ge @!p1 [sflag:s8], $0x1400  }
0xe7: {  	s5 =	sld [smem:$0x7E9]  }
0xe8: {  	[sflag:s8] =	ssyncset.done @!p1 $0x0  }
0xe9: {  	[sflag:s8] =	ssyncadd.s32 @!p1 $0xFFFFEC00  }
0xea: {  	[spmem:s5] =	stream.linear.scatter @!p1 [tilespmem:s3], [sflag:$0x6], $0x1400, $0x38;
	[tilespmem:$0x1F640] =	vst v63  }
0xeb: {  	_ =	swait.ge @!p1 [sflag:s8], $0x1400  }
0xec: {  	s5 =	sld [smem:$0x7EA]  }
0xed: {  	[sflag:s8] =	ssyncset.done @!p1 $0x0  }
0xee: {  	[sflag:s8] =	ssyncadd.s32 @!p1 $0xFFFFEC00  }
0xef: {  	[spmem:s5] =	stream.linear.scatter @!p1 [tilespmem:s3], [sflag:$0x6], $0x800, $0x38;
	[tilespmem:$0x1F640] =	vst v63  }
0xf0: {  	_ =	swait.ge @!p1 [sflag:s8], $0x800  }
0xf1: {  	p3 =	por @!p1 $0x1, $0x1;
	p2 =	por $0x0, $0x0;
	[sflag:s8] =	ssyncset.done @!p1 $0x0  }
0xf2: {  	s9 =	simm.s32 $0xB140;
	p2 =	por @!p1 p3, p3;
	[sflag:s8] =	ssyncadd.s32 @!p1 $0xFFFFF800  }
.LBB2_4:
0xf3: {  	[bflag:$0x0] =	sbarrier.arrive $0xFFFF  }
0xf4: {  	s3 =	simm.s32 $0x0;
	s5 =	rddreg [dreg:$0x16]  }
0xf5: {  	[tilespmem:s15], [sflag:$0x6] =	stream.linear.gather [hbm4b:s5+s3], $0x80, $0x38;
	[tilespmem:$0x1F640] =	vst v63  }
0xf6: {  	_ =	swait.ge [sflag:s14], $0x80  }
0xf7: {  	[sflag:s14] =	ssyncset.done $0x0  }
0xf8: {  	s8 =	rddreg [dreg:$0x17];
	[sflag:s14] =	ssyncadd.s32 $0xFFFFFF80  }
0xf9: {  	[tilespmem:s16], [sflag:$0x6] =	stream.linear.gather [hbm4b:s8+s3], $0x80, $0x38;
	[tilespmem:$0x1F640] =	vst v63  }
0xfa: {  	_ =	swait.ge [sflag:s14], $0x80  }
0xfb: {  	[sflag:s14] =	ssyncset.done $0x0  }
0xfc: {  	[sflag:s14] =	ssyncadd.s32 $0xFFFFFF80  }
0xfd: {  	[tilespmem:s18], [sflag:$0x1] =	stream.indirect.gather [hbm4b:s4+s17], $0x80, s15, s17, $0xb8;
	[tilespmem:$0x1F640] =	vst v63  }
0xfe: {  	s8 =	rddreg [dreg:$0x12]  }
0xff: {  	[tilespmem:s19], [sflag:$0x6] =	stream.linear.gather [hbm4b:s8+s3], $0x80, $0x38;
	[tilespmem:$0x1F640] =	vst v63  }
0x100: {  	_ =	swait.ge [sflag:s14], $0x80  }
0x101: {  	[sflag:s14] =	ssyncset.done $0x0  }
0x102: {  	s8 =	rddreg [dreg:$0x13];
	[sflag:s14] =	ssyncadd.s32 $0xFFFFFF80  }
0x103: {  	[tilespmem:s20], [sflag:$0x6] =	stream.linear.gather [hbm4b:s8+s3], $0x80, $0x38;
	[tilespmem:$0x1F640] =	vst v63  }
0x104: {  	_ =	swait.ge [sflag:s14], $0x80  }
0x105: {  	[sflag:s14] =	ssyncset.done $0x0  }
0x106: {  	[sflag:s14] =	ssyncadd.s32 $0xFFFFFF80  }
0x107: {  	[tilespmem:s21], [sflag:$0x2] =	stream.indirect.gather [hbm4b:s4+s17], $0x80, s19, s17, $0xb8;
	[tilespmem:$0x1F640] =	vst v63  }
0x108: {  	s8 =	rddreg [dreg:$0x14]  }
0x109: {  	[tilespmem:s9], [sflag:$0x6] =	stream.linear.gather [hbm4b:s8+s3], $0x80, $0x38;
	[tilespmem:$0x1F640] =	vst v63  }
0x10a: {  	_ =	swait.ge [sflag:s14], $0x80  }
0x10b: {  	[sflag:s14] =	ssyncset.done $0x0  }
0x10c: {  	s8 =	rddreg [dreg:$0x15];
	[sflag:s14] =	ssyncadd.s32 $0xFFFFFF80  }
0x10d: {  	[tilespmem:s23], [sflag:$0x6] =	stream.linear.gather [hbm4b:s8+s3], $0x80, $0x38;
	[tilespmem:$0x1F640] =	vst v63  }
0x10e: {  	_ =	swait.ge [sflag:s14], $0x80  }
0x10f: {  	[sflag:s14] =	ssyncset.done $0x0  }
0x110: {  	[sflag:s14] =	ssyncadd.s32 $0xFFFFFF80  }
0x111: {  	[tilespmem:s24], [sflag:$0x3] =	stream.indirect.gather [hbm4b:s4+s17], $0x80, s9, s17, $0xb8;
	[tilespmem:$0x1F640] =	vst v63  }
0x112: {  	_ =	swait.ge [sflag:s25], $0x4000  }
0x113: {  	[sflag:s25] =	ssyncset.done $0x0  }
0x114: {  	[sflag:s25] =	ssyncadd.s32 $0xFFFFC000  }
0x115: {  	[spmem:s1] =	stream.indirect.scatter.add.f32 [tilespmem:s18], [sflag:$0x6], $0x80, s16, s17, $0xb8;
	[tilespmem:$0x1F640] =	vst v63  }
0x116: {  	_ =	swait.ge [sflag:s14], $0x4000  }
0x117: {  	s5 =	rddreg [dreg:$0xa];
	[sflag:s14] =	ssyncset.done $0x0  }
0x118: {  	[sflag:s14] =	ssyncadd.s32 $0xFFFFC000;
	s3 =	sadd.s32 $0x0, s5  }
0x119: {  	[tilespmem:s26], [sflag:$0x6] =	stream.linear.gather [hbm4b:s3+s2], $0x80, $0x38;
	[tilespmem:$0x1F640] =	vst v63  }
0x11a: {  	_ =	swait.ge [sflag:s14], $0x80  }
0x11b: {  	s8 =	rddreg [dreg:$0x9];
	[sflag:s14] =	ssyncset.done $0x0  }
0x11c: {  	[sflag:s14] =	ssyncadd.s32 $0xFFFFFF80;
	s3 =	sadd.s32 $0x0, s8  }
0x11d: {  	[tilespmem:s28], [sflag:$0x6] =	stream.linear.gather [hbm4b:s3+s2], $0x80, $0x38;
	[tilespmem:$0x1F640] =	vst v63  }
0x11e: {  	_ =	swait.ge [sflag:s14], $0x80  }
0x11f: {  	[sflag:s14] =	ssyncset.done $0x0  }
0x120: {  	[sflag:s14] =	ssyncadd.s32 $0xFFFFFF80  }
0x121: {  	[tilespmem:s30], [sflag:$0x4] =	stream.indirect.gather [hbm4b:s4+s17], $0x80, s26, s17, $0xb8;
	[tilespmem:$0x1F640] =	vst v63  }
0x122: {  	_ =	swait.ge [sflag:s31], $0x4000  }
0x123: {  	[sflag:s31] =	ssyncset.done $0x0  }
0x124: {  	[sflag:s31] =	ssyncadd.s32 $0xFFFFC000  }
0x125: {  	[spmem:s1] =	stream.indirect.scatter.add.f32 [tilespmem:s21], [sflag:$0x6], $0x80, s20, s17, $0xb8;
	[tilespmem:$0x1F640] =	vst v63  }
0x126: {  	_ =	swait.ge [sflag:s14], $0x4000  }
0x127: {  	s5 =	rddreg [dreg:$0x8];
	[sflag:s14] =	ssyncset.done $0x0  }
0x128: {  	[sflag:s14] =	ssyncadd.s32 $0xFFFFC000;
	s3 =	sadd.s32 $0x0, s5  }
0x129: {  	[tilespmem:s0], [sflag:$0x6] =	stream.linear.gather [hbm4b:s3+s2], $0x80, $0x38;
	[tilespmem:$0x1F640] =	vst v63  }
0x12a: {  	_ =	swait.ge [sflag:s14], $0x80  }
0x12b: {  	s8 =	rddreg [dreg:$0x7];
	[sflag:s14] =	ssyncset.done $0x0  }
0x12c: {  	[sflag:s14] =	ssyncadd.s32 $0xFFFFFF80;
	s3 =	sadd.s32 $0x0, s8  }
0x12d: {  	[tilespmem:s7], [sflag:$0x6] =	stream.linear.gather [hbm4b:s3+s2], $0x80, $0x38;
	[tilespmem:$0x1F640] =	vst v63  }
0x12e: {  	_ =	swait.ge [sflag:s14], $0x80  }
0x12f: {  	[sflag:s14] =	ssyncset.done $0x0  }
0x130: {  	[sflag:s14] =	ssyncadd.s32 $0xFFFFFF80  }
0x131: {  	[tilespmem:s10], [sflag:$0x5] =	stream.indirect.gather [hbm4b:s4+s17], $0x80, s0, s17, $0xb8;
	[tilespmem:$0x1F640] =	vst v63  }
0x132: {  	_ =	swait.ge [sflag:s11], $0x4000  }
0x133: {  	[sflag:s11] =	ssyncset.done $0x0  }
0x134: {  	[sflag:s11] =	ssyncadd.s32 $0xFFFFC000  }
0x135: {  	[spmem:s1] =	stream.indirect.scatter.add.f32 [tilespmem:s24], [sflag:$0x6], $0x80, s23, s17, $0xb8;
	[tilespmem:$0x1F640] =	vst v63  }
0x136: {  	_ =	swait.ge [sflag:s14], $0x4000  }
0x137: {  	s5 =	sld [smem:$0x7D7];
	_ =	sdelay $0x2  }
0x138: {  	[sflag:s14] =	ssyncset.done $0x0;
	s3 =	sshrl.u32 s5, $0x3  }
0x139: {  	[sflag:s14] =	ssyncadd.s32 $0xFFFFC000;
	s8 =	sadd.s32 s29, s3  }
0x13a: {  	[tilespmem:s15], [sflag:$0x6] =	stream.linear.gather [hbm4b:s8+s2], $0x80, $0x38;
	[tilespmem:$0x1F640] =	vst v63  }
0x13b: {  	_ =	swait.ge [sflag:s14], $0x80  }
0x13c: {  	[sflag:s14] =	ssyncset.done $0x0  }
0x13d: {  	s3 =	sadd.s32 s6, s3;
	[sflag:s14] =	ssyncadd.s32 $0xFFFFFF80  }
0x13e: {  	[tilespmem:s16], [sflag:$0x6] =	stream.linear.gather [hbm4b:s3+s2], $0x80, $0x38;
	[tilespmem:$0x1F640] =	vst v63  }
0x13f: {  	_ =	swait.ge [sflag:s14], $0x80  }
0x140: {  	[sflag:s14] =	ssyncset.done $0x0  }
0x141: {  	[sflag:s14] =	ssyncadd.s32 $0xFFFFFF80  }
0x142: {  	[tilespmem:s18], [sflag:$0x1] =	stream.indirect.gather [hbm4b:s4+s17], $0x80, s15, s17, $0xb8;
	[tilespmem:$0x1F640] =	vst v63  }
0x143: {  	_ =	swait.ge [sflag:s12], $0x4000  }
0x144: {  	[sflag:s12] =	ssyncset.done $0x0  }
0x145: {  	[sflag:s12] =	ssyncadd.s32 $0xFFFFC000  }
0x146: {  	[spmem:s1] =	stream.indirect.scatter.add.f32 [tilespmem:s30], [sflag:$0x6], $0x80, s28, s17, $0xb8;
	[tilespmem:$0x1F640] =	vst v63  }
0x147: {  	_ =	swait.ge [sflag:s14], $0x4000  }
0x148: {  	s16 =	rddreg [dreg:$0x6];
	[sflag:s14] =	ssyncset.done $0x0  }
0x149: {  	[sflag:s14] =	ssyncadd.s32 $0xFFFFC000;
	s3 =	sadd.s32 $0x0, s16  }
0x14a: {  	[tilespmem:s19], [sflag:$0x6] =	stream.linear.gather [hbm4b:s3+s2], $0x80, $0x38;
	[tilespmem:$0x1F640] =	vst v63  }
0x14b: {  	_ =	swait.ge [sflag:s14], $0x80  }
0x14c: {  	s18 =	rddreg [dreg:$0x5];
	[sflag:s14] =	ssyncset.done $0x0  }
0x14d: {  	[sflag:s14] =	ssyncadd.s32 $0xFFFFFF80;
	s3 =	sadd.s32 $0x0, s18  }
0x14e: {  	[tilespmem:s20], [sflag:$0x6] =	stream.linear.gather [hbm4b:s3+s2], $0x80, $0x38;
	[tilespmem:$0x1F640] =	vst v63  }
0x14f: {  	_ =	swait.ge [sflag:s14], $0x80  }
0x150: {  	[sflag:s14] =	ssyncset.done $0x0  }
0x151: {  	[sflag:s14] =	ssyncadd.s32 $0xFFFFFF80  }
0x152: {  	[tilespmem:s21], [sflag:$0x2] =	stream.indirect.gather [hbm4b:s4+s17], $0x80, s19, s17, $0xb8;
	[tilespmem:$0x1F640] =	vst v63  }
0x153: {  	_ =	swait.ge [sflag:s13], $0x4000  }
0x154: {  	[sflag:s13] =	ssyncset.done $0x0  }
0x155: {  	[sflag:s13] =	ssyncadd.s32 $0xFFFFC000  }
0x156: {  	[spmem:s1] =	stream.indirect.scatter.add.f32 [tilespmem:s10], [sflag:$0x6], $0x80, s7, s17, $0xb8;
	[tilespmem:$0x1F640] =	vst v63  }
0x157: {  	_ =	swait.ge [sflag:s14], $0x4000  }
0x158: {  	s20 =	rddreg [dreg:$0x4];
	[sflag:s14] =	ssyncset.done $0x0  }
0x159: {  	[sflag:s14] =	ssyncadd.s32 $0xFFFFC000;
	s3 =	sadd.s32 $0x0, s20  }
0x15a: {  	[tilespmem:s9], [sflag:$0x6] =	stream.linear.gather [hbm4b:s3+s2], $0x80, $0x38;
	[tilespmem:$0x1F640] =	vst v63  }
0x15b: {  	s8 =	simm.s32 $0x50;
	_ =	swait.ge [sflag:s14], $0x80  }
0x15c: {  	s15 =	smov.u32 s6;
	s21 =	rddreg [dreg:$0x3];
	[sflag:s14] =	ssyncset.done $0x0  }
0x15d: {  	s6 =	smov.u32 s29;
	[sflag:s14] =	ssyncadd.s32 $0xFFFFFF80;
	s3 =	sadd.s32 $0x0, s21  }
0x15e: {  	[tilespmem:s23], [sflag:$0x6] =	stream.linear.gather [hbm4b:s3+s2], $0x80, $0x38;
	[tilespmem:$0x1F640] =	vst v63  }
0x15f: {  	s29 =	sadd.s32 $0x280, s5;
	s16 =	simm.s32 $0xB040;
	_ =	swait.ge [sflag:s14], $0x80  }
0x160: {  	s18 =	simm.s32 $0xB2C0;
	s19 =	simm.s32 $0xB640;
	[sflag:s14] =	ssyncset.done $0x0  }
0x161: {  	s20 =	simm.s32 $0xB0C0;
	s21 =	simm.s32 $0xB340;
	[sflag:s14] =	ssyncadd.s32 $0xFFFFFF80  }
.LBB2_5:
0x162: {  	[tilespmem:s24], [sflag:$0x3] =	stream.indirect.gather [hbm4b:s4+s17], $0x80, s9, s17, $0xb8;
	[tilespmem:$0x1F640] =	vst v63  }
0x163: {  	_ =	swait.ge [sflag:s25], $0x4000  }
0x164: {  	[sflag:s25] =	ssyncset.done $0x0  }
0x165: {  	[sflag:s25] =	ssyncadd.s32 $0xFFFFC000  }
0x166: {  	[spmem:s1] =	stream.indirect.scatter.add.f32 [tilespmem:s19], [sflag:$0x6], $0x80, s18, s17, $0xb8;
	[tilespmem:$0x1F640] =	vst v63  }
0x167: {  	_ =	swait.ge [sflag:s14], $0x4000  }
0x168: {  	s3 =	smov.u32 s8;
	s5 =	rddreg [dreg:$0xa];
	[sflag:s14] =	ssyncset.done $0x0  }
0x169: {  	[sflag:s14] =	ssyncadd.s32 $0xFFFFC000;
	s9 =	sadd.s32 s3, s5  }
0x16a: {  	[tilespmem:s26], [sflag:$0x6] =	stream.linear.gather [hbm4b:s9+s2], $0x80, $0x38;
	[tilespmem:$0x1F640] =	vst v63  }
0x16b: {  	_ =	swait.ge [sflag:s14], $0x80  }
0x16c: {  	s5 =	rddreg [dreg:$0x9];
	[sflag:s14] =	ssyncset.done $0x0  }
0x16d: {  	[sflag:s14] =	ssyncadd.s32 $0xFFFFFF80;
	s9 =	sadd.s32 s3, s5  }
0x16e: {  	[tilespmem:s28], [sflag:$0x6] =	stream.linear.gather [hbm4b:s9+s2], $0x80, $0x38;
	[tilespmem:$0x1F640] =	vst v63  }
0x16f: {  	_ =	swait.ge [sflag:s14], $0x80  }
0x170: {  	[sflag:s14] =	ssyncset.done $0x0  }
0x171: {  	[sflag:s14] =	ssyncadd.s32 $0xFFFFFF80  }
0x172: {  	[tilespmem:s30], [sflag:$0x4] =	stream.indirect.gather [hbm4b:s4+s17], $0x80, s26, s17, $0xb8;
	[tilespmem:$0x1F640] =	vst v63  }
0x173: {  	_ =	swait.ge [sflag:s31], $0x4000  }
0x174: {  	[sflag:s31] =	ssyncset.done $0x0  }
0x175: {  	[sflag:s31] =	ssyncadd.s32 $0xFFFFC000  }
0x176: {  	[spmem:s1] =	stream.indirect.scatter.add.f32 [tilespmem:s22], [sflag:$0x6], $0x80, s21, s17, $0xb8;
	[tilespmem:$0x1F640] =	vst v63  }
0x177: {  	_ =	swait.ge [sflag:s14], $0x4000  }
0x178: {  	s5 =	rddreg [dreg:$0x8];
	[sflag:s14] =	ssyncset.done $0x0  }
0x179: {  	[sflag:s14] =	ssyncadd.s32 $0xFFFFC000;
	s9 =	sadd.s32 s3, s5  }
0x17a: {  	[tilespmem:s0], [sflag:$0x6] =	stream.linear.gather [hbm4b:s9+s2], $0x80, $0x38;
	[tilespmem:$0x1F640] =	vst v63  }
0x17b: {  	_ =	swait.ge [sflag:s14], $0x80  }
0x17c: {  	s5 =	rddreg [dreg:$0x7];
	[sflag:s14] =	ssyncset.done $0x0  }
0x17d: {  	[sflag:s14] =	ssyncadd.s32 $0xFFFFFF80;
	s9 =	sadd.s32 s3, s5  }
0x17e: {  	[tilespmem:s7], [sflag:$0x6] =	stream.linear.gather [hbm4b:s9+s2], $0x80, $0x38;
	[tilespmem:$0x1F640] =	vst v63  }
0x17f: {  	_ =	swait.ge [sflag:s14], $0x80  }
0x180: {  	[sflag:s14] =	ssyncset.done $0x0  }
0x181: {  	[sflag:s14] =	ssyncadd.s32 $0xFFFFFF80  }
0x182: {  	[tilespmem:s10], [sflag:$0x5] =	stream.indirect.gather [hbm4b:s4+s17], $0x80, s0, s17, $0xb8;
	[tilespmem:$0x1F640] =	vst v63  }
0x183: {  	_ =	swait.ge [sflag:s11], $0x4000  }
0x184: {  	[sflag:s11] =	ssyncset.done $0x0  }
0x185: {  	[sflag:s11] =	ssyncadd.s32 $0xFFFFC000  }
0x186: {  	[spmem:s1] =	stream.indirect.scatter.add.f32 [tilespmem:s24], [sflag:$0x6], $0x80, s23, s17, $0xb8;
	[tilespmem:$0x1F640] =	vst v63  }
0x187: {  	_ =	swait.ge [sflag:s14], $0x4000  }
0x188: {  	s9 =	sshrl.u32 s29, $0x3;
	[sflag:s14] =	ssyncset.done $0x0  }
0x189: {  	s5 =	sadd.s32 s6, s9;
	[sflag:s14] =	ssyncadd.s32 $0xFFFFC000  }
0x18a: {  	[tilespmem:s16], [sflag:$0x6] =	stream.linear.gather [hbm4b:s5+s2], $0x80, $0x38;
	[tilespmem:$0x1F640] =	vst v63  }
0x18b: {  	_ =	swait.ge [sflag:s14], $0x80  }
0x18c: {  	[sflag:s14] =	ssyncset.done $0x0  }
0x18d: {  	s5 =	sadd.s32 s15, s9;
	[sflag:s14] =	ssyncadd.s32 $0xFFFFFF80  }
0x18e: {  	[tilespmem:s18], [sflag:$0x6] =	stream.linear.gather [hbm4b:s5+s2], $0x80, $0x38;
	[tilespmem:$0x1F640] =	vst v63  }
0x18f: {  	_ =	swait.ge [sflag:s14], $0x80  }
0x190: {  	[sflag:s14] =	ssyncset.done $0x0  }
0x191: {  	[sflag:s14] =	ssyncadd.s32 $0xFFFFFF80  }
0x192: {  	[tilespmem:s19], [sflag:$0x1] =	stream.indirect.gather [hbm4b:s4+s17], $0x80, s16, s17, $0xb8;
	[tilespmem:$0x1F640] =	vst v63  }
0x193: {  	_ =	swait.ge [sflag:s12], $0x4000  }
0x194: {  	[sflag:s12] =	ssyncset.done $0x0  }
0x195: {  	[sflag:s12] =	ssyncadd.s32 $0xFFFFC000  }
0x196: {  	[spmem:s1] =	stream.indirect.scatter.add.f32 [tilespmem:s30], [sflag:$0x6], $0x80, s28, s17, $0xb8;
	[tilespmem:$0x1F640] =	vst v63  }
0x197: {  	_ =	swait.ge [sflag:s14], $0x4000  }
0x198: {  	s5 =	rddreg [dreg:$0x6];
	[sflag:s14] =	ssyncset.done $0x0  }
0x199: {  	[sflag:s14] =	ssyncadd.s32 $0xFFFFC000;
	s5 =	sadd.s32 s3, s5  }
0x19a: {  	[tilespmem:s20], [sflag:$0x6] =	stream.linear.gather [hbm4b:s5+s2], $0x80, $0x38;
	[tilespmem:$0x1F640] =	vst v63  }
0x19b: {  	_ =	swait.ge [sflag:s14], $0x80  }
0x19c: {  	s5 =	rddreg [dreg:$0x5];
	[sflag:s14] =	ssyncset.done $0x0  }
0x19d: {  	[sflag:s14] =	ssyncadd.s32 $0xFFFFFF80;
	s5 =	sadd.s32 s3, s5  }
0x19e: {  	[tilespmem:s21], [sflag:$0x6] =	stream.linear.gather [hbm4b:s5+s2], $0x80, $0x38;
	[tilespmem:$0x1F640] =	vst v63  }
0x19f: {  	_ =	swait.ge [sflag:s14], $0x80  }
0x1a0: {  	[sflag:s14] =	ssyncset.done $0x0  }
0x1a1: {  	[sflag:s14] =	ssyncadd.s32 $0xFFFFFF80  }
0x1a2: {  	[tilespmem:s22], [sflag:$0x2] =	stream.indirect.gather [hbm4b:s4+s17], $0x80, s20, s17, $0xb8;
	[tilespmem:$0x1F640] =	vst v63  }
0x1a3: {  	_ =	swait.ge [sflag:s13], $0x4000  }
0x1a4: {  	[sflag:s13] =	ssyncset.done $0x0  }
0x1a5: {  	[sflag:s13] =	ssyncadd.s32 $0xFFFFC000  }
0x1a6: {  	[spmem:s1] =	stream.indirect.scatter.add.f32 [tilespmem:s10], [sflag:$0x6], $0x80, s7, s17, $0xb8;
	[tilespmem:$0x1F640] =	vst v63  }
0x1a7: {  	_ =	swait.ge [sflag:s14], $0x4000  }
0x1a8: {  	s5 =	rddreg [dreg:$0x4];
	[sflag:s14] =	ssyncset.done $0x0  }
0x1a9: {  	s9 =	simm.s32 $0xB140;
	[sflag:s14] =	ssyncadd.s32 $0xFFFFC000;
	s5 =	sadd.s32 s3, s5  }
0x1aa: {  	[tilespmem:s9], [sflag:$0x6] =	stream.linear.gather [hbm4b:s5+s2], $0x80, $0x38;
	[tilespmem:$0x1F640] =	vst v63  }
0x1ab: {  	_ =	swait.ge [sflag:s14], $0x80  }
0x1ac: {  	p3 =	sne.s32 s8, $0x460;
	s5 =	rddreg [dreg:$0x3];
	[sflag:s14] =	ssyncset.done $0x0  }
.Ltmp2:
0x1ad: {  	[sflag:s14] =	ssyncadd.s32 $0xFFFFFF80;
	s3 =	sadd.s32 s3, s5;
	(pc) =	sbr.rel @p3 .LBB2_5-.Ltmp2, $4  }
0x1ae: {  	[tilespmem:s23], [sflag:$0x6] =	stream.linear.gather [hbm4b:s3+s2], $0x80, $0x38;
	[tilespmem:$0x1F640] =	vst v63  }
0x1af: {  	_ =	swait.ge [sflag:s14], $0x80  }
0x1b0: {  	[sflag:s14] =	ssyncset.done $0x0  }
0x1b1: {  	s8 =	sadd.s32 $0x50, s8;
	s29 =	sadd.s32 $0x280, s29;
	[sflag:s14] =	ssyncadd.s32 $0xFFFFFF80  }
0x1b2: {  	[tilespmem:s24], [sflag:$0x3] =	stream.indirect.gather [hbm4b:s4+s17], $0x80, s9, s17, $0xb8;
	[tilespmem:$0x1F640] =	vst v63  }
0x1b3: {  	_ =	swait.ge [sflag:s25], $0x4000  }
0x1b4: {  	[sflag:s25] =	ssyncset.done $0x0  }
0x1b5: {  	[sflag:s25] =	ssyncadd.s32 $0xFFFFC000  }
0x1b6: {  	[spmem:s1] =	stream.indirect.scatter.add.f32 [tilespmem:s19], [sflag:$0x6], $0x80, s18, s17, $0xb8;
	[tilespmem:$0x1F640] =	vst v63  }
0x1b7: {  	_ =	swait.ge [sflag:s14], $0x4000  }
0x1b8: {  	[sflag:s14] =	ssyncset.done $0x0  }
0x1b9: {  	[sflag:s14] =	ssyncadd.s32 $0xFFFFC000  }
0x1ba: {  	_ =	swait.ge [sflag:s31], $0x4000  }
0x1bb: {  	[sflag:s31] =	ssyncset.done $0x0  }
0x1bc: {  	[sflag:s31] =	ssyncadd.s32 $0xFFFFC000  }
0x1bd: {  	[spmem:s1] =	stream.indirect.scatter.add.f32 [tilespmem:s22], [sflag:$0x6], $0x80, s21, s17, $0xb8;
	[tilespmem:$0x1F640] =	vst v63  }
0x1be: {  	_ =	swait.ge [sflag:s14], $0x4000  }
0x1bf: {  	[sflag:s14] =	ssyncset.done $0x0  }
0x1c0: {  	[sflag:s14] =	ssyncadd.s32 $0xFFFFC000  }
0x1c1: {  	_ =	swait.ge [sflag:s11], $0x4000  }
0x1c2: {  	[sflag:s11] =	ssyncset.done $0x0  }
0x1c3: {  	[sflag:s11] =	ssyncadd.s32 $0xFFFFC000  }
0x1c4: {  	[spmem:s1] =	stream.indirect.scatter.add.f32 [tilespmem:s24], [sflag:$0x6], $0x80, s23, s17, $0xb8;
	[tilespmem:$0x1F640] =	vst v63  }
0x1c5: {  	_ =	swait.ge [sflag:s14], $0x4000  }
0x1c6: {  	[sflag:s14] =	ssyncset.done $0x0  }
0x1c7: {  	s5 =	simm.s32 $0xB540;
	s3 =	rddreg [dreg:$0x18];
	[sflag:s14] =	ssyncadd.s32 $0xFFFFC000  }
0x1c8: {  	[tilespmem:s5], [sflag:$0x6] =	stream.linear.gather [hbm4b:s3+s2], $0x10, $0x38;
	[tilespmem:$0x1F640] =	vst v63  }
0x1c9: {  	_ =	swait.ge [sflag:s14], $0x10  }
0x1ca: {  	[sflag:s14] =	ssyncset.done $0x0  }
0x1cb: {  	s8 =	simm.s32 $0xB5C0;
	s16 =	rddreg [dreg:$0x19];
	[sflag:s14] =	ssyncadd.s32 $0xFFFFFFF0  }
0x1cc: {  	[tilespmem:s8], [sflag:$0x6] =	stream.linear.gather [hbm4b:s16+s2], $0x10, $0x38;
	[tilespmem:$0x1F640] =	vst v63  }
0x1cd: {  	_ =	swait.ge [sflag:s14], $0x10  }
0x1ce: {  	[sflag:s14] =	ssyncset.done $0x0  }
0x1cf: {  	s18 =	simm.s32 $0x10;
	[sflag:s14] =	ssyncadd.s32 $0xFFFFFFF0  }
0x1d0: {  	[tilespmem:s19], [sflag:$0x1] =	stream.indirect.gather [hbm4b:s4+s18], $0x80, s5, s18, $0xb8;
	[tilespmem:$0x1F640] =	vst v63  }
0x1d1: {  	_ =	swait.ge [sflag:s25], $0x800  }
0x1d2: {  	[sflag:s25] =	ssyncset.done $0x0  }
0x1d3: {  	[sflag:s25] =	ssyncadd.s32 $0xFFFFF800  }
0x1d4: {  	[spmem:s1] =	stream.indirect.scatter.add.f32 [tilespmem:s19], [sflag:$0x6], $0x80, s8, s18, $0xb8;
	[tilespmem:$0x1F640] =	vst v63  }
0x1d5: {  	_ =	swait.ge [sflag:s14], $0x800  }
0x1d6: {  	[sflag:s14] =	ssyncset.done $0x0  }
0x1d7: {  	[sflag:s14] =	ssyncadd.s32 $0xFFFFF800  }
0x1d8: {  	s8 =	stileid.u32;
	[bflag:$0x0] =	sbarrier.arrive $0xFFFF  }
0x1d9: {  	s3 =	sshll.u32 @!p0 s8, $0x6;
	s5 =	rddreg [dreg:$0xc]  }
0x1da: {  	s3 =	sor.u32 @!p0 $0x1C06, s3;
	s9 =	rddreg [dreg:$0xd];
	s5 =	sshrl.u32 @!p0 s5, $0x3  }
0x1db: {  	[hbm:s9], [sflag:s3] =	dma.local @!p0 [spmem:s5], $0x800  }
0x1dc: {  	s5 =	simm.s32 @!p0 $0x6  }
0x1dd: {  	_ =	swait.ge @!p0 [sflag:s5], $0x800  }
0x1de: {  	s29 =	sld [smem:$0x7D8]  }
0x1df: {  	[sflag:s5] =	ssyncset.done @!p0 $0x0  }
0x1e0: {  	s9 =	rddreg [dreg:$0xe];
	[sflag:s5] =	ssyncadd.s32 @!p0 $0xFFFFF800  }
0x1e1: {  	[hbm:s9], [sflag:s3] =	dma.local @!p0 [spmem:s29], $0x800  }
0x1e2: {  	_ =	swait.ge @!p0 [sflag:s5], $0x800  }
0x1e3: {  	s29 =	sld [smem:$0x7D9]  }
0x1e4: {  	[sflag:s5] =	ssyncset.done @!p0 $0x0  }
0x1e5: {  	s9 =	rddreg [dreg:$0xf];
	[sflag:s5] =	ssyncadd.s32 @!p0 $0xFFFFF800  }
0x1e6: {  	[hbm:s9], [sflag:s3] =	dma.local @!p0 [spmem:s29], $0x800  }
0x1e7: {  	_ =	swait.ge @!p0 [sflag:s5], $0x800  }
0x1e8: {  	s29 =	sld [smem:$0x7DA]  }
0x1e9: {  	[sflag:s5] =	ssyncset.done @!p0 $0x0  }
0x1ea: {  	s9 =	rddreg [dreg:$0x10];
	[sflag:s5] =	ssyncadd.s32 @!p0 $0xFFFFF800  }
0x1eb: {  	[hbm:s9], [sflag:s3] =	dma.local @!p0 [spmem:s29], $0x800  }
0x1ec: {  	_ =	swait.ge @!p0 [sflag:s5], $0x800  }
0x1ed: {  	s29 =	sld [smem:$0x7DB]  }
0x1ee: {  	[sflag:s5] =	ssyncset.done @!p0 $0x0  }
0x1ef: {  	s9 =	rddreg [dreg:$0x11];
	[sflag:s5] =	ssyncadd.s32 @!p0 $0xFFFFF800  }
0x1f0: {  	[hbm:s9], [sflag:s3] =	dma.local @!p0 [spmem:s29], $0x780  }
0x1f1: {  	_ =	swait.ge @!p0 [sflag:s5], $0x780  }
0x1f2: {  	[sflag:s5] =	ssyncset.done @!p0 $0x0  }
0x1f3: {  	[sflag:s5] =	ssyncadd.s32 @!p0 $0xFFFFF880;
	s5 =	sld [smem:$0x7DC];
	_ =	sdelay $0x1  }
0x1f4: {  	s3 =	sshll.u32 @p2 s8, $0x6  }
0x1f5: {  	s3 =	sor.u32 @p2 $0x1C06, s3;
	s8 =	rddreg [dreg:$0x1a];
	s5 =	sshrl.u32 @p2 s5, $0x3  }
0x1f6: {  	[hbm:s8], [sflag:s3] =	dma.local @p2 [spmem:s5], $0x800  }
0x1f7: {  	s5 =	simm.s32 @p2 $0x6  }
0x1f8: {  	_ =	swait.ge @p2 [sflag:s5], $0x800  }
0x1f9: {  	s8 =	sld [smem:$0x7FA];
	_ =	sdelay $0x1  }
0x1fa: {  	[sflag:s5] =	ssyncset.done @p2 $0x0  }
0x1fb: {  	s29 =	rddreg [dreg:$0x1b];
	[sflag:s5] =	ssyncadd.s32 @p2 $0xFFFFF800;
	s8 =	sshrl.u32 @p2 s8, $0x3  }
0x1fc: {  	[hbm:s29], [sflag:s3] =	dma.local @p2 [spmem:s8], $0x800  }
0x1fd: {  	_ =	swait.ge @p2 [sflag:s5], $0x800  }
0x1fe: {  	s8 =	sld [smem:$0x7FB];
	_ =	sdelay $0x1  }
0x1ff: {  	[sflag:s5] =	ssyncset.done @p2 $0x0  }
0x200: {  	s29 =	rddreg [dreg:$0x1c];
	[sflag:s5] =	ssyncadd.s32 @p2 $0xFFFFF800;
	s8 =	sshrl.u32 @p2 s8, $0x3  }
0x201: {  	[hbm:s29], [sflag:s3] =	dma.local @p2 [spmem:s8], $0x800  }
0x202: {  	_ =	swait.ge @p2 [sflag:s5], $0x800  }
0x203: {  	s8 =	sld [smem:$0x7FC];
	_ =	sdelay $0x1  }
0x204: {  	[sflag:s5] =	ssyncset.done @p2 $0x0  }
0x205: {  	s29 =	rddreg [dreg:$0x1d];
	[sflag:s5] =	ssyncadd.s32 @p2 $0xFFFFF800;
	s8 =	sshrl.u32 @p2 s8, $0x3  }
0x206: {  	[hbm:s29], [sflag:s3] =	dma.local @p2 [spmem:s8], $0x800  }
0x207: {  	_ =	swait.ge @p2 [sflag:s5], $0x800  }
0x208: {  	s8 =	sld [smem:$0x7FD];
	_ =	sdelay $0x1  }
0x209: {  	[sflag:s5] =	ssyncset.done @p2 $0x0  }
0x20a: {  	s29 =	rddreg [dreg:$0x1e];
	[sflag:s5] =	ssyncadd.s32 @p2 $0xFFFFF800;
	s8 =	sshrl.u32 @p2 s8, $0x3  }
0x20b: {  	[hbm:s29], [sflag:s3] =	dma.local @p2 [spmem:s8], $0x400  }
0x20c: {  	_ =	swait.ge @p2 [sflag:s5], $0x400  }
0x20d: {  	s20 =	sld [smem:$0x7D6];
	_ =	sdelay $0x2  }
0x20e: {  	s21 =	rddreg [dreg:$0x1f];
	s8 =	sadd.s32 $0x1, s20  }
0x20f: {  	p3 =	sne.s32 s8, s21  }
.Ltmp3:
0x210: {  	_ = 	snop;
	(pc) =	sbr.rel @p3 .LBB2_1-.Ltmp3, $4  }
0x211: {  	s16 =	simm.s32 $0xB2C0;
	s18 =	simm.s32 $0xB640;
	s19 =	simm.s32 $0xB0C0  }
0x212: {  	s9 =	stileid.u32;
	s29 =	smov.u32 s6;
	[sflag:s5] =	ssyncset.done @p2 $0x0  }
0x213: {  	s6 =	smov.u32 s15;
	s15 =	simm.s32 $0xB040;
	[sflag:s5] =	ssyncadd.s32 @p2 $0xFFFFFC00  }
0x214: {  	s5 =	simm.s32 $0x9C40;
	s20 =	simm.s32 $0xB340;
	s21 =	simm.s32 $0xF640  }
0x215: {  	_ =	sfence.sel $0x180000  }
0x216: {  	[bflag:$0x0] =	sbarrier.arrive $0xFFFF  }
0x217: {  	_ =	strace $0x9000004D  }
0x218: {  	[bflag:$0x2] =	sbarrier.arrive $0xFFFF  }
0x219: {  	p0 =	sne.s32 s9, $0x0;
	s0 =	rddreg [dreg:$0x2]  }
0x21a: {  	s0 =	sadd.s32 @!p0 $0x100000, s0  }
0x21b: {  	[sflag:s0] =	ssyncadd.tile.s32 @!p0 $0x1;
	_ =	shalt  }
.Lfunc_end2:
_tile_overlayer_lowered:
.L_overlay_start_2:
0x21c: {  	(tag) =	ssettag $0x2  }
0x21d: {  	s0 =	rddreg [dreg:$0x0];
	s2 =	stileid.u32  }
0x21e: {  	s1 =	rddreg [dreg:$0x1];
	p0 =	sne.s32 s2, $0x0  }
0x21f: {  	s3 =	rddreg [dreg:$0x2];
	[bflag:$0x3] =	sbarrier.arrive $0xFFFF;
	s2 =	simm.s32 @!p0 $0x1C06  }
0x220: {  	[timem:s3], [sflag:s2] =	dma.local @!p0 [hbm:s0], s1  }
0x221: {  	s0 =	simm.s32 @!p0 $0x6  }
0x222: {  	_ =	swait.ge @!p0 [sflag:s0], s1  }
0x223: {  	s1 =	ssub.s32 @!p0 $0x0, s1;
	[sflag:s0] =	ssyncset.done @!p0 $0x0  }
0x224: {  	[sflag:s0] =	ssyncadd.s32 @!p0 s1  }
0x225: {  	[bflag:$0x3] =	sbarrier.arrive $0xFFFF  }
0x226: {  	_ =	shalt  }

</sc_bundles>
